<compile_context>
chip_gen: v7x
topology: tpu7x:2x2x1
jax: 0.10.2.dev20260603
libtpu: 0.0.44.dev20260713+nightly
codegen_flags: <defaults>
</compile_context>

<pallas_src>
import functools

import jax
import jax.numpy as jnp
from jax import lax
from jax.experimental import pallas as pl
from jax.experimental.pallas import tpu as pltpu
from jax.experimental.pallas import tpu_sc as plsc

_N = 10000
_E = 320000
_F = 128
_NC = 2
_NS = 16
_NW = _NC * _NS
_EPT = _E // _NW
_CH = 80
_NCHK = _EPT // _CH
_NHEX = (_NCHK - 5) // 6
_NP = 10240
_RPT = _NP // _NS

_R = 2000
_G = _N // _R

_mesh = plsc.VectorSubcoreMesh(core_axis_name="c", subcore_axis_name="s")
_scparams = pltpu.CompilerParams(use_tc_tiling_on_sc=False,
                                 needs_layout_passes=False)


@functools.partial(
    pl.kernel,
    mesh=_mesh,
    out_type=[
        jax.ShapeDtypeStruct((_NC, _NP, _F), jnp.float32),
        jax.ShapeDtypeStruct((_NC, _NP, 16), jnp.float32),
    ],
    scratch_types=[
        pltpu.VMEM_SHARED((_NP, _F), jnp.float32),
        pltpu.VMEM_SHARED((_NP, 16), jnp.float32),
        pltpu.VMEM((2, _CH), jnp.int32),
        pltpu.VMEM((2, _CH), jnp.int32),
        pltpu.VMEM((2, _CH), jnp.int32),
        pltpu.VMEM((2, _CH), jnp.int32),
        pltpu.VMEM((2, _CH), jnp.int32),
        pltpu.VMEM((2, _CH), jnp.int32),
        pltpu.VMEM((3, _CH, _F), jnp.float32),
        pltpu.VMEM((_CH, 16), jnp.float32),
        pltpu.SemaphoreType.DMA,
        pltpu.SemaphoreType.DMA,
        pltpu.SemaphoreType.DMA,
        pltpu.SemaphoreType.DMA,
        pltpu.SemaphoreType.DMA,
        pltpu.SemaphoreType.DMA,
        pltpu.SemaphoreType.DMA,
        pltpu.SemaphoreType.DMA,
        pltpu.SemaphoreType.DMA,
        pltpu.SemaphoreType.DMA,
        pltpu.SemaphoreType.DMA,
        pltpu.SemaphoreType.DMA,
    ],
    compiler_params=_scparams,
)
def _sc_segsum_counts(src_hbm, dst_hbm, x_hbm, zrow_hbm, zc16_hbm,
                      p_out, cnt_out,
                      acc_sh, cnt_sh, sa, da, sb, db, sc_, dc, rows, ones16,
                      g0, g1, g2, ss0, ss1, ss2, so0, so1, so2,
                      semia, semib, semic):
    c = lax.axis_index("c")
    s = lax.axis_index("s")
    wid = c * _NS + s
    r0 = s * _RPT

    pltpu.sync_copy(src_hbm.at[wid, pl.ds(0, 2)], sa)
    pltpu.sync_copy(dst_hbm.at[wid, pl.ds(0, 2)], da)
    pltpu.async_copy(src_hbm.at[wid, pl.ds(2, 2)], sb, semib)
    pltpu.async_copy(dst_hbm.at[wid, pl.ds(2, 2)], db, semib)
    pltpu.async_copy(src_hbm.at[wid, pl.ds(4, 2)], sc_, semic)
    pltpu.async_copy(dst_hbm.at[wid, pl.ds(4, 2)], dc, semic)
    pltpu.async_copy(x_hbm.at[sa.at[0]], rows.at[0], g0)
    pltpu.async_copy(x_hbm.at[sa.at[1]], rows.at[1], g1)

    o16 = jnp.ones((16,), jnp.float32)

    def _ones_row(r, carry):
        ones16[r, :] = o16
        return carry

    lax.fori_loop(0, _CH, _ones_row, 0)

    pltpu.sync_copy(zrow_hbm, acc_sh.at[pl.ds(r0, _RPT)])
    pltpu.sync_copy(zc16_hbm, cnt_sh.at[pl.ds(r0, _RPT)])
    plsc.subcore_barrier()

    def _hex(i, carry):
        j = 6 * i
        pltpu.make_async_copy(x_hbm.at[sa.at[0]], rows.at[0], g0).wait()
        s0 = pltpu.async_copy(rows.at[0], acc_sh.at[da.at[0]], ss0, add=True)
        o0 = pltpu.async_copy(ones16, cnt_sh.at[da.at[0]], so0, add=True)
        pltpu.make_async_copy(src_hbm.at[wid, pl.ds(0, 2)], sb, semib).wait()
        pltpu.make_async_copy(dst_hbm.at[wid, pl.ds(0, 2)], db, semib).wait()
        pltpu.async_copy(x_hbm.at[sb.at[0]], rows.at[2], g2)
        pltpu.make_async_copy(x_hbm.at[sa.at[1]], rows.at[1], g1).wait()
        s1 = pltpu.async_copy(rows.at[1], acc_sh.at[da.at[1]], ss1, add=True)
        o1 = pltpu.async_copy(ones16, cnt_sh.at[da.at[1]], so1, add=True)
        s0.wait()
        o0.wait()
        pltpu.async_copy(x_hbm.at[sb.at[1]], rows.at[0], g0)
        pltpu.make_async_copy(x_hbm.at[sb.at[0]], rows.at[2], g2).wait()
        s2 = pltpu.async_copy(rows.at[2], acc_sh.at[db.at[0]], ss2, add=True)
        o2 = pltpu.async_copy(ones16, cnt_sh.at[db.at[0]], so2, add=True)
        s1.wait()
        o1.wait()
        pltpu.make_async_copy(src_hbm.at[wid, pl.ds(0, 2)], sc_, semic).wait()
        pltpu.make_async_copy(dst_hbm.at[wid, pl.ds(0, 2)], dc, semic).wait()
        pltpu.async_copy(x_hbm.at[sc_.at[0]], rows.at[1], g1)
        pltpu.async_copy(src_hbm.at[wid, pl.ds(j + 6, 2)], sa, semia)
        pltpu.async_copy(dst_hbm.at[wid, pl.ds(j + 6, 2)], da, semia)
        pltpu.make_async_copy(x_hbm.at[sb.at[1]], rows.at[0], g0).wait()
        s3 = pltpu.async_copy(rows.at[0], acc_sh.at[db.at[1]], ss0, add=True)
        o3 = pltpu.async_copy(ones16, cnt_sh.at[db.at[1]], so0, add=True)
        s2.wait()
        o2.wait()
        pltpu.async_copy(x_hbm.at[sc_.at[1]], rows.at[2], g2)
        pltpu.make_async_copy(x_hbm.at[sc_.at[0]], rows.at[1], g1).wait()
        s4 = pltpu.async_copy(rows.at[1], acc_sh.at[dc.at[0]], ss1, add=True)
        o4 = pltpu.async_copy(ones16, cnt_sh.at[dc.at[0]], so1, add=True)
        s3.wait()
        o3.wait()
        pltpu.make_async_copy(src_hbm.at[wid, pl.ds(0, 2)], sa, semia).wait()
        pltpu.make_async_copy(dst_hbm.at[wid, pl.ds(0, 2)], da, semia).wait()
        pltpu.async_copy(x_hbm.at[sa.at[0]], rows.at[0], g0)
        pltpu.async_copy(src_hbm.at[wid, pl.ds(j + 8, 2)], sb, semib)
        pltpu.async_copy(dst_hbm.at[wid, pl.ds(j + 8, 2)], db, semib)
        pltpu.make_async_copy(x_hbm.at[sc_.at[1]], rows.at[2], g2).wait()
        s5 = pltpu.async_copy(rows.at[2], acc_sh.at[dc.at[1]], ss2, add=True)
        o5 = pltpu.async_copy(ones16, cnt_sh.at[dc.at[1]], so2, add=True)
        s4.wait()
        o4.wait()
        pltpu.async_copy(x_hbm.at[sa.at[1]], rows.at[1], g1)

        @pl.when(i < _NHEX - 1)
        def _():
            pltpu.async_copy(src_hbm.at[wid, pl.ds(j + 10, 2)], sc_, semic)
            pltpu.async_copy(dst_hbm.at[wid, pl.ds(j + 10, 2)], dc, semic)

        s5.wait()
        o5.wait()
        return carry

    lax.fori_loop(0, _NHEX, _hex, 0)
    jt = 6 * _NHEX
    pltpu.make_async_copy(x_hbm.at[sa.at[0]], rows.at[0], g0).wait()
    s0 = pltpu.async_copy(rows.at[0], acc_sh.at[da.at[0]], ss0, add=True)
    o0 = pltpu.async_copy(ones16, cnt_sh.at[da.at[0]], so0, add=True)
    pltpu.make_async_copy(src_hbm.at[wid, pl.ds(0, 2)], sb, semib).wait()
    pltpu.make_async_copy(dst_hbm.at[wid, pl.ds(0, 2)], db, semib).wait()
    pltpu.async_copy(x_hbm.at[sb.at[0]], rows.at[2], g2)
    pltpu.make_async_copy(x_hbm.at[sa.at[1]], rows.at[1], g1).wait()
    s1 = pltpu.async_copy(rows.at[1], acc_sh.at[da.at[1]], ss1, add=True)
    o1 = pltpu.async_copy(ones16, cnt_sh.at[da.at[1]], so1, add=True)
    s0.wait()
    o0.wait()
    pltpu.async_copy(x_hbm.at[sb.at[1]], rows.at[0], g0)
    pltpu.make_async_copy(x_hbm.at[sb.at[0]], rows.at[2], g2).wait()
    s2 = pltpu.async_copy(rows.at[2], acc_sh.at[db.at[0]], ss2, add=True)
    o2 = pltpu.async_copy(ones16, cnt_sh.at[db.at[0]], so2, add=True)
    s1.wait()
    o1.wait()
    pltpu.sync_copy(src_hbm.at[wid, pl.ds(_NCHK - 1, 1)], sa.at[pl.ds(0, 1)])
    pltpu.sync_copy(dst_hbm.at[wid, pl.ds(_NCHK - 1, 1)], da.at[pl.ds(0, 1)])
    pltpu.async_copy(x_hbm.at[sa.at[0]], rows.at[1], g1)
    pltpu.make_async_copy(x_hbm.at[sb.at[1]], rows.at[0], g0).wait()
    s3 = pltpu.async_copy(rows.at[0], acc_sh.at[db.at[1]], ss0, add=True)
    o3 = pltpu.async_copy(ones16, cnt_sh.at[db.at[1]], so0, add=True)
    s2.wait()
    o2.wait()
    pltpu.make_async_copy(x_hbm.at[sa.at[0]], rows.at[1], g1).wait()
    s4 = pltpu.async_copy(rows.at[1], acc_sh.at[da.at[0]], ss1, add=True)
    o4 = pltpu.async_copy(ones16, cnt_sh.at[da.at[0]], so1, add=True)
    s3.wait()
    o3.wait()
    s4.wait()
    o4.wait()
    plsc.subcore_barrier()

    pltpu.sync_copy(acc_sh.at[pl.ds(r0, _RPT)], p_out.at[c, pl.ds(r0, _RPT)])
    pltpu.sync_copy(cnt_sh.at[pl.ds(r0, _RPT)], cnt_out.at[c, pl.ds(r0, _RPT)])


@functools.partial(
    pl.kernel,
    mesh=_mesh,
    out_type=[
        jax.ShapeDtypeStruct((_NC, _NP, _F), jnp.float32),
        jax.ShapeDtypeStruct((_NC, _NP), jnp.float32),
    ],
    scratch_types=[
        pltpu.VMEM_SHARED((_NP, _F), jnp.float32),
        pltpu.VMEM_SHARED((_NP,), jnp.float32),
        pltpu.VMEM_SHARED((_NP,), jnp.float32),
        pltpu.VMEM((2, _CH), jnp.int32),
        pltpu.VMEM((2, _CH), jnp.int32),
        pltpu.VMEM((2, _CH), jnp.int32),
        pltpu.VMEM((2, _CH), jnp.int32),
        pltpu.VMEM((2, _CH), jnp.int32),
        pltpu.VMEM((2, _CH), jnp.int32),
        pltpu.VMEM((3, _CH, _F), jnp.float32),
        pltpu.VMEM((3, _CH), jnp.float32),
        pltpu.VMEM((_RPT,), jnp.float32),
        pltpu.VMEM((80, 16), jnp.float32),
        pltpu.VMEM((80, 16), jnp.float32),
        pltpu.VMEM((_NP,), jnp.float32),
        pltpu.SemaphoreType.DMA,
        pltpu.SemaphoreType.DMA,
        pltpu.SemaphoreType.DMA,
        pltpu.SemaphoreType.DMA,
        pltpu.SemaphoreType.DMA,
        pltpu.SemaphoreType.DMA,
        pltpu.SemaphoreType.DMA,
        pltpu.SemaphoreType.DMA,
        pltpu.SemaphoreType.DMA,
        pltpu.SemaphoreType.DMA,
        pltpu.SemaphoreType.DMA,
        pltpu.SemaphoreType.DMA,
    ],
    compiler_params=_scparams,
)
def _sc_segsum_cvec(src_hbm, dst_hbm, h_hbm, cnt_hbm, zrow_hbm,
                    q_out, cvec_out,
                    acc_sh, cvec_sh, inv_sh, sa, da, sb, db, sc_, dc, rows,
                    w, tmp1, cbuf0, cbuf1, invloc,
                    g0, g1, g2, ss0, ss1, ss2, sw0, sw1, sw2,
                    semia, semib, semic):
    c = lax.axis_index("c")
    s = lax.axis_index("s")
    wid = c * _NS + s
    r0 = s * _RPT

    pltpu.sync_copy(src_hbm.at[wid, pl.ds(0, 2)], sa)
    pltpu.sync_copy(dst_hbm.at[wid, pl.ds(0, 2)], da)
    pltpu.async_copy(src_hbm.at[wid, pl.ds(2, 2)], sb, semib)
    pltpu.async_copy(dst_hbm.at[wid, pl.ds(2, 2)], db, semib)
    pltpu.async_copy(src_hbm.at[wid, pl.ds(4, 2)], sc_, semic)
    pltpu.async_copy(dst_hbm.at[wid, pl.ds(4, 2)], dc, semic)
    pltpu.async_copy(h_hbm.at[sa.at[0]], rows.at[0], g0)
    pltpu.async_copy(h_hbm.at[sa.at[1]], rows.at[1], g1)

    zidx = jnp.zeros((16,), jnp.int32)
    i16 = lax.iota(jnp.int32, 16)
    for q in range(8):
        pltpu.sync_copy(cnt_hbm.at[0, pl.ds(r0 + q * 80, 80)], cbuf0)
        pltpu.sync_copy(cnt_hbm.at[1, pl.ds(r0 + q * 80, 80)], cbuf1)

        def _inv_grp(g, carry):
            ridx = i16 + g * 16
            c0 = plsc.load_gather(cbuf0, [ridx, zidx])
            c1 = plsc.load_gather(cbuf1, [ridx, zidx])
            tmp1[pl.ds(q * 80 + g * 16, 16)] = 1.0 / jnp.maximum(c0 + c1, 1.0)
            return carry

        lax.fori_loop(0, 5, _inv_grp, 0)
    pltpu.sync_copy(tmp1, inv_sh.at[pl.ds(r0, _RPT)])

    pltpu.sync_copy(zrow_hbm, acc_sh.at[pl.ds(r0, _RPT)])

    def _z1(i, carry):
        tmp1[pl.ds(i * 16, 16)] = jnp.zeros((16,), jnp.float32)
        return carry

    lax.fori_loop(0, _RPT // 16, _z1, 0)
    pltpu.sync_copy(tmp1, cvec_sh.at[pl.ds(r0, _RPT)])
    plsc.subcore_barrier()
    pltpu.sync_copy(inv_sh, invloc)

    def _wvals(b, dref, ch):
        for k in range(_CH // 16):
            d16 = dref[ch, pl.ds(k * 16, 16)]
            w[b, pl.ds(k * 16, 16)] = plsc.load_gather(invloc, [d16])

    def _chunk(b, sref, dref, ch, ssem, wsem):
        pltpu.make_async_copy(h_hbm.at[sref.at[ch]], rows.at[b], [g0, g1, g2][b]).wait()
        sD = pltpu.async_copy(rows.at[b], acc_sh.at[dref.at[ch]], ssem,
                              add=True)
        _wvals(b, dref, ch)
        wD = pltpu.async_copy(w.at[b], cvec_sh.at[sref.at[ch]], wsem,
                              add=True)
        return sD, wD

    def _hex(i, carry):
        j = 6 * i
        s0, w0 = _chunk(0, sa, da, 0, ss0, sw0)
        pltpu.make_async_copy(src_hbm.at[wid, pl.ds(0, 2)], sb, semib).wait()
        pltpu.make_async_copy(dst_hbm.at[wid, pl.ds(0, 2)], db, semib).wait()
        pltpu.async_copy(h_hbm.at[sb.at[0]], rows.at[2], g2)
        s1, w1 = _chunk(1, sa, da, 1, ss1, sw1)
        s0.wait()
        w0.wait()
        pltpu.async_copy(h_hbm.at[sb.at[1]], rows.at[0], g0)
        s2, w2 = _chunk(2, sb, db, 0, ss2, sw2)
        s1.wait()
        w1.wait()
        pltpu.make_async_copy(src_hbm.at[wid, pl.ds(0, 2)], sc_, semic).wait()
        pltpu.make_async_copy(dst_hbm.at[wid, pl.ds(0, 2)], dc, semic).wait()
        pltpu.async_copy(h_hbm.at[sc_.at[0]], rows.at[1], g1)
        pltpu.async_copy(src_hbm.at[wid, pl.ds(j + 6, 2)], sa, semia)
        pltpu.async_copy(dst_hbm.at[wid, pl.ds(j + 6, 2)], da, semia)
        s3, w3 = _chunk(0, sb, db, 1, ss0, sw0)
        s2.wait()
        w2.wait()
        pltpu.async_copy(h_hbm.at[sc_.at[1]], rows.at[2], g2)
        s4, w4 = _chunk(1, sc_, dc, 0, ss1, sw1)
        s3.wait()
        w3.wait()
        pltpu.make_async_copy(src_hbm.at[wid, pl.ds(0, 2)], sa, semia).wait()
        pltpu.make_async_copy(dst_hbm.at[wid, pl.ds(0, 2)], da, semia).wait()
        pltpu.async_copy(h_hbm.at[sa.at[0]], rows.at[0], g0)
        pltpu.async_copy(src_hbm.at[wid, pl.ds(j + 8, 2)], sb, semib)
        pltpu.async_copy(dst_hbm.at[wid, pl.ds(j + 8, 2)], db, semib)
        s5, w5 = _chunk(2, sc_, dc, 1, ss2, sw2)
        s4.wait()
        w4.wait()
        pltpu.async_copy(h_hbm.at[sa.at[1]], rows.at[1], g1)

        @pl.when(i < _NHEX - 1)
        def _():
            pltpu.async_copy(src_hbm.at[wid, pl.ds(j + 10, 2)], sc_, semic)
            pltpu.async_copy(dst_hbm.at[wid, pl.ds(j + 10, 2)], dc, semic)

        s5.wait()
        w5.wait()
        return carry

    lax.fori_loop(0, _NHEX, _hex, 0)
    s0, w0 = _chunk(0, sa, da, 0, ss0, sw0)
    pltpu.make_async_copy(src_hbm.at[wid, pl.ds(0, 2)], sb, semib).wait()
    pltpu.make_async_copy(dst_hbm.at[wid, pl.ds(0, 2)], db, semib).wait()
    pltpu.async_copy(h_hbm.at[sb.at[0]], rows.at[2], g2)
    s1, w1 = _chunk(1, sa, da, 1, ss1, sw1)
    s0.wait()
    w0.wait()
    pltpu.async_copy(h_hbm.at[sb.at[1]], rows.at[0], g0)
    s2, w2 = _chunk(2, sb, db, 0, ss2, sw2)
    s1.wait()
    w1.wait()
    pltpu.sync_copy(src_hbm.at[wid, pl.ds(_NCHK - 1, 1)], sa.at[pl.ds(0, 1)])
    pltpu.sync_copy(dst_hbm.at[wid, pl.ds(_NCHK - 1, 1)], da.at[pl.ds(0, 1)])
    pltpu.async_copy(h_hbm.at[sa.at[0]], rows.at[1], g1)
    s3, w3 = _chunk(0, sb, db, 1, ss0, sw0)
    s2.wait()
    w2.wait()
    s4, w4 = _chunk(1, sa, da, 0, ss1, sw1)
    s3.wait()
    w3.wait()
    s4.wait()
    w4.wait()
    plsc.subcore_barrier()

    pltpu.sync_copy(acc_sh.at[pl.ds(r0, _RPT)], q_out.at[c, pl.ds(r0, _RPT)])
    pltpu.sync_copy(cvec_sh.at[pl.ds(r0, _RPT)], cvec_out.at[c, pl.ds(r0, _RPT)])


def _dotT(a, b):
    return lax.dot_general(a, b, (((1,), (1,)), ((), ())),
                           preferred_element_type=jnp.float32)


def _dense1_body(p_ref, cnt_ref, x_ref, wl_ref, bl_ref, wr_ref, h_ref):
    cnt = cnt_ref[0][:, 0:1] + cnt_ref[1][:, 0:1]
    inv = 1.0 / jnp.maximum(cnt, 1.0)
    agg = (p_ref[0] + p_ref[1]) * inv
    h = _dotT(agg, wl_ref[...]) + _dotT(x_ref[...], wr_ref[...]) + bl_ref[...]
    h_ref[...] = jnp.maximum(h, 0.0)


def _dense2_body(q_ref, cv_ref, h1_ref, cnt_ref, wl2_ref, bl2_ref, wr2_ref,
                 wl3_ref, bl3_ref, wr3_ref, wc_ref, bc_ref,
                 out_ref, g1_acc, g2_acc):
    i = pl.program_id(0)
    cnt = cnt_ref[0][:, 0:1] + cnt_ref[1][:, 0:1]
    inv = 1.0 / jnp.maximum(cnt, 1.0)
    agg = (q_ref[0] + q_ref[1]) * inv
    h2 = _dotT(agg, wl2_ref[...]) + _dotT(h1_ref[...], wr2_ref[...]) + bl2_ref[...]
    h2 = jnp.maximum(h2, 0.0)
    cv = cv_ref[:, 0:1] + cv_ref[:, 1:2]
    part1 = jnp.sum(cv * h2, axis=0, keepdims=True)
    part2 = jnp.sum(h2, axis=0, keepdims=True)

    @pl.when(i == 0)
    def _():
        g1_acc[...] = jnp.zeros_like(g1_acc)
        g2_acc[...] = jnp.zeros_like(g2_acc)

    g1_acc[...] += part1
    g2_acc[...] += part2

    @pl.when(i == _G - 1)
    def _():
        g1 = g1_acc[...] * (1.0 / _N)
        g2 = g2_acc[...] * (1.0 / _N)
        gm = _dotT(g1, wl3_ref[...]) + bl3_ref[...] + _dotT(g2, wr3_ref[...])
        out_ref[...] = _dotT(gm, wc_ref[...]) + bc_ref[...]


def kernel(x, edge_index, Wl1, bl1, Wr1, Wl2, bl2, Wr2, Wl3, bl3, Wr3, Wc, bc):
    src_r = edge_index[0].reshape(_NW, _NCHK, _CH)
    dst_r = edge_index[1].reshape(_NW, _NCHK, _CH)
    zrow = jnp.zeros((_RPT, _F), jnp.float32)
    zc16 = jnp.zeros((_RPT, 16), jnp.float32)

    p1, cnt16 = _sc_segsum_counts(src_r, dst_r, x, zrow, zc16)

    wfull = pl.BlockSpec((_F, _F), lambda i: (0, 0))
    bfull = pl.BlockSpec((1, _F), lambda i: (0, 0))
    rowblk = pl.BlockSpec((_R, _F), lambda i: (i, 0))
    pblk = pl.BlockSpec((_NC, _R, _F), lambda i: (0, i, 0))
    cblk = pl.BlockSpec((_NC, _R, 16), lambda i: (0, i, 0))

    h1 = pl.pallas_call(
        _dense1_body,
        grid=(_G,),
        in_specs=[pblk, cblk, rowblk, wfull, bfull, wfull],
        out_specs=rowblk,
        out_shape=jax.ShapeDtypeStruct((_N, _F), jnp.float32),
    )(p1, cnt16, x, Wl1, bl1.reshape(1, _F), Wr1)

    q2, cvec = _sc_segsum_cvec(src_r, dst_r, h1, cnt16, zrow)

    cvblk = pl.BlockSpec((_R, _NC), lambda i: (i, 0))
    out = pl.pallas_call(
        _dense2_body,
        grid=(_G,),
        in_specs=[pblk, cvblk, rowblk, cblk, wfull, bfull, wfull,
                  wfull, bfull, wfull,
                  pl.BlockSpec((Wc.shape[0], _F), lambda i: (0, 0)),
                  pl.BlockSpec((1, Wc.shape[0]), lambda i: (0, 0))],
        out_specs=pl.BlockSpec((1, Wc.shape[0]), lambda i: (0, 0)),
        out_shape=jax.ShapeDtypeStruct((1, Wc.shape[0]), jnp.float32),
        scratch_shapes=[pltpu.VMEM((1, _F), jnp.float32),
                        pltpu.VMEM((1, _F), jnp.float32)],
    )(q2, cvec.T, h1, cnt16, Wl2, bl2.reshape(1, _F), Wr2,
      Wl3, bl3.reshape(1, _F), Wr3, Wc, bc.reshape(1, -1))

    return out

# --- scband reference (transcript-rebuilt; emitter-appended) ---
"""Pipeline reference for scband-graph-sagemodel-13237089206731 (READ-ONLY COPY).

The authoritative reference and input builder live on the scoring server;
editing this copy changes nothing except your own understanding.
"""

import jax, jax.numpy as jnp
import numpy as np

N = 10000
E = 320000
D = 128
H = 128
C = 5


def setup_inputs(seed: int = 0) -> dict:
    key = jax.random.key(seed)
    ks = jax.random.split(key, 16)
    x = jax.random.normal(ks[0], (N, D), dtype=jnp.float32)
    edge_index = jax.random.randint(ks[1], (2, E), 0, N, dtype=jnp.int32)
    def lin(k, out_d, in_d):
        return jax.random.normal(k, (out_d, in_d), dtype=jnp.float32) * (1.0 / np.sqrt(in_d))
    params = {
        'Wl1': lin(ks[2], H, D), 'bl1': jnp.zeros((H,), jnp.float32), 'Wr1': lin(ks[3], H, D),
        'Wl2': lin(ks[4], H, H), 'bl2': jnp.zeros((H,), jnp.float32), 'Wr2': lin(ks[5], H, H),
        'Wl3': lin(ks[6], H, H), 'bl3': jnp.zeros((H,), jnp.float32), 'Wr3': lin(ks[7], H, H),
        'Wc': lin(ks[8], C, H), 'bc': jnp.zeros((C,), jnp.float32),
    }
    return {'x': x, 'edge_index': edge_index, **params}


def _sage_conv(x, src, dst, Wl, bl, Wr):
    # PyG SAGEConv with mean aggregation: out = lin_l(mean_j x_j) + lin_r(x_i)
    msgs = x[src]
    agg = jax.ops.segment_sum(msgs, dst, num_segments=N)
    cnt = jax.ops.segment_sum(jnp.ones((msgs.shape[0], 1), jnp.float32), dst, num_segments=N)
    agg = agg / jnp.clip(cnt, 1.0, None)
    return agg @ Wl.T + bl + x @ Wr.T


def reference(x, edge_index, Wl1, bl1, Wr1, Wl2, bl2, Wr2, Wl3, bl3, Wr3, Wc, bc):
    src = edge_index[0]
    dst = edge_index[1]
    h = _sage_conv(x, src, dst, Wl1, bl1, Wr1)
    h = jax.nn.relu(h)  # dropout is a no-op in eval mode
    h = _sage_conv(h, src, dst, Wl2, bl2, Wr2)
    h = jax.nn.relu(h)
    h = _sage_conv(h, src, dst, Wl3, bl3, Wr3)
    g = jnp.mean(h, axis=0, keepdims=True)
    out = g @ Wc.T + bc
    return out

if __name__ == "__main__":
    import jax
    _d = setup_inputs()
    print(jax.jit(kernel)(*tuple(_d.values())))

</pallas_src>

<mosaic_0001>
#map = affine_map<(d0, d1) -> (0, 0, 0)>
#map1 = affine_map<(d0, d1) -> (0, 0)>
module attributes {stable_mosaic.version = 14 : i64} {
  func.func @_sc_segsum_cvec(%arg0: i32, %arg1: i32, %arg2: memref<32x125x80xi32, #tpu.memory_space<hbm>>, %arg3: memref<32x125x80xi32, #tpu.memory_space<hbm>>, %arg4: memref<10000x128xf32, #tpu.memory_space<hbm>>, %arg5: memref<2x10240x16xf32, #tpu.memory_space<hbm>>, %arg6: memref<640x128xf32, #tpu.memory_space<hbm>>, %arg7: memref<2x10240x128xf32, #tpu.memory_space<hbm>>, %arg8: memref<2x10240xf32, #tpu.memory_space<hbm>>, %arg9: memref<10240x128xf32, #tpu.memory_space<vmem_shared>>, %arg10: memref<10240xf32, #tpu.memory_space<vmem_shared>>, %arg11: memref<10240xf32, #tpu.memory_space<vmem_shared>>, %arg12: memref<2x80xi32, #tpu.memory_space<vmem>>, %arg13: memref<2x80xi32, #tpu.memory_space<vmem>>, %arg14: memref<2x80xi32, #tpu.memory_space<vmem>>, %arg15: memref<2x80xi32, #tpu.memory_space<vmem>>, %arg16: memref<2x80xi32, #tpu.memory_space<vmem>>, %arg17: memref<2x80xi32, #tpu.memory_space<vmem>>, %arg18: memref<3x80x128xf32, #tpu.memory_space<vmem>>, %arg19: memref<3x80xf32, #tpu.memory_space<vmem>>, %arg20: memref<640xf32, #tpu.memory_space<vmem>>, %arg21: memref<80x16xf32, #tpu.memory_space<vmem>>, %arg22: memref<80x16xf32, #tpu.memory_space<vmem>>, %arg23: memref<10240xf32, #tpu.memory_space<vmem>>, %arg24: memref<!tpu.dma_semaphore, #tpu.memory_space<semaphore_mem>>, %arg25: memref<!tpu.dma_semaphore, #tpu.memory_space<semaphore_mem>>, %arg26: memref<!tpu.dma_semaphore, #tpu.memory_space<semaphore_mem>>, %arg27: memref<!tpu.dma_semaphore, #tpu.memory_space<semaphore_mem>>, %arg28: memref<!tpu.dma_semaphore, #tpu.memory_space<semaphore_mem>>, %arg29: memref<!tpu.dma_semaphore, #tpu.memory_space<semaphore_mem>>, %arg30: memref<!tpu.dma_semaphore, #tpu.memory_space<semaphore_mem>>, %arg31: memref<!tpu.dma_semaphore, #tpu.memory_space<semaphore_mem>>, %arg32: memref<!tpu.dma_semaphore, #tpu.memory_space<semaphore_mem>>, %arg33: memref<!tpu.dma_semaphore, #tpu.memory_space<semaphore_mem>>, %arg34: memref<!tpu.dma_semaphore, #tpu.memory_space<semaphore_mem>>, %arg35: memref<!tpu.dma_semaphore, #tpu.memory_space<semaphore_mem>>) attributes {dimension_semantics = [#tpu.dimension_semantics<core_parallel>, #tpu.dimension_semantics<subcore_parallel>], iteration_bounds = array<i64: 2, 16>, scalar_prefetch = 0 : i64, scratch_operands = 27 : i64, tpu.core_type = #tpu.core_type<sc_vector_subcore>, window_params = [{transform_indices = #map}, {transform_indices = #map}, {transform_indices = #map1}, {transform_indices = #map}, {transform_indices = #map1}, {transform_indices = #map}, {transform_indices = #map1}]} {
    %mul3A = arith.constant 16 : i32
    %mul3A_0 = arith.muli %arg0, %mul3A : i32
    %add3A = arith.addi %mul3A_0, %arg1 : i32
    %mul3A_1 = arith.constant 640 : i32
    %mul3A_2 = arith.muli %arg1, %mul3A_1 : i32
    "tpu.region"() ({
      %run_scoped3A_719 = tpu.sem_alloc : memref<!tpu.dma_semaphore, #tpu.memory_space<semaphore_mem>>
      %dma_start3A_720 = arith.constant 0 : i32
      %dma_start3A_721 = arith.constant 0 : i32
      %dma_start3A_722 = tpu.memref_slice %arg2[%add3A, %dma_start3A_720, %dma_start3A_721] : memref<32x125x80xi32, #tpu.memory_space<hbm>> -> memref<1x2x80xi32, #tpu.memory_space<hbm>>
      %dma_start3A_723 = tpu.memref_squeeze %dma_start3A_722 : memref<1x2x80xi32, #tpu.memory_space<hbm>> -> memref<2x80xi32, #tpu.memory_space<hbm>>
      %dma_start3A_724 = arith.constant 0 : i32
      %dma_start3A_725 = arith.constant 0 : i32
      %dma_start3A_726 = tpu.memref_slice %arg2[%add3A, %dma_start3A_724, %dma_start3A_725] : memref<32x125x80xi32, #tpu.memory_space<hbm>> -> memref<1x2x80xi32, #tpu.memory_space<hbm>>
      %dma_start3A_727 = tpu.memref_squeeze %dma_start3A_726 : memref<1x2x80xi32, #tpu.memory_space<hbm>> -> memref<2x80xi32, #tpu.memory_space<hbm>>
      tpu.enqueue_dma source(%dma_start3A_727 : memref<2x80xi32, #tpu.memory_space<hbm>>) target(%arg12 : memref<2x80xi32, #tpu.memory_space<vmem>>) target_semaphore(%run_scoped3A_719 : memref<!tpu.dma_semaphore, #tpu.memory_space<semaphore_mem>>)
      %dma_wait3A_728 = arith.constant 0 : i32
      %dma_wait3A_729 = arith.constant 0 : i32
      %dma_wait3A_730 = tpu.memref_slice %arg2[%add3A, %dma_wait3A_728, %dma_wait3A_729] : memref<32x125x80xi32, #tpu.memory_space<hbm>> -> memref<1x2x80xi32, #tpu.memory_space<hbm>>
      %dma_wait3A_731 = tpu.memref_squeeze %dma_wait3A_730 : memref<1x2x80xi32, #tpu.memory_space<hbm>> -> memref<2x80xi32, #tpu.memory_space<hbm>>
      %dma_wait3A_732 = arith.constant 0 : i32
      %dma_wait3A_733 = arith.constant 0 : i32
      %dma_wait3A_734 = tpu.memref_slice %arg2[%add3A, %dma_wait3A_732, %dma_wait3A_733] : memref<32x125x80xi32, #tpu.memory_space<hbm>> -> memref<1x2x80xi32, #tpu.memory_space<hbm>>
      %dma_wait3A_735 = tpu.memref_squeeze %dma_wait3A_734 : memref<1x2x80xi32, #tpu.memory_space<hbm>> -> memref<2x80xi32, #tpu.memory_space<hbm>>
      tpu.wait_dma2 semaphore(%run_scoped3A_719 : memref<!tpu.dma_semaphore, #tpu.memory_space<semaphore_mem>>) src(%dma_wait3A_735 : memref<2x80xi32, #tpu.memory_space<hbm>>) dst(%arg12 : memref<2x80xi32, #tpu.memory_space<vmem>>)
      tpu.yield
    }) : () -> ()
    "tpu.region"() ({
      %run_scoped3A_719 = tpu.sem_alloc : memref<!tpu.dma_semaphore, #tpu.memory_space<semaphore_mem>>
      %dma_start3A_720 = arith.constant 0 : i32
      %dma_start3A_721 = arith.constant 0 : i32
      %dma_start3A_722 = tpu.memref_slice %arg3[%add3A, %dma_start3A_720, %dma_start3A_721] : memref<32x125x80xi32, #tpu.memory_space<hbm>> -> memref<1x2x80xi32, #tpu.memory_space<hbm>>
      %dma_start3A_723 = tpu.memref_squeeze %dma_start3A_722 : memref<1x2x80xi32, #tpu.memory_space<hbm>> -> memref<2x80xi32, #tpu.memory_space<hbm>>
      %dma_start3A_724 = arith.constant 0 : i32
      %dma_start3A_725 = arith.constant 0 : i32
      %dma_start3A_726 = tpu.memref_slice %arg3[%add3A, %dma_start3A_724, %dma_start3A_725] : memref<32x125x80xi32, #tpu.memory_space<hbm>> -> memref<1x2x80xi32, #tpu.memory_space<hbm>>
      %dma_start3A_727 = tpu.memref_squeeze %dma_start3A_726 : memref<1x2x80xi32, #tpu.memory_space<hbm>> -> memref<2x80xi32, #tpu.memory_space<hbm>>
      tpu.enqueue_dma source(%dma_start3A_727 : memref<2x80xi32, #tpu.memory_space<hbm>>) target(%arg13 : memref<2x80xi32, #tpu.memory_space<vmem>>) target_semaphore(%run_scoped3A_719 : memref<!tpu.dma_semaphore, #tpu.memory_space<semaphore_mem>>)
      %dma_wait3A_728 = arith.constant 0 : i32
      %dma_wait3A_729 = arith.constant 0 : i32
      %dma_wait3A_730 = tpu.memref_slice %arg3[%add3A, %dma_wait3A_728, %dma_wait3A_729] : memref<32x125x80xi32, #tpu.memory_space<hbm>> -> memref<1x2x80xi32, #tpu.memory_space<hbm>>
      %dma_wait3A_731 = tpu.memref_squeeze %dma_wait3A_730 : memref<1x2x80xi32, #tpu.memory_space<hbm>> -> memref<2x80xi32, #tpu.memory_space<hbm>>
      %dma_wait3A_732 = arith.constant 0 : i32
      %dma_wait3A_733 = arith.constant 0 : i32
      %dma_wait3A_734 = tpu.memref_slice %arg3[%add3A, %dma_wait3A_732, %dma_wait3A_733] : memref<32x125x80xi32, #tpu.memory_space<hbm>> -> memref<1x2x80xi32, #tpu.memory_space<hbm>>
      %dma_wait3A_735 = tpu.memref_squeeze %dma_wait3A_734 : memref<1x2x80xi32, #tpu.memory_space<hbm>> -> memref<2x80xi32, #tpu.memory_space<hbm>>
      tpu.wait_dma2 semaphore(%run_scoped3A_719 : memref<!tpu.dma_semaphore, #tpu.memory_space<semaphore_mem>>) src(%dma_wait3A_735 : memref<2x80xi32, #tpu.memory_space<hbm>>) dst(%arg13 : memref<2x80xi32, #tpu.memory_space<vmem>>)
      tpu.yield
    }) : () -> ()
    %dma_start3A = arith.constant 2 : i32
    %dma_start3A_3 = arith.constant 0 : i32
    %dma_start3A_4 = tpu.memref_slice %arg2[%add3A, %dma_start3A, %dma_start3A_3] : memref<32x125x80xi32, #tpu.memory_space<hbm>> -> memref<1x2x80xi32, #tpu.memory_space<hbm>>
    %dma_start3A_5 = tpu.memref_squeeze %dma_start3A_4 : memref<1x2x80xi32, #tpu.memory_space<hbm>> -> memref<2x80xi32, #tpu.memory_space<hbm>>
    %dma_start3A_6 = arith.constant 2 : i32
    %dma_start3A_7 = arith.constant 0 : i32
    %dma_start3A_8 = tpu.memref_slice %arg2[%add3A, %dma_start3A_6, %dma_start3A_7] : memref<32x125x80xi32, #tpu.memory_space<hbm>> -> memref<1x2x80xi32, #tpu.memory_space<hbm>>
    %dma_start3A_9 = tpu.memref_squeeze %dma_start3A_8 : memref<1x2x80xi32, #tpu.memory_space<hbm>> -> memref<2x80xi32, #tpu.memory_space<hbm>>
    tpu.enqueue_dma source(%dma_start3A_9 : memref<2x80xi32, #tpu.memory_space<hbm>>) target(%arg14 : memref<2x80xi32, #tpu.memory_space<vmem>>) target_semaphore(%arg34 : memref<!tpu.dma_semaphore, #tpu.memory_space<semaphore_mem>>)
    %dma_start3A_10 = arith.constant 2 : i32
    %dma_start3A_11 = arith.constant 0 : i32
    %dma_start3A_12 = tpu.memref_slice %arg3[%add3A, %dma_start3A_10, %dma_start3A_11] : memref<32x125x80xi32, #tpu.memory_space<hbm>> -> memref<1x2x80xi32, #tpu.memory_space<hbm>>
    %dma_start3A_13 = tpu.memref_squeeze %dma_start3A_12 : memref<1x2x80xi32, #tpu.memory_space<hbm>> -> memref<2x80xi32, #tpu.memory_space<hbm>>
    %dma_start3A_14 = arith.constant 2 : i32
    %dma_start3A_15 = arith.constant 0 : i32
    %dma_start3A_16 = tpu.memref_slice %arg3[%add3A, %dma_start3A_14, %dma_start3A_15] : memref<32x125x80xi32, #tpu.memory_space<hbm>> -> memref<1x2x80xi32, #tpu.memory_space<hbm>>
    %dma_start3A_17 = tpu.memref_squeeze %dma_start3A_16 : memref<1x2x80xi32, #tpu.memory_space<hbm>> -> memref<2x80xi32, #tpu.memory_space<hbm>>
    tpu.enqueue_dma source(%dma_start3A_17 : memref<2x80xi32, #tpu.memory_space<hbm>>) target(%arg15 : memref<2x80xi32, #tpu.memory_space<vmem>>) target_semaphore(%arg34 : memref<!tpu.dma_semaphore, #tpu.memory_space<semaphore_mem>>)
    %dma_start3A_18 = arith.constant 4 : i32
    %dma_start3A_19 = arith.constant 0 : i32
    %dma_start3A_20 = tpu.memref_slice %arg2[%add3A, %dma_start3A_18, %dma_start3A_19] : memref<32x125x80xi32, #tpu.memory_space<hbm>> -> memref<1x2x80xi32, #tpu.memory_space<hbm>>
    %dma_start3A_21 = tpu.memref_squeeze %dma_start3A_20 : memref<1x2x80xi32, #tpu.memory_space<hbm>> -> memref<2x80xi32, #tpu.memory_space<hbm>>
    %dma_start3A_22 = arith.constant 4 : i32
    %dma_start3A_23 = arith.constant 0 : i32
    %dma_start3A_24 = tpu.memref_slice %arg2[%add3A, %dma_start3A_22, %dma_start3A_23] : memref<32x125x80xi32, #tpu.memory_space<hbm>> -> memref<1x2x80xi32, #tpu.memory_space<hbm>>
    %dma_start3A_25 = tpu.memref_squeeze %dma_start3A_24 : memref<1x2x80xi32, #tpu.memory_space<hbm>> -> memref<2x80xi32, #tpu.memory_space<hbm>>
    tpu.enqueue_dma source(%dma_start3A_25 : memref<2x80xi32, #tpu.memory_space<hbm>>) target(%arg16 : memref<2x80xi32, #tpu.memory_space<vmem>>) target_semaphore(%arg35 : memref<!tpu.dma_semaphore, #tpu.memory_space<semaphore_mem>>)
    %dma_start3A_26 = arith.constant 4 : i32
    %dma_start3A_27 = arith.constant 0 : i32
    %dma_start3A_28 = tpu.memref_slice %arg3[%add3A, %dma_start3A_26, %dma_start3A_27] : memref<32x125x80xi32, #tpu.memory_space<hbm>> -> memref<1x2x80xi32, #tpu.memory_space<hbm>>
    %dma_start3A_29 = tpu.memref_squeeze %dma_start3A_28 : memref<1x2x80xi32, #tpu.memory_space<hbm>> -> memref<2x80xi32, #tpu.memory_space<hbm>>
    %dma_start3A_30 = arith.constant 4 : i32
    %dma_start3A_31 = arith.constant 0 : i32
    %dma_start3A_32 = tpu.memref_slice %arg3[%add3A, %dma_start3A_30, %dma_start3A_31] : memref<32x125x80xi32, #tpu.memory_space<hbm>> -> memref<1x2x80xi32, #tpu.memory_space<hbm>>
    %dma_start3A_33 = tpu.memref_squeeze %dma_start3A_32 : memref<1x2x80xi32, #tpu.memory_space<hbm>> -> memref<2x80xi32, #tpu.memory_space<hbm>>
    tpu.enqueue_dma source(%dma_start3A_33 : memref<2x80xi32, #tpu.memory_space<hbm>>) target(%arg17 : memref<2x80xi32, #tpu.memory_space<vmem>>) target_semaphore(%arg35 : memref<!tpu.dma_semaphore, #tpu.memory_space<semaphore_mem>>)
    %dma_start3A_34 = arith.constant 0 : i32
    %dma_start3A_35 = arith.constant 0 : i32
    %dma_start3A_36 = arith.constant 0 : i32
    %dma_start3A_37 = arith.constant 0 : i32
    %dma_start3A_38 = tpu.memref_slice %arg18[%dma_start3A_35, %dma_start3A_36, %dma_start3A_37] : memref<3x80x128xf32, #tpu.memory_space<vmem>> -> memref<1x80x128xf32, #tpu.memory_space<vmem>>
    %dma_start3A_39 = tpu.memref_squeeze %dma_start3A_38 : memref<1x80x128xf32, #tpu.memory_space<vmem>> -> memref<80x128xf32, #tpu.memory_space<vmem>>
    %dma_start3A_40 = arith.constant 0 : i32
    %dma_start3A_41 = tpu.memref_slice %arg12[%dma_start3A_34, %dma_start3A_40] : memref<2x80xi32, #tpu.memory_space<vmem>> -> memref<1x80xi32, #tpu.memory_space<vmem>>
    %dma_start3A_42 = tpu.memref_squeeze %dma_start3A_41 : memref<1x80xi32, #tpu.memory_space<vmem>> -> memref<80xi32, #tpu.memory_space<vmem>>
    %dma_start3A_43 = arith.constant 0 : i32
    %dma_start3A_44 = arith.constant 0 : i32
    %dma_start3A_45 = tpu.memref_slice %arg4[%dma_start3A_43, %dma_start3A_44] : memref<10000x128xf32, #tpu.memory_space<hbm>> -> memref<10000x128xf32, #tpu.memory_space<hbm>>
    tpu.enqueue_indirect_dma source(%dma_start3A_45 : memref<10000x128xf32, #tpu.memory_space<hbm>>) target(%dma_start3A_39 : memref<80x128xf32, #tpu.memory_space<vmem>>) offsets(%dma_start3A_42 : memref<80xi32, #tpu.memory_space<vmem>>) semaphore(%arg24 : memref<!tpu.dma_semaphore, #tpu.memory_space<semaphore_mem>>)
    %dma_start3A_46 = arith.constant 1 : i32
    %dma_start3A_47 = arith.constant 1 : i32
    %dma_start3A_48 = arith.constant 0 : i32
    %dma_start3A_49 = arith.constant 0 : i32
    %dma_start3A_50 = tpu.memref_slice %arg18[%dma_start3A_47, %dma_start3A_48, %dma_start3A_49] : memref<3x80x128xf32, #tpu.memory_space<vmem>> -> memref<1x80x128xf32, #tpu.memory_space<vmem>>
    %dma_start3A_51 = tpu.memref_squeeze %dma_start3A_50 : memref<1x80x128xf32, #tpu.memory_space<vmem>> -> memref<80x128xf32, #tpu.memory_space<vmem>>
    %dma_start3A_52 = arith.constant 0 : i32
    %dma_start3A_53 = tpu.memref_slice %arg12[%dma_start3A_46, %dma_start3A_52] : memref<2x80xi32, #tpu.memory_space<vmem>> -> memref<1x80xi32, #tpu.memory_space<vmem>>
    %dma_start3A_54 = tpu.memref_squeeze %dma_start3A_53 : memref<1x80xi32, #tpu.memory_space<vmem>> -> memref<80xi32, #tpu.memory_space<vmem>>
    %dma_start3A_55 = arith.constant 0 : i32
    %dma_start3A_56 = arith.constant 0 : i32
    %dma_start3A_57 = tpu.memref_slice %arg4[%dma_start3A_55, %dma_start3A_56] : memref<10000x128xf32, #tpu.memory_space<hbm>> -> memref<10000x128xf32, #tpu.memory_space<hbm>>
    tpu.enqueue_indirect_dma source(%dma_start3A_57 : memref<10000x128xf32, #tpu.memory_space<hbm>>) target(%dma_start3A_51 : memref<80x128xf32, #tpu.memory_space<vmem>>) offsets(%dma_start3A_54 : memref<80xi32, #tpu.memory_space<vmem>>) semaphore(%arg25 : memref<!tpu.dma_semaphore, #tpu.memory_space<semaphore_mem>>)
    %broadcast_in_dim3A = arith.constant 0 : i32
    %broadcast_in_dim3A_58 = vector.broadcast %broadcast_in_dim3A : i32 to vector<16xi32>
    %iota3A = tpu.iota {dimensions = array<i32: 0>} : vector<16xi32>
    %add3A_59 = arith.constant 0 : i32
    %add3A_60 = arith.addi %mul3A_2, %add3A_59 : i32
    %run_scoped3A = arith.constant 0 : i32
    "tpu.region"() ({
      %run_scoped3A_719 = tpu.sem_alloc : memref<!tpu.dma_semaphore, #tpu.memory_space<semaphore_mem>>
      %dma_start3A_720 = arith.constant 0 : i32
      %dma_start3A_721 = tpu.memref_slice %arg5[%run_scoped3A, %add3A_60, %dma_start3A_720] : memref<2x10240x16xf32, #tpu.memory_space<hbm>> -> memref<1x80x16xf32, #tpu.memory_space<hbm>>
      %dma_start3A_722 = tpu.memref_squeeze %dma_start3A_721 : memref<1x80x16xf32, #tpu.memory_space<hbm>> -> memref<80x16xf32, #tpu.memory_space<hbm>>
      %dma_start3A_723 = arith.constant 0 : i32
      %dma_start3A_724 = tpu.memref_slice %arg5[%run_scoped3A, %add3A_60, %dma_start3A_723] : memref<2x10240x16xf32, #tpu.memory_space<hbm>> -> memref<1x80x16xf32, #tpu.memory_space<hbm>>
      %dma_start3A_725 = tpu.memref_squeeze %dma_start3A_724 : memref<1x80x16xf32, #tpu.memory_space<hbm>> -> memref<80x16xf32, #tpu.memory_space<hbm>>
      tpu.enqueue_dma source(%dma_start3A_725 : memref<80x16xf32, #tpu.memory_space<hbm>>) target(%arg21 : memref<80x16xf32, #tpu.memory_space<vmem>>) target_semaphore(%run_scoped3A_719 : memref<!tpu.dma_semaphore, #tpu.memory_space<semaphore_mem>>)
      %dma_wait3A_726 = arith.constant 0 : i32
      %dma_wait3A_727 = tpu.memref_slice %arg5[%run_scoped3A, %add3A_60, %dma_wait3A_726] : memref<2x10240x16xf32, #tpu.memory_space<hbm>> -> memref<1x80x16xf32, #tpu.memory_space<hbm>>
      %dma_wait3A_728 = tpu.memref_squeeze %dma_wait3A_727 : memref<1x80x16xf32, #tpu.memory_space<hbm>> -> memref<80x16xf32, #tpu.memory_space<hbm>>
      %dma_wait3A_729 = arith.constant 0 : i32
      %dma_wait3A_730 = tpu.memref_slice %arg5[%run_scoped3A, %add3A_60, %dma_wait3A_729] : memref<2x10240x16xf32, #tpu.memory_space<hbm>> -> memref<1x80x16xf32, #tpu.memory_space<hbm>>
      %dma_wait3A_731 = tpu.memref_squeeze %dma_wait3A_730 : memref<1x80x16xf32, #tpu.memory_space<hbm>> -> memref<80x16xf32, #tpu.memory_space<hbm>>
      tpu.wait_dma2 semaphore(%run_scoped3A_719 : memref<!tpu.dma_semaphore, #tpu.memory_space<semaphore_mem>>) src(%dma_wait3A_731 : memref<80x16xf32, #tpu.memory_space<hbm>>) dst(%arg21 : memref<80x16xf32, #tpu.memory_space<vmem>>)
      tpu.yield
    }) : () -> ()
    %add3A_61 = arith.constant 0 : i32
    %add3A_62 = arith.addi %mul3A_2, %add3A_61 : i32
    %run_scoped3A_63 = arith.constant 1 : i32
    "tpu.region"() ({
      %run_scoped3A_719 = tpu.sem_alloc : memref<!tpu.dma_semaphore, #tpu.memory_space<semaphore_mem>>
      %dma_start3A_720 = arith.constant 0 : i32
      %dma_start3A_721 = tpu.memref_slice %arg5[%run_scoped3A_63, %add3A_62, %dma_start3A_720] : memref<2x10240x16xf32, #tpu.memory_space<hbm>> -> memref<1x80x16xf32, #tpu.memory_space<hbm>>
      %dma_start3A_722 = tpu.memref_squeeze %dma_start3A_721 : memref<1x80x16xf32, #tpu.memory_space<hbm>> -> memref<80x16xf32, #tpu.memory_space<hbm>>
      %dma_start3A_723 = arith.constant 0 : i32
      %dma_start3A_724 = tpu.memref_slice %arg5[%run_scoped3A_63, %add3A_62, %dma_start3A_723] : memref<2x10240x16xf32, #tpu.memory_space<hbm>> -> memref<1x80x16xf32, #tpu.memory_space<hbm>>
      %dma_start3A_725 = tpu.memref_squeeze %dma_start3A_724 : memref<1x80x16xf32, #tpu.memory_space<hbm>> -> memref<80x16xf32, #tpu.memory_space<hbm>>
      tpu.enqueue_dma source(%dma_start3A_725 : memref<80x16xf32, #tpu.memory_space<hbm>>) target(%arg22 : memref<80x16xf32, #tpu.memory_space<vmem>>) target_semaphore(%run_scoped3A_719 : memref<!tpu.dma_semaphore, #tpu.memory_space<semaphore_mem>>)
      %dma_wait3A_726 = arith.constant 0 : i32
      %dma_wait3A_727 = tpu.memref_slice %arg5[%run_scoped3A_63, %add3A_62, %dma_wait3A_726] : memref<2x10240x16xf32, #tpu.memory_space<hbm>> -> memref<1x80x16xf32, #tpu.memory_space<hbm>>
      %dma_wait3A_728 = tpu.memref_squeeze %dma_wait3A_727 : memref<1x80x16xf32, #tpu.memory_space<hbm>> -> memref<80x16xf32, #tpu.memory_space<hbm>>
      %dma_wait3A_729 = arith.constant 0 : i32
      %dma_wait3A_730 = tpu.memref_slice %arg5[%run_scoped3A_63, %add3A_62, %dma_wait3A_729] : memref<2x10240x16xf32, #tpu.memory_space<hbm>> -> memref<1x80x16xf32, #tpu.memory_space<hbm>>
      %dma_wait3A_731 = tpu.memref_squeeze %dma_wait3A_730 : memref<1x80x16xf32, #tpu.memory_space<hbm>> -> memref<80x16xf32, #tpu.memory_space<hbm>>
      tpu.wait_dma2 semaphore(%run_scoped3A_719 : memref<!tpu.dma_semaphore, #tpu.memory_space<semaphore_mem>>) src(%dma_wait3A_731 : memref<80x16xf32, #tpu.memory_space<hbm>>) dst(%arg22 : memref<80x16xf32, #tpu.memory_space<vmem>>)
      tpu.yield
    }) : () -> ()
    %scan3A = arith.constant 0 : i32
    %scan3A_64 = arith.constant 0 : i32
    %scan3A_65 = arith.constant 5 : i32
    %scan3A_66 = arith.addi %scan3A_64, %scan3A_65 : i32
    %scan3A_67 = arith.constant 1 : i32
    scf.for %scan3A_719 = %scan3A_64 to %scan3A_66 step %scan3A_67  : i32 {
      %mul3A_720 = arith.constant 16 : i32
      %mul3A_721 = arith.muli %scan3A_719, %mul3A_720 : i32
      %add3A_722 = vector.broadcast %mul3A_721 : i32 to vector<16xi32>
      %add3A_723 = arith.addi %iota3A, %add3A_722 : vector<16xi32>
      %gather3A_724 = tpu.vector_load_idx %arg21[%add3A_723, %broadcast_in_dim3A_58] : memref<80x16xf32, #tpu.memory_space<vmem>>[vector<16xi32>, vector<16xi32>], vector<16xf32>,
      %gather3A_725 = tpu.vector_load_idx %arg22[%add3A_723, %broadcast_in_dim3A_58] : memref<80x16xf32, #tpu.memory_space<vmem>>[vector<16xi32>, vector<16xi32>], vector<16xf32>,
      %add3A_726 = arith.addf %gather3A_724, %gather3A_725 : vector<16xf32>
      %max3A = arith.constant 1.000000e+00 : f32
      %max3A_727 = vector.broadcast %max3A : f32 to vector<16xf32>
      %max3A_728 = arith.maximumf %add3A_726, %max3A_727 : vector<16xf32>
      %div3A = arith.constant 1.000000e+00 : f32
      %div3A_729 = vector.broadcast %div3A : f32 to vector<16xf32>
      %div3A_730 = arith.divf %div3A_729, %max3A_728 : vector<16xf32>
      %mul3A_731 = arith.constant 16 : i32
      %mul3A_732 = arith.muli %scan3A_719, %mul3A_731 : i32
      %add3A_733 = arith.constant 0 : i32
      %add3A_734 = arith.addi %add3A_733, %mul3A_732 : i32
      %swap3A_735 = arith.index_cast %add3A_734 : i32 to index
      %swap3A_736 = tpu.vector_load %arg20[%swap3A_735] {strides = array<i32>} : memref<640xf32, #tpu.memory_space<vmem>>, vector<16xf32>,
      tpu.vector_store %arg20[%swap3A_735], %div3A_730 {strides = array<i32>} : memref<640xf32, #tpu.memory_space<vmem>>, vector<16xf32>,
    }
    %scan3A_68 = arith.constant 5 : i32
    %add3A_69 = arith.constant 80 : i32
    %add3A_70 = arith.addi %mul3A_2, %add3A_69 : i32
    %run_scoped3A_71 = arith.constant 0 : i32
    "tpu.region"() ({
      %run_scoped3A_719 = tpu.sem_alloc : memref<!tpu.dma_semaphore, #tpu.memory_space<semaphore_mem>>
      %dma_start3A_720 = arith.constant 0 : i32
      %dma_start3A_721 = tpu.memref_slice %arg5[%run_scoped3A_71, %add3A_70, %dma_start3A_720] : memref<2x10240x16xf32, #tpu.memory_space<hbm>> -> memref<1x80x16xf32, #tpu.memory_space<hbm>>
      %dma_start3A_722 = tpu.memref_squeeze %dma_start3A_721 : memref<1x80x16xf32, #tpu.memory_space<hbm>> -> memref<80x16xf32, #tpu.memory_space<hbm>>
      %dma_start3A_723 = arith.constant 0 : i32
      %dma_start3A_724 = tpu.memref_slice %arg5[%run_scoped3A_71, %add3A_70, %dma_start3A_723] : memref<2x10240x16xf32, #tpu.memory_space<hbm>> -> memref<1x80x16xf32, #tpu.memory_space<hbm>>
      %dma_start3A_725 = tpu.memref_squeeze %dma_start3A_724 : memref<1x80x16xf32, #tpu.memory_space<hbm>> -> memref<80x16xf32, #tpu.memory_space<hbm>>
      tpu.enqueue_dma source(%dma_start3A_725 : memref<80x16xf32, #tpu.memory_space<hbm>>) target(%arg21 : memref<80x16xf32, #tpu.memory_space<vmem>>) target_semaphore(%run_scoped3A_719 : memref<!tpu.dma_semaphore, #tpu.memory_space<semaphore_mem>>)
      %dma_wait3A_726 = arith.constant 0 : i32
      %dma_wait3A_727 = tpu.memref_slice %arg5[%run_scoped3A_71, %add3A_70, %dma_wait3A_726] : memref<2x10240x16xf32, #tpu.memory_space<hbm>> -> memref<1x80x16xf32, #tpu.memory_space<hbm>>
      %dma_wait3A_728 = tpu.memref_squeeze %dma_wait3A_727 : memref<1x80x16xf32, #tpu.memory_space<hbm>> -> memref<80x16xf32, #tpu.memory_space<hbm>>
      %dma_wait3A_729 = arith.constant 0 : i32
      %dma_wait3A_730 = tpu.memref_slice %arg5[%run_scoped3A_71, %add3A_70, %dma_wait3A_729] : memref<2x10240x16xf32, #tpu.memory_space<hbm>> -> memref<1x80x16xf32, #tpu.memory_space<hbm>>
      %dma_wait3A_731 = tpu.memref_squeeze %dma_wait3A_730 : memref<1x80x16xf32, #tpu.memory_space<hbm>> -> memref<80x16xf32, #tpu.memory_space<hbm>>
      tpu.wait_dma2 semaphore(%run_scoped3A_719 : memref<!tpu.dma_semaphore, #tpu.memory_space<semaphore_mem>>) src(%dma_wait3A_731 : memref<80x16xf32, #tpu.memory_space<hbm>>) dst(%arg21 : memref<80x16xf32, #tpu.memory_space<vmem>>)
      tpu.yield
    }) : () -> ()
    %add3A_72 = arith.constant 80 : i32
    %add3A_73 = arith.addi %mul3A_2, %add3A_72 : i32
    %run_scoped3A_74 = arith.constant 1 : i32
    "tpu.region"() ({
      %run_scoped3A_719 = tpu.sem_alloc : memref<!tpu.dma_semaphore, #tpu.memory_space<semaphore_mem>>
      %dma_start3A_720 = arith.constant 0 : i32
      %dma_start3A_721 = tpu.memref_slice %arg5[%run_scoped3A_74, %add3A_73, %dma_start3A_720] : memref<2x10240x16xf32, #tpu.memory_space<hbm>> -> memref<1x80x16xf32, #tpu.memory_space<hbm>>
      %dma_start3A_722 = tpu.memref_squeeze %dma_start3A_721 : memref<1x80x16xf32, #tpu.memory_space<hbm>> -> memref<80x16xf32, #tpu.memory_space<hbm>>
      %dma_start3A_723 = arith.constant 0 : i32
      %dma_start3A_724 = tpu.memref_slice %arg5[%run_scoped3A_74, %add3A_73, %dma_start3A_723] : memref<2x10240x16xf32, #tpu.memory_space<hbm>> -> memref<1x80x16xf32, #tpu.memory_space<hbm>>
      %dma_start3A_725 = tpu.memref_squeeze %dma_start3A_724 : memref<1x80x16xf32, #tpu.memory_space<hbm>> -> memref<80x16xf32, #tpu.memory_space<hbm>>
      tpu.enqueue_dma source(%dma_start3A_725 : memref<80x16xf32, #tpu.memory_space<hbm>>) target(%arg22 : memref<80x16xf32, #tpu.memory_space<vmem>>) target_semaphore(%run_scoped3A_719 : memref<!tpu.dma_semaphore, #tpu.memory_space<semaphore_mem>>)
      %dma_wait3A_726 = arith.constant 0 : i32
      %dma_wait3A_727 = tpu.memref_slice %arg5[%run_scoped3A_74, %add3A_73, %dma_wait3A_726] : memref<2x10240x16xf32, #tpu.memory_space<hbm>> -> memref<1x80x16xf32, #tpu.memory_space<hbm>>
      %dma_wait3A_728 = tpu.memref_squeeze %dma_wait3A_727 : memref<1x80x16xf32, #tpu.memory_space<hbm>> -> memref<80x16xf32, #tpu.memory_space<hbm>>
      %dma_wait3A_729 = arith.constant 0 : i32
      %dma_wait3A_730 = tpu.memref_slice %arg5[%run_scoped3A_74, %add3A_73, %dma_wait3A_729] : memref<2x10240x16xf32, #tpu.memory_space<hbm>> -> memref<1x80x16xf32, #tpu.memory_space<hbm>>
      %dma_wait3A_731 = tpu.memref_squeeze %dma_wait3A_730 : memref<1x80x16xf32, #tpu.memory_space<hbm>> -> memref<80x16xf32, #tpu.memory_space<hbm>>
      tpu.wait_dma2 semaphore(%run_scoped3A_719 : memref<!tpu.dma_semaphore, #tpu.memory_space<semaphore_mem>>) src(%dma_wait3A_731 : memref<80x16xf32, #tpu.memory_space<hbm>>) dst(%arg22 : memref<80x16xf32, #tpu.memory_space<vmem>>)
      tpu.yield
    }) : () -> ()
    %scan3A_75 = arith.constant 0 : i32
    %scan3A_76 = arith.constant 0 : i32
    %scan3A_77 = arith.constant 5 : i32
    %scan3A_78 = arith.addi %scan3A_76, %scan3A_77 : i32
    %scan3A_79 = arith.constant 1 : i32
    scf.for %scan3A_719 = %scan3A_76 to %scan3A_78 step %scan3A_79  : i32 {
      %mul3A_720 = arith.constant 16 : i32
      %mul3A_721 = arith.muli %scan3A_719, %mul3A_720 : i32
      %add3A_722 = vector.broadcast %mul3A_721 : i32 to vector<16xi32>
      %add3A_723 = arith.addi %iota3A, %add3A_722 : vector<16xi32>
      %gather3A_724 = tpu.vector_load_idx %arg21[%add3A_723, %broadcast_in_dim3A_58] : memref<80x16xf32, #tpu.memory_space<vmem>>[vector<16xi32>, vector<16xi32>], vector<16xf32>,
      %gather3A_725 = tpu.vector_load_idx %arg22[%add3A_723, %broadcast_in_dim3A_58] : memref<80x16xf32, #tpu.memory_space<vmem>>[vector<16xi32>, vector<16xi32>], vector<16xf32>,
      %add3A_726 = arith.addf %gather3A_724, %gather3A_725 : vector<16xf32>
      %max3A = arith.constant 1.000000e+00 : f32
      %max3A_727 = vector.broadcast %max3A : f32 to vector<16xf32>
      %max3A_728 = arith.maximumf %add3A_726, %max3A_727 : vector<16xf32>
      %div3A = arith.constant 1.000000e+00 : f32
      %div3A_729 = vector.broadcast %div3A : f32 to vector<16xf32>
      %div3A_730 = arith.divf %div3A_729, %max3A_728 : vector<16xf32>
      %mul3A_731 = arith.constant 16 : i32
      %mul3A_732 = arith.muli %scan3A_719, %mul3A_731 : i32
      %add3A_733 = arith.constant 80 : i32
      %add3A_734 = arith.addi %add3A_733, %mul3A_732 : i32
      %swap3A_735 = arith.index_cast %add3A_734 : i32 to index
      %swap3A_736 = tpu.vector_load %arg20[%swap3A_735] {strides = array<i32>} : memref<640xf32, #tpu.memory_space<vmem>>, vector<16xf32>,
      tpu.vector_store %arg20[%swap3A_735], %div3A_730 {strides = array<i32>} : memref<640xf32, #tpu.memory_space<vmem>>, vector<16xf32>,
    }
    %scan3A_80 = arith.constant 5 : i32
    %add3A_81 = arith.constant 160 : i32
    %add3A_82 = arith.addi %mul3A_2, %add3A_81 : i32
    %run_scoped3A_83 = arith.constant 0 : i32
    "tpu.region"() ({
      %run_scoped3A_719 = tpu.sem_alloc : memref<!tpu.dma_semaphore, #tpu.memory_space<semaphore_mem>>
      %dma_start3A_720 = arith.constant 0 : i32
      %dma_start3A_721 = tpu.memref_slice %arg5[%run_scoped3A_83, %add3A_82, %dma_start3A_720] : memref<2x10240x16xf32, #tpu.memory_space<hbm>> -> memref<1x80x16xf32, #tpu.memory_space<hbm>>
      %dma_start3A_722 = tpu.memref_squeeze %dma_start3A_721 : memref<1x80x16xf32, #tpu.memory_space<hbm>> -> memref<80x16xf32, #tpu.memory_space<hbm>>
      %dma_start3A_723 = arith.constant 0 : i32
      %dma_start3A_724 = tpu.memref_slice %arg5[%run_scoped3A_83, %add3A_82, %dma_start3A_723] : memref<2x10240x16xf32, #tpu.memory_space<hbm>> -> memref<1x80x16xf32, #tpu.memory_space<hbm>>
      %dma_start3A_725 = tpu.memref_squeeze %dma_start3A_724 : memref<1x80x16xf32, #tpu.memory_space<hbm>> -> memref<80x16xf32, #tpu.memory_space<hbm>>
      tpu.enqueue_dma source(%dma_start3A_725 : memref<80x16xf32, #tpu.memory_space<hbm>>) target(%arg21 : memref<80x16xf32, #tpu.memory_space<vmem>>) target_semaphore(%run_scoped3A_719 : memref<!tpu.dma_semaphore, #tpu.memory_space<semaphore_mem>>)
      %dma_wait3A_726 = arith.constant 0 : i32
      %dma_wait3A_727 = tpu.memref_slice %arg5[%run_scoped3A_83, %add3A_82, %dma_wait3A_726] : memref<2x10240x16xf32, #tpu.memory_space<hbm>> -> memref<1x80x16xf32, #tpu.memory_space<hbm>>
      %dma_wait3A_728 = tpu.memref_squeeze %dma_wait3A_727 : memref<1x80x16xf32, #tpu.memory_space<hbm>> -> memref<80x16xf32, #tpu.memory_space<hbm>>
      %dma_wait3A_729 = arith.constant 0 : i32
      %dma_wait3A_730 = tpu.memref_slice %arg5[%run_scoped3A_83, %add3A_82, %dma_wait3A_729] : memref<2x10240x16xf32, #tpu.memory_space<hbm>> -> memref<1x80x16xf32, #tpu.memory_space<hbm>>
      %dma_wait3A_731 = tpu.memref_squeeze %dma_wait3A_730 : memref<1x80x16xf32, #tpu.memory_space<hbm>> -> memref<80x16xf32, #tpu.memory_space<hbm>>
      tpu.wait_dma2 semaphore(%run_scoped3A_719 : memref<!tpu.dma_semaphore, #tpu.memory_space<semaphore_mem>>) src(%dma_wait3A_731 : memref<80x16xf32, #tpu.memory_space<hbm>>) dst(%arg21 : memref<80x16xf32, #tpu.memory_space<vmem>>)
      tpu.yield
    }) : () -> ()
    %add3A_84 = arith.constant 160 : i32
    %add3A_85 = arith.addi %mul3A_2, %add3A_84 : i32
    %run_scoped3A_86 = arith.constant 1 : i32
    "tpu.region"() ({
      %run_scoped3A_719 = tpu.sem_alloc : memref<!tpu.dma_semaphore, #tpu.memory_space<semaphore_mem>>
      %dma_start3A_720 = arith.constant 0 : i32
      %dma_start3A_721 = tpu.memref_slice %arg5[%run_scoped3A_86, %add3A_85, %dma_start3A_720] : memref<2x10240x16xf32, #tpu.memory_space<hbm>> -> memref<1x80x16xf32, #tpu.memory_space<hbm>>
      %dma_start3A_722 = tpu.memref_squeeze %dma_start3A_721 : memref<1x80x16xf32, #tpu.memory_space<hbm>> -> memref<80x16xf32, #tpu.memory_space<hbm>>
      %dma_start3A_723 = arith.constant 0 : i32
      %dma_start3A_724 = tpu.memref_slice %arg5[%run_scoped3A_86, %add3A_85, %dma_start3A_723] : memref<2x10240x16xf32, #tpu.memory_space<hbm>> -> memref<1x80x16xf32, #tpu.memory_space<hbm>>
      %dma_start3A_725 = tpu.memref_squeeze %dma_start3A_724 : memref<1x80x16xf32, #tpu.memory_space<hbm>> -> memref<80x16xf32, #tpu.memory_space<hbm>>
      tpu.enqueue_dma source(%dma_start3A_725 : memref<80x16xf32, #tpu.memory_space<hbm>>) target(%arg22 : memref<80x16xf32, #tpu.memory_space<vmem>>) target_semaphore(%run_scoped3A_719 : memref<!tpu.dma_semaphore, #tpu.memory_space<semaphore_mem>>)
      %dma_wait3A_726 = arith.constant 0 : i32
      %dma_wait3A_727 = tpu.memref_slice %arg5[%run_scoped3A_86, %add3A_85, %dma_wait3A_726] : memref<2x10240x16xf32, #tpu.memory_space<hbm>> -> memref<1x80x16xf32, #tpu.memory_space<hbm>>
      %dma_wait3A_728 = tpu.memref_squeeze %dma_wait3A_727 : memref<1x80x16xf32, #tpu.memory_space<hbm>> -> memref<80x16xf32, #tpu.memory_space<hbm>>
      %dma_wait3A_729 = arith.constant 0 : i32
      %dma_wait3A_730 = tpu.memref_slice %arg5[%run_scoped3A_86, %add3A_85, %dma_wait3A_729] : memref<2x10240x16xf32, #tpu.memory_space<hbm>> -> memref<1x80x16xf32, #tpu.memory_space<hbm>>
      %dma_wait3A_731 = tpu.memref_squeeze %dma_wait3A_730 : memref<1x80x16xf32, #tpu.memory_space<hbm>> -> memref<80x16xf32, #tpu.memory_space<hbm>>
      tpu.wait_dma2 semaphore(%run_scoped3A_719 : memref<!tpu.dma_semaphore, #tpu.memory_space<semaphore_mem>>) src(%dma_wait3A_731 : memref<80x16xf32, #tpu.memory_space<hbm>>) dst(%arg22 : memref<80x16xf32, #tpu.memory_space<vmem>>)
      tpu.yield
    }) : () -> ()
    %scan3A_87 = arith.constant 0 : i32
    %scan3A_88 = arith.constant 0 : i32
    %scan3A_89 = arith.constant 5 : i32
    %scan3A_90 = arith.addi %scan3A_88, %scan3A_89 : i32
    %scan3A_91 = arith.constant 1 : i32
    scf.for %scan3A_719 = %scan3A_88 to %scan3A_90 step %scan3A_91  : i32 {
      %mul3A_720 = arith.constant 16 : i32
      %mul3A_721 = arith.muli %scan3A_719, %mul3A_720 : i32
      %add3A_722 = vector.broadcast %mul3A_721 : i32 to vector<16xi32>
      %add3A_723 = arith.addi %iota3A, %add3A_722 : vector<16xi32>
      %gather3A_724 = tpu.vector_load_idx %arg21[%add3A_723, %broadcast_in_dim3A_58] : memref<80x16xf32, #tpu.memory_space<vmem>>[vector<16xi32>, vector<16xi32>], vector<16xf32>,
      %gather3A_725 = tpu.vector_load_idx %arg22[%add3A_723, %broadcast_in_dim3A_58] : memref<80x16xf32, #tpu.memory_space<vmem>>[vector<16xi32>, vector<16xi32>], vector<16xf32>,
      %add3A_726 = arith.addf %gather3A_724, %gather3A_725 : vector<16xf32>
      %max3A = arith.constant 1.000000e+00 : f32
      %max3A_727 = vector.broadcast %max3A : f32 to vector<16xf32>
      %max3A_728 = arith.maximumf %add3A_726, %max3A_727 : vector<16xf32>
      %div3A = arith.constant 1.000000e+00 : f32
      %div3A_729 = vector.broadcast %div3A : f32 to vector<16xf32>
      %div3A_730 = arith.divf %div3A_729, %max3A_728 : vector<16xf32>
      %mul3A_731 = arith.constant 16 : i32
      %mul3A_732 = arith.muli %scan3A_719, %mul3A_731 : i32
      %add3A_733 = arith.constant 160 : i32
      %add3A_734 = arith.addi %add3A_733, %mul3A_732 : i32
      %swap3A_735 = arith.index_cast %add3A_734 : i32 to index
      %swap3A_736 = tpu.vector_load %arg20[%swap3A_735] {strides = array<i32>} : memref<640xf32, #tpu.memory_space<vmem>>, vector<16xf32>,
      tpu.vector_store %arg20[%swap3A_735], %div3A_730 {strides = array<i32>} : memref<640xf32, #tpu.memory_space<vmem>>, vector<16xf32>,
    }
    %scan3A_92 = arith.constant 5 : i32
    %add3A_93 = arith.constant 240 : i32
    %add3A_94 = arith.addi %mul3A_2, %add3A_93 : i32
    %run_scoped3A_95 = arith.constant 0 : i32
    "tpu.region"() ({
      %run_scoped3A_719 = tpu.sem_alloc : memref<!tpu.dma_semaphore, #tpu.memory_space<semaphore_mem>>
      %dma_start3A_720 = arith.constant 0 : i32
      %dma_start3A_721 = tpu.memref_slice %arg5[%run_scoped3A_95, %add3A_94, %dma_start3A_720] : memref<2x10240x16xf32, #tpu.memory_space<hbm>> -> memref<1x80x16xf32, #tpu.memory_space<hbm>>
      %dma_start3A_722 = tpu.memref_squeeze %dma_start3A_721 : memref<1x80x16xf32, #tpu.memory_space<hbm>> -> memref<80x16xf32, #tpu.memory_space<hbm>>
      %dma_start3A_723 = arith.constant 0 : i32
      %dma_start3A_724 = tpu.memref_slice %arg5[%run_scoped3A_95, %add3A_94, %dma_start3A_723] : memref<2x10240x16xf32, #tpu.memory_space<hbm>> -> memref<1x80x16xf32, #tpu.memory_space<hbm>>
      %dma_start3A_725 = tpu.memref_squeeze %dma_start3A_724 : memref<1x80x16xf32, #tpu.memory_space<hbm>> -> memref<80x16xf32, #tpu.memory_space<hbm>>
      tpu.enqueue_dma source(%dma_start3A_725 : memref<80x16xf32, #tpu.memory_space<hbm>>) target(%arg21 : memref<80x16xf32, #tpu.memory_space<vmem>>) target_semaphore(%run_scoped3A_719 : memref<!tpu.dma_semaphore, #tpu.memory_space<semaphore_mem>>)
      %dma_wait3A_726 = arith.constant 0 : i32
      %dma_wait3A_727 = tpu.memref_slice %arg5[%run_scoped3A_95, %add3A_94, %dma_wait3A_726] : memref<2x10240x16xf32, #tpu.memory_space<hbm>> -> memref<1x80x16xf32, #tpu.memory_space<hbm>>
      %dma_wait3A_728 = tpu.memref_squeeze %dma_wait3A_727 : memref<1x80x16xf32, #tpu.memory_space<hbm>> -> memref<80x16xf32, #tpu.memory_space<hbm>>
      %dma_wait3A_729 = arith.constant 0 : i32
      %dma_wait3A_730 = tpu.memref_slice %arg5[%run_scoped3A_95, %add3A_94, %dma_wait3A_729] : memref<2x10240x16xf32, #tpu.memory_space<hbm>> -> memref<1x80x16xf32, #tpu.memory_space<hbm>>
      %dma_wait3A_731 = tpu.memref_squeeze %dma_wait3A_730 : memref<1x80x16xf32, #tpu.memory_space<hbm>> -> memref<80x16xf32, #tpu.memory_space<hbm>>
      tpu.wait_dma2 semaphore(%run_scoped3A_719 : memref<!tpu.dma_semaphore, #tpu.memory_space<semaphore_mem>>) src(%dma_wait3A_731 : memref<80x16xf32, #tpu.memory_space<hbm>>) dst(%arg21 : memref<80x16xf32, #tpu.memory_space<vmem>>)
      tpu.yield
    }) : () -> ()
    %add3A_96 = arith.constant 240 : i32
    %add3A_97 = arith.addi %mul3A_2, %add3A_96 : i32
    %run_scoped3A_98 = arith.constant 1 : i32
    "tpu.region"() ({
      %run_scoped3A_719 = tpu.sem_alloc : memref<!tpu.dma_semaphore, #tpu.memory_space<semaphore_mem>>
      %dma_start3A_720 = arith.constant 0 : i32
      %dma_start3A_721 = tpu.memref_slice %arg5[%run_scoped3A_98, %add3A_97, %dma_start3A_720] : memref<2x10240x16xf32, #tpu.memory_space<hbm>> -> memref<1x80x16xf32, #tpu.memory_space<hbm>>
      %dma_start3A_722 = tpu.memref_squeeze %dma_start3A_721 : memref<1x80x16xf32, #tpu.memory_space<hbm>> -> memref<80x16xf32, #tpu.memory_space<hbm>>
      %dma_start3A_723 = arith.constant 0 : i32
      %dma_start3A_724 = tpu.memref_slice %arg5[%run_scoped3A_98, %add3A_97, %dma_start3A_723] : memref<2x10240x16xf32, #tpu.memory_space<hbm>> -> memref<1x80x16xf32, #tpu.memory_space<hbm>>
      %dma_start3A_725 = tpu.memref_squeeze %dma_start3A_724 : memref<1x80x16xf32, #tpu.memory_space<hbm>> -> memref<80x16xf32, #tpu.memory_space<hbm>>
      tpu.enqueue_dma source(%dma_start3A_725 : memref<80x16xf32, #tpu.memory_space<hbm>>) target(%arg22 : memref<80x16xf32, #tpu.memory_space<vmem>>) target_semaphore(%run_scoped3A_719 : memref<!tpu.dma_semaphore, #tpu.memory_space<semaphore_mem>>)
      %dma_wait3A_726 = arith.constant 0 : i32
      %dma_wait3A_727 = tpu.memref_slice %arg5[%run_scoped3A_98, %add3A_97, %dma_wait3A_726] : memref<2x10240x16xf32, #tpu.memory_space<hbm>> -> memref<1x80x16xf32, #tpu.memory_space<hbm>>
      %dma_wait3A_728 = tpu.memref_squeeze %dma_wait3A_727 : memref<1x80x16xf32, #tpu.memory_space<hbm>> -> memref<80x16xf32, #tpu.memory_space<hbm>>
      %dma_wait3A_729 = arith.constant 0 : i32
      %dma_wait3A_730 = tpu.memref_slice %arg5[%run_scoped3A_98, %add3A_97, %dma_wait3A_729] : memref<2x10240x16xf32, #tpu.memory_space<hbm>> -> memref<1x80x16xf32, #tpu.memory_space<hbm>>
      %dma_wait3A_731 = tpu.memref_squeeze %dma_wait3A_730 : memref<1x80x16xf32, #tpu.memory_space<hbm>> -> memref<80x16xf32, #tpu.memory_space<hbm>>
      tpu.wait_dma2 semaphore(%run_scoped3A_719 : memref<!tpu.dma_semaphore, #tpu.memory_space<semaphore_mem>>) src(%dma_wait3A_731 : memref<80x16xf32, #tpu.memory_space<hbm>>) dst(%arg22 : memref<80x16xf32, #tpu.memory_space<vmem>>)
      tpu.yield
    }) : () -> ()
    %scan3A_99 = arith.constant 0 : i32
    %scan3A_100 = arith.constant 0 : i32
    %scan3A_101 = arith.constant 5 : i32
    %scan3A_102 = arith.addi %scan3A_100, %scan3A_101 : i32
    %scan3A_103 = arith.constant 1 : i32
    scf.for %scan3A_719 = %scan3A_100 to %scan3A_102 step %scan3A_103  : i32 {
      %mul3A_720 = arith.constant 16 : i32
      %mul3A_721 = arith.muli %scan3A_719, %mul3A_720 : i32
      %add3A_722 = vector.broadcast %mul3A_721 : i32 to vector<16xi32>
      %add3A_723 = arith.addi %iota3A, %add3A_722 : vector<16xi32>
      %gather3A_724 = tpu.vector_load_idx %arg21[%add3A_723, %broadcast_in_dim3A_58] : memref<80x16xf32, #tpu.memory_space<vmem>>[vector<16xi32>, vector<16xi32>], vector<16xf32>,
      %gather3A_725 = tpu.vector_load_idx %arg22[%add3A_723, %broadcast_in_dim3A_58] : memref<80x16xf32, #tpu.memory_space<vmem>>[vector<16xi32>, vector<16xi32>], vector<16xf32>,
      %add3A_726 = arith.addf %gather3A_724, %gather3A_725 : vector<16xf32>
      %max3A = arith.constant 1.000000e+00 : f32
      %max3A_727 = vector.broadcast %max3A : f32 to vector<16xf32>
      %max3A_728 = arith.maximumf %add3A_726, %max3A_727 : vector<16xf32>
      %div3A = arith.constant 1.000000e+00 : f32
      %div3A_729 = vector.broadcast %div3A : f32 to vector<16xf32>
      %div3A_730 = arith.divf %div3A_729, %max3A_728 : vector<16xf32>
      %mul3A_731 = arith.constant 16 : i32
      %mul3A_732 = arith.muli %scan3A_719, %mul3A_731 : i32
      %add3A_733 = arith.constant 240 : i32
      %add3A_734 = arith.addi %add3A_733, %mul3A_732 : i32
      %swap3A_735 = arith.index_cast %add3A_734 : i32 to index
      %swap3A_736 = tpu.vector_load %arg20[%swap3A_735] {strides = array<i32>} : memref<640xf32, #tpu.memory_space<vmem>>, vector<16xf32>,
      tpu.vector_store %arg20[%swap3A_735], %div3A_730 {strides = array<i32>} : memref<640xf32, #tpu.memory_space<vmem>>, vector<16xf32>,
    }
    %scan3A_104 = arith.constant 5 : i32
    %add3A_105 = arith.constant 320 : i32
    %add3A_106 = arith.addi %mul3A_2, %add3A_105 : i32
    %run_scoped3A_107 = arith.constant 0 : i32
    "tpu.region"() ({
      %run_scoped3A_719 = tpu.sem_alloc : memref<!tpu.dma_semaphore, #tpu.memory_space<semaphore_mem>>
      %dma_start3A_720 = arith.constant 0 : i32
      %dma_start3A_721 = tpu.memref_slice %arg5[%run_scoped3A_107, %add3A_106, %dma_start3A_720] : memref<2x10240x16xf32, #tpu.memory_space<hbm>> -> memref<1x80x16xf32, #tpu.memory_space<hbm>>
      %dma_start3A_722 = tpu.memref_squeeze %dma_start3A_721 : memref<1x80x16xf32, #tpu.memory_space<hbm>> -> memref<80x16xf32, #tpu.memory_space<hbm>>
      %dma_start3A_723 = arith.constant 0 : i32
      %dma_start3A_724 = tpu.memref_slice %arg5[%run_scoped3A_107, %add3A_106, %dma_start3A_723] : memref<2x10240x16xf32, #tpu.memory_space<hbm>> -> memref<1x80x16xf32, #tpu.memory_space<hbm>>
      %dma_start3A_725 = tpu.memref_squeeze %dma_start3A_724 : memref<1x80x16xf32, #tpu.memory_space<hbm>> -> memref<80x16xf32, #tpu.memory_space<hbm>>
      tpu.enqueue_dma source(%dma_start3A_725 : memref<80x16xf32, #tpu.memory_space<hbm>>) target(%arg21 : memref<80x16xf32, #tpu.memory_space<vmem>>) target_semaphore(%run_scoped3A_719 : memref<!tpu.dma_semaphore, #tpu.memory_space<semaphore_mem>>)
      %dma_wait3A_726 = arith.constant 0 : i32
      %dma_wait3A_727 = tpu.memref_slice %arg5[%run_scoped3A_107, %add3A_106, %dma_wait3A_726] : memref<2x10240x16xf32, #tpu.memory_space<hbm>> -> memref<1x80x16xf32, #tpu.memory_space<hbm>>
      %dma_wait3A_728 = tpu.memref_squeeze %dma_wait3A_727 : memref<1x80x16xf32, #tpu.memory_space<hbm>> -> memref<80x16xf32, #tpu.memory_space<hbm>>
      %dma_wait3A_729 = arith.constant 0 : i32
      %dma_wait3A_730 = tpu.memref_slice %arg5[%run_scoped3A_107, %add3A_106, %dma_wait3A_729] : memref<2x10240x16xf32, #tpu.memory_space<hbm>> -> memref<1x80x16xf32, #tpu.memory_space<hbm>>
      %dma_wait3A_731 = tpu.memref_squeeze %dma_wait3A_730 : memref<1x80x16xf32, #tpu.memory_space<hbm>> -> memref<80x16xf32, #tpu.memory_space<hbm>>
      tpu.wait_dma2 semaphore(%run_scoped3A_719 : memref<!tpu.dma_semaphore, #tpu.memory_space<semaphore_mem>>) src(%dma_wait3A_731 : memref<80x16xf32, #tpu.memory_space<hbm>>) dst(%arg21 : memref<80x16xf32, #tpu.memory_space<vmem>>)
      tpu.yield
    }) : () -> ()
    %add3A_108 = arith.constant 320 : i32
    %add3A_109 = arith.addi %mul3A_2, %add3A_108 : i32
    %run_scoped3A_110 = arith.constant 1 : i32
    "tpu.region"() ({
      %run_scoped3A_719 = tpu.sem_alloc : memref<!tpu.dma_semaphore, #tpu.memory_space<semaphore_mem>>
      %dma_start3A_720 = arith.constant 0 : i32
      %dma_start3A_721 = tpu.memref_slice %arg5[%run_scoped3A_110, %add3A_109, %dma_start3A_720] : memref<2x10240x16xf32, #tpu.memory_space<hbm>> -> memref<1x80x16xf32, #tpu.memory_space<hbm>>
      %dma_start3A_722 = tpu.memref_squeeze %dma_start3A_721 : memref<1x80x16xf32, #tpu.memory_space<hbm>> -> memref<80x16xf32, #tpu.memory_space<hbm>>
      %dma_start3A_723 = arith.constant 0 : i32
      %dma_start3A_724 = tpu.memref_slice %arg5[%run_scoped3A_110, %add3A_109, %dma_start3A_723] : memref<2x10240x16xf32, #tpu.memory_space<hbm>> -> memref<1x80x16xf32, #tpu.memory_space<hbm>>
      %dma_start3A_725 = tpu.memref_squeeze %dma_start3A_724 : memref<1x80x16xf32, #tpu.memory_space<hbm>> -> memref<80x16xf32, #tpu.memory_space<hbm>>
      tpu.enqueue_dma source(%dma_start3A_725 : memref<80x16xf32, #tpu.memory_space<hbm>>) target(%arg22 : memref<80x16xf32, #tpu.memory_space<vmem>>) target_semaphore(%run_scoped3A_719 : memref<!tpu.dma_semaphore, #tpu.memory_space<semaphore_mem>>)
      %dma_wait3A_726 = arith.constant 0 : i32
      %dma_wait3A_727 = tpu.memref_slice %arg5[%run_scoped3A_110, %add3A_109, %dma_wait3A_726] : memref<2x10240x16xf32, #tpu.memory_space<hbm>> -> memref<1x80x16xf32, #tpu.memory_space<hbm>>
      %dma_wait3A_728 = tpu.memref_squeeze %dma_wait3A_727 : memref<1x80x16xf32, #tpu.memory_space<hbm>> -> memref<80x16xf32, #tpu.memory_space<hbm>>
      %dma_wait3A_729 = arith.constant 0 : i32
      %dma_wait3A_730 = tpu.memref_slice %arg5[%run_scoped3A_110, %add3A_109, %dma_wait3A_729] : memref<2x10240x16xf32, #tpu.memory_space<hbm>> -> memref<1x80x16xf32, #tpu.memory_space<hbm>>
      %dma_wait3A_731 = tpu.memref_squeeze %dma_wait3A_730 : memref<1x80x16xf32, #tpu.memory_space<hbm>> -> memref<80x16xf32, #tpu.memory_space<hbm>>
      tpu.wait_dma2 semaphore(%run_scoped3A_719 : memref<!tpu.dma_semaphore, #tpu.memory_space<semaphore_mem>>) src(%dma_wait3A_731 : memref<80x16xf32, #tpu.memory_space<hbm>>) dst(%arg22 : memref<80x16xf32, #tpu.memory_space<vmem>>)
      tpu.yield
    }) : () -> ()
    %scan3A_111 = arith.constant 0 : i32
    %scan3A_112 = arith.constant 0 : i32
    %scan3A_113 = arith.constant 5 : i32
    %scan3A_114 = arith.addi %scan3A_112, %scan3A_113 : i32
    %scan3A_115 = arith.constant 1 : i32
    scf.for %scan3A_719 = %scan3A_112 to %scan3A_114 step %scan3A_115  : i32 {
      %mul3A_720 = arith.constant 16 : i32
      %mul3A_721 = arith.muli %scan3A_719, %mul3A_720 : i32
      %add3A_722 = vector.broadcast %mul3A_721 : i32 to vector<16xi32>
      %add3A_723 = arith.addi %iota3A, %add3A_722 : vector<16xi32>
      %gather3A_724 = tpu.vector_load_idx %arg21[%add3A_723, %broadcast_in_dim3A_58] : memref<80x16xf32, #tpu.memory_space<vmem>>[vector<16xi32>, vector<16xi32>], vector<16xf32>,
      %gather3A_725 = tpu.vector_load_idx %arg22[%add3A_723, %broadcast_in_dim3A_58] : memref<80x16xf32, #tpu.memory_space<vmem>>[vector<16xi32>, vector<16xi32>], vector<16xf32>,
      %add3A_726 = arith.addf %gather3A_724, %gather3A_725 : vector<16xf32>
      %max3A = arith.constant 1.000000e+00 : f32
      %max3A_727 = vector.broadcast %max3A : f32 to vector<16xf32>
      %max3A_728 = arith.maximumf %add3A_726, %max3A_727 : vector<16xf32>
      %div3A = arith.constant 1.000000e+00 : f32
      %div3A_729 = vector.broadcast %div3A : f32 to vector<16xf32>
      %div3A_730 = arith.divf %div3A_729, %max3A_728 : vector<16xf32>
      %mul3A_731 = arith.constant 16 : i32
      %mul3A_732 = arith.muli %scan3A_719, %mul3A_731 : i32
      %add3A_733 = arith.constant 320 : i32
      %add3A_734 = arith.addi %add3A_733, %mul3A_732 : i32
      %swap3A_735 = arith.index_cast %add3A_734 : i32 to index
      %swap3A_736 = tpu.vector_load %arg20[%swap3A_735] {strides = array<i32>} : memref<640xf32, #tpu.memory_space<vmem>>, vector<16xf32>,
      tpu.vector_store %arg20[%swap3A_735], %div3A_730 {strides = array<i32>} : memref<640xf32, #tpu.memory_space<vmem>>, vector<16xf32>,
    }
    %scan3A_116 = arith.constant 5 : i32
    %add3A_117 = arith.constant 400 : i32
    %add3A_118 = arith.addi %mul3A_2, %add3A_117 : i32
    %run_scoped3A_119 = arith.constant 0 : i32
    "tpu.region"() ({
      %run_scoped3A_719 = tpu.sem_alloc : memref<!tpu.dma_semaphore, #tpu.memory_space<semaphore_mem>>
      %dma_start3A_720 = arith.constant 0 : i32
      %dma_start3A_721 = tpu.memref_slice %arg5[%run_scoped3A_119, %add3A_118, %dma_start3A_720] : memref<2x10240x16xf32, #tpu.memory_space<hbm>> -> memref<1x80x16xf32, #tpu.memory_space<hbm>>
      %dma_start3A_722 = tpu.memref_squeeze %dma_start3A_721 : memref<1x80x16xf32, #tpu.memory_space<hbm>> -> memref<80x16xf32, #tpu.memory_space<hbm>>
      %dma_start3A_723 = arith.constant 0 : i32
      %dma_start3A_724 = tpu.memref_slice %arg5[%run_scoped3A_119, %add3A_118, %dma_start3A_723] : memref<2x10240x16xf32, #tpu.memory_space<hbm>> -> memref<1x80x16xf32, #tpu.memory_space<hbm>>
      %dma_start3A_725 = tpu.memref_squeeze %dma_start3A_724 : memref<1x80x16xf32, #tpu.memory_space<hbm>> -> memref<80x16xf32, #tpu.memory_space<hbm>>
      tpu.enqueue_dma source(%dma_start3A_725 : memref<80x16xf32, #tpu.memory_space<hbm>>) target(%arg21 : memref<80x16xf32, #tpu.memory_space<vmem>>) target_semaphore(%run_scoped3A_719 : memref<!tpu.dma_semaphore, #tpu.memory_space<semaphore_mem>>)
      %dma_wait3A_726 = arith.constant 0 : i32
      %dma_wait3A_727 = tpu.memref_slice %arg5[%run_scoped3A_119, %add3A_118, %dma_wait3A_726] : memref<2x10240x16xf32, #tpu.memory_space<hbm>> -> memref<1x80x16xf32, #tpu.memory_space<hbm>>
      %dma_wait3A_728 = tpu.memref_squeeze %dma_wait3A_727 : memref<1x80x16xf32, #tpu.memory_space<hbm>> -> memref<80x16xf32, #tpu.memory_space<hbm>>
      %dma_wait3A_729 = arith.constant 0 : i32
      %dma_wait3A_730 = tpu.memref_slice %arg5[%run_scoped3A_119, %add3A_118, %dma_wait3A_729] : memref<2x10240x16xf32, #tpu.memory_space<hbm>> -> memref<1x80x16xf32, #tpu.memory_space<hbm>>
      %dma_wait3A_731 = tpu.memref_squeeze %dma_wait3A_730 : memref<1x80x16xf32, #tpu.memory_space<hbm>> -> memref<80x16xf32, #tpu.memory_space<hbm>>
      tpu.wait_dma2 semaphore(%run_scoped3A_719 : memref<!tpu.dma_semaphore, #tpu.memory_space<semaphore_mem>>) src(%dma_wait3A_731 : memref<80x16xf32, #tpu.memory_space<hbm>>) dst(%arg21 : memref<80x16xf32, #tpu.memory_space<vmem>>)
      tpu.yield
    }) : () -> ()
    %add3A_120 = arith.constant 400 : i32
    %add3A_121 = arith.addi %mul3A_2, %add3A_120 : i32
    %run_scoped3A_122 = arith.constant 1 : i32
    "tpu.region"() ({
      %run_scoped3A_719 = tpu.sem_alloc : memref<!tpu.dma_semaphore, #tpu.memory_space<semaphore_mem>>
      %dma_start3A_720 = arith.constant 0 : i32
      %dma_start3A_721 = tpu.memref_slice %arg5[%run_scoped3A_122, %add3A_121, %dma_start3A_720] : memref<2x10240x16xf32, #tpu.memory_space<hbm>> -> memref<1x80x16xf32, #tpu.memory_space<hbm>>
      %dma_start3A_722 = tpu.memref_squeeze %dma_start3A_721 : memref<1x80x16xf32, #tpu.memory_space<hbm>> -> memref<80x16xf32, #tpu.memory_space<hbm>>
      %dma_start3A_723 = arith.constant 0 : i32
      %dma_start3A_724 = tpu.memref_slice %arg5[%run_scoped3A_122, %add3A_121, %dma_start3A_723] : memref<2x10240x16xf32, #tpu.memory_space<hbm>> -> memref<1x80x16xf32, #tpu.memory_space<hbm>>
      %dma_start3A_725 = tpu.memref_squeeze %dma_start3A_724 : memref<1x80x16xf32, #tpu.memory_space<hbm>> -> memref<80x16xf32, #tpu.memory_space<hbm>>
      tpu.enqueue_dma source(%dma_start3A_725 : memref<80x16xf32, #tpu.memory_space<hbm>>) target(%arg22 : memref<80x16xf32, #tpu.memory_space<vmem>>) target_semaphore(%run_scoped3A_719 : memref<!tpu.dma_semaphore, #tpu.memory_space<semaphore_mem>>)
      %dma_wait3A_726 = arith.constant 0 : i32
      %dma_wait3A_727 = tpu.memref_slice %arg5[%run_scoped3A_122, %add3A_121, %dma_wait3A_726] : memref<2x10240x16xf32, #tpu.memory_space<hbm>> -> memref<1x80x16xf32, #tpu.memory_space<hbm>>
      %dma_wait3A_728 = tpu.memref_squeeze %dma_wait3A_727 : memref<1x80x16xf32, #tpu.memory_space<hbm>> -> memref<80x16xf32, #tpu.memory_space<hbm>>
      %dma_wait3A_729 = arith.constant 0 : i32
      %dma_wait3A_730 = tpu.memref_slice %arg5[%run_scoped3A_122, %add3A_121, %dma_wait3A_729] : memref<2x10240x16xf32, #tpu.memory_space<hbm>> -> memref<1x80x16xf32, #tpu.memory_space<hbm>>
      %dma_wait3A_731 = tpu.memref_squeeze %dma_wait3A_730 : memref<1x80x16xf32, #tpu.memory_space<hbm>> -> memref<80x16xf32, #tpu.memory_space<hbm>>
      tpu.wait_dma2 semaphore(%run_scoped3A_719 : memref<!tpu.dma_semaphore, #tpu.memory_space<semaphore_mem>>) src(%dma_wait3A_731 : memref<80x16xf32, #tpu.memory_space<hbm>>) dst(%arg22 : memref<80x16xf32, #tpu.memory_space<vmem>>)
      tpu.yield
    }) : () -> ()
    %scan3A_123 = arith.constant 0 : i32
    %scan3A_124 = arith.constant 0 : i32
    %scan3A_125 = arith.constant 5 : i32
    %scan3A_126 = arith.addi %scan3A_124, %scan3A_125 : i32
    %scan3A_127 = arith.constant 1 : i32
    scf.for %scan3A_719 = %scan3A_124 to %scan3A_126 step %scan3A_127  : i32 {
      %mul3A_720 = arith.constant 16 : i32
      %mul3A_721 = arith.muli %scan3A_719, %mul3A_720 : i32
      %add3A_722 = vector.broadcast %mul3A_721 : i32 to vector<16xi32>
      %add3A_723 = arith.addi %iota3A, %add3A_722 : vector<16xi32>
      %gather3A_724 = tpu.vector_load_idx %arg21[%add3A_723, %broadcast_in_dim3A_58] : memref<80x16xf32, #tpu.memory_space<vmem>>[vector<16xi32>, vector<16xi32>], vector<16xf32>,
      %gather3A_725 = tpu.vector_load_idx %arg22[%add3A_723, %broadcast_in_dim3A_58] : memref<80x16xf32, #tpu.memory_space<vmem>>[vector<16xi32>, vector<16xi32>], vector<16xf32>,
      %add3A_726 = arith.addf %gather3A_724, %gather3A_725 : vector<16xf32>
      %max3A = arith.constant 1.000000e+00 : f32
      %max3A_727 = vector.broadcast %max3A : f32 to vector<16xf32>
      %max3A_728 = arith.maximumf %add3A_726, %max3A_727 : vector<16xf32>
      %div3A = arith.constant 1.000000e+00 : f32
      %div3A_729 = vector.broadcast %div3A : f32 to vector<16xf32>
      %div3A_730 = arith.divf %div3A_729, %max3A_728 : vector<16xf32>
      %mul3A_731 = arith.constant 16 : i32
      %mul3A_732 = arith.muli %scan3A_719, %mul3A_731 : i32
      %add3A_733 = arith.constant 400 : i32
      %add3A_734 = arith.addi %add3A_733, %mul3A_732 : i32
      %swap3A_735 = arith.index_cast %add3A_734 : i32 to index
      %swap3A_736 = tpu.vector_load %arg20[%swap3A_735] {strides = array<i32>} : memref<640xf32, #tpu.memory_space<vmem>>, vector<16xf32>,
      tpu.vector_store %arg20[%swap3A_735], %div3A_730 {strides = array<i32>} : memref<640xf32, #tpu.memory_space<vmem>>, vector<16xf32>,
    }
    %scan3A_128 = arith.constant 5 : i32
    %add3A_129 = arith.constant 480 : i32
    %add3A_130 = arith.addi %mul3A_2, %add3A_129 : i32
    %run_scoped3A_131 = arith.constant 0 : i32
    "tpu.region"() ({
      %run_scoped3A_719 = tpu.sem_alloc : memref<!tpu.dma_semaphore, #tpu.memory_space<semaphore_mem>>
      %dma_start3A_720 = arith.constant 0 : i32
      %dma_start3A_721 = tpu.memref_slice %arg5[%run_scoped3A_131, %add3A_130, %dma_start3A_720] : memref<2x10240x16xf32, #tpu.memory_space<hbm>> -> memref<1x80x16xf32, #tpu.memory_space<hbm>>
      %dma_start3A_722 = tpu.memref_squeeze %dma_start3A_721 : memref<1x80x16xf32, #tpu.memory_space<hbm>> -> memref<80x16xf32, #tpu.memory_space<hbm>>
      %dma_start3A_723 = arith.constant 0 : i32
      %dma_start3A_724 = tpu.memref_slice %arg5[%run_scoped3A_131, %add3A_130, %dma_start3A_723] : memref<2x10240x16xf32, #tpu.memory_space<hbm>> -> memref<1x80x16xf32, #tpu.memory_space<hbm>>
      %dma_start3A_725 = tpu.memref_squeeze %dma_start3A_724 : memref<1x80x16xf32, #tpu.memory_space<hbm>> -> memref<80x16xf32, #tpu.memory_space<hbm>>
      tpu.enqueue_dma source(%dma_start3A_725 : memref<80x16xf32, #tpu.memory_space<hbm>>) target(%arg21 : memref<80x16xf32, #tpu.memory_space<vmem>>) target_semaphore(%run_scoped3A_719 : memref<!tpu.dma_semaphore, #tpu.memory_space<semaphore_mem>>)
      %dma_wait3A_726 = arith.constant 0 : i32
      %dma_wait3A_727 = tpu.memref_slice %arg5[%run_scoped3A_131, %add3A_130, %dma_wait3A_726] : memref<2x10240x16xf32, #tpu.memory_space<hbm>> -> memref<1x80x16xf32, #tpu.memory_space<hbm>>
      %dma_wait3A_728 = tpu.memref_squeeze %dma_wait3A_727 : memref<1x80x16xf32, #tpu.memory_space<hbm>> -> memref<80x16xf32, #tpu.memory_space<hbm>>
      %dma_wait3A_729 = arith.constant 0 : i32
      %dma_wait3A_730 = tpu.memref_slice %arg5[%run_scoped3A_131, %add3A_130, %dma_wait3A_729] : memref<2x10240x16xf32, #tpu.memory_space<hbm>> -> memref<1x80x16xf32, #tpu.memory_space<hbm>>
      %dma_wait3A_731 = tpu.memref_squeeze %dma_wait3A_730 : memref<1x80x16xf32, #tpu.memory_space<hbm>> -> memref<80x16xf32, #tpu.memory_space<hbm>>
      tpu.wait_dma2 semaphore(%run_scoped3A_719 : memref<!tpu.dma_semaphore, #tpu.memory_space<semaphore_mem>>) src(%dma_wait3A_731 : memref<80x16xf32, #tpu.memory_space<hbm>>) dst(%arg21 : memref<80x16xf32, #tpu.memory_space<vmem>>)
      tpu.yield
    }) : () -> ()
    %add3A_132 = arith.constant 480 : i32
    %add3A_133 = arith.addi %mul3A_2, %add3A_132 : i32
    %run_scoped3A_134 = arith.constant 1 : i32
    "tpu.region"() ({
      %run_scoped3A_719 = tpu.sem_alloc : memref<!tpu.dma_semaphore, #tpu.memory_space<semaphore_mem>>
      %dma_start3A_720 = arith.constant 0 : i32
      %dma_start3A_721 = tpu.memref_slice %arg5[%run_scoped3A_134, %add3A_133, %dma_start3A_720] : memref<2x10240x16xf32, #tpu.memory_space<hbm>> -> memref<1x80x16xf32, #tpu.memory_space<hbm>>
      %dma_start3A_722 = tpu.memref_squeeze %dma_start3A_721 : memref<1x80x16xf32, #tpu.memory_space<hbm>> -> memref<80x16xf32, #tpu.memory_space<hbm>>
      %dma_start3A_723 = arith.constant 0 : i32
      %dma_start3A_724 = tpu.memref_slice %arg5[%run_scoped3A_134, %add3A_133, %dma_start3A_723] : memref<2x10240x16xf32, #tpu.memory_space<hbm>> -> memref<1x80x16xf32, #tpu.memory_space<hbm>>
      %dma_start3A_725 = tpu.memref_squeeze %dma_start3A_724 : memref<1x80x16xf32, #tpu.memory_space<hbm>> -> memref<80x16xf32, #tpu.memory_space<hbm>>
      tpu.enqueue_dma source(%dma_start3A_725 : memref<80x16xf32, #tpu.memory_space<hbm>>) target(%arg22 : memref<80x16xf32, #tpu.memory_space<vmem>>) target_semaphore(%run_scoped3A_719 : memref<!tpu.dma_semaphore, #tpu.memory_space<semaphore_mem>>)
      %dma_wait3A_726 = arith.constant 0 : i32
      %dma_wait3A_727 = tpu.memref_slice %arg5[%run_scoped3A_134, %add3A_133, %dma_wait3A_726] : memref<2x10240x16xf32, #tpu.memory_space<hbm>> -> memref<1x80x16xf32, #tpu.memory_space<hbm>>
      %dma_wait3A_728 = tpu.memref_squeeze %dma_wait3A_727 : memref<1x80x16xf32, #tpu.memory_space<hbm>> -> memref<80x16xf32, #tpu.memory_space<hbm>>
      %dma_wait3A_729 = arith.constant 0 : i32
      %dma_wait3A_730 = tpu.memref_slice %arg5[%run_scoped3A_134, %add3A_133, %dma_wait3A_729] : memref<2x10240x16xf32, #tpu.memory_space<hbm>> -> memref<1x80x16xf32, #tpu.memory_space<hbm>>
      %dma_wait3A_731 = tpu.memref_squeeze %dma_wait3A_730 : memref<1x80x16xf32, #tpu.memory_space<hbm>> -> memref<80x16xf32, #tpu.memory_space<hbm>>
      tpu.wait_dma2 semaphore(%run_scoped3A_719 : memref<!tpu.dma_semaphore, #tpu.memory_space<semaphore_mem>>) src(%dma_wait3A_731 : memref<80x16xf32, #tpu.memory_space<hbm>>) dst(%arg22 : memref<80x16xf32, #tpu.memory_space<vmem>>)
      tpu.yield
    }) : () -> ()
    %scan3A_135 = arith.constant 0 : i32
    %scan3A_136 = arith.constant 0 : i32
    %scan3A_137 = arith.constant 5 : i32
    %scan3A_138 = arith.addi %scan3A_136, %scan3A_137 : i32
    %scan3A_139 = arith.constant 1 : i32
    scf.for %scan3A_719 = %scan3A_136 to %scan3A_138 step %scan3A_139  : i32 {
      %mul3A_720 = arith.constant 16 : i32
      %mul3A_721 = arith.muli %scan3A_719, %mul3A_720 : i32
      %add3A_722 = vector.broadcast %mul3A_721 : i32 to vector<16xi32>
      %add3A_723 = arith.addi %iota3A, %add3A_722 : vector<16xi32>
      %gather3A_724 = tpu.vector_load_idx %arg21[%add3A_723, %broadcast_in_dim3A_58] : memref<80x16xf32, #tpu.memory_space<vmem>>[vector<16xi32>, vector<16xi32>], vector<16xf32>,
      %gather3A_725 = tpu.vector_load_idx %arg22[%add3A_723, %broadcast_in_dim3A_58] : memref<80x16xf32, #tpu.memory_space<vmem>>[vector<16xi32>, vector<16xi32>], vector<16xf32>,
      %add3A_726 = arith.addf %gather3A_724, %gather3A_725 : vector<16xf32>
      %max3A = arith.constant 1.000000e+00 : f32
      %max3A_727 = vector.broadcast %max3A : f32 to vector<16xf32>
      %max3A_728 = arith.maximumf %add3A_726, %max3A_727 : vector<16xf32>
      %div3A = arith.constant 1.000000e+00 : f32
      %div3A_729 = vector.broadcast %div3A : f32 to vector<16xf32>
      %div3A_730 = arith.divf %div3A_729, %max3A_728 : vector<16xf32>
      %mul3A_731 = arith.constant 16 : i32
      %mul3A_732 = arith.muli %scan3A_719, %mul3A_731 : i32
      %add3A_733 = arith.constant 480 : i32
      %add3A_734 = arith.addi %add3A_733, %mul3A_732 : i32
      %swap3A_735 = arith.index_cast %add3A_734 : i32 to index
      %swap3A_736 = tpu.vector_load %arg20[%swap3A_735] {strides = array<i32>} : memref<640xf32, #tpu.memory_space<vmem>>, vector<16xf32>,
      tpu.vector_store %arg20[%swap3A_735], %div3A_730 {strides = array<i32>} : memref<640xf32, #tpu.memory_space<vmem>>, vector<16xf32>,
    }
    %scan3A_140 = arith.constant 5 : i32
    %add3A_141 = arith.constant 560 : i32
    %add3A_142 = arith.addi %mul3A_2, %add3A_141 : i32
    %run_scoped3A_143 = arith.constant 0 : i32
    "tpu.region"() ({
      %run_scoped3A_719 = tpu.sem_alloc : memref<!tpu.dma_semaphore, #tpu.memory_space<semaphore_mem>>
      %dma_start3A_720 = arith.constant 0 : i32
      %dma_start3A_721 = tpu.memref_slice %arg5[%run_scoped3A_143, %add3A_142, %dma_start3A_720] : memref<2x10240x16xf32, #tpu.memory_space<hbm>> -> memref<1x80x16xf32, #tpu.memory_space<hbm>>
      %dma_start3A_722 = tpu.memref_squeeze %dma_start3A_721 : memref<1x80x16xf32, #tpu.memory_space<hbm>> -> memref<80x16xf32, #tpu.memory_space<hbm>>
      %dma_start3A_723 = arith.constant 0 : i32
      %dma_start3A_724 = tpu.memref_slice %arg5[%run_scoped3A_143, %add3A_142, %dma_start3A_723] : memref<2x10240x16xf32, #tpu.memory_space<hbm>> -> memref<1x80x16xf32, #tpu.memory_space<hbm>>
      %dma_start3A_725 = tpu.memref_squeeze %dma_start3A_724 : memref<1x80x16xf32, #tpu.memory_space<hbm>> -> memref<80x16xf32, #tpu.memory_space<hbm>>
      tpu.enqueue_dma source(%dma_start3A_725 : memref<80x16xf32, #tpu.memory_space<hbm>>) target(%arg21 : memref<80x16xf32, #tpu.memory_space<vmem>>) target_semaphore(%run_scoped3A_719 : memref<!tpu.dma_semaphore, #tpu.memory_space<semaphore_mem>>)
      %dma_wait3A_726 = arith.constant 0 : i32
      %dma_wait3A_727 = tpu.memref_slice %arg5[%run_scoped3A_143, %add3A_142, %dma_wait3A_726] : memref<2x10240x16xf32, #tpu.memory_space<hbm>> -> memref<1x80x16xf32, #tpu.memory_space<hbm>>
      %dma_wait3A_728 = tpu.memref_squeeze %dma_wait3A_727 : memref<1x80x16xf32, #tpu.memory_space<hbm>> -> memref<80x16xf32, #tpu.memory_space<hbm>>
      %dma_wait3A_729 = arith.constant 0 : i32
      %dma_wait3A_730 = tpu.memref_slice %arg5[%run_scoped3A_143, %add3A_142, %dma_wait3A_729] : memref<2x10240x16xf32, #tpu.memory_space<hbm>> -> memref<1x80x16xf32, #tpu.memory_space<hbm>>
      %dma_wait3A_731 = tpu.memref_squeeze %dma_wait3A_730 : memref<1x80x16xf32, #tpu.memory_space<hbm>> -> memref<80x16xf32, #tpu.memory_space<hbm>>
      tpu.wait_dma2 semaphore(%run_scoped3A_719 : memref<!tpu.dma_semaphore, #tpu.memory_space<semaphore_mem>>) src(%dma_wait3A_731 : memref<80x16xf32, #tpu.memory_space<hbm>>) dst(%arg21 : memref<80x16xf32, #tpu.memory_space<vmem>>)
      tpu.yield
    }) : () -> ()
    %add3A_144 = arith.constant 560 : i32
    %add3A_145 = arith.addi %mul3A_2, %add3A_144 : i32
    %run_scoped3A_146 = arith.constant 1 : i32
    "tpu.region"() ({
      %run_scoped3A_719 = tpu.sem_alloc : memref<!tpu.dma_semaphore, #tpu.memory_space<semaphore_mem>>
      %dma_start3A_720 = arith.constant 0 : i32
      %dma_start3A_721 = tpu.memref_slice %arg5[%run_scoped3A_146, %add3A_145, %dma_start3A_720] : memref<2x10240x16xf32, #tpu.memory_space<hbm>> -> memref<1x80x16xf32, #tpu.memory_space<hbm>>
      %dma_start3A_722 = tpu.memref_squeeze %dma_start3A_721 : memref<1x80x16xf32, #tpu.memory_space<hbm>> -> memref<80x16xf32, #tpu.memory_space<hbm>>
      %dma_start3A_723 = arith.constant 0 : i32
      %dma_start3A_724 = tpu.memref_slice %arg5[%run_scoped3A_146, %add3A_145, %dma_start3A_723] : memref<2x10240x16xf32, #tpu.memory_space<hbm>> -> memref<1x80x16xf32, #tpu.memory_space<hbm>>
      %dma_start3A_725 = tpu.memref_squeeze %dma_start3A_724 : memref<1x80x16xf32, #tpu.memory_space<hbm>> -> memref<80x16xf32, #tpu.memory_space<hbm>>
      tpu.enqueue_dma source(%dma_start3A_725 : memref<80x16xf32, #tpu.memory_space<hbm>>) target(%arg22 : memref<80x16xf32, #tpu.memory_space<vmem>>) target_semaphore(%run_scoped3A_719 : memref<!tpu.dma_semaphore, #tpu.memory_space<semaphore_mem>>)
      %dma_wait3A_726 = arith.constant 0 : i32
      %dma_wait3A_727 = tpu.memref_slice %arg5[%run_scoped3A_146, %add3A_145, %dma_wait3A_726] : memref<2x10240x16xf32, #tpu.memory_space<hbm>> -> memref<1x80x16xf32, #tpu.memory_space<hbm>>
      %dma_wait3A_728 = tpu.memref_squeeze %dma_wait3A_727 : memref<1x80x16xf32, #tpu.memory_space<hbm>> -> memref<80x16xf32, #tpu.memory_space<hbm>>
      %dma_wait3A_729 = arith.constant 0 : i32
      %dma_wait3A_730 = tpu.memref_slice %arg5[%run_scoped3A_146, %add3A_145, %dma_wait3A_729] : memref<2x10240x16xf32, #tpu.memory_space<hbm>> -> memref<1x80x16xf32, #tpu.memory_space<hbm>>
      %dma_wait3A_731 = tpu.memref_squeeze %dma_wait3A_730 : memref<1x80x16xf32, #tpu.memory_space<hbm>> -> memref<80x16xf32, #tpu.memory_space<hbm>>
      tpu.wait_dma2 semaphore(%run_scoped3A_719 : memref<!tpu.dma_semaphore, #tpu.memory_space<semaphore_mem>>) src(%dma_wait3A_731 : memref<80x16xf32, #tpu.memory_space<hbm>>) dst(%arg22 : memref<80x16xf32, #tpu.memory_space<vmem>>)
      tpu.yield
    }) : () -> ()
    %scan3A_147 = arith.constant 0 : i32
    %scan3A_148 = arith.constant 0 : i32
    %scan3A_149 = arith.constant 5 : i32
    %scan3A_150 = arith.addi %scan3A_148, %scan3A_149 : i32
    %scan3A_151 = arith.constant 1 : i32
    scf.for %scan3A_719 = %scan3A_148 to %scan3A_150 step %scan3A_151  : i32 {
      %mul3A_720 = arith.constant 16 : i32
      %mul3A_721 = arith.muli %scan3A_719, %mul3A_720 : i32
      %add3A_722 = vector.broadcast %mul3A_721 : i32 to vector<16xi32>
      %add3A_723 = arith.addi %iota3A, %add3A_722 : vector<16xi32>
      %gather3A_724 = tpu.vector_load_idx %arg21[%add3A_723, %broadcast_in_dim3A_58] : memref<80x16xf32, #tpu.memory_space<vmem>>[vector<16xi32>, vector<16xi32>], vector<16xf32>,
      %gather3A_725 = tpu.vector_load_idx %arg22[%add3A_723, %broadcast_in_dim3A_58] : memref<80x16xf32, #tpu.memory_space<vmem>>[vector<16xi32>, vector<16xi32>], vector<16xf32>,
      %add3A_726 = arith.addf %gather3A_724, %gather3A_725 : vector<16xf32>
      %max3A = arith.constant 1.000000e+00 : f32
      %max3A_727 = vector.broadcast %max3A : f32 to vector<16xf32>
      %max3A_728 = arith.maximumf %add3A_726, %max3A_727 : vector<16xf32>
      %div3A = arith.constant 1.000000e+00 : f32
      %div3A_729 = vector.broadcast %div3A : f32 to vector<16xf32>
      %div3A_730 = arith.divf %div3A_729, %max3A_728 : vector<16xf32>
      %mul3A_731 = arith.constant 16 : i32
      %mul3A_732 = arith.muli %scan3A_719, %mul3A_731 : i32
      %add3A_733 = arith.constant 560 : i32
      %add3A_734 = arith.addi %add3A_733, %mul3A_732 : i32
      %swap3A_735 = arith.index_cast %add3A_734 : i32 to index
      %swap3A_736 = tpu.vector_load %arg20[%swap3A_735] {strides = array<i32>} : memref<640xf32, #tpu.memory_space<vmem>>, vector<16xf32>,
      tpu.vector_store %arg20[%swap3A_735], %div3A_730 {strides = array<i32>} : memref<640xf32, #tpu.memory_space<vmem>>, vector<16xf32>,
    }
    %scan3A_152 = arith.constant 5 : i32
    "tpu.region"() ({
      %run_scoped3A_719 = tpu.sem_alloc : memref<!tpu.dma_semaphore, #tpu.memory_space<semaphore_mem>>
      %dma_start3A_720 = tpu.memref_slice %arg11[%mul3A_2] : memref<10240xf32, #tpu.memory_space<vmem_shared>> -> memref<640xf32, #tpu.memory_space<vmem_shared>>
      %dma_start3A_721 = tpu.memref_slice %arg11[%mul3A_2] : memref<10240xf32, #tpu.memory_space<vmem_shared>> -> memref<640xf32, #tpu.memory_space<vmem_shared>>
      tpu.enqueue_dma source(%arg20 : memref<640xf32, #tpu.memory_space<vmem>>) target(%dma_start3A_721 : memref<640xf32, #tpu.memory_space<vmem_shared>>) target_semaphore(%run_scoped3A_719 : memref<!tpu.dma_semaphore, #tpu.memory_space<semaphore_mem>>)
      %dma_wait3A_722 = tpu.memref_slice %arg11[%mul3A_2] : memref<10240xf32, #tpu.memory_space<vmem_shared>> -> memref<640xf32, #tpu.memory_space<vmem_shared>>
      %dma_wait3A_723 = tpu.memref_slice %arg11[%mul3A_2] : memref<10240xf32, #tpu.memory_space<vmem_shared>> -> memref<640xf32, #tpu.memory_space<vmem_shared>>
      tpu.wait_dma2 semaphore(%run_scoped3A_719 : memref<!tpu.dma_semaphore, #tpu.memory_space<semaphore_mem>>) src(%arg20 : memref<640xf32, #tpu.memory_space<vmem>>) dst(%dma_wait3A_723 : memref<640xf32, #tpu.memory_space<vmem_shared>>)
      tpu.yield
    }) : () -> ()
    "tpu.region"() ({
      %run_scoped3A_719 = tpu.sem_alloc : memref<!tpu.dma_semaphore, #tpu.memory_space<semaphore_mem>>
      %dma_start3A_720 = arith.constant 0 : i32
      %dma_start3A_721 = tpu.memref_slice %arg9[%mul3A_2, %dma_start3A_720] : memref<10240x128xf32, #tpu.memory_space<vmem_shared>> -> memref<640x128xf32, #tpu.memory_space<vmem_shared>>
      tpu.enqueue_dma source(%arg6 : memref<640x128xf32, #tpu.memory_space<hbm>>) target(%dma_start3A_721 : memref<640x128xf32, #tpu.memory_space<vmem_shared>>) target_semaphore(%run_scoped3A_719 : memref<!tpu.dma_semaphore, #tpu.memory_space<semaphore_mem>>)
      %dma_wait3A_722 = arith.constant 0 : i32
      %dma_wait3A_723 = tpu.memref_slice %arg9[%mul3A_2, %dma_wait3A_722] : memref<10240x128xf32, #tpu.memory_space<vmem_shared>> -> memref<640x128xf32, #tpu.memory_space<vmem_shared>>
      tpu.wait_dma2 semaphore(%run_scoped3A_719 : memref<!tpu.dma_semaphore, #tpu.memory_space<semaphore_mem>>) src(%arg6 : memref<640x128xf32, #tpu.memory_space<hbm>>) dst(%dma_wait3A_723 : memref<640x128xf32, #tpu.memory_space<vmem_shared>>)
      tpu.yield
    }) : () -> ()
    %scan3A_153 = arith.constant 0 : i32
    %scan3A_154 = arith.constant 0 : i32
    %scan3A_155 = arith.constant 40 : i32
    %scan3A_156 = arith.addi %scan3A_154, %scan3A_155 : i32
    %scan3A_157 = arith.constant 1 : i32
    scf.for %scan3A_719 = %scan3A_154 to %scan3A_156 step %scan3A_157  : i32 {
      %broadcast_in_dim3A_720 = arith.constant 0.000000e+00 : f32
      %broadcast_in_dim3A_721 = vector.broadcast %broadcast_in_dim3A_720 : f32 to vector<16xf32>
      %mul3A_722 = arith.constant 16 : i32
      %mul3A_723 = arith.muli %scan3A_719, %mul3A_722 : i32
      %swap3A_724 = arith.index_cast %mul3A_723 : i32 to index
      %swap3A_725 = tpu.vector_load %arg20[%swap3A_724] {strides = array<i32>} : memref<640xf32, #tpu.memory_space<vmem>>, vector<16xf32>,
      tpu.vector_store %arg20[%swap3A_724], %broadcast_in_dim3A_721 {strides = array<i32>} : memref<640xf32, #tpu.memory_space<vmem>>, vector<16xf32>,
    }
    %scan3A_158 = arith.constant 40 : i32
    "tpu.region"() ({
      %run_scoped3A_719 = tpu.sem_alloc : memref<!tpu.dma_semaphore, #tpu.memory_space<semaphore_mem>>
      %dma_start3A_720 = tpu.memref_slice %arg10[%mul3A_2] : memref<10240xf32, #tpu.memory_space<vmem_shared>> -> memref<640xf32, #tpu.memory_space<vmem_shared>>
      %dma_start3A_721 = tpu.memref_slice %arg10[%mul3A_2] : memref<10240xf32, #tpu.memory_space<vmem_shared>> -> memref<640xf32, #tpu.memory_space<vmem_shared>>
      tpu.enqueue_dma source(%arg20 : memref<640xf32, #tpu.memory_space<vmem>>) target(%dma_start3A_721 : memref<640xf32, #tpu.memory_space<vmem_shared>>) target_semaphore(%run_scoped3A_719 : memref<!tpu.dma_semaphore, #tpu.memory_space<semaphore_mem>>)
      %dma_wait3A_722 = tpu.memref_slice %arg10[%mul3A_2] : memref<10240xf32, #tpu.memory_space<vmem_shared>> -> memref<640xf32, #tpu.memory_space<vmem_shared>>
      %dma_wait3A_723 = tpu.memref_slice %arg10[%mul3A_2] : memref<10240xf32, #tpu.memory_space<vmem_shared>> -> memref<640xf32, #tpu.memory_space<vmem_shared>>
      tpu.wait_dma2 semaphore(%run_scoped3A_719 : memref<!tpu.dma_semaphore, #tpu.memory_space<semaphore_mem>>) src(%arg20 : memref<640xf32, #tpu.memory_space<vmem>>) dst(%dma_wait3A_723 : memref<640xf32, #tpu.memory_space<vmem_shared>>)
      tpu.yield
    }) : () -> ()
    %barrier3A = arith.constant 0 : index
    tpu.barrier barrier_id(%barrier3A)
    "tpu.region"() ({
      %run_scoped3A_719 = tpu.sem_alloc : memref<!tpu.dma_semaphore, #tpu.memory_space<semaphore_mem>>
      tpu.enqueue_dma source(%arg11 : memref<10240xf32, #tpu.memory_space<vmem_shared>>) target(%arg23 : memref<10240xf32, #tpu.memory_space<vmem>>) target_semaphore(%run_scoped3A_719 : memref<!tpu.dma_semaphore, #tpu.memory_space<semaphore_mem>>)
      tpu.wait_dma2 semaphore(%run_scoped3A_719 : memref<!tpu.dma_semaphore, #tpu.memory_space<semaphore_mem>>) src(%arg11 : memref<10240xf32, #tpu.memory_space<vmem_shared>>) dst(%arg23 : memref<10240xf32, #tpu.memory_space<vmem>>)
      tpu.yield
    }) : () -> ()
    %scan3A_159 = arith.constant 0 : i32
    %scan3A_160 = arith.constant 0 : i32
    %scan3A_161 = arith.constant 20 : i32
    %scan3A_162 = arith.addi %scan3A_160, %scan3A_161 : i32
    %scan3A_163 = arith.constant 1 : i32
    scf.for %scan3A_719 = %scan3A_160 to %scan3A_162 step %scan3A_163  : i32 {
      %mul3A_720 = arith.constant 6 : i32
      %mul3A_721 = arith.muli %mul3A_720, %scan3A_719 : i32
      %dma_wait3A_722 = arith.constant 0 : i32
      %dma_wait3A_723 = arith.constant 0 : i32
      %dma_wait3A_724 = arith.constant 0 : i32
      %dma_wait3A_725 = arith.constant 0 : i32
      %dma_wait3A_726 = tpu.memref_slice %arg18[%dma_wait3A_723, %dma_wait3A_724, %dma_wait3A_725] : memref<3x80x128xf32, #tpu.memory_space<vmem>> -> memref<1x80x128xf32, #tpu.memory_space<vmem>>
      %dma_wait3A_727 = tpu.memref_squeeze %dma_wait3A_726 : memref<1x80x128xf32, #tpu.memory_space<vmem>> -> memref<80x128xf32, #tpu.memory_space<vmem>>
      %dma_wait3A_728 = arith.constant 0 : i32
      %dma_wait3A_729 = tpu.memref_slice %arg12[%dma_wait3A_722, %dma_wait3A_728] : memref<2x80xi32, #tpu.memory_space<vmem>> -> memref<1x80xi32, #tpu.memory_space<vmem>>
      %dma_wait3A_730 = tpu.memref_squeeze %dma_wait3A_729 : memref<1x80xi32, #tpu.memory_space<vmem>> -> memref<80xi32, #tpu.memory_space<vmem>>
      %dma_wait3A_731 = arith.constant 0 : i32
      %dma_wait3A_732 = arith.constant 0 : i32
      %dma_wait3A_733 = tpu.memref_slice %arg4[%dma_wait3A_731, %dma_wait3A_732] : memref<10000x128xf32, #tpu.memory_space<hbm>> -> memref<10000x128xf32, #tpu.memory_space<hbm>>
      tpu.wait_indirect_dma semaphore(%arg24 : memref<!tpu.dma_semaphore, #tpu.memory_space<semaphore_mem>>) src(%dma_wait3A_733 : memref<10000x128xf32, #tpu.memory_space<hbm>>) dst(%dma_wait3A_727 : memref<80x128xf32, #tpu.memory_space<vmem>>)
      %dma_start3A_734 = arith.constant 0 : i32
      %dma_start3A_735 = arith.constant 0 : i32
      %dma_start3A_736 = arith.constant 0 : i32
      %dma_start3A_737 = arith.constant 0 : i32
      %dma_start3A_738 = tpu.memref_slice %arg18[%dma_start3A_734, %dma_start3A_736, %dma_start3A_737] : memref<3x80x128xf32, #tpu.memory_space<vmem>> -> memref<1x80x128xf32, #tpu.memory_space<vmem>>
      %dma_start3A_739 = tpu.memref_squeeze %dma_start3A_738 : memref<1x80x128xf32, #tpu.memory_space<vmem>> -> memref<80x128xf32, #tpu.memory_space<vmem>>
      %dma_start3A_740 = arith.constant 0 : i32
      %dma_start3A_741 = tpu.memref_slice %arg13[%dma_start3A_735, %dma_start3A_740] : memref<2x80xi32, #tpu.memory_space<vmem>> -> memref<1x80xi32, #tpu.memory_space<vmem>>
      %dma_start3A_742 = tpu.memref_squeeze %dma_start3A_741 : memref<1x80xi32, #tpu.memory_space<vmem>> -> memref<80xi32, #tpu.memory_space<vmem>>
      %dma_start3A_743 = arith.constant 0 : i32
      %dma_start3A_744 = arith.constant 0 : i32
      %dma_start3A_745 = tpu.memref_slice %arg9[%dma_start3A_743, %dma_start3A_744] : memref<10240x128xf32, #tpu.memory_space<vmem_shared>> -> memref<10240x128xf32, #tpu.memory_space<vmem_shared>>
      tpu.enqueue_indirect_dma source(%dma_start3A_739 : memref<80x128xf32, #tpu.memory_space<vmem>>) target(%dma_start3A_745 : memref<10240x128xf32, #tpu.memory_space<vmem_shared>>) offsets(%dma_start3A_742 : memref<80xi32, #tpu.memory_space<vmem>>) semaphore(%arg27 : memref<!tpu.dma_semaphore, #tpu.memory_space<semaphore_mem>>) {add = true}
      %get3A_746 = arith.constant 0 : i32
      %get3A_747 = arith.index_cast %get3A_746 : i32 to index
      %get3A_748 = arith.constant 0 : index
      %get3A_749 = tpu.vector_load %arg13[%get3A_747, %get3A_748] {strides = array<i32>} : memref<2x80xi32, #tpu.memory_space<vmem>>, vector<16xi32>,
      %gather3A_750 = tpu.vector_load_idx %arg23[%get3A_749] : memref<10240xf32, #tpu.memory_space<vmem>>[vector<16xi32>], vector<16xf32>,
      %swap3A_751 = arith.constant 0 : i32
      %swap3A_752 = arith.index_cast %swap3A_751 : i32 to index
      %swap3A_753 = arith.constant 0 : index
      %swap3A_754 = tpu.vector_load %arg19[%swap3A_752, %swap3A_753] {strides = array<i32>} : memref<3x80xf32, #tpu.memory_space<vmem>>, vector<16xf32>,
      tpu.vector_store %arg19[%swap3A_752, %swap3A_753], %gather3A_750 {strides = array<i32>} : memref<3x80xf32, #tpu.memory_space<vmem>>, vector<16xf32>,
      %get3A_755 = arith.constant 0 : i32
      %get3A_756 = arith.index_cast %get3A_755 : i32 to index
      %get3A_757 = arith.constant 16 : index
      %get3A_758 = tpu.vector_load %arg13[%get3A_756, %get3A_757] {strides = array<i32>} : memref<2x80xi32, #tpu.memory_space<vmem>>, vector<16xi32>,
      %gather3A_759 = tpu.vector_load_idx %arg23[%get3A_758] : memref<10240xf32, #tpu.memory_space<vmem>>[vector<16xi32>], vector<16xf32>,
      %swap3A_760 = arith.constant 0 : i32
      %swap3A_761 = arith.index_cast %swap3A_760 : i32 to index
      %swap3A_762 = arith.constant 16 : index
      %swap3A_763 = tpu.vector_load %arg19[%swap3A_761, %swap3A_762] {strides = array<i32>} : memref<3x80xf32, #tpu.memory_space<vmem>>, vector<16xf32>,
      tpu.vector_store %arg19[%swap3A_761, %swap3A_762], %gather3A_759 {strides = array<i32>} : memref<3x80xf32, #tpu.memory_space<vmem>>, vector<16xf32>,
      %get3A_764 = arith.constant 0 : i32
      %get3A_765 = arith.index_cast %get3A_764 : i32 to index
      %get3A_766 = arith.constant 32 : index
      %get3A_767 = tpu.vector_load %arg13[%get3A_765, %get3A_766] {strides = array<i32>} : memref<2x80xi32, #tpu.memory_space<vmem>>, vector<16xi32>,
      %gather3A_768 = tpu.vector_load_idx %arg23[%get3A_767] : memref<10240xf32, #tpu.memory_space<vmem>>[vector<16xi32>], vector<16xf32>,
      %swap3A_769 = arith.constant 0 : i32
      %swap3A_770 = arith.index_cast %swap3A_769 : i32 to index
      %swap3A_771 = arith.constant 32 : index
      %swap3A_772 = tpu.vector_load %arg19[%swap3A_770, %swap3A_771] {strides = array<i32>} : memref<3x80xf32, #tpu.memory_space<vmem>>, vector<16xf32>,
      tpu.vector_store %arg19[%swap3A_770, %swap3A_771], %gather3A_768 {strides = array<i32>} : memref<3x80xf32, #tpu.memory_space<vmem>>, vector<16xf32>,
      %get3A_773 = arith.constant 0 : i32
      %get3A_774 = arith.index_cast %get3A_773 : i32 to index
      %get3A_775 = arith.constant 48 : index
      %get3A_776 = tpu.vector_load %arg13[%get3A_774, %get3A_775] {strides = array<i32>} : memref<2x80xi32, #tpu.memory_space<vmem>>, vector<16xi32>,
      %gather3A_777 = tpu.vector_load_idx %arg23[%get3A_776] : memref<10240xf32, #tpu.memory_space<vmem>>[vector<16xi32>], vector<16xf32>,
      %swap3A_778 = arith.constant 0 : i32
      %swap3A_779 = arith.index_cast %swap3A_778 : i32 to index
      %swap3A_780 = arith.constant 48 : index
      %swap3A_781 = tpu.vector_load %arg19[%swap3A_779, %swap3A_780] {strides = array<i32>} : memref<3x80xf32, #tpu.memory_space<vmem>>, vector<16xf32>,
      tpu.vector_store %arg19[%swap3A_779, %swap3A_780], %gather3A_777 {strides = array<i32>} : memref<3x80xf32, #tpu.memory_space<vmem>>, vector<16xf32>,
      %get3A_782 = arith.constant 0 : i32
      %get3A_783 = arith.index_cast %get3A_782 : i32 to index
      %get3A_784 = arith.constant 64 : index
      %get3A_785 = tpu.vector_load %arg13[%get3A_783, %get3A_784] {strides = array<i32>} : memref<2x80xi32, #tpu.memory_space<vmem>>, vector<16xi32>,
      %gather3A_786 = tpu.vector_load_idx %arg23[%get3A_785] : memref<10240xf32, #tpu.memory_space<vmem>>[vector<16xi32>], vector<16xf32>,
      %swap3A_787 = arith.constant 0 : i32
      %swap3A_788 = arith.index_cast %swap3A_787 : i32 to index
      %swap3A_789 = arith.constant 64 : index
      %swap3A_790 = tpu.vector_load %arg19[%swap3A_788, %swap3A_789] {strides = array<i32>} : memref<3x80xf32, #tpu.memory_space<vmem>>, vector<16xf32>,
      tpu.vector_store %arg19[%swap3A_788, %swap3A_789], %gather3A_786 {strides = array<i32>} : memref<3x80xf32, #tpu.memory_space<vmem>>, vector<16xf32>,
      %dma_start3A_791 = arith.constant 0 : i32
      %dma_start3A_792 = arith.constant 0 : i32
      %dma_start3A_793 = arith.constant 0 : i32
      %dma_start3A_794 = tpu.memref_slice %arg19[%dma_start3A_791, %dma_start3A_793] : memref<3x80xf32, #tpu.memory_space<vmem>> -> memref<1x80xf32, #tpu.memory_space<vmem>>
      %dma_start3A_795 = tpu.memref_squeeze %dma_start3A_794 : memref<1x80xf32, #tpu.memory_space<vmem>> -> memref<80xf32, #tpu.memory_space<vmem>>
      %dma_start3A_796 = arith.constant 0 : i32
      %dma_start3A_797 = tpu.memref_slice %arg12[%dma_start3A_792, %dma_start3A_796] : memref<2x80xi32, #tpu.memory_space<vmem>> -> memref<1x80xi32, #tpu.memory_space<vmem>>
      %dma_start3A_798 = tpu.memref_squeeze %dma_start3A_797 : memref<1x80xi32, #tpu.memory_space<vmem>> -> memref<80xi32, #tpu.memory_space<vmem>>
      %dma_start3A_799 = arith.constant 0 : i32
      %dma_start3A_800 = tpu.memref_slice %arg10[%dma_start3A_799] : memref<10240xf32, #tpu.memory_space<vmem_shared>> -> memref<10240xf32, #tpu.memory_space<vmem_shared>>
      tpu.enqueue_indirect_dma source(%dma_start3A_795 : memref<80xf32, #tpu.memory_space<vmem>>) target(%dma_start3A_800 : memref<10240xf32, #tpu.memory_space<vmem_shared>>) offsets(%dma_start3A_798 : memref<80xi32, #tpu.memory_space<vmem>>) semaphore(%arg30 : memref<!tpu.dma_semaphore, #tpu.memory_space<semaphore_mem>>) {add = true}
      %dma_wait3A_801 = arith.constant 0 : i32
      %dma_wait3A_802 = arith.constant 0 : i32
      %dma_wait3A_803 = tpu.memref_slice %arg2[%add3A, %dma_wait3A_801, %dma_wait3A_802] : memref<32x125x80xi32, #tpu.memory_space<hbm>> -> memref<1x2x80xi32, #tpu.memory_space<hbm>>
      %dma_wait3A_804 = tpu.memref_squeeze %dma_wait3A_803 : memref<1x2x80xi32, #tpu.memory_space<hbm>> -> memref<2x80xi32, #tpu.memory_space<hbm>>
      %dma_wait3A_805 = arith.constant 0 : i32
      %dma_wait3A_806 = arith.constant 0 : i32
      %dma_wait3A_807 = tpu.memref_slice %arg2[%add3A, %dma_wait3A_805, %dma_wait3A_806] : memref<32x125x80xi32, #tpu.memory_space<hbm>> -> memref<1x2x80xi32, #tpu.memory_space<hbm>>
      %dma_wait3A_808 = tpu.memref_squeeze %dma_wait3A_807 : memref<1x2x80xi32, #tpu.memory_space<hbm>> -> memref<2x80xi32, #tpu.memory_space<hbm>>
      tpu.wait_dma2 semaphore(%arg34 : memref<!tpu.dma_semaphore, #tpu.memory_space<semaphore_mem>>) src(%dma_wait3A_808 : memref<2x80xi32, #tpu.memory_space<hbm>>) dst(%arg14 : memref<2x80xi32, #tpu.memory_space<vmem>>)
      %dma_wait3A_809 = arith.constant 0 : i32
      %dma_wait3A_810 = arith.constant 0 : i32
      %dma_wait3A_811 = tpu.memref_slice %arg3[%add3A, %dma_wait3A_809, %dma_wait3A_810] : memref<32x125x80xi32, #tpu.memory_space<hbm>> -> memref<1x2x80xi32, #tpu.memory_space<hbm>>
      %dma_wait3A_812 = tpu.memref_squeeze %dma_wait3A_811 : memref<1x2x80xi32, #tpu.memory_space<hbm>> -> memref<2x80xi32, #tpu.memory_space<hbm>>
      %dma_wait3A_813 = arith.constant 0 : i32
      %dma_wait3A_814 = arith.constant 0 : i32
      %dma_wait3A_815 = tpu.memref_slice %arg3[%add3A, %dma_wait3A_813, %dma_wait3A_814] : memref<32x125x80xi32, #tpu.memory_space<hbm>> -> memref<1x2x80xi32, #tpu.memory_space<hbm>>
      %dma_wait3A_816 = tpu.memref_squeeze %dma_wait3A_815 : memref<1x2x80xi32, #tpu.memory_space<hbm>> -> memref<2x80xi32, #tpu.memory_space<hbm>>
      tpu.wait_dma2 semaphore(%arg34 : memref<!tpu.dma_semaphore, #tpu.memory_space<semaphore_mem>>) src(%dma_wait3A_816 : memref<2x80xi32, #tpu.memory_space<hbm>>) dst(%arg15 : memref<2x80xi32, #tpu.memory_space<vmem>>)
      %dma_start3A_817 = arith.constant 0 : i32
      %dma_start3A_818 = arith.constant 2 : i32
      %dma_start3A_819 = arith.constant 0 : i32
      %dma_start3A_820 = arith.constant 0 : i32
      %dma_start3A_821 = tpu.memref_slice %arg18[%dma_start3A_818, %dma_start3A_819, %dma_start3A_820] : memref<3x80x128xf32, #tpu.memory_space<vmem>> -> memref<1x80x128xf32, #tpu.memory_space<vmem>>
      %dma_start3A_822 = tpu.memref_squeeze %dma_start3A_821 : memref<1x80x128xf32, #tpu.memory_space<vmem>> -> memref<80x128xf32, #tpu.memory_space<vmem>>
      %dma_start3A_823 = arith.constant 0 : i32
      %dma_start3A_824 = tpu.memref_slice %arg14[%dma_start3A_817, %dma_start3A_823] : memref<2x80xi32, #tpu.memory_space<vmem>> -> memref<1x80xi32, #tpu.memory_space<vmem>>
      %dma_start3A_825 = tpu.memref_squeeze %dma_start3A_824 : memref<1x80xi32, #tpu.memory_space<vmem>> -> memref<80xi32, #tpu.memory_space<vmem>>
      %dma_start3A_826 = arith.constant 0 : i32
      %dma_start3A_827 = arith.constant 0 : i32
      %dma_start3A_828 = tpu.memref_slice %arg4[%dma_start3A_826, %dma_start3A_827] : memref<10000x128xf32, #tpu.memory_space<hbm>> -> memref<10000x128xf32, #tpu.memory_space<hbm>>
      tpu.enqueue_indirect_dma source(%dma_start3A_828 : memref<10000x128xf32, #tpu.memory_space<hbm>>) target(%dma_start3A_822 : memref<80x128xf32, #tpu.memory_space<vmem>>) offsets(%dma_start3A_825 : memref<80xi32, #tpu.memory_space<vmem>>) semaphore(%arg26 : memref<!tpu.dma_semaphore, #tpu.memory_space<semaphore_mem>>)
      %dma_wait3A_829 = arith.constant 1 : i32
      %dma_wait3A_830 = arith.constant 1 : i32
      %dma_wait3A_831 = arith.constant 0 : i32
      %dma_wait3A_832 = arith.constant 0 : i32
      %dma_wait3A_833 = tpu.memref_slice %arg18[%dma_wait3A_830, %dma_wait3A_831, %dma_wait3A_832] : memref<3x80x128xf32, #tpu.memory_space<vmem>> -> memref<1x80x128xf32, #tpu.memory_space<vmem>>
      %dma_wait3A_834 = tpu.memref_squeeze %dma_wait3A_833 : memref<1x80x128xf32, #tpu.memory_space<vmem>> -> memref<80x128xf32, #tpu.memory_space<vmem>>
      %dma_wait3A_835 = arith.constant 0 : i32
      %dma_wait3A_836 = tpu.memref_slice %arg12[%dma_wait3A_829, %dma_wait3A_835] : memref<2x80xi32, #tpu.memory_space<vmem>> -> memref<1x80xi32, #tpu.memory_space<vmem>>
      %dma_wait3A_837 = tpu.memref_squeeze %dma_wait3A_836 : memref<1x80xi32, #tpu.memory_space<vmem>> -> memref<80xi32, #tpu.memory_space<vmem>>
      %dma_wait3A_838 = arith.constant 0 : i32
      %dma_wait3A_839 = arith.constant 0 : i32
      %dma_wait3A_840 = tpu.memref_slice %arg4[%dma_wait3A_838, %dma_wait3A_839] : memref<10000x128xf32, #tpu.memory_space<hbm>> -> memref<10000x128xf32, #tpu.memory_space<hbm>>
      tpu.wait_indirect_dma semaphore(%arg25 : memref<!tpu.dma_semaphore, #tpu.memory_space<semaphore_mem>>) src(%dma_wait3A_840 : memref<10000x128xf32, #tpu.memory_space<hbm>>) dst(%dma_wait3A_834 : memref<80x128xf32, #tpu.memory_space<vmem>>)
      %dma_start3A_841 = arith.constant 1 : i32
      %dma_start3A_842 = arith.constant 1 : i32
      %dma_start3A_843 = arith.constant 0 : i32
      %dma_start3A_844 = arith.constant 0 : i32
      %dma_start3A_845 = tpu.memref_slice %arg18[%dma_start3A_841, %dma_start3A_843, %dma_start3A_844] : memref<3x80x128xf32, #tpu.memory_space<vmem>> -> memref<1x80x128xf32, #tpu.memory_space<vmem>>
      %dma_start3A_846 = tpu.memref_squeeze %dma_start3A_845 : memref<1x80x128xf32, #tpu.memory_space<vmem>> -> memref<80x128xf32, #tpu.memory_space<vmem>>
      %dma_start3A_847 = arith.constant 0 : i32
      %dma_start3A_848 = tpu.memref_slice %arg13[%dma_start3A_842, %dma_start3A_847] : memref<2x80xi32, #tpu.memory_space<vmem>> -> memref<1x80xi32, #tpu.memory_space<vmem>>
      %dma_start3A_849 = tpu.memref_squeeze %dma_start3A_848 : memref<1x80xi32, #tpu.memory_space<vmem>> -> memref<80xi32, #tpu.memory_space<vmem>>
      %dma_start3A_850 = arith.constant 0 : i32
      %dma_start3A_851 = arith.constant 0 : i32
      %dma_start3A_852 = tpu.memref_slice %arg9[%dma_start3A_850, %dma_start3A_851] : memref<10240x128xf32, #tpu.memory_space<vmem_shared>> -> memref<10240x128xf32, #tpu.memory_space<vmem_shared>>
      tpu.enqueue_indirect_dma source(%dma_start3A_846 : memref<80x128xf32, #tpu.memory_space<vmem>>) target(%dma_start3A_852 : memref<10240x128xf32, #tpu.memory_space<vmem_shared>>) offsets(%dma_start3A_849 : memref<80xi32, #tpu.memory_space<vmem>>) semaphore(%arg28 : memref<!tpu.dma_semaphore, #tpu.memory_space<semaphore_mem>>) {add = true}
      %get3A_853 = arith.constant 1 : i32
      %get3A_854 = arith.index_cast %get3A_853 : i32 to index
      %get3A_855 = arith.constant 0 : index
      %get3A_856 = tpu.vector_load %arg13[%get3A_854, %get3A_855] {strides = array<i32>} : memref<2x80xi32, #tpu.memory_space<vmem>>, vector<16xi32>,
      %gather3A_857 = tpu.vector_load_idx %arg23[%get3A_856] : memref<10240xf32, #tpu.memory_space<vmem>>[vector<16xi32>], vector<16xf32>,
      %swap3A_858 = arith.constant 1 : i32
      %swap3A_859 = arith.index_cast %swap3A_858 : i32 to index
      %swap3A_860 = arith.constant 0 : index
      %swap3A_861 = tpu.vector_load %arg19[%swap3A_859, %swap3A_860] {strides = array<i32>} : memref<3x80xf32, #tpu.memory_space<vmem>>, vector<16xf32>,
      tpu.vector_store %arg19[%swap3A_859, %swap3A_860], %gather3A_857 {strides = array<i32>} : memref<3x80xf32, #tpu.memory_space<vmem>>, vector<16xf32>,
      %get3A_862 = arith.constant 1 : i32
      %get3A_863 = arith.index_cast %get3A_862 : i32 to index
      %get3A_864 = arith.constant 16 : index
      %get3A_865 = tpu.vector_load %arg13[%get3A_863, %get3A_864] {strides = array<i32>} : memref<2x80xi32, #tpu.memory_space<vmem>>, vector<16xi32>,
      %gather3A_866 = tpu.vector_load_idx %arg23[%get3A_865] : memref<10240xf32, #tpu.memory_space<vmem>>[vector<16xi32>], vector<16xf32>,
      %swap3A_867 = arith.constant 1 : i32
      %swap3A_868 = arith.index_cast %swap3A_867 : i32 to index
      %swap3A_869 = arith.constant 16 : index
      %swap3A_870 = tpu.vector_load %arg19[%swap3A_868, %swap3A_869] {strides = array<i32>} : memref<3x80xf32, #tpu.memory_space<vmem>>, vector<16xf32>,
      tpu.vector_store %arg19[%swap3A_868, %swap3A_869], %gather3A_866 {strides = array<i32>} : memref<3x80xf32, #tpu.memory_space<vmem>>, vector<16xf32>,
      %get3A_871 = arith.constant 1 : i32
      %get3A_872 = arith.index_cast %get3A_871 : i32 to index
      %get3A_873 = arith.constant 32 : index
      %get3A_874 = tpu.vector_load %arg13[%get3A_872, %get3A_873] {strides = array<i32>} : memref<2x80xi32, #tpu.memory_space<vmem>>, vector<16xi32>,
      %gather3A_875 = tpu.vector_load_idx %arg23[%get3A_874] : memref<10240xf32, #tpu.memory_space<vmem>>[vector<16xi32>], vector<16xf32>,
      %swap3A_876 = arith.constant 1 : i32
      %swap3A_877 = arith.index_cast %swap3A_876 : i32 to index
      %swap3A_878 = arith.constant 32 : index
      %swap3A_879 = tpu.vector_load %arg19[%swap3A_877, %swap3A_878] {strides = array<i32>} : memref<3x80xf32, #tpu.memory_space<vmem>>, vector<16xf32>,
      tpu.vector_store %arg19[%swap3A_877, %swap3A_878], %gather3A_875 {strides = array<i32>} : memref<3x80xf32, #tpu.memory_space<vmem>>, vector<16xf32>,
      %get3A_880 = arith.constant 1 : i32
      %get3A_881 = arith.index_cast %get3A_880 : i32 to index
      %get3A_882 = arith.constant 48 : index
      %get3A_883 = tpu.vector_load %arg13[%get3A_881, %get3A_882] {strides = array<i32>} : memref<2x80xi32, #tpu.memory_space<vmem>>, vector<16xi32>,
      %gather3A_884 = tpu.vector_load_idx %arg23[%get3A_883] : memref<10240xf32, #tpu.memory_space<vmem>>[vector<16xi32>], vector<16xf32>,
      %swap3A_885 = arith.constant 1 : i32
      %swap3A_886 = arith.index_cast %swap3A_885 : i32 to index
      %swap3A_887 = arith.constant 48 : index
      %swap3A_888 = tpu.vector_load %arg19[%swap3A_886, %swap3A_887] {strides = array<i32>} : memref<3x80xf32, #tpu.memory_space<vmem>>, vector<16xf32>,
      tpu.vector_store %arg19[%swap3A_886, %swap3A_887], %gather3A_884 {strides = array<i32>} : memref<3x80xf32, #tpu.memory_space<vmem>>, vector<16xf32>,
      %get3A_889 = arith.constant 1 : i32
      %get3A_890 = arith.index_cast %get3A_889 : i32 to index
      %get3A_891 = arith.constant 64 : index
      %get3A_892 = tpu.vector_load %arg13[%get3A_890, %get3A_891] {strides = array<i32>} : memref<2x80xi32, #tpu.memory_space<vmem>>, vector<16xi32>,
      %gather3A_893 = tpu.vector_load_idx %arg23[%get3A_892] : memref<10240xf32, #tpu.memory_space<vmem>>[vector<16xi32>], vector<16xf32>,
      %swap3A_894 = arith.constant 1 : i32
      %swap3A_895 = arith.index_cast %swap3A_894 : i32 to index
      %swap3A_896 = arith.constant 64 : index
      %swap3A_897 = tpu.vector_load %arg19[%swap3A_895, %swap3A_896] {strides = array<i32>} : memref<3x80xf32, #tpu.memory_space<vmem>>, vector<16xf32>,
      tpu.vector_store %arg19[%swap3A_895, %swap3A_896], %gather3A_893 {strides = array<i32>} : memref<3x80xf32, #tpu.memory_space<vmem>>, vector<16xf32>,
      %dma_start3A_898 = arith.constant 1 : i32
      %dma_start3A_899 = arith.constant 1 : i32
      %dma_start3A_900 = arith.constant 0 : i32
      %dma_start3A_901 = tpu.memref_slice %arg19[%dma_start3A_898, %dma_start3A_900] : memref<3x80xf32, #tpu.memory_space<vmem>> -> memref<1x80xf32, #tpu.memory_space<vmem>>
      %dma_start3A_902 = tpu.memref_squeeze %dma_start3A_901 : memref<1x80xf32, #tpu.memory_space<vmem>> -> memref<80xf32, #tpu.memory_space<vmem>>
      %dma_start3A_903 = arith.constant 0 : i32
      %dma_start3A_904 = tpu.memref_slice %arg12[%dma_start3A_899, %dma_start3A_903] : memref<2x80xi32, #tpu.memory_space<vmem>> -> memref<1x80xi32, #tpu.memory_space<vmem>>
      %dma_start3A_905 = tpu.memref_squeeze %dma_start3A_904 : memref<1x80xi32, #tpu.memory_space<vmem>> -> memref<80xi32, #tpu.memory_space<vmem>>
      %dma_start3A_906 = arith.constant 0 : i32
      %dma_start3A_907 = tpu.memref_slice %arg10[%dma_start3A_906] : memref<10240xf32, #tpu.memory_space<vmem_shared>> -> memref<10240xf32, #tpu.memory_space<vmem_shared>>
      tpu.enqueue_indirect_dma source(%dma_start3A_902 : memref<80xf32, #tpu.memory_space<vmem>>) target(%dma_start3A_907 : memref<10240xf32, #tpu.memory_space<vmem_shared>>) offsets(%dma_start3A_905 : memref<80xi32, #tpu.memory_space<vmem>>) semaphore(%arg31 : memref<!tpu.dma_semaphore, #tpu.memory_space<semaphore_mem>>) {add = true}
      %dma_wait3A_908 = arith.constant 0 : i32
      %dma_wait3A_909 = arith.constant 0 : i32
      %dma_wait3A_910 = arith.constant 0 : i32
      %dma_wait3A_911 = arith.constant 0 : i32
      %dma_wait3A_912 = tpu.memref_slice %arg18[%dma_wait3A_908, %dma_wait3A_910, %dma_wait3A_911] : memref<3x80x128xf32, #tpu.memory_space<vmem>> -> memref<1x80x128xf32, #tpu.memory_space<vmem>>
      %dma_wait3A_913 = tpu.memref_squeeze %dma_wait3A_912 : memref<1x80x128xf32, #tpu.memory_space<vmem>> -> memref<80x128xf32, #tpu.memory_space<vmem>>
      %dma_wait3A_914 = arith.constant 0 : i32
      %dma_wait3A_915 = tpu.memref_slice %arg13[%dma_wait3A_909, %dma_wait3A_914] : memref<2x80xi32, #tpu.memory_space<vmem>> -> memref<1x80xi32, #tpu.memory_space<vmem>>
      %dma_wait3A_916 = tpu.memref_squeeze %dma_wait3A_915 : memref<1x80xi32, #tpu.memory_space<vmem>> -> memref<80xi32, #tpu.memory_space<vmem>>
      %dma_wait3A_917 = arith.constant 0 : i32
      %dma_wait3A_918 = arith.constant 0 : i32
      %dma_wait3A_919 = tpu.memref_slice %arg9[%dma_wait3A_917, %dma_wait3A_918] : memref<10240x128xf32, #tpu.memory_space<vmem_shared>> -> memref<10240x128xf32, #tpu.memory_space<vmem_shared>>
      tpu.wait_indirect_dma semaphore(%arg27 : memref<!tpu.dma_semaphore, #tpu.memory_space<semaphore_mem>>) src(%dma_wait3A_913 : memref<80x128xf32, #tpu.memory_space<vmem>>) dst(%dma_wait3A_919 : memref<10240x128xf32, #tpu.memory_space<vmem_shared>>)
      %dma_wait3A_920 = arith.constant 0 : i32
      %dma_wait3A_921 = arith.constant 0 : i32
      %dma_wait3A_922 = arith.constant 0 : i32
      %dma_wait3A_923 = tpu.memref_slice %arg19[%dma_wait3A_920, %dma_wait3A_922] : memref<3x80xf32, #tpu.memory_space<vmem>> -> memref<1x80xf32, #tpu.memory_space<vmem>>
      %dma_wait3A_924 = tpu.memref_squeeze %dma_wait3A_923 : memref<1x80xf32, #tpu.memory_space<vmem>> -> memref<80xf32, #tpu.memory_space<vmem>>
      %dma_wait3A_925 = arith.constant 0 : i32
      %dma_wait3A_926 = tpu.memref_slice %arg12[%dma_wait3A_921, %dma_wait3A_925] : memref<2x80xi32, #tpu.memory_space<vmem>> -> memref<1x80xi32, #tpu.memory_space<vmem>>
      %dma_wait3A_927 = tpu.memref_squeeze %dma_wait3A_926 : memref<1x80xi32, #tpu.memory_space<vmem>> -> memref<80xi32, #tpu.memory_space<vmem>>
      %dma_wait3A_928 = arith.constant 0 : i32
      %dma_wait3A_929 = tpu.memref_slice %arg10[%dma_wait3A_928] : memref<10240xf32, #tpu.memory_space<vmem_shared>> -> memref<10240xf32, #tpu.memory_space<vmem_shared>>
      tpu.wait_indirect_dma semaphore(%arg30 : memref<!tpu.dma_semaphore, #tpu.memory_space<semaphore_mem>>) src(%dma_wait3A_924 : memref<80xf32, #tpu.memory_space<vmem>>) dst(%dma_wait3A_929 : memref<10240xf32, #tpu.memory_space<vmem_shared>>)
      %dma_start3A_930 = arith.constant 1 : i32
      %dma_start3A_931 = arith.constant 0 : i32
      %dma_start3A_932 = arith.constant 0 : i32
      %dma_start3A_933 = arith.constant 0 : i32
      %dma_start3A_934 = tpu.memref_slice %arg18[%dma_start3A_931, %dma_start3A_932, %dma_start3A_933] : memref<3x80x128xf32, #tpu.memory_space<vmem>> -> memref<1x80x128xf32, #tpu.memory_space<vmem>>
      %dma_start3A_935 = tpu.memref_squeeze %dma_start3A_934 : memref<1x80x128xf32, #tpu.memory_space<vmem>> -> memref<80x128xf32, #tpu.memory_space<vmem>>
      %dma_start3A_936 = arith.constant 0 : i32
      %dma_start3A_937 = tpu.memref_slice %arg14[%dma_start3A_930, %dma_start3A_936] : memref<2x80xi32, #tpu.memory_space<vmem>> -> memref<1x80xi32, #tpu.memory_space<vmem>>
      %dma_start3A_938 = tpu.memref_squeeze %dma_start3A_937 : memref<1x80xi32, #tpu.memory_space<vmem>> -> memref<80xi32, #tpu.memory_space<vmem>>
      %dma_start3A_939 = arith.constant 0 : i32
      %dma_start3A_940 = arith.constant 0 : i32
      %dma_start3A_941 = tpu.memref_slice %arg4[%dma_start3A_939, %dma_start3A_940] : memref<10000x128xf32, #tpu.memory_space<hbm>> -> memref<10000x128xf32, #tpu.memory_space<hbm>>
      tpu.enqueue_indirect_dma source(%dma_start3A_941 : memref<10000x128xf32, #tpu.memory_space<hbm>>) target(%dma_start3A_935 : memref<80x128xf32, #tpu.memory_space<vmem>>) offsets(%dma_start3A_938 : memref<80xi32, #tpu.memory_space<vmem>>) semaphore(%arg24 : memref<!tpu.dma_semaphore, #tpu.memory_space<semaphore_mem>>)
      %dma_wait3A_942 = arith.constant 0 : i32
      %dma_wait3A_943 = arith.constant 2 : i32
      %dma_wait3A_944 = arith.constant 0 : i32
      %dma_wait3A_945 = arith.constant 0 : i32
      %dma_wait3A_946 = tpu.memref_slice %arg18[%dma_wait3A_943, %dma_wait3A_944, %dma_wait3A_945] : memref<3x80x128xf32, #tpu.memory_space<vmem>> -> memref<1x80x128xf32, #tpu.memory_space<vmem>>
      %dma_wait3A_947 = tpu.memref_squeeze %dma_wait3A_946 : memref<1x80x128xf32, #tpu.memory_space<vmem>> -> memref<80x128xf32, #tpu.memory_space<vmem>>
      %dma_wait3A_948 = arith.constant 0 : i32
      %dma_wait3A_949 = tpu.memref_slice %arg14[%dma_wait3A_942, %dma_wait3A_948] : memref<2x80xi32, #tpu.memory_space<vmem>> -> memref<1x80xi32, #tpu.memory_space<vmem>>
      %dma_wait3A_950 = tpu.memref_squeeze %dma_wait3A_949 : memref<1x80xi32, #tpu.memory_space<vmem>> -> memref<80xi32, #tpu.memory_space<vmem>>
      %dma_wait3A_951 = arith.constant 0 : i32
      %dma_wait3A_952 = arith.constant 0 : i32
      %dma_wait3A_953 = tpu.memref_slice %arg4[%dma_wait3A_951, %dma_wait3A_952] : memref<10000x128xf32, #tpu.memory_space<hbm>> -> memref<10000x128xf32, #tpu.memory_space<hbm>>
      tpu.wait_indirect_dma semaphore(%arg26 : memref<!tpu.dma_semaphore, #tpu.memory_space<semaphore_mem>>) src(%dma_wait3A_953 : memref<10000x128xf32, #tpu.memory_space<hbm>>) dst(%dma_wait3A_947 : memref<80x128xf32, #tpu.memory_space<vmem>>)
      %dma_start3A_954 = arith.constant 2 : i32
      %dma_start3A_955 = arith.constant 0 : i32
      %dma_start3A_956 = arith.constant 0 : i32
      %dma_start3A_957 = arith.constant 0 : i32
      %dma_start3A_958 = tpu.memref_slice %arg18[%dma_start3A_954, %dma_start3A_956, %dma_start3A_957] : memref<3x80x128xf32, #tpu.memory_space<vmem>> -> memref<1x80x128xf32, #tpu.memory_space<vmem>>
      %dma_start3A_959 = tpu.memref_squeeze %dma_start3A_958 : memref<1x80x128xf32, #tpu.memory_space<vmem>> -> memref<80x128xf32, #tpu.memory_space<vmem>>
      %dma_start3A_960 = arith.constant 0 : i32
      %dma_start3A_961 = tpu.memref_slice %arg15[%dma_start3A_955, %dma_start3A_960] : memref<2x80xi32, #tpu.memory_space<vmem>> -> memref<1x80xi32, #tpu.memory_space<vmem>>
      %dma_start3A_962 = tpu.memref_squeeze %dma_start3A_961 : memref<1x80xi32, #tpu.memory_space<vmem>> -> memref<80xi32, #tpu.memory_space<vmem>>
      %dma_start3A_963 = arith.constant 0 : i32
      %dma_start3A_964 = arith.constant 0 : i32
      %dma_start3A_965 = tpu.memref_slice %arg9[%dma_start3A_963, %dma_start3A_964] : memref<10240x128xf32, #tpu.memory_space<vmem_shared>> -> memref<10240x128xf32, #tpu.memory_space<vmem_shared>>
      tpu.enqueue_indirect_dma source(%dma_start3A_959 : memref<80x128xf32, #tpu.memory_space<vmem>>) target(%dma_start3A_965 : memref<10240x128xf32, #tpu.memory_space<vmem_shared>>) offsets(%dma_start3A_962 : memref<80xi32, #tpu.memory_space<vmem>>) semaphore(%arg29 : memref<!tpu.dma_semaphore, #tpu.memory_space<semaphore_mem>>) {add = true}
      %get3A_966 = arith.constant 0 : i32
      %get3A_967 = arith.index_cast %get3A_966 : i32 to index
      %get3A_968 = arith.constant 0 : index
      %get3A_969 = tpu.vector_load %arg15[%get3A_967, %get3A_968] {strides = array<i32>} : memref<2x80xi32, #tpu.memory_space<vmem>>, vector<16xi32>,
      %gather3A_970 = tpu.vector_load_idx %arg23[%get3A_969] : memref<10240xf32, #tpu.memory_space<vmem>>[vector<16xi32>], vector<16xf32>,
      %swap3A_971 = arith.constant 2 : i32
      %swap3A_972 = arith.index_cast %swap3A_971 : i32 to index
      %swap3A_973 = arith.constant 0 : index
      %swap3A_974 = tpu.vector_load %arg19[%swap3A_972, %swap3A_973] {strides = array<i32>} : memref<3x80xf32, #tpu.memory_space<vmem>>, vector<16xf32>,
      tpu.vector_store %arg19[%swap3A_972, %swap3A_973], %gather3A_970 {strides = array<i32>} : memref<3x80xf32, #tpu.memory_space<vmem>>, vector<16xf32>,
      %get3A_975 = arith.constant 0 : i32
      %get3A_976 = arith.index_cast %get3A_975 : i32 to index
      %get3A_977 = arith.constant 16 : index
      %get3A_978 = tpu.vector_load %arg15[%get3A_976, %get3A_977] {strides = array<i32>} : memref<2x80xi32, #tpu.memory_space<vmem>>, vector<16xi32>,
      %gather3A_979 = tpu.vector_load_idx %arg23[%get3A_978] : memref<10240xf32, #tpu.memory_space<vmem>>[vector<16xi32>], vector<16xf32>,
      %swap3A_980 = arith.constant 2 : i32
      %swap3A_981 = arith.index_cast %swap3A_980 : i32 to index
      %swap3A_982 = arith.constant 16 : index
      %swap3A_983 = tpu.vector_load %arg19[%swap3A_981, %swap3A_982] {strides = array<i32>} : memref<3x80xf32, #tpu.memory_space<vmem>>, vector<16xf32>,
      tpu.vector_store %arg19[%swap3A_981, %swap3A_982], %gather3A_979 {strides = array<i32>} : memref<3x80xf32, #tpu.memory_space<vmem>>, vector<16xf32>,
      %get3A_984 = arith.constant 0 : i32
      %get3A_985 = arith.index_cast %get3A_984 : i32 to index
      %get3A_986 = arith.constant 32 : index
      %get3A_987 = tpu.vector_load %arg15[%get3A_985, %get3A_986] {strides = array<i32>} : memref<2x80xi32, #tpu.memory_space<vmem>>, vector<16xi32>,
      %gather3A_988 = tpu.vector_load_idx %arg23[%get3A_987] : memref<10240xf32, #tpu.memory_space<vmem>>[vector<16xi32>], vector<16xf32>,
      %swap3A_989 = arith.constant 2 : i32
      %swap3A_990 = arith.index_cast %swap3A_989 : i32 to index
      %swap3A_991 = arith.constant 32 : index
      %swap3A_992 = tpu.vector_load %arg19[%swap3A_990, %swap3A_991] {strides = array<i32>} : memref<3x80xf32, #tpu.memory_space<vmem>>, vector<16xf32>,
      tpu.vector_store %arg19[%swap3A_990, %swap3A_991], %gather3A_988 {strides = array<i32>} : memref<3x80xf32, #tpu.memory_space<vmem>>, vector<16xf32>,
      %get3A_993 = arith.constant 0 : i32
      %get3A_994 = arith.index_cast %get3A_993 : i32 to index
      %get3A_995 = arith.constant 48 : index
      %get3A_996 = tpu.vector_load %arg15[%get3A_994, %get3A_995] {strides = array<i32>} : memref<2x80xi32, #tpu.memory_space<vmem>>, vector<16xi32>,
      %gather3A_997 = tpu.vector_load_idx %arg23[%get3A_996] : memref<10240xf32, #tpu.memory_space<vmem>>[vector<16xi32>], vector<16xf32>,
      %swap3A_998 = arith.constant 2 : i32
      %swap3A_999 = arith.index_cast %swap3A_998 : i32 to index
      %swap3A_1000 = arith.constant 48 : index
      %swap3A_1001 = tpu.vector_load %arg19[%swap3A_999, %swap3A_1000] {strides = array<i32>} : memref<3x80xf32, #tpu.memory_space<vmem>>, vector<16xf32>,
      tpu.vector_store %arg19[%swap3A_999, %swap3A_1000], %gather3A_997 {strides = array<i32>} : memref<3x80xf32, #tpu.memory_space<vmem>>, vector<16xf32>,
      %get3A_1002 = arith.constant 0 : i32
      %get3A_1003 = arith.index_cast %get3A_1002 : i32 to index
      %get3A_1004 = arith.constant 64 : index
      %get3A_1005 = tpu.vector_load %arg15[%get3A_1003, %get3A_1004] {strides = array<i32>} : memref<2x80xi32, #tpu.memory_space<vmem>>, vector<16xi32>,
      %gather3A_1006 = tpu.vector_load_idx %arg23[%get3A_1005] : memref<10240xf32, #tpu.memory_space<vmem>>[vector<16xi32>], vector<16xf32>,
      %swap3A_1007 = arith.constant 2 : i32
      %swap3A_1008 = arith.index_cast %swap3A_1007 : i32 to index
      %swap3A_1009 = arith.constant 64 : index
      %swap3A_1010 = tpu.vector_load %arg19[%swap3A_1008, %swap3A_1009] {strides = array<i32>} : memref<3x80xf32, #tpu.memory_space<vmem>>, vector<16xf32>,
      tpu.vector_store %arg19[%swap3A_1008, %swap3A_1009], %gather3A_1006 {strides = array<i32>} : memref<3x80xf32, #tpu.memory_space<vmem>>, vector<16xf32>,
      %dma_start3A_1011 = arith.constant 2 : i32
      %dma_start3A_1012 = arith.constant 0 : i32
      %dma_start3A_1013 = arith.constant 0 : i32
      %dma_start3A_1014 = tpu.memref_slice %arg19[%dma_start3A_1011, %dma_start3A_1013] : memref<3x80xf32, #tpu.memory_space<vmem>> -> memref<1x80xf32, #tpu.memory_space<vmem>>
      %dma_start3A_1015 = tpu.memref_squeeze %dma_start3A_1014 : memref<1x80xf32, #tpu.memory_space<vmem>> -> memref<80xf32, #tpu.memory_space<vmem>>
      %dma_start3A_1016 = arith.constant 0 : i32
      %dma_start3A_1017 = tpu.memref_slice %arg14[%dma_start3A_1012, %dma_start3A_1016] : memref<2x80xi32, #tpu.memory_space<vmem>> -> memref<1x80xi32, #tpu.memory_space<vmem>>
      %dma_start3A_1018 = tpu.memref_squeeze %dma_start3A_1017 : memref<1x80xi32, #tpu.memory_space<vmem>> -> memref<80xi32, #tpu.memory_space<vmem>>
      %dma_start3A_1019 = arith.constant 0 : i32
      %dma_start3A_1020 = tpu.memref_slice %arg10[%dma_start3A_1019] : memref<10240xf32, #tpu.memory_space<vmem_shared>> -> memref<10240xf32, #tpu.memory_space<vmem_shared>>
      tpu.enqueue_indirect_dma source(%dma_start3A_1015 : memref<80xf32, #tpu.memory_space<vmem>>) target(%dma_start3A_1020 : memref<10240xf32, #tpu.memory_space<vmem_shared>>) offsets(%dma_start3A_1018 : memref<80xi32, #tpu.memory_space<vmem>>) semaphore(%arg32 : memref<!tpu.dma_semaphore, #tpu.memory_space<semaphore_mem>>) {add = true}
      %dma_wait3A_1021 = arith.constant 1 : i32
      %dma_wait3A_1022 = arith.constant 1 : i32
      %dma_wait3A_1023 = arith.constant 0 : i32
      %dma_wait3A_1024 = arith.constant 0 : i32
      %dma_wait3A_1025 = tpu.memref_slice %arg18[%dma_wait3A_1021, %dma_wait3A_1023, %dma_wait3A_1024] : memref<3x80x128xf32, #tpu.memory_space<vmem>> -> memref<1x80x128xf32, #tpu.memory_space<vmem>>
      %dma_wait3A_1026 = tpu.memref_squeeze %dma_wait3A_1025 : memref<1x80x128xf32, #tpu.memory_space<vmem>> -> memref<80x128xf32, #tpu.memory_space<vmem>>
      %dma_wait3A_1027 = arith.constant 0 : i32
      %dma_wait3A_1028 = tpu.memref_slice %arg13[%dma_wait3A_1022, %dma_wait3A_1027] : memref<2x80xi32, #tpu.memory_space<vmem>> -> memref<1x80xi32, #tpu.memory_space<vmem>>
      %dma_wait3A_1029 = tpu.memref_squeeze %dma_wait3A_1028 : memref<1x80xi32, #tpu.memory_space<vmem>> -> memref<80xi32, #tpu.memory_space<vmem>>
      %dma_wait3A_1030 = arith.constant 0 : i32
      %dma_wait3A_1031 = arith.constant 0 : i32
      %dma_wait3A_1032 = tpu.memref_slice %arg9[%dma_wait3A_1030, %dma_wait3A_1031] : memref<10240x128xf32, #tpu.memory_space<vmem_shared>> -> memref<10240x128xf32, #tpu.memory_space<vmem_shared>>
      tpu.wait_indirect_dma semaphore(%arg28 : memref<!tpu.dma_semaphore, #tpu.memory_space<semaphore_mem>>) src(%dma_wait3A_1026 : memref<80x128xf32, #tpu.memory_space<vmem>>) dst(%dma_wait3A_1032 : memref<10240x128xf32, #tpu.memory_space<vmem_shared>>)
      %dma_wait3A_1033 = arith.constant 1 : i32
      %dma_wait3A_1034 = arith.constant 1 : i32
      %dma_wait3A_1035 = arith.constant 0 : i32
      %dma_wait3A_1036 = tpu.memref_slice %arg19[%dma_wait3A_1033, %dma_wait3A_1035] : memref<3x80xf32, #tpu.memory_space<vmem>> -> memref<1x80xf32, #tpu.memory_space<vmem>>
      %dma_wait3A_1037 = tpu.memref_squeeze %dma_wait3A_1036 : memref<1x80xf32, #tpu.memory_space<vmem>> -> memref<80xf32, #tpu.memory_space<vmem>>
      %dma_wait3A_1038 = arith.constant 0 : i32
      %dma_wait3A_1039 = tpu.memref_slice %arg12[%dma_wait3A_1034, %dma_wait3A_1038] : memref<2x80xi32, #tpu.memory_space<vmem>> -> memref<1x80xi32, #tpu.memory_space<vmem>>
      %dma_wait3A_1040 = tpu.memref_squeeze %dma_wait3A_1039 : memref<1x80xi32, #tpu.memory_space<vmem>> -> memref<80xi32, #tpu.memory_space<vmem>>
      %dma_wait3A_1041 = arith.constant 0 : i32
      %dma_wait3A_1042 = tpu.memref_slice %arg10[%dma_wait3A_1041] : memref<10240xf32, #tpu.memory_space<vmem_shared>> -> memref<10240xf32, #tpu.memory_space<vmem_shared>>
      tpu.wait_indirect_dma semaphore(%arg31 : memref<!tpu.dma_semaphore, #tpu.memory_space<semaphore_mem>>) src(%dma_wait3A_1037 : memref<80xf32, #tpu.memory_space<vmem>>) dst(%dma_wait3A_1042 : memref<10240xf32, #tpu.memory_space<vmem_shared>>)
      %dma_wait3A_1043 = arith.constant 0 : i32
      %dma_wait3A_1044 = arith.constant 0 : i32
      %dma_wait3A_1045 = tpu.memref_slice %arg2[%add3A, %dma_wait3A_1043, %dma_wait3A_1044] : memref<32x125x80xi32, #tpu.memory_space<hbm>> -> memref<1x2x80xi32, #tpu.memory_space<hbm>>
      %dma_wait3A_1046 = tpu.memref_squeeze %dma_wait3A_1045 : memref<1x2x80xi32, #tpu.memory_space<hbm>> -> memref<2x80xi32, #tpu.memory_space<hbm>>
      %dma_wait3A_1047 = arith.constant 0 : i32
      %dma_wait3A_1048 = arith.constant 0 : i32
      %dma_wait3A_1049 = tpu.memref_slice %arg2[%add3A, %dma_wait3A_1047, %dma_wait3A_1048] : memref<32x125x80xi32, #tpu.memory_space<hbm>> -> memref<1x2x80xi32, #tpu.memory_space<hbm>>
      %dma_wait3A_1050 = tpu.memref_squeeze %dma_wait3A_1049 : memref<1x2x80xi32, #tpu.memory_space<hbm>> -> memref<2x80xi32, #tpu.memory_space<hbm>>
      tpu.wait_dma2 semaphore(%arg35 : memref<!tpu.dma_semaphore, #tpu.memory_space<semaphore_mem>>) src(%dma_wait3A_1050 : memref<2x80xi32, #tpu.memory_space<hbm>>) dst(%arg16 : memref<2x80xi32, #tpu.memory_space<vmem>>)
      %dma_wait3A_1051 = arith.constant 0 : i32
      %dma_wait3A_1052 = arith.constant 0 : i32
      %dma_wait3A_1053 = tpu.memref_slice %arg3[%add3A, %dma_wait3A_1051, %dma_wait3A_1052] : memref<32x125x80xi32, #tpu.memory_space<hbm>> -> memref<1x2x80xi32, #tpu.memory_space<hbm>>
      %dma_wait3A_1054 = tpu.memref_squeeze %dma_wait3A_1053 : memref<1x2x80xi32, #tpu.memory_space<hbm>> -> memref<2x80xi32, #tpu.memory_space<hbm>>
      %dma_wait3A_1055 = arith.constant 0 : i32
      %dma_wait3A_1056 = arith.constant 0 : i32
      %dma_wait3A_1057 = tpu.memref_slice %arg3[%add3A, %dma_wait3A_1055, %dma_wait3A_1056] : memref<32x125x80xi32, #tpu.memory_space<hbm>> -> memref<1x2x80xi32, #tpu.memory_space<hbm>>
      %dma_wait3A_1058 = tpu.memref_squeeze %dma_wait3A_1057 : memref<1x2x80xi32, #tpu.memory_space<hbm>> -> memref<2x80xi32, #tpu.memory_space<hbm>>
      tpu.wait_dma2 semaphore(%arg35 : memref<!tpu.dma_semaphore, #tpu.memory_space<semaphore_mem>>) src(%dma_wait3A_1058 : memref<2x80xi32, #tpu.memory_space<hbm>>) dst(%arg17 : memref<2x80xi32, #tpu.memory_space<vmem>>)
      %dma_start3A_1059 = arith.constant 0 : i32
      %dma_start3A_1060 = arith.constant 1 : i32
      %dma_start3A_1061 = arith.constant 0 : i32
      %dma_start3A_1062 = arith.constant 0 : i32
      %dma_start3A_1063 = tpu.memref_slice %arg18[%dma_start3A_1060, %dma_start3A_1061, %dma_start3A_1062] : memref<3x80x128xf32, #tpu.memory_space<vmem>> -> memref<1x80x128xf32, #tpu.memory_space<vmem>>
      %dma_start3A_1064 = tpu.memref_squeeze %dma_start3A_1063 : memref<1x80x128xf32, #tpu.memory_space<vmem>> -> memref<80x128xf32, #tpu.memory_space<vmem>>
      %dma_start3A_1065 = arith.constant 0 : i32
      %dma_start3A_1066 = tpu.memref_slice %arg16[%dma_start3A_1059, %dma_start3A_1065] : memref<2x80xi32, #tpu.memory_space<vmem>> -> memref<1x80xi32, #tpu.memory_space<vmem>>
      %dma_start3A_1067 = tpu.memref_squeeze %dma_start3A_1066 : memref<1x80xi32, #tpu.memory_space<vmem>> -> memref<80xi32, #tpu.memory_space<vmem>>
      %dma_start3A_1068 = arith.constant 0 : i32
      %dma_start3A_1069 = arith.constant 0 : i32
      %dma_start3A_1070 = tpu.memref_slice %arg4[%dma_start3A_1068, %dma_start3A_1069] : memref<10000x128xf32, #tpu.memory_space<hbm>> -> memref<10000x128xf32, #tpu.memory_space<hbm>>
      tpu.enqueue_indirect_dma source(%dma_start3A_1070 : memref<10000x128xf32, #tpu.memory_space<hbm>>) target(%dma_start3A_1064 : memref<80x128xf32, #tpu.memory_space<vmem>>) offsets(%dma_start3A_1067 : memref<80xi32, #tpu.memory_space<vmem>>) semaphore(%arg25 : memref<!tpu.dma_semaphore, #tpu.memory_space<semaphore_mem>>)
      %add3A_1071 = arith.constant 6 : i32
      %add3A_1072 = arith.addi %mul3A_721, %add3A_1071 : i32
      %dma_start3A_1073 = arith.constant 0 : i32
      %dma_start3A_1074 = tpu.memref_slice %arg2[%add3A, %add3A_1072, %dma_start3A_1073] : memref<32x125x80xi32, #tpu.memory_space<hbm>> -> memref<1x2x80xi32, #tpu.memory_space<hbm>>
      %dma_start3A_1075 = tpu.memref_squeeze %dma_start3A_1074 : memref<1x2x80xi32, #tpu.memory_space<hbm>> -> memref<2x80xi32, #tpu.memory_space<hbm>>
      %dma_start3A_1076 = arith.constant 0 : i32
      %dma_start3A_1077 = tpu.memref_slice %arg2[%add3A, %add3A_1072, %dma_start3A_1076] : memref<32x125x80xi32, #tpu.memory_space<hbm>> -> memref<1x2x80xi32, #tpu.memory_space<hbm>>
      %dma_start3A_1078 = tpu.memref_squeeze %dma_start3A_1077 : memref<1x2x80xi32, #tpu.memory_space<hbm>> -> memref<2x80xi32, #tpu.memory_space<hbm>>
      tpu.enqueue_dma source(%dma_start3A_1078 : memref<2x80xi32, #tpu.memory_space<hbm>>) target(%arg12 : memref<2x80xi32, #tpu.memory_space<vmem>>) target_semaphore(%arg33 : memref<!tpu.dma_semaphore, #tpu.memory_space<semaphore_mem>>)
      %add3A_1079 = arith.constant 6 : i32
      %add3A_1080 = arith.addi %mul3A_721, %add3A_1079 : i32
      %dma_start3A_1081 = arith.constant 0 : i32
      %dma_start3A_1082 = tpu.memref_slice %arg3[%add3A, %add3A_1080, %dma_start3A_1081] : memref<32x125x80xi32, #tpu.memory_space<hbm>> -> memref<1x2x80xi32, #tpu.memory_space<hbm>>
      %dma_start3A_1083 = tpu.memref_squeeze %dma_start3A_1082 : memref<1x2x80xi32, #tpu.memory_space<hbm>> -> memref<2x80xi32, #tpu.memory_space<hbm>>
      %dma_start3A_1084 = arith.constant 0 : i32
      %dma_start3A_1085 = tpu.memref_slice %arg3[%add3A, %add3A_1080, %dma_start3A_1084] : memref<32x125x80xi32, #tpu.memory_space<hbm>> -> memref<1x2x80xi32, #tpu.memory_space<hbm>>
      %dma_start3A_1086 = tpu.memref_squeeze %dma_start3A_1085 : memref<1x2x80xi32, #tpu.memory_space<hbm>> -> memref<2x80xi32, #tpu.memory_space<hbm>>
      tpu.enqueue_dma source(%dma_start3A_1086 : memref<2x80xi32, #tpu.memory_space<hbm>>) target(%arg13 : memref<2x80xi32, #tpu.memory_space<vmem>>) target_semaphore(%arg33 : memref<!tpu.dma_semaphore, #tpu.memory_space<semaphore_mem>>)
      %dma_wait3A_1087 = arith.constant 1 : i32
      %dma_wait3A_1088 = arith.constant 0 : i32
      %dma_wait3A_1089 = arith.constant 0 : i32
      %dma_wait3A_1090 = arith.constant 0 : i32
      %dma_wait3A_1091 = tpu.memref_slice %arg18[%dma_wait3A_1088, %dma_wait3A_1089, %dma_wait3A_1090] : memref<3x80x128xf32, #tpu.memory_space<vmem>> -> memref<1x80x128xf32, #tpu.memory_space<vmem>>
      %dma_wait3A_1092 = tpu.memref_squeeze %dma_wait3A_1091 : memref<1x80x128xf32, #tpu.memory_space<vmem>> -> memref<80x128xf32, #tpu.memory_space<vmem>>
      %dma_wait3A_1093 = arith.constant 0 : i32
      %dma_wait3A_1094 = tpu.memref_slice %arg14[%dma_wait3A_1087, %dma_wait3A_1093] : memref<2x80xi32, #tpu.memory_space<vmem>> -> memref<1x80xi32, #tpu.memory_space<vmem>>
      %dma_wait3A_1095 = tpu.memref_squeeze %dma_wait3A_1094 : memref<1x80xi32, #tpu.memory_space<vmem>> -> memref<80xi32, #tpu.memory_space<vmem>>
      %dma_wait3A_1096 = arith.constant 0 : i32
      %dma_wait3A_1097 = arith.constant 0 : i32
      %dma_wait3A_1098 = tpu.memref_slice %arg4[%dma_wait3A_1096, %dma_wait3A_1097] : memref<10000x128xf32, #tpu.memory_space<hbm>> -> memref<10000x128xf32, #tpu.memory_space<hbm>>
      tpu.wait_indirect_dma semaphore(%arg24 : memref<!tpu.dma_semaphore, #tpu.memory_space<semaphore_mem>>) src(%dma_wait3A_1098 : memref<10000x128xf32, #tpu.memory_space<hbm>>) dst(%dma_wait3A_1092 : memref<80x128xf32, #tpu.memory_space<vmem>>)
      %dma_start3A_1099 = arith.constant 0 : i32
      %dma_start3A_1100 = arith.constant 1 : i32
      %dma_start3A_1101 = arith.constant 0 : i32
      %dma_start3A_1102 = arith.constant 0 : i32
      %dma_start3A_1103 = tpu.memref_slice %arg18[%dma_start3A_1099, %dma_start3A_1101, %dma_start3A_1102] : memref<3x80x128xf32, #tpu.memory_space<vmem>> -> memref<1x80x128xf32, #tpu.memory_space<vmem>>
      %dma_start3A_1104 = tpu.memref_squeeze %dma_start3A_1103 : memref<1x80x128xf32, #tpu.memory_space<vmem>> -> memref<80x128xf32, #tpu.memory_space<vmem>>
      %dma_start3A_1105 = arith.constant 0 : i32
      %dma_start3A_1106 = tpu.memref_slice %arg15[%dma_start3A_1100, %dma_start3A_1105] : memref<2x80xi32, #tpu.memory_space<vmem>> -> memref<1x80xi32, #tpu.memory_space<vmem>>
      %dma_start3A_1107 = tpu.memref_squeeze %dma_start3A_1106 : memref<1x80xi32, #tpu.memory_space<vmem>> -> memref<80xi32, #tpu.memory_space<vmem>>
      %dma_start3A_1108 = arith.constant 0 : i32
      %dma_start3A_1109 = arith.constant 0 : i32
      %dma_start3A_1110 = tpu.memref_slice %arg9[%dma_start3A_1108, %dma_start3A_1109] : memref<10240x128xf32, #tpu.memory_space<vmem_shared>> -> memref<10240x128xf32, #tpu.memory_space<vmem_shared>>
      tpu.enqueue_indirect_dma source(%dma_start3A_1104 : memref<80x128xf32, #tpu.memory_space<vmem>>) target(%dma_start3A_1110 : memref<10240x128xf32, #tpu.memory_space<vmem_shared>>) offsets(%dma_start3A_1107 : memref<80xi32, #tpu.memory_space<vmem>>) semaphore(%arg27 : memref<!tpu.dma_semaphore, #tpu.memory_space<semaphore_mem>>) {add = true}
      %get3A_1111 = arith.constant 1 : i32
      %get3A_1112 = arith.index_cast %get3A_1111 : i32 to index
      %get3A_1113 = arith.constant 0 : index
      %get3A_1114 = tpu.vector_load %arg15[%get3A_1112, %get3A_1113] {strides = array<i32>} : memref<2x80xi32, #tpu.memory_space<vmem>>, vector<16xi32>,
      %gather3A_1115 = tpu.vector_load_idx %arg23[%get3A_1114] : memref<10240xf32, #tpu.memory_space<vmem>>[vector<16xi32>], vector<16xf32>,
      %swap3A_1116 = arith.constant 0 : i32
      %swap3A_1117 = arith.index_cast %swap3A_1116 : i32 to index
      %swap3A_1118 = arith.constant 0 : index
      %swap3A_1119 = tpu.vector_load %arg19[%swap3A_1117, %swap3A_1118] {strides = array<i32>} : memref<3x80xf32, #tpu.memory_space<vmem>>, vector<16xf32>,
      tpu.vector_store %arg19[%swap3A_1117, %swap3A_1118], %gather3A_1115 {strides = array<i32>} : memref<3x80xf32, #tpu.memory_space<vmem>>, vector<16xf32>,
      %get3A_1120 = arith.constant 1 : i32
      %get3A_1121 = arith.index_cast %get3A_1120 : i32 to index
      %get3A_1122 = arith.constant 16 : index
      %get3A_1123 = tpu.vector_load %arg15[%get3A_1121, %get3A_1122] {strides = array<i32>} : memref<2x80xi32, #tpu.memory_space<vmem>>, vector<16xi32>,
      %gather3A_1124 = tpu.vector_load_idx %arg23[%get3A_1123] : memref<10240xf32, #tpu.memory_space<vmem>>[vector<16xi32>], vector<16xf32>,
      %swap3A_1125 = arith.constant 0 : i32
      %swap3A_1126 = arith.index_cast %swap3A_1125 : i32 to index
      %swap3A_1127 = arith.constant 16 : index
      %swap3A_1128 = tpu.vector_load %arg19[%swap3A_1126, %swap3A_1127] {strides = array<i32>} : memref<3x80xf32, #tpu.memory_space<vmem>>, vector<16xf32>,
      tpu.vector_store %arg19[%swap3A_1126, %swap3A_1127], %gather3A_1124 {strides = array<i32>} : memref<3x80xf32, #tpu.memory_space<vmem>>, vector<16xf32>,
      %get3A_1129 = arith.constant 1 : i32
      %get3A_1130 = arith.index_cast %get3A_1129 : i32 to index
      %get3A_1131 = arith.constant 32 : index
      %get3A_1132 = tpu.vector_load %arg15[%get3A_1130, %get3A_1131] {strides = array<i32>} : memref<2x80xi32, #tpu.memory_space<vmem>>, vector<16xi32>,
      %gather3A_1133 = tpu.vector_load_idx %arg23[%get3A_1132] : memref<10240xf32, #tpu.memory_space<vmem>>[vector<16xi32>], vector<16xf32>,
      %swap3A_1134 = arith.constant 0 : i32
      %swap3A_1135 = arith.index_cast %swap3A_1134 : i32 to index
      %swap3A_1136 = arith.constant 32 : index
      %swap3A_1137 = tpu.vector_load %arg19[%swap3A_1135, %swap3A_1136] {strides = array<i32>} : memref<3x80xf32, #tpu.memory_space<vmem>>, vector<16xf32>,
      tpu.vector_store %arg19[%swap3A_1135, %swap3A_1136], %gather3A_1133 {strides = array<i32>} : memref<3x80xf32, #tpu.memory_space<vmem>>, vector<16xf32>,
      %get3A_1138 = arith.constant 1 : i32
      %get3A_1139 = arith.index_cast %get3A_1138 : i32 to index
      %get3A_1140 = arith.constant 48 : index
      %get3A_1141 = tpu.vector_load %arg15[%get3A_1139, %get3A_1140] {strides = array<i32>} : memref<2x80xi32, #tpu.memory_space<vmem>>, vector<16xi32>,
      %gather3A_1142 = tpu.vector_load_idx %arg23[%get3A_1141] : memref<10240xf32, #tpu.memory_space<vmem>>[vector<16xi32>], vector<16xf32>,
      %swap3A_1143 = arith.constant 0 : i32
      %swap3A_1144 = arith.index_cast %swap3A_1143 : i32 to index
      %swap3A_1145 = arith.constant 48 : index
      %swap3A_1146 = tpu.vector_load %arg19[%swap3A_1144, %swap3A_1145] {strides = array<i32>} : memref<3x80xf32, #tpu.memory_space<vmem>>, vector<16xf32>,
      tpu.vector_store %arg19[%swap3A_1144, %swap3A_1145], %gather3A_1142 {strides = array<i32>} : memref<3x80xf32, #tpu.memory_space<vmem>>, vector<16xf32>,
      %get3A_1147 = arith.constant 1 : i32
      %get3A_1148 = arith.index_cast %get3A_1147 : i32 to index
      %get3A_1149 = arith.constant 64 : index
      %get3A_1150 = tpu.vector_load %arg15[%get3A_1148, %get3A_1149] {strides = array<i32>} : memref<2x80xi32, #tpu.memory_space<vmem>>, vector<16xi32>,
      %gather3A_1151 = tpu.vector_load_idx %arg23[%get3A_1150] : memref<10240xf32, #tpu.memory_space<vmem>>[vector<16xi32>], vector<16xf32>,
      %swap3A_1152 = arith.constant 0 : i32
      %swap3A_1153 = arith.index_cast %swap3A_1152 : i32 to index
      %swap3A_1154 = arith.constant 64 : index
      %swap3A_1155 = tpu.vector_load %arg19[%swap3A_1153, %swap3A_1154] {strides = array<i32>} : memref<3x80xf32, #tpu.memory_space<vmem>>, vector<16xf32>,
      tpu.vector_store %arg19[%swap3A_1153, %swap3A_1154], %gather3A_1151 {strides = array<i32>} : memref<3x80xf32, #tpu.memory_space<vmem>>, vector<16xf32>,
      %dma_start3A_1156 = arith.constant 0 : i32
      %dma_start3A_1157 = arith.constant 1 : i32
      %dma_start3A_1158 = arith.constant 0 : i32
      %dma_start3A_1159 = tpu.memref_slice %arg19[%dma_start3A_1156, %dma_start3A_1158] : memref<3x80xf32, #tpu.memory_space<vmem>> -> memref<1x80xf32, #tpu.memory_space<vmem>>
      %dma_start3A_1160 = tpu.memref_squeeze %dma_start3A_1159 : memref<1x80xf32, #tpu.memory_space<vmem>> -> memref<80xf32, #tpu.memory_space<vmem>>
      %dma_start3A_1161 = arith.constant 0 : i32
      %dma_start3A_1162 = tpu.memref_slice %arg14[%dma_start3A_1157, %dma_start3A_1161] : memref<2x80xi32, #tpu.memory_space<vmem>> -> memref<1x80xi32, #tpu.memory_space<vmem>>
      %dma_start3A_1163 = tpu.memref_squeeze %dma_start3A_1162 : memref<1x80xi32, #tpu.memory_space<vmem>> -> memref<80xi32, #tpu.memory_space<vmem>>
      %dma_start3A_1164 = arith.constant 0 : i32
      %dma_start3A_1165 = tpu.memref_slice %arg10[%dma_start3A_1164] : memref<10240xf32, #tpu.memory_space<vmem_shared>> -> memref<10240xf32, #tpu.memory_space<vmem_shared>>
      tpu.enqueue_indirect_dma source(%dma_start3A_1160 : memref<80xf32, #tpu.memory_space<vmem>>) target(%dma_start3A_1165 : memref<10240xf32, #tpu.memory_space<vmem_shared>>) offsets(%dma_start3A_1163 : memref<80xi32, #tpu.memory_space<vmem>>) semaphore(%arg30 : memref<!tpu.dma_semaphore, #tpu.memory_space<semaphore_mem>>) {add = true}
      %dma_wait3A_1166 = arith.constant 2 : i32
      %dma_wait3A_1167 = arith.constant 0 : i32
      %dma_wait3A_1168 = arith.constant 0 : i32
      %dma_wait3A_1169 = arith.constant 0 : i32
      %dma_wait3A_1170 = tpu.memref_slice %arg18[%dma_wait3A_1166, %dma_wait3A_1168, %dma_wait3A_1169] : memref<3x80x128xf32, #tpu.memory_space<vmem>> -> memref<1x80x128xf32, #tpu.memory_space<vmem>>
      %dma_wait3A_1171 = tpu.memref_squeeze %dma_wait3A_1170 : memref<1x80x128xf32, #tpu.memory_space<vmem>> -> memref<80x128xf32, #tpu.memory_space<vmem>>
      %dma_wait3A_1172 = arith.constant 0 : i32
      %dma_wait3A_1173 = tpu.memref_slice %arg15[%dma_wait3A_1167, %dma_wait3A_1172] : memref<2x80xi32, #tpu.memory_space<vmem>> -> memref<1x80xi32, #tpu.memory_space<vmem>>
      %dma_wait3A_1174 = tpu.memref_squeeze %dma_wait3A_1173 : memref<1x80xi32, #tpu.memory_space<vmem>> -> memref<80xi32, #tpu.memory_space<vmem>>
      %dma_wait3A_1175 = arith.constant 0 : i32
      %dma_wait3A_1176 = arith.constant 0 : i32
      %dma_wait3A_1177 = tpu.memref_slice %arg9[%dma_wait3A_1175, %dma_wait3A_1176] : memref<10240x128xf32, #tpu.memory_space<vmem_shared>> -> memref<10240x128xf32, #tpu.memory_space<vmem_shared>>
      tpu.wait_indirect_dma semaphore(%arg29 : memref<!tpu.dma_semaphore, #tpu.memory_space<semaphore_mem>>) src(%dma_wait3A_1171 : memref<80x128xf32, #tpu.memory_space<vmem>>) dst(%dma_wait3A_1177 : memref<10240x128xf32, #tpu.memory_space<vmem_shared>>)
      %dma_wait3A_1178 = arith.constant 2 : i32
      %dma_wait3A_1179 = arith.constant 0 : i32
      %dma_wait3A_1180 = arith.constant 0 : i32
      %dma_wait3A_1181 = tpu.memref_slice %arg19[%dma_wait3A_1178, %dma_wait3A_1180] : memref<3x80xf32, #tpu.memory_space<vmem>> -> memref<1x80xf32, #tpu.memory_space<vmem>>
      %dma_wait3A_1182 = tpu.memref_squeeze %dma_wait3A_1181 : memref<1x80xf32, #tpu.memory_space<vmem>> -> memref<80xf32, #tpu.memory_space<vmem>>
      %dma_wait3A_1183 = arith.constant 0 : i32
      %dma_wait3A_1184 = tpu.memref_slice %arg14[%dma_wait3A_1179, %dma_wait3A_1183] : memref<2x80xi32, #tpu.memory_space<vmem>> -> memref<1x80xi32, #tpu.memory_space<vmem>>
      %dma_wait3A_1185 = tpu.memref_squeeze %dma_wait3A_1184 : memref<1x80xi32, #tpu.memory_space<vmem>> -> memref<80xi32, #tpu.memory_space<vmem>>
      %dma_wait3A_1186 = arith.constant 0 : i32
      %dma_wait3A_1187 = tpu.memref_slice %arg10[%dma_wait3A_1186] : memref<10240xf32, #tpu.memory_space<vmem_shared>> -> memref<10240xf32, #tpu.memory_space<vmem_shared>>
      tpu.wait_indirect_dma semaphore(%arg32 : memref<!tpu.dma_semaphore, #tpu.memory_space<semaphore_mem>>) src(%dma_wait3A_1182 : memref<80xf32, #tpu.memory_space<vmem>>) dst(%dma_wait3A_1187 : memref<10240xf32, #tpu.memory_space<vmem_shared>>)
      %dma_start3A_1188 = arith.constant 1 : i32
      %dma_start3A_1189 = arith.constant 2 : i32
      %dma_start3A_1190 = arith.constant 0 : i32
      %dma_start3A_1191 = arith.constant 0 : i32
      %dma_start3A_1192 = tpu.memref_slice %arg18[%dma_start3A_1189, %dma_start3A_1190, %dma_start3A_1191] : memref<3x80x128xf32, #tpu.memory_space<vmem>> -> memref<1x80x128xf32, #tpu.memory_space<vmem>>
      %dma_start3A_1193 = tpu.memref_squeeze %dma_start3A_1192 : memref<1x80x128xf32, #tpu.memory_space<vmem>> -> memref<80x128xf32, #tpu.memory_space<vmem>>
      %dma_start3A_1194 = arith.constant 0 : i32
      %dma_start3A_1195 = tpu.memref_slice %arg16[%dma_start3A_1188, %dma_start3A_1194] : memref<2x80xi32, #tpu.memory_space<vmem>> -> memref<1x80xi32, #tpu.memory_space<vmem>>
      %dma_start3A_1196 = tpu.memref_squeeze %dma_start3A_1195 : memref<1x80xi32, #tpu.memory_space<vmem>> -> memref<80xi32, #tpu.memory_space<vmem>>
      %dma_start3A_1197 = arith.constant 0 : i32
      %dma_start3A_1198 = arith.constant 0 : i32
      %dma_start3A_1199 = tpu.memref_slice %arg4[%dma_start3A_1197, %dma_start3A_1198] : memref<10000x128xf32, #tpu.memory_space<hbm>> -> memref<10000x128xf32, #tpu.memory_space<hbm>>
      tpu.enqueue_indirect_dma source(%dma_start3A_1199 : memref<10000x128xf32, #tpu.memory_space<hbm>>) target(%dma_start3A_1193 : memref<80x128xf32, #tpu.memory_space<vmem>>) offsets(%dma_start3A_1196 : memref<80xi32, #tpu.memory_space<vmem>>) semaphore(%arg26 : memref<!tpu.dma_semaphore, #tpu.memory_space<semaphore_mem>>)
      %dma_wait3A_1200 = arith.constant 0 : i32
      %dma_wait3A_1201 = arith.constant 1 : i32
      %dma_wait3A_1202 = arith.constant 0 : i32
      %dma_wait3A_1203 = arith.constant 0 : i32
      %dma_wait3A_1204 = tpu.memref_slice %arg18[%dma_wait3A_1201, %dma_wait3A_1202, %dma_wait3A_1203] : memref<3x80x128xf32, #tpu.memory_space<vmem>> -> memref<1x80x128xf32, #tpu.memory_space<vmem>>
      %dma_wait3A_1205 = tpu.memref_squeeze %dma_wait3A_1204 : memref<1x80x128xf32, #tpu.memory_space<vmem>> -> memref<80x128xf32, #tpu.memory_space<vmem>>
      %dma_wait3A_1206 = arith.constant 0 : i32
      %dma_wait3A_1207 = tpu.memref_slice %arg16[%dma_wait3A_1200, %dma_wait3A_1206] : memref<2x80xi32, #tpu.memory_space<vmem>> -> memref<1x80xi32, #tpu.memory_space<vmem>>
      %dma_wait3A_1208 = tpu.memref_squeeze %dma_wait3A_1207 : memref<1x80xi32, #tpu.memory_space<vmem>> -> memref<80xi32, #tpu.memory_space<vmem>>
      %dma_wait3A_1209 = arith.constant 0 : i32
      %dma_wait3A_1210 = arith.constant 0 : i32
      %dma_wait3A_1211 = tpu.memref_slice %arg4[%dma_wait3A_1209, %dma_wait3A_1210] : memref<10000x128xf32, #tpu.memory_space<hbm>> -> memref<10000x128xf32, #tpu.memory_space<hbm>>
      tpu.wait_indirect_dma semaphore(%arg25 : memref<!tpu.dma_semaphore, #tpu.memory_space<semaphore_mem>>) src(%dma_wait3A_1211 : memref<10000x128xf32, #tpu.memory_space<hbm>>) dst(%dma_wait3A_1205 : memref<80x128xf32, #tpu.memory_space<vmem>>)
      %dma_start3A_1212 = arith.constant 1 : i32
      %dma_start3A_1213 = arith.constant 0 : i32
      %dma_start3A_1214 = arith.constant 0 : i32
      %dma_start3A_1215 = arith.constant 0 : i32
      %dma_start3A_1216 = tpu.memref_slice %arg18[%dma_start3A_1212, %dma_start3A_1214, %dma_start3A_1215] : memref<3x80x128xf32, #tpu.memory_space<vmem>> -> memref<1x80x128xf32, #tpu.memory_space<vmem>>
      %dma_start3A_1217 = tpu.memref_squeeze %dma_start3A_1216 : memref<1x80x128xf32, #tpu.memory_space<vmem>> -> memref<80x128xf32, #tpu.memory_space<vmem>>
      %dma_start3A_1218 = arith.constant 0 : i32
      %dma_start3A_1219 = tpu.memref_slice %arg17[%dma_start3A_1213, %dma_start3A_1218] : memref<2x80xi32, #tpu.memory_space<vmem>> -> memref<1x80xi32, #tpu.memory_space<vmem>>
      %dma_start3A_1220 = tpu.memref_squeeze %dma_start3A_1219 : memref<1x80xi32, #tpu.memory_space<vmem>> -> memref<80xi32, #tpu.memory_space<vmem>>
      %dma_start3A_1221 = arith.constant 0 : i32
      %dma_start3A_1222 = arith.constant 0 : i32
      %dma_start3A_1223 = tpu.memref_slice %arg9[%dma_start3A_1221, %dma_start3A_1222] : memref<10240x128xf32, #tpu.memory_space<vmem_shared>> -> memref<10240x128xf32, #tpu.memory_space<vmem_shared>>
      tpu.enqueue_indirect_dma source(%dma_start3A_1217 : memref<80x128xf32, #tpu.memory_space<vmem>>) target(%dma_start3A_1223 : memref<10240x128xf32, #tpu.memory_space<vmem_shared>>) offsets(%dma_start3A_1220 : memref<80xi32, #tpu.memory_space<vmem>>) semaphore(%arg28 : memref<!tpu.dma_semaphore, #tpu.memory_space<semaphore_mem>>) {add = true}
      %get3A_1224 = arith.constant 0 : i32
      %get3A_1225 = arith.index_cast %get3A_1224 : i32 to index
      %get3A_1226 = arith.constant 0 : index
      %get3A_1227 = tpu.vector_load %arg17[%get3A_1225, %get3A_1226] {strides = array<i32>} : memref<2x80xi32, #tpu.memory_space<vmem>>, vector<16xi32>,
      %gather3A_1228 = tpu.vector_load_idx %arg23[%get3A_1227] : memref<10240xf32, #tpu.memory_space<vmem>>[vector<16xi32>], vector<16xf32>,
      %swap3A_1229 = arith.constant 1 : i32
      %swap3A_1230 = arith.index_cast %swap3A_1229 : i32 to index
      %swap3A_1231 = arith.constant 0 : index
      %swap3A_1232 = tpu.vector_load %arg19[%swap3A_1230, %swap3A_1231] {strides = array<i32>} : memref<3x80xf32, #tpu.memory_space<vmem>>, vector<16xf32>,
      tpu.vector_store %arg19[%swap3A_1230, %swap3A_1231], %gather3A_1228 {strides = array<i32>} : memref<3x80xf32, #tpu.memory_space<vmem>>, vector<16xf32>,
      %get3A_1233 = arith.constant 0 : i32
      %get3A_1234 = arith.index_cast %get3A_1233 : i32 to index
      %get3A_1235 = arith.constant 16 : index
      %get3A_1236 = tpu.vector_load %arg17[%get3A_1234, %get3A_1235] {strides = array<i32>} : memref<2x80xi32, #tpu.memory_space<vmem>>, vector<16xi32>,
      %gather3A_1237 = tpu.vector_load_idx %arg23[%get3A_1236] : memref<10240xf32, #tpu.memory_space<vmem>>[vector<16xi32>], vector<16xf32>,
      %swap3A_1238 = arith.constant 1 : i32
      %swap3A_1239 = arith.index_cast %swap3A_1238 : i32 to index
      %swap3A_1240 = arith.constant 16 : index
      %swap3A_1241 = tpu.vector_load %arg19[%swap3A_1239, %swap3A_1240] {strides = array<i32>} : memref<3x80xf32, #tpu.memory_space<vmem>>, vector<16xf32>,
      tpu.vector_store %arg19[%swap3A_1239, %swap3A_1240], %gather3A_1237 {strides = array<i32>} : memref<3x80xf32, #tpu.memory_space<vmem>>, vector<16xf32>,
      %get3A_1242 = arith.constant 0 : i32
      %get3A_1243 = arith.index_cast %get3A_1242 : i32 to index
      %get3A_1244 = arith.constant 32 : index
      %get3A_1245 = tpu.vector_load %arg17[%get3A_1243, %get3A_1244] {strides = array<i32>} : memref<2x80xi32, #tpu.memory_space<vmem>>, vector<16xi32>,
      %gather3A_1246 = tpu.vector_load_idx %arg23[%get3A_1245] : memref<10240xf32, #tpu.memory_space<vmem>>[vector<16xi32>], vector<16xf32>,
      %swap3A_1247 = arith.constant 1 : i32
      %swap3A_1248 = arith.index_cast %swap3A_1247 : i32 to index
      %swap3A_1249 = arith.constant 32 : index
      %swap3A_1250 = tpu.vector_load %arg19[%swap3A_1248, %swap3A_1249] {strides = array<i32>} : memref<3x80xf32, #tpu.memory_space<vmem>>, vector<16xf32>,
      tpu.vector_store %arg19[%swap3A_1248, %swap3A_1249], %gather3A_1246 {strides = array<i32>} : memref<3x80xf32, #tpu.memory_space<vmem>>, vector<16xf32>,
      %get3A_1251 = arith.constant 0 : i32
      %get3A_1252 = arith.index_cast %get3A_1251 : i32 to index
      %get3A_1253 = arith.constant 48 : index
      %get3A_1254 = tpu.vector_load %arg17[%get3A_1252, %get3A_1253] {strides = array<i32>} : memref<2x80xi32, #tpu.memory_space<vmem>>, vector<16xi32>,
      %gather3A_1255 = tpu.vector_load_idx %arg23[%get3A_1254] : memref<10240xf32, #tpu.memory_space<vmem>>[vector<16xi32>], vector<16xf32>,
      %swap3A_1256 = arith.constant 1 : i32
      %swap3A_1257 = arith.index_cast %swap3A_1256 : i32 to index
      %swap3A_1258 = arith.constant 48 : index
      %swap3A_1259 = tpu.vector_load %arg19[%swap3A_1257, %swap3A_1258] {strides = array<i32>} : memref<3x80xf32, #tpu.memory_space<vmem>>, vector<16xf32>,
      tpu.vector_store %arg19[%swap3A_1257, %swap3A_1258], %gather3A_1255 {strides = array<i32>} : memref<3x80xf32, #tpu.memory_space<vmem>>, vector<16xf32>,
      %get3A_1260 = arith.constant 0 : i32
      %get3A_1261 = arith.index_cast %get3A_1260 : i32 to index
      %get3A_1262 = arith.constant 64 : index
      %get3A_1263 = tpu.vector_load %arg17[%get3A_1261, %get3A_1262] {strides = array<i32>} : memref<2x80xi32, #tpu.memory_space<vmem>>, vector<16xi32>,
      %gather3A_1264 = tpu.vector_load_idx %arg23[%get3A_1263] : memref<10240xf32, #tpu.memory_space<vmem>>[vector<16xi32>], vector<16xf32>,
      %swap3A_1265 = arith.constant 1 : i32
      %swap3A_1266 = arith.index_cast %swap3A_1265 : i32 to index
      %swap3A_1267 = arith.constant 64 : index
      %swap3A_1268 = tpu.vector_load %arg19[%swap3A_1266, %swap3A_1267] {strides = array<i32>} : memref<3x80xf32, #tpu.memory_space<vmem>>, vector<16xf32>,
      tpu.vector_store %arg19[%swap3A_1266, %swap3A_1267], %gather3A_1264 {strides = array<i32>} : memref<3x80xf32, #tpu.memory_space<vmem>>, vector<16xf32>,
      %dma_start3A_1269 = arith.constant 1 : i32
      %dma_start3A_1270 = arith.constant 0 : i32
      %dma_start3A_1271 = arith.constant 0 : i32
      %dma_start3A_1272 = tpu.memref_slice %arg19[%dma_start3A_1269, %dma_start3A_1271] : memref<3x80xf32, #tpu.memory_space<vmem>> -> memref<1x80xf32, #tpu.memory_space<vmem>>
      %dma_start3A_1273 = tpu.memref_squeeze %dma_start3A_1272 : memref<1x80xf32, #tpu.memory_space<vmem>> -> memref<80xf32, #tpu.memory_space<vmem>>
      %dma_start3A_1274 = arith.constant 0 : i32
      %dma_start3A_1275 = tpu.memref_slice %arg16[%dma_start3A_1270, %dma_start3A_1274] : memref<2x80xi32, #tpu.memory_space<vmem>> -> memref<1x80xi32, #tpu.memory_space<vmem>>
      %dma_start3A_1276 = tpu.memref_squeeze %dma_start3A_1275 : memref<1x80xi32, #tpu.memory_space<vmem>> -> memref<80xi32, #tpu.memory_space<vmem>>
      %dma_start3A_1277 = arith.constant 0 : i32
      %dma_start3A_1278 = tpu.memref_slice %arg10[%dma_start3A_1277] : memref<10240xf32, #tpu.memory_space<vmem_shared>> -> memref<10240xf32, #tpu.memory_space<vmem_shared>>
      tpu.enqueue_indirect_dma source(%dma_start3A_1273 : memref<80xf32, #tpu.memory_space<vmem>>) target(%dma_start3A_1278 : memref<10240xf32, #tpu.memory_space<vmem_shared>>) offsets(%dma_start3A_1276 : memref<80xi32, #tpu.memory_space<vmem>>) semaphore(%arg31 : memref<!tpu.dma_semaphore, #tpu.memory_space<semaphore_mem>>) {add = true}
      %dma_wait3A_1279 = arith.constant 0 : i32
      %dma_wait3A_1280 = arith.constant 1 : i32
      %dma_wait3A_1281 = arith.constant 0 : i32
      %dma_wait3A_1282 = arith.constant 0 : i32
      %dma_wait3A_1283 = tpu.memref_slice %arg18[%dma_wait3A_1279, %dma_wait3A_1281, %dma_wait3A_1282] : memref<3x80x128xf32, #tpu.memory_space<vmem>> -> memref<1x80x128xf32, #tpu.memory_space<vmem>>
      %dma_wait3A_1284 = tpu.memref_squeeze %dma_wait3A_1283 : memref<1x80x128xf32, #tpu.memory_space<vmem>> -> memref<80x128xf32, #tpu.memory_space<vmem>>
      %dma_wait3A_1285 = arith.constant 0 : i32
      %dma_wait3A_1286 = tpu.memref_slice %arg15[%dma_wait3A_1280, %dma_wait3A_1285] : memref<2x80xi32, #tpu.memory_space<vmem>> -> memref<1x80xi32, #tpu.memory_space<vmem>>
      %dma_wait3A_1287 = tpu.memref_squeeze %dma_wait3A_1286 : memref<1x80xi32, #tpu.memory_space<vmem>> -> memref<80xi32, #tpu.memory_space<vmem>>
      %dma_wait3A_1288 = arith.constant 0 : i32
      %dma_wait3A_1289 = arith.constant 0 : i32
      %dma_wait3A_1290 = tpu.memref_slice %arg9[%dma_wait3A_1288, %dma_wait3A_1289] : memref<10240x128xf32, #tpu.memory_space<vmem_shared>> -> memref<10240x128xf32, #tpu.memory_space<vmem_shared>>
      tpu.wait_indirect_dma semaphore(%arg27 : memref<!tpu.dma_semaphore, #tpu.memory_space<semaphore_mem>>) src(%dma_wait3A_1284 : memref<80x128xf32, #tpu.memory_space<vmem>>) dst(%dma_wait3A_1290 : memref<10240x128xf32, #tpu.memory_space<vmem_shared>>)
      %dma_wait3A_1291 = arith.constant 0 : i32
      %dma_wait3A_1292 = arith.constant 1 : i32
      %dma_wait3A_1293 = arith.constant 0 : i32
      %dma_wait3A_1294 = tpu.memref_slice %arg19[%dma_wait3A_1291, %dma_wait3A_1293] : memref<3x80xf32, #tpu.memory_space<vmem>> -> memref<1x80xf32, #tpu.memory_space<vmem>>
      %dma_wait3A_1295 = tpu.memref_squeeze %dma_wait3A_1294 : memref<1x80xf32, #tpu.memory_space<vmem>> -> memref<80xf32, #tpu.memory_space<vmem>>
      %dma_wait3A_1296 = arith.constant 0 : i32
      %dma_wait3A_1297 = tpu.memref_slice %arg14[%dma_wait3A_1292, %dma_wait3A_1296] : memref<2x80xi32, #tpu.memory_space<vmem>> -> memref<1x80xi32, #tpu.memory_space<vmem>>
      %dma_wait3A_1298 = tpu.memref_squeeze %dma_wait3A_1297 : memref<1x80xi32, #tpu.memory_space<vmem>> -> memref<80xi32, #tpu.memory_space<vmem>>
      %dma_wait3A_1299 = arith.constant 0 : i32
      %dma_wait3A_1300 = tpu.memref_slice %arg10[%dma_wait3A_1299] : memref<10240xf32, #tpu.memory_space<vmem_shared>> -> memref<10240xf32, #tpu.memory_space<vmem_shared>>
      tpu.wait_indirect_dma semaphore(%arg30 : memref<!tpu.dma_semaphore, #tpu.memory_space<semaphore_mem>>) src(%dma_wait3A_1295 : memref<80xf32, #tpu.memory_space<vmem>>) dst(%dma_wait3A_1300 : memref<10240xf32, #tpu.memory_space<vmem_shared>>)
      %dma_wait3A_1301 = arith.constant 0 : i32
      %dma_wait3A_1302 = arith.constant 0 : i32
      %dma_wait3A_1303 = tpu.memref_slice %arg2[%add3A, %dma_wait3A_1301, %dma_wait3A_1302] : memref<32x125x80xi32, #tpu.memory_space<hbm>> -> memref<1x2x80xi32, #tpu.memory_space<hbm>>
      %dma_wait3A_1304 = tpu.memref_squeeze %dma_wait3A_1303 : memref<1x2x80xi32, #tpu.memory_space<hbm>> -> memref<2x80xi32, #tpu.memory_space<hbm>>
      %dma_wait3A_1305 = arith.constant 0 : i32
      %dma_wait3A_1306 = arith.constant 0 : i32
      %dma_wait3A_1307 = tpu.memref_slice %arg2[%add3A, %dma_wait3A_1305, %dma_wait3A_1306] : memref<32x125x80xi32, #tpu.memory_space<hbm>> -> memref<1x2x80xi32, #tpu.memory_space<hbm>>
      %dma_wait3A_1308 = tpu.memref_squeeze %dma_wait3A_1307 : memref<1x2x80xi32, #tpu.memory_space<hbm>> -> memref<2x80xi32, #tpu.memory_space<hbm>>
      tpu.wait_dma2 semaphore(%arg33 : memref<!tpu.dma_semaphore, #tpu.memory_space<semaphore_mem>>) src(%dma_wait3A_1308 : memref<2x80xi32, #tpu.memory_space<hbm>>) dst(%arg12 : memref<2x80xi32, #tpu.memory_space<vmem>>)
      %dma_wait3A_1309 = arith.constant 0 : i32
      %dma_wait3A_1310 = arith.constant 0 : i32
      %dma_wait3A_1311 = tpu.memref_slice %arg3[%add3A, %dma_wait3A_1309, %dma_wait3A_1310] : memref<32x125x80xi32, #tpu.memory_space<hbm>> -> memref<1x2x80xi32, #tpu.memory_space<hbm>>
      %dma_wait3A_1312 = tpu.memref_squeeze %dma_wait3A_1311 : memref<1x2x80xi32, #tpu.memory_space<hbm>> -> memref<2x80xi32, #tpu.memory_space<hbm>>
      %dma_wait3A_1313 = arith.constant 0 : i32
      %dma_wait3A_1314 = arith.constant 0 : i32
      %dma_wait3A_1315 = tpu.memref_slice %arg3[%add3A, %dma_wait3A_1313, %dma_wait3A_1314] : memref<32x125x80xi32, #tpu.memory_space<hbm>> -> memref<1x2x80xi32, #tpu.memory_space<hbm>>
      %dma_wait3A_1316 = tpu.memref_squeeze %dma_wait3A_1315 : memref<1x2x80xi32, #tpu.memory_space<hbm>> -> memref<2x80xi32, #tpu.memory_space<hbm>>
      tpu.wait_dma2 semaphore(%arg33 : memref<!tpu.dma_semaphore, #tpu.memory_space<semaphore_mem>>) src(%dma_wait3A_1316 : memref<2x80xi32, #tpu.memory_space<hbm>>) dst(%arg13 : memref<2x80xi32, #tpu.memory_space<vmem>>)
      %dma_start3A_1317 = arith.constant 0 : i32
      %dma_start3A_1318 = arith.constant 0 : i32
      %dma_start3A_1319 = arith.constant 0 : i32
      %dma_start3A_1320 = arith.constant 0 : i32
      %dma_start3A_1321 = tpu.memref_slice %arg18[%dma_start3A_1318, %dma_start3A_1319, %dma_start3A_1320] : memref<3x80x128xf32, #tpu.memory_space<vmem>> -> memref<1x80x128xf32, #tpu.memory_space<vmem>>
      %dma_start3A_1322 = tpu.memref_squeeze %dma_start3A_1321 : memref<1x80x128xf32, #tpu.memory_space<vmem>> -> memref<80x128xf32, #tpu.memory_space<vmem>>
      %dma_start3A_1323 = arith.constant 0 : i32
      %dma_start3A_1324 = tpu.memref_slice %arg12[%dma_start3A_1317, %dma_start3A_1323] : memref<2x80xi32, #tpu.memory_space<vmem>> -> memref<1x80xi32, #tpu.memory_space<vmem>>
      %dma_start3A_1325 = tpu.memref_squeeze %dma_start3A_1324 : memref<1x80xi32, #tpu.memory_space<vmem>> -> memref<80xi32, #tpu.memory_space<vmem>>
      %dma_start3A_1326 = arith.constant 0 : i32
      %dma_start3A_1327 = arith.constant 0 : i32
      %dma_start3A_1328 = tpu.memref_slice %arg4[%dma_start3A_1326, %dma_start3A_1327] : memref<10000x128xf32, #tpu.memory_space<hbm>> -> memref<10000x128xf32, #tpu.memory_space<hbm>>
      tpu.enqueue_indirect_dma source(%dma_start3A_1328 : memref<10000x128xf32, #tpu.memory_space<hbm>>) target(%dma_start3A_1322 : memref<80x128xf32, #tpu.memory_space<vmem>>) offsets(%dma_start3A_1325 : memref<80xi32, #tpu.memory_space<vmem>>) semaphore(%arg24 : memref<!tpu.dma_semaphore, #tpu.memory_space<semaphore_mem>>)
      %add3A_1329 = arith.constant 8 : i32
      %add3A_1330 = arith.addi %mul3A_721, %add3A_1329 : i32
      %dma_start3A_1331 = arith.constant 0 : i32
      %dma_start3A_1332 = tpu.memref_slice %arg2[%add3A, %add3A_1330, %dma_start3A_1331] : memref<32x125x80xi32, #tpu.memory_space<hbm>> -> memref<1x2x80xi32, #tpu.memory_space<hbm>>
      %dma_start3A_1333 = tpu.memref_squeeze %dma_start3A_1332 : memref<1x2x80xi32, #tpu.memory_space<hbm>> -> memref<2x80xi32, #tpu.memory_space<hbm>>
      %dma_start3A_1334 = arith.constant 0 : i32
      %dma_start3A_1335 = tpu.memref_slice %arg2[%add3A, %add3A_1330, %dma_start3A_1334] : memref<32x125x80xi32, #tpu.memory_space<hbm>> -> memref<1x2x80xi32, #tpu.memory_space<hbm>>
      %dma_start3A_1336 = tpu.memref_squeeze %dma_start3A_1335 : memref<1x2x80xi32, #tpu.memory_space<hbm>> -> memref<2x80xi32, #tpu.memory_space<hbm>>
      tpu.enqueue_dma source(%dma_start3A_1336 : memref<2x80xi32, #tpu.memory_space<hbm>>) target(%arg14 : memref<2x80xi32, #tpu.memory_space<vmem>>) target_semaphore(%arg34 : memref<!tpu.dma_semaphore, #tpu.memory_space<semaphore_mem>>)
      %add3A_1337 = arith.constant 8 : i32
      %add3A_1338 = arith.addi %mul3A_721, %add3A_1337 : i32
      %dma_start3A_1339 = arith.constant 0 : i32
      %dma_start3A_1340 = tpu.memref_slice %arg3[%add3A, %add3A_1338, %dma_start3A_1339] : memref<32x125x80xi32, #tpu.memory_space<hbm>> -> memref<1x2x80xi32, #tpu.memory_space<hbm>>
      %dma_start3A_1341 = tpu.memref_squeeze %dma_start3A_1340 : memref<1x2x80xi32, #tpu.memory_space<hbm>> -> memref<2x80xi32, #tpu.memory_space<hbm>>
      %dma_start3A_1342 = arith.constant 0 : i32
      %dma_start3A_1343 = tpu.memref_slice %arg3[%add3A, %add3A_1338, %dma_start3A_1342] : memref<32x125x80xi32, #tpu.memory_space<hbm>> -> memref<1x2x80xi32, #tpu.memory_space<hbm>>
      %dma_start3A_1344 = tpu.memref_squeeze %dma_start3A_1343 : memref<1x2x80xi32, #tpu.memory_space<hbm>> -> memref<2x80xi32, #tpu.memory_space<hbm>>
      tpu.enqueue_dma source(%dma_start3A_1344 : memref<2x80xi32, #tpu.memory_space<hbm>>) target(%arg15 : memref<2x80xi32, #tpu.memory_space<vmem>>) target_semaphore(%arg34 : memref<!tpu.dma_semaphore, #tpu.memory_space<semaphore_mem>>)
      %dma_wait3A_1345 = arith.constant 1 : i32
      %dma_wait3A_1346 = arith.constant 2 : i32
      %dma_wait3A_1347 = arith.constant 0 : i32
      %dma_wait3A_1348 = arith.constant 0 : i32
      %dma_wait3A_1349 = tpu.memref_slice %arg18[%dma_wait3A_1346, %dma_wait3A_1347, %dma_wait3A_1348] : memref<3x80x128xf32, #tpu.memory_space<vmem>> -> memref<1x80x128xf32, #tpu.memory_space<vmem>>
      %dma_wait3A_1350 = tpu.memref_squeeze %dma_wait3A_1349 : memref<1x80x128xf32, #tpu.memory_space<vmem>> -> memref<80x128xf32, #tpu.memory_space<vmem>>
      %dma_wait3A_1351 = arith.constant 0 : i32
      %dma_wait3A_1352 = tpu.memref_slice %arg16[%dma_wait3A_1345, %dma_wait3A_1351] : memref<2x80xi32, #tpu.memory_space<vmem>> -> memref<1x80xi32, #tpu.memory_space<vmem>>
      %dma_wait3A_1353 = tpu.memref_squeeze %dma_wait3A_1352 : memref<1x80xi32, #tpu.memory_space<vmem>> -> memref<80xi32, #tpu.memory_space<vmem>>
      %dma_wait3A_1354 = arith.constant 0 : i32
      %dma_wait3A_1355 = arith.constant 0 : i32
      %dma_wait3A_1356 = tpu.memref_slice %arg4[%dma_wait3A_1354, %dma_wait3A_1355] : memref<10000x128xf32, #tpu.memory_space<hbm>> -> memref<10000x128xf32, #tpu.memory_space<hbm>>
      tpu.wait_indirect_dma semaphore(%arg26 : memref<!tpu.dma_semaphore, #tpu.memory_space<semaphore_mem>>) src(%dma_wait3A_1356 : memref<10000x128xf32, #tpu.memory_space<hbm>>) dst(%dma_wait3A_1350 : memref<80x128xf32, #tpu.memory_space<vmem>>)
      %dma_start3A_1357 = arith.constant 2 : i32
      %dma_start3A_1358 = arith.constant 1 : i32
      %dma_start3A_1359 = arith.constant 0 : i32
      %dma_start3A_1360 = arith.constant 0 : i32
      %dma_start3A_1361 = tpu.memref_slice %arg18[%dma_start3A_1357, %dma_start3A_1359, %dma_start3A_1360] : memref<3x80x128xf32, #tpu.memory_space<vmem>> -> memref<1x80x128xf32, #tpu.memory_space<vmem>>
      %dma_start3A_1362 = tpu.memref_squeeze %dma_start3A_1361 : memref<1x80x128xf32, #tpu.memory_space<vmem>> -> memref<80x128xf32, #tpu.memory_space<vmem>>
      %dma_start3A_1363 = arith.constant 0 : i32
      %dma_start3A_1364 = tpu.memref_slice %arg17[%dma_start3A_1358, %dma_start3A_1363] : memref<2x80xi32, #tpu.memory_space<vmem>> -> memref<1x80xi32, #tpu.memory_space<vmem>>
      %dma_start3A_1365 = tpu.memref_squeeze %dma_start3A_1364 : memref<1x80xi32, #tpu.memory_space<vmem>> -> memref<80xi32, #tpu.memory_space<vmem>>
      %dma_start3A_1366 = arith.constant 0 : i32
      %dma_start3A_1367 = arith.constant 0 : i32
      %dma_start3A_1368 = tpu.memref_slice %arg9[%dma_start3A_1366, %dma_start3A_1367] : memref<10240x128xf32, #tpu.memory_space<vmem_shared>> -> memref<10240x128xf32, #tpu.memory_space<vmem_shared>>
      tpu.enqueue_indirect_dma source(%dma_start3A_1362 : memref<80x128xf32, #tpu.memory_space<vmem>>) target(%dma_start3A_1368 : memref<10240x128xf32, #tpu.memory_space<vmem_shared>>) offsets(%dma_start3A_1365 : memref<80xi32, #tpu.memory_space<vmem>>) semaphore(%arg29 : memref<!tpu.dma_semaphore, #tpu.memory_space<semaphore_mem>>) {add = true}
      %get3A_1369 = arith.constant 1 : i32
      %get3A_1370 = arith.index_cast %get3A_1369 : i32 to index
      %get3A_1371 = arith.constant 0 : index
      %get3A_1372 = tpu.vector_load %arg17[%get3A_1370, %get3A_1371] {strides = array<i32>} : memref<2x80xi32, #tpu.memory_space<vmem>>, vector<16xi32>,
      %gather3A_1373 = tpu.vector_load_idx %arg23[%get3A_1372] : memref<10240xf32, #tpu.memory_space<vmem>>[vector<16xi32>], vector<16xf32>,
      %swap3A_1374 = arith.constant 2 : i32
      %swap3A_1375 = arith.index_cast %swap3A_1374 : i32 to index
      %swap3A_1376 = arith.constant 0 : index
      %swap3A_1377 = tpu.vector_load %arg19[%swap3A_1375, %swap3A_1376] {strides = array<i32>} : memref<3x80xf32, #tpu.memory_space<vmem>>, vector<16xf32>,
      tpu.vector_store %arg19[%swap3A_1375, %swap3A_1376], %gather3A_1373 {strides = array<i32>} : memref<3x80xf32, #tpu.memory_space<vmem>>, vector<16xf32>,
      %get3A_1378 = arith.constant 1 : i32
      %get3A_1379 = arith.index_cast %get3A_1378 : i32 to index
      %get3A_1380 = arith.constant 16 : index
      %get3A_1381 = tpu.vector_load %arg17[%get3A_1379, %get3A_1380] {strides = array<i32>} : memref<2x80xi32, #tpu.memory_space<vmem>>, vector<16xi32>,
      %gather3A_1382 = tpu.vector_load_idx %arg23[%get3A_1381] : memref<10240xf32, #tpu.memory_space<vmem>>[vector<16xi32>], vector<16xf32>,
      %swap3A_1383 = arith.constant 2 : i32
      %swap3A_1384 = arith.index_cast %swap3A_1383 : i32 to index
      %swap3A_1385 = arith.constant 16 : index
      %swap3A_1386 = tpu.vector_load %arg19[%swap3A_1384, %swap3A_1385] {strides = array<i32>} : memref<3x80xf32, #tpu.memory_space<vmem>>, vector<16xf32>,
      tpu.vector_store %arg19[%swap3A_1384, %swap3A_1385], %gather3A_1382 {strides = array<i32>} : memref<3x80xf32, #tpu.memory_space<vmem>>, vector<16xf32>,
      %get3A_1387 = arith.constant 1 : i32
      %get3A_1388 = arith.index_cast %get3A_1387 : i32 to index
      %get3A_1389 = arith.constant 32 : index
      %get3A_1390 = tpu.vector_load %arg17[%get3A_1388, %get3A_1389] {strides = array<i32>} : memref<2x80xi32, #tpu.memory_space<vmem>>, vector<16xi32>,
      %gather3A_1391 = tpu.vector_load_idx %arg23[%get3A_1390] : memref<10240xf32, #tpu.memory_space<vmem>>[vector<16xi32>], vector<16xf32>,
      %swap3A_1392 = arith.constant 2 : i32
      %swap3A_1393 = arith.index_cast %swap3A_1392 : i32 to index
      %swap3A_1394 = arith.constant 32 : index
      %swap3A_1395 = tpu.vector_load %arg19[%swap3A_1393, %swap3A_1394] {strides = array<i32>} : memref<3x80xf32, #tpu.memory_space<vmem>>, vector<16xf32>,
      tpu.vector_store %arg19[%swap3A_1393, %swap3A_1394], %gather3A_1391 {strides = array<i32>} : memref<3x80xf32, #tpu.memory_space<vmem>>, vector<16xf32>,
      %get3A_1396 = arith.constant 1 : i32
      %get3A_1397 = arith.index_cast %get3A_1396 : i32 to index
      %get3A_1398 = arith.constant 48 : index
      %get3A_1399 = tpu.vector_load %arg17[%get3A_1397, %get3A_1398] {strides = array<i32>} : memref<2x80xi32, #tpu.memory_space<vmem>>, vector<16xi32>,
      %gather3A_1400 = tpu.vector_load_idx %arg23[%get3A_1399] : memref<10240xf32, #tpu.memory_space<vmem>>[vector<16xi32>], vector<16xf32>,
      %swap3A_1401 = arith.constant 2 : i32
      %swap3A_1402 = arith.index_cast %swap3A_1401 : i32 to index
      %swap3A_1403 = arith.constant 48 : index
      %swap3A_1404 = tpu.vector_load %arg19[%swap3A_1402, %swap3A_1403] {strides = array<i32>} : memref<3x80xf32, #tpu.memory_space<vmem>>, vector<16xf32>,
      tpu.vector_store %arg19[%swap3A_1402, %swap3A_1403], %gather3A_1400 {strides = array<i32>} : memref<3x80xf32, #tpu.memory_space<vmem>>, vector<16xf32>,
      %get3A_1405 = arith.constant 1 : i32
      %get3A_1406 = arith.index_cast %get3A_1405 : i32 to index
      %get3A_1407 = arith.constant 64 : index
      %get3A_1408 = tpu.vector_load %arg17[%get3A_1406, %get3A_1407] {strides = array<i32>} : memref<2x80xi32, #tpu.memory_space<vmem>>, vector<16xi32>,
      %gather3A_1409 = tpu.vector_load_idx %arg23[%get3A_1408] : memref<10240xf32, #tpu.memory_space<vmem>>[vector<16xi32>], vector<16xf32>,
      %swap3A_1410 = arith.constant 2 : i32
      %swap3A_1411 = arith.index_cast %swap3A_1410 : i32 to index
      %swap3A_1412 = arith.constant 64 : index
      %swap3A_1413 = tpu.vector_load %arg19[%swap3A_1411, %swap3A_1412] {strides = array<i32>} : memref<3x80xf32, #tpu.memory_space<vmem>>, vector<16xf32>,
      tpu.vector_store %arg19[%swap3A_1411, %swap3A_1412], %gather3A_1409 {strides = array<i32>} : memref<3x80xf32, #tpu.memory_space<vmem>>, vector<16xf32>,
      %dma_start3A_1414 = arith.constant 2 : i32
      %dma_start3A_1415 = arith.constant 1 : i32
      %dma_start3A_1416 = arith.constant 0 : i32
      %dma_start3A_1417 = tpu.memref_slice %arg19[%dma_start3A_1414, %dma_start3A_1416] : memref<3x80xf32, #tpu.memory_space<vmem>> -> memref<1x80xf32, #tpu.memory_space<vmem>>
      %dma_start3A_1418 = tpu.memref_squeeze %dma_start3A_1417 : memref<1x80xf32, #tpu.memory_space<vmem>> -> memref<80xf32, #tpu.memory_space<vmem>>
      %dma_start3A_1419 = arith.constant 0 : i32
      %dma_start3A_1420 = tpu.memref_slice %arg16[%dma_start3A_1415, %dma_start3A_1419] : memref<2x80xi32, #tpu.memory_space<vmem>> -> memref<1x80xi32, #tpu.memory_space<vmem>>
      %dma_start3A_1421 = tpu.memref_squeeze %dma_start3A_1420 : memref<1x80xi32, #tpu.memory_space<vmem>> -> memref<80xi32, #tpu.memory_space<vmem>>
      %dma_start3A_1422 = arith.constant 0 : i32
      %dma_start3A_1423 = tpu.memref_slice %arg10[%dma_start3A_1422] : memref<10240xf32, #tpu.memory_space<vmem_shared>> -> memref<10240xf32, #tpu.memory_space<vmem_shared>>
      tpu.enqueue_indirect_dma source(%dma_start3A_1418 : memref<80xf32, #tpu.memory_space<vmem>>) target(%dma_start3A_1423 : memref<10240xf32, #tpu.memory_space<vmem_shared>>) offsets(%dma_start3A_1421 : memref<80xi32, #tpu.memory_space<vmem>>) semaphore(%arg32 : memref<!tpu.dma_semaphore, #tpu.memory_space<semaphore_mem>>) {add = true}
      %dma_wait3A_1424 = arith.constant 1 : i32
      %dma_wait3A_1425 = arith.constant 0 : i32
      %dma_wait3A_1426 = arith.constant 0 : i32
      %dma_wait3A_1427 = arith.constant 0 : i32
      %dma_wait3A_1428 = tpu.memref_slice %arg18[%dma_wait3A_1424, %dma_wait3A_1426, %dma_wait3A_1427] : memref<3x80x128xf32, #tpu.memory_space<vmem>> -> memref<1x80x128xf32, #tpu.memory_space<vmem>>
      %dma_wait3A_1429 = tpu.memref_squeeze %dma_wait3A_1428 : memref<1x80x128xf32, #tpu.memory_space<vmem>> -> memref<80x128xf32, #tpu.memory_space<vmem>>
      %dma_wait3A_1430 = arith.constant 0 : i32
      %dma_wait3A_1431 = tpu.memref_slice %arg17[%dma_wait3A_1425, %dma_wait3A_1430] : memref<2x80xi32, #tpu.memory_space<vmem>> -> memref<1x80xi32, #tpu.memory_space<vmem>>
      %dma_wait3A_1432 = tpu.memref_squeeze %dma_wait3A_1431 : memref<1x80xi32, #tpu.memory_space<vmem>> -> memref<80xi32, #tpu.memory_space<vmem>>
      %dma_wait3A_1433 = arith.constant 0 : i32
      %dma_wait3A_1434 = arith.constant 0 : i32
      %dma_wait3A_1435 = tpu.memref_slice %arg9[%dma_wait3A_1433, %dma_wait3A_1434] : memref<10240x128xf32, #tpu.memory_space<vmem_shared>> -> memref<10240x128xf32, #tpu.memory_space<vmem_shared>>
      tpu.wait_indirect_dma semaphore(%arg28 : memref<!tpu.dma_semaphore, #tpu.memory_space<semaphore_mem>>) src(%dma_wait3A_1429 : memref<80x128xf32, #tpu.memory_space<vmem>>) dst(%dma_wait3A_1435 : memref<10240x128xf32, #tpu.memory_space<vmem_shared>>)
      %dma_wait3A_1436 = arith.constant 1 : i32
      %dma_wait3A_1437 = arith.constant 0 : i32
      %dma_wait3A_1438 = arith.constant 0 : i32
      %dma_wait3A_1439 = tpu.memref_slice %arg19[%dma_wait3A_1436, %dma_wait3A_1438] : memref<3x80xf32, #tpu.memory_space<vmem>> -> memref<1x80xf32, #tpu.memory_space<vmem>>
      %dma_wait3A_1440 = tpu.memref_squeeze %dma_wait3A_1439 : memref<1x80xf32, #tpu.memory_space<vmem>> -> memref<80xf32, #tpu.memory_space<vmem>>
      %dma_wait3A_1441 = arith.constant 0 : i32
      %dma_wait3A_1442 = tpu.memref_slice %arg16[%dma_wait3A_1437, %dma_wait3A_1441] : memref<2x80xi32, #tpu.memory_space<vmem>> -> memref<1x80xi32, #tpu.memory_space<vmem>>
      %dma_wait3A_1443 = tpu.memref_squeeze %dma_wait3A_1442 : memref<1x80xi32, #tpu.memory_space<vmem>> -> memref<80xi32, #tpu.memory_space<vmem>>
      %dma_wait3A_1444 = arith.constant 0 : i32
      %dma_wait3A_1445 = tpu.memref_slice %arg10[%dma_wait3A_1444] : memref<10240xf32, #tpu.memory_space<vmem_shared>> -> memref<10240xf32, #tpu.memory_space<vmem_shared>>
      tpu.wait_indirect_dma semaphore(%arg31 : memref<!tpu.dma_semaphore, #tpu.memory_space<semaphore_mem>>) src(%dma_wait3A_1440 : memref<80xf32, #tpu.memory_space<vmem>>) dst(%dma_wait3A_1445 : memref<10240xf32, #tpu.memory_space<vmem_shared>>)
      %dma_start3A_1446 = arith.constant 1 : i32
      %dma_start3A_1447 = arith.constant 1 : i32
      %dma_start3A_1448 = arith.constant 0 : i32
      %dma_start3A_1449 = arith.constant 0 : i32
      %dma_start3A_1450 = tpu.memref_slice %arg18[%dma_start3A_1447, %dma_start3A_1448, %dma_start3A_1449] : memref<3x80x128xf32, #tpu.memory_space<vmem>> -> memref<1x80x128xf32, #tpu.memory_space<vmem>>
      %dma_start3A_1451 = tpu.memref_squeeze %dma_start3A_1450 : memref<1x80x128xf32, #tpu.memory_space<vmem>> -> memref<80x128xf32, #tpu.memory_space<vmem>>
      %dma_start3A_1452 = arith.constant 0 : i32
      %dma_start3A_1453 = tpu.memref_slice %arg12[%dma_start3A_1446, %dma_start3A_1452] : memref<2x80xi32, #tpu.memory_space<vmem>> -> memref<1x80xi32, #tpu.memory_space<vmem>>
      %dma_start3A_1454 = tpu.memref_squeeze %dma_start3A_1453 : memref<1x80xi32, #tpu.memory_space<vmem>> -> memref<80xi32, #tpu.memory_space<vmem>>
      %dma_start3A_1455 = arith.constant 0 : i32
      %dma_start3A_1456 = arith.constant 0 : i32
      %dma_start3A_1457 = tpu.memref_slice %arg4[%dma_start3A_1455, %dma_start3A_1456] : memref<10000x128xf32, #tpu.memory_space<hbm>> -> memref<10000x128xf32, #tpu.memory_space<hbm>>
      tpu.enqueue_indirect_dma source(%dma_start3A_1457 : memref<10000x128xf32, #tpu.memory_space<hbm>>) target(%dma_start3A_1451 : memref<80x128xf32, #tpu.memory_space<vmem>>) offsets(%dma_start3A_1454 : memref<80xi32, #tpu.memory_space<vmem>>) semaphore(%arg25 : memref<!tpu.dma_semaphore, #tpu.memory_space<semaphore_mem>>)
      %lt3A = arith.constant 19 : i32
      %lt3A_1458 = arith.cmpi slt, %scan3A_719, %lt3A : i32
      %convert_element_type3A = arith.extui %lt3A_1458 : i1 to i32
      %cond3A = arith.constant 0 : i32
      %cond3A_1459 = arith.cmpi ne, %convert_element_type3A, %cond3A : i32
      scf.if %cond3A_1459 {
        %add3A_1482 = arith.constant 10 : i32
        %add3A_1483 = arith.addi %mul3A_721, %add3A_1482 : i32
        %dma_start3A_1484 = arith.constant 0 : i32
        %dma_start3A_1485 = tpu.memref_slice %arg2[%add3A, %add3A_1483, %dma_start3A_1484] : memref<32x125x80xi32, #tpu.memory_space<hbm>> -> memref<1x2x80xi32, #tpu.memory_space<hbm>>
        %dma_start3A_1486 = tpu.memref_squeeze %dma_start3A_1485 : memref<1x2x80xi32, #tpu.memory_space<hbm>> -> memref<2x80xi32, #tpu.memory_space<hbm>>
        %dma_start3A_1487 = arith.constant 0 : i32
        %dma_start3A_1488 = tpu.memref_slice %arg2[%add3A, %add3A_1483, %dma_start3A_1487] : memref<32x125x80xi32, #tpu.memory_space<hbm>> -> memref<1x2x80xi32, #tpu.memory_space<hbm>>
        %dma_start3A_1489 = tpu.memref_squeeze %dma_start3A_1488 : memref<1x2x80xi32, #tpu.memory_space<hbm>> -> memref<2x80xi32, #tpu.memory_space<hbm>>
        tpu.enqueue_dma source(%dma_start3A_1489 : memref<2x80xi32, #tpu.memory_space<hbm>>) target(%arg16 : memref<2x80xi32, #tpu.memory_space<vmem>>) target_semaphore(%arg35 : memref<!tpu.dma_semaphore, #tpu.memory_space<semaphore_mem>>)
        %add3A_1490 = arith.constant 10 : i32
        %add3A_1491 = arith.addi %mul3A_721, %add3A_1490 : i32
        %dma_start3A_1492 = arith.constant 0 : i32
        %dma_start3A_1493 = tpu.memref_slice %arg3[%add3A, %add3A_1491, %dma_start3A_1492] : memref<32x125x80xi32, #tpu.memory_space<hbm>> -> memref<1x2x80xi32, #tpu.memory_space<hbm>>
        %dma_start3A_1494 = tpu.memref_squeeze %dma_start3A_1493 : memref<1x2x80xi32, #tpu.memory_space<hbm>> -> memref<2x80xi32, #tpu.memory_space<hbm>>
        %dma_start3A_1495 = arith.constant 0 : i32
        %dma_start3A_1496 = tpu.memref_slice %arg3[%add3A, %add3A_1491, %dma_start3A_1495] : memref<32x125x80xi32, #tpu.memory_space<hbm>> -> memref<1x2x80xi32, #tpu.memory_space<hbm>>
        %dma_start3A_1497 = tpu.memref_squeeze %dma_start3A_1496 : memref<1x2x80xi32, #tpu.memory_space<hbm>> -> memref<2x80xi32, #tpu.memory_space<hbm>>
        tpu.enqueue_dma source(%dma_start3A_1497 : memref<2x80xi32, #tpu.memory_space<hbm>>) target(%arg17 : memref<2x80xi32, #tpu.memory_space<vmem>>) target_semaphore(%arg35 : memref<!tpu.dma_semaphore, #tpu.memory_space<semaphore_mem>>)
      } else {
      }
      %dma_wait3A_1460 = arith.constant 2 : i32
      %dma_wait3A_1461 = arith.constant 1 : i32
      %dma_wait3A_1462 = arith.constant 0 : i32
      %dma_wait3A_1463 = arith.constant 0 : i32
      %dma_wait3A_1464 = tpu.memref_slice %arg18[%dma_wait3A_1460, %dma_wait3A_1462, %dma_wait3A_1463] : memref<3x80x128xf32, #tpu.memory_space<vmem>> -> memref<1x80x128xf32, #tpu.memory_space<vmem>>
      %dma_wait3A_1465 = tpu.memref_squeeze %dma_wait3A_1464 : memref<1x80x128xf32, #tpu.memory_space<vmem>> -> memref<80x128xf32, #tpu.memory_space<vmem>>
      %dma_wait3A_1466 = arith.constant 0 : i32
      %dma_wait3A_1467 = tpu.memref_slice %arg17[%dma_wait3A_1461, %dma_wait3A_1466] : memref<2x80xi32, #tpu.memory_space<vmem>> -> memref<1x80xi32, #tpu.memory_space<vmem>>
      %dma_wait3A_1468 = tpu.memref_squeeze %dma_wait3A_1467 : memref<1x80xi32, #tpu.memory_space<vmem>> -> memref<80xi32, #tpu.memory_space<vmem>>
      %dma_wait3A_1469 = arith.constant 0 : i32
      %dma_wait3A_1470 = arith.constant 0 : i32
      %dma_wait3A_1471 = tpu.memref_slice %arg9[%dma_wait3A_1469, %dma_wait3A_1470] : memref<10240x128xf32, #tpu.memory_space<vmem_shared>> -> memref<10240x128xf32, #tpu.memory_space<vmem_shared>>
      tpu.wait_indirect_dma semaphore(%arg29 : memref<!tpu.dma_semaphore, #tpu.memory_space<semaphore_mem>>) src(%dma_wait3A_1465 : memref<80x128xf32, #tpu.memory_space<vmem>>) dst(%dma_wait3A_1471 : memref<10240x128xf32, #tpu.memory_space<vmem_shared>>)
      %dma_wait3A_1472 = arith.constant 2 : i32
      %dma_wait3A_1473 = arith.constant 1 : i32
      %dma_wait3A_1474 = arith.constant 0 : i32
      %dma_wait3A_1475 = tpu.memref_slice %arg19[%dma_wait3A_1472, %dma_wait3A_1474] : memref<3x80xf32, #tpu.memory_space<vmem>> -> memref<1x80xf32, #tpu.memory_space<vmem>>
      %dma_wait3A_1476 = tpu.memref_squeeze %dma_wait3A_1475 : memref<1x80xf32, #tpu.memory_space<vmem>> -> memref<80xf32, #tpu.memory_space<vmem>>
      %dma_wait3A_1477 = arith.constant 0 : i32
      %dma_wait3A_1478 = tpu.memref_slice %arg16[%dma_wait3A_1473, %dma_wait3A_1477] : memref<2x80xi32, #tpu.memory_space<vmem>> -> memref<1x80xi32, #tpu.memory_space<vmem>>
      %dma_wait3A_1479 = tpu.memref_squeeze %dma_wait3A_1478 : memref<1x80xi32, #tpu.memory_space<vmem>> -> memref<80xi32, #tpu.memory_space<vmem>>
      %dma_wait3A_1480 = arith.constant 0 : i32
      %dma_wait3A_1481 = tpu.memref_slice %arg10[%dma_wait3A_1480] : memref<10240xf32, #tpu.memory_space<vmem_shared>> -> memref<10240xf32, #tpu.memory_space<vmem_shared>>
      tpu.wait_indirect_dma semaphore(%arg32 : memref<!tpu.dma_semaphore, #tpu.memory_space<semaphore_mem>>) src(%dma_wait3A_1476 : memref<80xf32, #tpu.memory_space<vmem>>) dst(%dma_wait3A_1481 : memref<10240xf32, #tpu.memory_space<vmem_shared>>)
    }
    %scan3A_164 = arith.constant 20 : i32
    %dma_wait3A = arith.constant 0 : i32
    %dma_wait3A_165 = arith.constant 0 : i32
    %dma_wait3A_166 = arith.constant 0 : i32
    %dma_wait3A_167 = arith.constant 0 : i32
    %dma_wait3A_168 = tpu.memref_slice %arg18[%dma_wait3A_165, %dma_wait3A_166, %dma_wait3A_167] : memref<3x80x128xf32, #tpu.memory_space<vmem>> -> memref<1x80x128xf32, #tpu.memory_space<vmem>>
    %dma_wait3A_169 = tpu.memref_squeeze %dma_wait3A_168 : memref<1x80x128xf32, #tpu.memory_space<vmem>> -> memref<80x128xf32, #tpu.memory_space<vmem>>
    %dma_wait3A_170 = arith.constant 0 : i32
    %dma_wait3A_171 = tpu.memref_slice %arg12[%dma_wait3A, %dma_wait3A_170] : memref<2x80xi32, #tpu.memory_space<vmem>> -> memref<1x80xi32, #tpu.memory_space<vmem>>
    %dma_wait3A_172 = tpu.memref_squeeze %dma_wait3A_171 : memref<1x80xi32, #tpu.memory_space<vmem>> -> memref<80xi32, #tpu.memory_space<vmem>>
    %dma_wait3A_173 = arith.constant 0 : i32
    %dma_wait3A_174 = arith.constant 0 : i32
    %dma_wait3A_175 = tpu.memref_slice %arg4[%dma_wait3A_173, %dma_wait3A_174] : memref<10000x128xf32, #tpu.memory_space<hbm>> -> memref<10000x128xf32, #tpu.memory_space<hbm>>
    tpu.wait_indirect_dma semaphore(%arg24 : memref<!tpu.dma_semaphore, #tpu.memory_space<semaphore_mem>>) src(%dma_wait3A_175 : memref<10000x128xf32, #tpu.memory_space<hbm>>) dst(%dma_wait3A_169 : memref<80x128xf32, #tpu.memory_space<vmem>>)
    %dma_start3A_176 = arith.constant 0 : i32
    %dma_start3A_177 = arith.constant 0 : i32
    %dma_start3A_178 = arith.constant 0 : i32
    %dma_start3A_179 = arith.constant 0 : i32
    %dma_start3A_180 = tpu.memref_slice %arg18[%dma_start3A_176, %dma_start3A_178, %dma_start3A_179] : memref<3x80x128xf32, #tpu.memory_space<vmem>> -> memref<1x80x128xf32, #tpu.memory_space<vmem>>
    %dma_start3A_181 = tpu.memref_squeeze %dma_start3A_180 : memref<1x80x128xf32, #tpu.memory_space<vmem>> -> memref<80x128xf32, #tpu.memory_space<vmem>>
    %dma_start3A_182 = arith.constant 0 : i32
    %dma_start3A_183 = tpu.memref_slice %arg13[%dma_start3A_177, %dma_start3A_182] : memref<2x80xi32, #tpu.memory_space<vmem>> -> memref<1x80xi32, #tpu.memory_space<vmem>>
    %dma_start3A_184 = tpu.memref_squeeze %dma_start3A_183 : memref<1x80xi32, #tpu.memory_space<vmem>> -> memref<80xi32, #tpu.memory_space<vmem>>
    %dma_start3A_185 = arith.constant 0 : i32
    %dma_start3A_186 = arith.constant 0 : i32
    %dma_start3A_187 = tpu.memref_slice %arg9[%dma_start3A_185, %dma_start3A_186] : memref<10240x128xf32, #tpu.memory_space<vmem_shared>> -> memref<10240x128xf32, #tpu.memory_space<vmem_shared>>
    tpu.enqueue_indirect_dma source(%dma_start3A_181 : memref<80x128xf32, #tpu.memory_space<vmem>>) target(%dma_start3A_187 : memref<10240x128xf32, #tpu.memory_space<vmem_shared>>) offsets(%dma_start3A_184 : memref<80xi32, #tpu.memory_space<vmem>>) semaphore(%arg27 : memref<!tpu.dma_semaphore, #tpu.memory_space<semaphore_mem>>) {add = true}
    %get3A = arith.constant 0 : i32
    %get3A_188 = arith.index_cast %get3A : i32 to index
    %get3A_189 = arith.constant 0 : index
    %get3A_190 = tpu.vector_load %arg13[%get3A_188, %get3A_189] {strides = array<i32>} : memref<2x80xi32, #tpu.memory_space<vmem>>, vector<16xi32>,
    %gather3A = tpu.vector_load_idx %arg23[%get3A_190] : memref<10240xf32, #tpu.memory_space<vmem>>[vector<16xi32>], vector<16xf32>,
    %swap3A = arith.constant 0 : i32
    %swap3A_191 = arith.index_cast %swap3A : i32 to index
    %swap3A_192 = arith.constant 0 : index
    %swap3A_193 = tpu.vector_load %arg19[%swap3A_191, %swap3A_192] {strides = array<i32>} : memref<3x80xf32, #tpu.memory_space<vmem>>, vector<16xf32>,
    tpu.vector_store %arg19[%swap3A_191, %swap3A_192], %gather3A {strides = array<i32>} : memref<3x80xf32, #tpu.memory_space<vmem>>, vector<16xf32>,
    %get3A_194 = arith.constant 0 : i32
    %get3A_195 = arith.index_cast %get3A_194 : i32 to index
    %get3A_196 = arith.constant 16 : index
    %get3A_197 = tpu.vector_load %arg13[%get3A_195, %get3A_196] {strides = array<i32>} : memref<2x80xi32, #tpu.memory_space<vmem>>, vector<16xi32>,
    %gather3A_198 = tpu.vector_load_idx %arg23[%get3A_197] : memref<10240xf32, #tpu.memory_space<vmem>>[vector<16xi32>], vector<16xf32>,
    %swap3A_199 = arith.constant 0 : i32
    %swap3A_200 = arith.index_cast %swap3A_199 : i32 to index
    %swap3A_201 = arith.constant 16 : index
    %swap3A_202 = tpu.vector_load %arg19[%swap3A_200, %swap3A_201] {strides = array<i32>} : memref<3x80xf32, #tpu.memory_space<vmem>>, vector<16xf32>,
    tpu.vector_store %arg19[%swap3A_200, %swap3A_201], %gather3A_198 {strides = array<i32>} : memref<3x80xf32, #tpu.memory_space<vmem>>, vector<16xf32>,
    %get3A_203 = arith.constant 0 : i32
    %get3A_204 = arith.index_cast %get3A_203 : i32 to index
    %get3A_205 = arith.constant 32 : index
    %get3A_206 = tpu.vector_load %arg13[%get3A_204, %get3A_205] {strides = array<i32>} : memref<2x80xi32, #tpu.memory_space<vmem>>, vector<16xi32>,
    %gather3A_207 = tpu.vector_load_idx %arg23[%get3A_206] : memref<10240xf32, #tpu.memory_space<vmem>>[vector<16xi32>], vector<16xf32>,
    %swap3A_208 = arith.constant 0 : i32
    %swap3A_209 = arith.index_cast %swap3A_208 : i32 to index
    %swap3A_210 = arith.constant 32 : index
    %swap3A_211 = tpu.vector_load %arg19[%swap3A_209, %swap3A_210] {strides = array<i32>} : memref<3x80xf32, #tpu.memory_space<vmem>>, vector<16xf32>,
    tpu.vector_store %arg19[%swap3A_209, %swap3A_210], %gather3A_207 {strides = array<i32>} : memref<3x80xf32, #tpu.memory_space<vmem>>, vector<16xf32>,
    %get3A_212 = arith.constant 0 : i32
    %get3A_213 = arith.index_cast %get3A_212 : i32 to index
    %get3A_214 = arith.constant 48 : index
    %get3A_215 = tpu.vector_load %arg13[%get3A_213, %get3A_214] {strides = array<i32>} : memref<2x80xi32, #tpu.memory_space<vmem>>, vector<16xi32>,
    %gather3A_216 = tpu.vector_load_idx %arg23[%get3A_215] : memref<10240xf32, #tpu.memory_space<vmem>>[vector<16xi32>], vector<16xf32>,
    %swap3A_217 = arith.constant 0 : i32
    %swap3A_218 = arith.index_cast %swap3A_217 : i32 to index
    %swap3A_219 = arith.constant 48 : index
    %swap3A_220 = tpu.vector_load %arg19[%swap3A_218, %swap3A_219] {strides = array<i32>} : memref<3x80xf32, #tpu.memory_space<vmem>>, vector<16xf32>,
    tpu.vector_store %arg19[%swap3A_218, %swap3A_219], %gather3A_216 {strides = array<i32>} : memref<3x80xf32, #tpu.memory_space<vmem>>, vector<16xf32>,
    %get3A_221 = arith.constant 0 : i32
    %get3A_222 = arith.index_cast %get3A_221 : i32 to index
    %get3A_223 = arith.constant 64 : index
    %get3A_224 = tpu.vector_load %arg13[%get3A_222, %get3A_223] {strides = array<i32>} : memref<2x80xi32, #tpu.memory_space<vmem>>, vector<16xi32>,
    %gather3A_225 = tpu.vector_load_idx %arg23[%get3A_224] : memref<10240xf32, #tpu.memory_space<vmem>>[vector<16xi32>], vector<16xf32>,
    %swap3A_226 = arith.constant 0 : i32
    %swap3A_227 = arith.index_cast %swap3A_226 : i32 to index
    %swap3A_228 = arith.constant 64 : index
    %swap3A_229 = tpu.vector_load %arg19[%swap3A_227, %swap3A_228] {strides = array<i32>} : memref<3x80xf32, #tpu.memory_space<vmem>>, vector<16xf32>,
    tpu.vector_store %arg19[%swap3A_227, %swap3A_228], %gather3A_225 {strides = array<i32>} : memref<3x80xf32, #tpu.memory_space<vmem>>, vector<16xf32>,
    %dma_start3A_230 = arith.constant 0 : i32
    %dma_start3A_231 = arith.constant 0 : i32
    %dma_start3A_232 = arith.constant 0 : i32
    %dma_start3A_233 = tpu.memref_slice %arg19[%dma_start3A_230, %dma_start3A_232] : memref<3x80xf32, #tpu.memory_space<vmem>> -> memref<1x80xf32, #tpu.memory_space<vmem>>
    %dma_start3A_234 = tpu.memref_squeeze %dma_start3A_233 : memref<1x80xf32, #tpu.memory_space<vmem>> -> memref<80xf32, #tpu.memory_space<vmem>>
    %dma_start3A_235 = arith.constant 0 : i32
    %dma_start3A_236 = tpu.memref_slice %arg12[%dma_start3A_231, %dma_start3A_235] : memref<2x80xi32, #tpu.memory_space<vmem>> -> memref<1x80xi32, #tpu.memory_space<vmem>>
    %dma_start3A_237 = tpu.memref_squeeze %dma_start3A_236 : memref<1x80xi32, #tpu.memory_space<vmem>> -> memref<80xi32, #tpu.memory_space<vmem>>
    %dma_start3A_238 = arith.constant 0 : i32
    %dma_start3A_239 = tpu.memref_slice %arg10[%dma_start3A_238] : memref<10240xf32, #tpu.memory_space<vmem_shared>> -> memref<10240xf32, #tpu.memory_space<vmem_shared>>
    tpu.enqueue_indirect_dma source(%dma_start3A_234 : memref<80xf32, #tpu.memory_space<vmem>>) target(%dma_start3A_239 : memref<10240xf32, #tpu.memory_space<vmem_shared>>) offsets(%dma_start3A_237 : memref<80xi32, #tpu.memory_space<vmem>>) semaphore(%arg30 : memref<!tpu.dma_semaphore, #tpu.memory_space<semaphore_mem>>) {add = true}
    %dma_wait3A_240 = arith.constant 0 : i32
    %dma_wait3A_241 = arith.constant 0 : i32
    %dma_wait3A_242 = tpu.memref_slice %arg2[%add3A, %dma_wait3A_240, %dma_wait3A_241] : memref<32x125x80xi32, #tpu.memory_space<hbm>> -> memref<1x2x80xi32, #tpu.memory_space<hbm>>
    %dma_wait3A_243 = tpu.memref_squeeze %dma_wait3A_242 : memref<1x2x80xi32, #tpu.memory_space<hbm>> -> memref<2x80xi32, #tpu.memory_space<hbm>>
    %dma_wait3A_244 = arith.constant 0 : i32
    %dma_wait3A_245 = arith.constant 0 : i32
    %dma_wait3A_246 = tpu.memref_slice %arg2[%add3A, %dma_wait3A_244, %dma_wait3A_245] : memref<32x125x80xi32, #tpu.memory_space<hbm>> -> memref<1x2x80xi32, #tpu.memory_space<hbm>>
    %dma_wait3A_247 = tpu.memref_squeeze %dma_wait3A_246 : memref<1x2x80xi32, #tpu.memory_space<hbm>> -> memref<2x80xi32, #tpu.memory_space<hbm>>
    tpu.wait_dma2 semaphore(%arg34 : memref<!tpu.dma_semaphore, #tpu.memory_space<semaphore_mem>>) src(%dma_wait3A_247 : memref<2x80xi32, #tpu.memory_space<hbm>>) dst(%arg14 : memref<2x80xi32, #tpu.memory_space<vmem>>)
    %dma_wait3A_248 = arith.constant 0 : i32
    %dma_wait3A_249 = arith.constant 0 : i32
    %dma_wait3A_250 = tpu.memref_slice %arg3[%add3A, %dma_wait3A_248, %dma_wait3A_249] : memref<32x125x80xi32, #tpu.memory_space<hbm>> -> memref<1x2x80xi32, #tpu.memory_space<hbm>>
    %dma_wait3A_251 = tpu.memref_squeeze %dma_wait3A_250 : memref<1x2x80xi32, #tpu.memory_space<hbm>> -> memref<2x80xi32, #tpu.memory_space<hbm>>
    %dma_wait3A_252 = arith.constant 0 : i32
    %dma_wait3A_253 = arith.constant 0 : i32
    %dma_wait3A_254 = tpu.memref_slice %arg3[%add3A, %dma_wait3A_252, %dma_wait3A_253] : memref<32x125x80xi32, #tpu.memory_space<hbm>> -> memref<1x2x80xi32, #tpu.memory_space<hbm>>
    %dma_wait3A_255 = tpu.memref_squeeze %dma_wait3A_254 : memref<1x2x80xi32, #tpu.memory_space<hbm>> -> memref<2x80xi32, #tpu.memory_space<hbm>>
    tpu.wait_dma2 semaphore(%arg34 : memref<!tpu.dma_semaphore, #tpu.memory_space<semaphore_mem>>) src(%dma_wait3A_255 : memref<2x80xi32, #tpu.memory_space<hbm>>) dst(%arg15 : memref<2x80xi32, #tpu.memory_space<vmem>>)
    %dma_start3A_256 = arith.constant 0 : i32
    %dma_start3A_257 = arith.constant 2 : i32
    %dma_start3A_258 = arith.constant 0 : i32
    %dma_start3A_259 = arith.constant 0 : i32
    %dma_start3A_260 = tpu.memref_slice %arg18[%dma_start3A_257, %dma_start3A_258, %dma_start3A_259] : memref<3x80x128xf32, #tpu.memory_space<vmem>> -> memref<1x80x128xf32, #tpu.memory_space<vmem>>
    %dma_start3A_261 = tpu.memref_squeeze %dma_start3A_260 : memref<1x80x128xf32, #tpu.memory_space<vmem>> -> memref<80x128xf32, #tpu.memory_space<vmem>>
    %dma_start3A_262 = arith.constant 0 : i32
    %dma_start3A_263 = tpu.memref_slice %arg14[%dma_start3A_256, %dma_start3A_262] : memref<2x80xi32, #tpu.memory_space<vmem>> -> memref<1x80xi32, #tpu.memory_space<vmem>>
    %dma_start3A_264 = tpu.memref_squeeze %dma_start3A_263 : memref<1x80xi32, #tpu.memory_space<vmem>> -> memref<80xi32, #tpu.memory_space<vmem>>
    %dma_start3A_265 = arith.constant 0 : i32
    %dma_start3A_266 = arith.constant 0 : i32
    %dma_start3A_267 = tpu.memref_slice %arg4[%dma_start3A_265, %dma_start3A_266] : memref<10000x128xf32, #tpu.memory_space<hbm>> -> memref<10000x128xf32, #tpu.memory_space<hbm>>
    tpu.enqueue_indirect_dma source(%dma_start3A_267 : memref<10000x128xf32, #tpu.memory_space<hbm>>) target(%dma_start3A_261 : memref<80x128xf32, #tpu.memory_space<vmem>>) offsets(%dma_start3A_264 : memref<80xi32, #tpu.memory_space<vmem>>) semaphore(%arg26 : memref<!tpu.dma_semaphore, #tpu.memory_space<semaphore_mem>>)
    %dma_wait3A_268 = arith.constant 1 : i32
    %dma_wait3A_269 = arith.constant 1 : i32
    %dma_wait3A_270 = arith.constant 0 : i32
    %dma_wait3A_271 = arith.constant 0 : i32
    %dma_wait3A_272 = tpu.memref_slice %arg18[%dma_wait3A_269, %dma_wait3A_270, %dma_wait3A_271] : memref<3x80x128xf32, #tpu.memory_space<vmem>> -> memref<1x80x128xf32, #tpu.memory_space<vmem>>
    %dma_wait3A_273 = tpu.memref_squeeze %dma_wait3A_272 : memref<1x80x128xf32, #tpu.memory_space<vmem>> -> memref<80x128xf32, #tpu.memory_space<vmem>>
    %dma_wait3A_274 = arith.constant 0 : i32
    %dma_wait3A_275 = tpu.memref_slice %arg12[%dma_wait3A_268, %dma_wait3A_274] : memref<2x80xi32, #tpu.memory_space<vmem>> -> memref<1x80xi32, #tpu.memory_space<vmem>>
    %dma_wait3A_276 = tpu.memref_squeeze %dma_wait3A_275 : memref<1x80xi32, #tpu.memory_space<vmem>> -> memref<80xi32, #tpu.memory_space<vmem>>
    %dma_wait3A_277 = arith.constant 0 : i32
    %dma_wait3A_278 = arith.constant 0 : i32
    %dma_wait3A_279 = tpu.memref_slice %arg4[%dma_wait3A_277, %dma_wait3A_278] : memref<10000x128xf32, #tpu.memory_space<hbm>> -> memref<10000x128xf32, #tpu.memory_space<hbm>>
    tpu.wait_indirect_dma semaphore(%arg25 : memref<!tpu.dma_semaphore, #tpu.memory_space<semaphore_mem>>) src(%dma_wait3A_279 : memref<10000x128xf32, #tpu.memory_space<hbm>>) dst(%dma_wait3A_273 : memref<80x128xf32, #tpu.memory_space<vmem>>)
    %dma_start3A_280 = arith.constant 1 : i32
    %dma_start3A_281 = arith.constant 1 : i32
    %dma_start3A_282 = arith.constant 0 : i32
    %dma_start3A_283 = arith.constant 0 : i32
    %dma_start3A_284 = tpu.memref_slice %arg18[%dma_start3A_280, %dma_start3A_282, %dma_start3A_283] : memref<3x80x128xf32, #tpu.memory_space<vmem>> -> memref<1x80x128xf32, #tpu.memory_space<vmem>>
    %dma_start3A_285 = tpu.memref_squeeze %dma_start3A_284 : memref<1x80x128xf32, #tpu.memory_space<vmem>> -> memref<80x128xf32, #tpu.memory_space<vmem>>
    %dma_start3A_286 = arith.constant 0 : i32
    %dma_start3A_287 = tpu.memref_slice %arg13[%dma_start3A_281, %dma_start3A_286] : memref<2x80xi32, #tpu.memory_space<vmem>> -> memref<1x80xi32, #tpu.memory_space<vmem>>
    %dma_start3A_288 = tpu.memref_squeeze %dma_start3A_287 : memref<1x80xi32, #tpu.memory_space<vmem>> -> memref<80xi32, #tpu.memory_space<vmem>>
    %dma_start3A_289 = arith.constant 0 : i32
    %dma_start3A_290 = arith.constant 0 : i32
    %dma_start3A_291 = tpu.memref_slice %arg9[%dma_start3A_289, %dma_start3A_290] : memref<10240x128xf32, #tpu.memory_space<vmem_shared>> -> memref<10240x128xf32, #tpu.memory_space<vmem_shared>>
    tpu.enqueue_indirect_dma source(%dma_start3A_285 : memref<80x128xf32, #tpu.memory_space<vmem>>) target(%dma_start3A_291 : memref<10240x128xf32, #tpu.memory_space<vmem_shared>>) offsets(%dma_start3A_288 : memref<80xi32, #tpu.memory_space<vmem>>) semaphore(%arg28 : memref<!tpu.dma_semaphore, #tpu.memory_space<semaphore_mem>>) {add = true}
    %get3A_292 = arith.constant 1 : i32
    %get3A_293 = arith.index_cast %get3A_292 : i32 to index
    %get3A_294 = arith.constant 0 : index
    %get3A_295 = tpu.vector_load %arg13[%get3A_293, %get3A_294] {strides = array<i32>} : memref<2x80xi32, #tpu.memory_space<vmem>>, vector<16xi32>,
    %gather3A_296 = tpu.vector_load_idx %arg23[%get3A_295] : memref<10240xf32, #tpu.memory_space<vmem>>[vector<16xi32>], vector<16xf32>,
    %swap3A_297 = arith.constant 1 : i32
    %swap3A_298 = arith.index_cast %swap3A_297 : i32 to index
    %swap3A_299 = arith.constant 0 : index
    %swap3A_300 = tpu.vector_load %arg19[%swap3A_298, %swap3A_299] {strides = array<i32>} : memref<3x80xf32, #tpu.memory_space<vmem>>, vector<16xf32>,
    tpu.vector_store %arg19[%swap3A_298, %swap3A_299], %gather3A_296 {strides = array<i32>} : memref<3x80xf32, #tpu.memory_space<vmem>>, vector<16xf32>,
    %get3A_301 = arith.constant 1 : i32
    %get3A_302 = arith.index_cast %get3A_301 : i32 to index
    %get3A_303 = arith.constant 16 : index
    %get3A_304 = tpu.vector_load %arg13[%get3A_302, %get3A_303] {strides = array<i32>} : memref<2x80xi32, #tpu.memory_space<vmem>>, vector<16xi32>,
    %gather3A_305 = tpu.vector_load_idx %arg23[%get3A_304] : memref<10240xf32, #tpu.memory_space<vmem>>[vector<16xi32>], vector<16xf32>,
    %swap3A_306 = arith.constant 1 : i32
    %swap3A_307 = arith.index_cast %swap3A_306 : i32 to index
    %swap3A_308 = arith.constant 16 : index
    %swap3A_309 = tpu.vector_load %arg19[%swap3A_307, %swap3A_308] {strides = array<i32>} : memref<3x80xf32, #tpu.memory_space<vmem>>, vector<16xf32>,
    tpu.vector_store %arg19[%swap3A_307, %swap3A_308], %gather3A_305 {strides = array<i32>} : memref<3x80xf32, #tpu.memory_space<vmem>>, vector<16xf32>,
    %get3A_310 = arith.constant 1 : i32
    %get3A_311 = arith.index_cast %get3A_310 : i32 to index
    %get3A_312 = arith.constant 32 : index
    %get3A_313 = tpu.vector_load %arg13[%get3A_311, %get3A_312] {strides = array<i32>} : memref<2x80xi32, #tpu.memory_space<vmem>>, vector<16xi32>,
    %gather3A_314 = tpu.vector_load_idx %arg23[%get3A_313] : memref<10240xf32, #tpu.memory_space<vmem>>[vector<16xi32>], vector<16xf32>,
    %swap3A_315 = arith.constant 1 : i32
    %swap3A_316 = arith.index_cast %swap3A_315 : i32 to index
    %swap3A_317 = arith.constant 32 : index
    %swap3A_318 = tpu.vector_load %arg19[%swap3A_316, %swap3A_317] {strides = array<i32>} : memref<3x80xf32, #tpu.memory_space<vmem>>, vector<16xf32>,
    tpu.vector_store %arg19[%swap3A_316, %swap3A_317], %gather3A_314 {strides = array<i32>} : memref<3x80xf32, #tpu.memory_space<vmem>>, vector<16xf32>,
    %get3A_319 = arith.constant 1 : i32
    %get3A_320 = arith.index_cast %get3A_319 : i32 to index
    %get3A_321 = arith.constant 48 : index
    %get3A_322 = tpu.vector_load %arg13[%get3A_320, %get3A_321] {strides = array<i32>} : memref<2x80xi32, #tpu.memory_space<vmem>>, vector<16xi32>,
    %gather3A_323 = tpu.vector_load_idx %arg23[%get3A_322] : memref<10240xf32, #tpu.memory_space<vmem>>[vector<16xi32>], vector<16xf32>,
    %swap3A_324 = arith.constant 1 : i32
    %swap3A_325 = arith.index_cast %swap3A_324 : i32 to index
    %swap3A_326 = arith.constant 48 : index
    %swap3A_327 = tpu.vector_load %arg19[%swap3A_325, %swap3A_326] {strides = array<i32>} : memref<3x80xf32, #tpu.memory_space<vmem>>, vector<16xf32>,
    tpu.vector_store %arg19[%swap3A_325, %swap3A_326], %gather3A_323 {strides = array<i32>} : memref<3x80xf32, #tpu.memory_space<vmem>>, vector<16xf32>,
    %get3A_328 = arith.constant 1 : i32
    %get3A_329 = arith.index_cast %get3A_328 : i32 to index
    %get3A_330 = arith.constant 64 : index
    %get3A_331 = tpu.vector_load %arg13[%get3A_329, %get3A_330] {strides = array<i32>} : memref<2x80xi32, #tpu.memory_space<vmem>>, vector<16xi32>,
    %gather3A_332 = tpu.vector_load_idx %arg23[%get3A_331] : memref<10240xf32, #tpu.memory_space<vmem>>[vector<16xi32>], vector<16xf32>,
    %swap3A_333 = arith.constant 1 : i32
    %swap3A_334 = arith.index_cast %swap3A_333 : i32 to index
    %swap3A_335 = arith.constant 64 : index
    %swap3A_336 = tpu.vector_load %arg19[%swap3A_334, %swap3A_335] {strides = array<i32>} : memref<3x80xf32, #tpu.memory_space<vmem>>, vector<16xf32>,
    tpu.vector_store %arg19[%swap3A_334, %swap3A_335], %gather3A_332 {strides = array<i32>} : memref<3x80xf32, #tpu.memory_space<vmem>>, vector<16xf32>,
    %dma_start3A_337 = arith.constant 1 : i32
    %dma_start3A_338 = arith.constant 1 : i32
    %dma_start3A_339 = arith.constant 0 : i32
    %dma_start3A_340 = tpu.memref_slice %arg19[%dma_start3A_337, %dma_start3A_339] : memref<3x80xf32, #tpu.memory_space<vmem>> -> memref<1x80xf32, #tpu.memory_space<vmem>>
    %dma_start3A_341 = tpu.memref_squeeze %dma_start3A_340 : memref<1x80xf32, #tpu.memory_space<vmem>> -> memref<80xf32, #tpu.memory_space<vmem>>
    %dma_start3A_342 = arith.constant 0 : i32
    %dma_start3A_343 = tpu.memref_slice %arg12[%dma_start3A_338, %dma_start3A_342] : memref<2x80xi32, #tpu.memory_space<vmem>> -> memref<1x80xi32, #tpu.memory_space<vmem>>
    %dma_start3A_344 = tpu.memref_squeeze %dma_start3A_343 : memref<1x80xi32, #tpu.memory_space<vmem>> -> memref<80xi32, #tpu.memory_space<vmem>>
    %dma_start3A_345 = arith.constant 0 : i32
    %dma_start3A_346 = tpu.memref_slice %arg10[%dma_start3A_345] : memref<10240xf32, #tpu.memory_space<vmem_shared>> -> memref<10240xf32, #tpu.memory_space<vmem_shared>>
    tpu.enqueue_indirect_dma source(%dma_start3A_341 : memref<80xf32, #tpu.memory_space<vmem>>) target(%dma_start3A_346 : memref<10240xf32, #tpu.memory_space<vmem_shared>>) offsets(%dma_start3A_344 : memref<80xi32, #tpu.memory_space<vmem>>) semaphore(%arg31 : memref<!tpu.dma_semaphore, #tpu.memory_space<semaphore_mem>>) {add = true}
    %dma_wait3A_347 = arith.constant 0 : i32
    %dma_wait3A_348 = arith.constant 0 : i32
    %dma_wait3A_349 = arith.constant 0 : i32
    %dma_wait3A_350 = arith.constant 0 : i32
    %dma_wait3A_351 = tpu.memref_slice %arg18[%dma_wait3A_347, %dma_wait3A_349, %dma_wait3A_350] : memref<3x80x128xf32, #tpu.memory_space<vmem>> -> memref<1x80x128xf32, #tpu.memory_space<vmem>>
    %dma_wait3A_352 = tpu.memref_squeeze %dma_wait3A_351 : memref<1x80x128xf32, #tpu.memory_space<vmem>> -> memref<80x128xf32, #tpu.memory_space<vmem>>
    %dma_wait3A_353 = arith.constant 0 : i32
    %dma_wait3A_354 = tpu.memref_slice %arg13[%dma_wait3A_348, %dma_wait3A_353] : memref<2x80xi32, #tpu.memory_space<vmem>> -> memref<1x80xi32, #tpu.memory_space<vmem>>
    %dma_wait3A_355 = tpu.memref_squeeze %dma_wait3A_354 : memref<1x80xi32, #tpu.memory_space<vmem>> -> memref<80xi32, #tpu.memory_space<vmem>>
    %dma_wait3A_356 = arith.constant 0 : i32
    %dma_wait3A_357 = arith.constant 0 : i32
    %dma_wait3A_358 = tpu.memref_slice %arg9[%dma_wait3A_356, %dma_wait3A_357] : memref<10240x128xf32, #tpu.memory_space<vmem_shared>> -> memref<10240x128xf32, #tpu.memory_space<vmem_shared>>
    tpu.wait_indirect_dma semaphore(%arg27 : memref<!tpu.dma_semaphore, #tpu.memory_space<semaphore_mem>>) src(%dma_wait3A_352 : memref<80x128xf32, #tpu.memory_space<vmem>>) dst(%dma_wait3A_358 : memref<10240x128xf32, #tpu.memory_space<vmem_shared>>)
    %dma_wait3A_359 = arith.constant 0 : i32
    %dma_wait3A_360 = arith.constant 0 : i32
    %dma_wait3A_361 = arith.constant 0 : i32
    %dma_wait3A_362 = tpu.memref_slice %arg19[%dma_wait3A_359, %dma_wait3A_361] : memref<3x80xf32, #tpu.memory_space<vmem>> -> memref<1x80xf32, #tpu.memory_space<vmem>>
    %dma_wait3A_363 = tpu.memref_squeeze %dma_wait3A_362 : memref<1x80xf32, #tpu.memory_space<vmem>> -> memref<80xf32, #tpu.memory_space<vmem>>
    %dma_wait3A_364 = arith.constant 0 : i32
    %dma_wait3A_365 = tpu.memref_slice %arg12[%dma_wait3A_360, %dma_wait3A_364] : memref<2x80xi32, #tpu.memory_space<vmem>> -> memref<1x80xi32, #tpu.memory_space<vmem>>
    %dma_wait3A_366 = tpu.memref_squeeze %dma_wait3A_365 : memref<1x80xi32, #tpu.memory_space<vmem>> -> memref<80xi32, #tpu.memory_space<vmem>>
    %dma_wait3A_367 = arith.constant 0 : i32
    %dma_wait3A_368 = tpu.memref_slice %arg10[%dma_wait3A_367] : memref<10240xf32, #tpu.memory_space<vmem_shared>> -> memref<10240xf32, #tpu.memory_space<vmem_shared>>
    tpu.wait_indirect_dma semaphore(%arg30 : memref<!tpu.dma_semaphore, #tpu.memory_space<semaphore_mem>>) src(%dma_wait3A_363 : memref<80xf32, #tpu.memory_space<vmem>>) dst(%dma_wait3A_368 : memref<10240xf32, #tpu.memory_space<vmem_shared>>)
    %dma_start3A_369 = arith.constant 1 : i32
    %dma_start3A_370 = arith.constant 0 : i32
    %dma_start3A_371 = arith.constant 0 : i32
    %dma_start3A_372 = arith.constant 0 : i32
    %dma_start3A_373 = tpu.memref_slice %arg18[%dma_start3A_370, %dma_start3A_371, %dma_start3A_372] : memref<3x80x128xf32, #tpu.memory_space<vmem>> -> memref<1x80x128xf32, #tpu.memory_space<vmem>>
    %dma_start3A_374 = tpu.memref_squeeze %dma_start3A_373 : memref<1x80x128xf32, #tpu.memory_space<vmem>> -> memref<80x128xf32, #tpu.memory_space<vmem>>
    %dma_start3A_375 = arith.constant 0 : i32
    %dma_start3A_376 = tpu.memref_slice %arg14[%dma_start3A_369, %dma_start3A_375] : memref<2x80xi32, #tpu.memory_space<vmem>> -> memref<1x80xi32, #tpu.memory_space<vmem>>
    %dma_start3A_377 = tpu.memref_squeeze %dma_start3A_376 : memref<1x80xi32, #tpu.memory_space<vmem>> -> memref<80xi32, #tpu.memory_space<vmem>>
    %dma_start3A_378 = arith.constant 0 : i32
    %dma_start3A_379 = arith.constant 0 : i32
    %dma_start3A_380 = tpu.memref_slice %arg4[%dma_start3A_378, %dma_start3A_379] : memref<10000x128xf32, #tpu.memory_space<hbm>> -> memref<10000x128xf32, #tpu.memory_space<hbm>>
    tpu.enqueue_indirect_dma source(%dma_start3A_380 : memref<10000x128xf32, #tpu.memory_space<hbm>>) target(%dma_start3A_374 : memref<80x128xf32, #tpu.memory_space<vmem>>) offsets(%dma_start3A_377 : memref<80xi32, #tpu.memory_space<vmem>>) semaphore(%arg24 : memref<!tpu.dma_semaphore, #tpu.memory_space<semaphore_mem>>)
    %dma_wait3A_381 = arith.constant 0 : i32
    %dma_wait3A_382 = arith.constant 2 : i32
    %dma_wait3A_383 = arith.constant 0 : i32
    %dma_wait3A_384 = arith.constant 0 : i32
    %dma_wait3A_385 = tpu.memref_slice %arg18[%dma_wait3A_382, %dma_wait3A_383, %dma_wait3A_384] : memref<3x80x128xf32, #tpu.memory_space<vmem>> -> memref<1x80x128xf32, #tpu.memory_space<vmem>>
    %dma_wait3A_386 = tpu.memref_squeeze %dma_wait3A_385 : memref<1x80x128xf32, #tpu.memory_space<vmem>> -> memref<80x128xf32, #tpu.memory_space<vmem>>
    %dma_wait3A_387 = arith.constant 0 : i32
    %dma_wait3A_388 = tpu.memref_slice %arg14[%dma_wait3A_381, %dma_wait3A_387] : memref<2x80xi32, #tpu.memory_space<vmem>> -> memref<1x80xi32, #tpu.memory_space<vmem>>
    %dma_wait3A_389 = tpu.memref_squeeze %dma_wait3A_388 : memref<1x80xi32, #tpu.memory_space<vmem>> -> memref<80xi32, #tpu.memory_space<vmem>>
    %dma_wait3A_390 = arith.constant 0 : i32
    %dma_wait3A_391 = arith.constant 0 : i32
    %dma_wait3A_392 = tpu.memref_slice %arg4[%dma_wait3A_390, %dma_wait3A_391] : memref<10000x128xf32, #tpu.memory_space<hbm>> -> memref<10000x128xf32, #tpu.memory_space<hbm>>
    tpu.wait_indirect_dma semaphore(%arg26 : memref<!tpu.dma_semaphore, #tpu.memory_space<semaphore_mem>>) src(%dma_wait3A_392 : memref<10000x128xf32, #tpu.memory_space<hbm>>) dst(%dma_wait3A_386 : memref<80x128xf32, #tpu.memory_space<vmem>>)
    %dma_start3A_393 = arith.constant 2 : i32
    %dma_start3A_394 = arith.constant 0 : i32
    %dma_start3A_395 = arith.constant 0 : i32
    %dma_start3A_396 = arith.constant 0 : i32
    %dma_start3A_397 = tpu.memref_slice %arg18[%dma_start3A_393, %dma_start3A_395, %dma_start3A_396] : memref<3x80x128xf32, #tpu.memory_space<vmem>> -> memref<1x80x128xf32, #tpu.memory_space<vmem>>
    %dma_start3A_398 = tpu.memref_squeeze %dma_start3A_397 : memref<1x80x128xf32, #tpu.memory_space<vmem>> -> memref<80x128xf32, #tpu.memory_space<vmem>>
    %dma_start3A_399 = arith.constant 0 : i32
    %dma_start3A_400 = tpu.memref_slice %arg15[%dma_start3A_394, %dma_start3A_399] : memref<2x80xi32, #tpu.memory_space<vmem>> -> memref<1x80xi32, #tpu.memory_space<vmem>>
    %dma_start3A_401 = tpu.memref_squeeze %dma_start3A_400 : memref<1x80xi32, #tpu.memory_space<vmem>> -> memref<80xi32, #tpu.memory_space<vmem>>
    %dma_start3A_402 = arith.constant 0 : i32
    %dma_start3A_403 = arith.constant 0 : i32
    %dma_start3A_404 = tpu.memref_slice %arg9[%dma_start3A_402, %dma_start3A_403] : memref<10240x128xf32, #tpu.memory_space<vmem_shared>> -> memref<10240x128xf32, #tpu.memory_space<vmem_shared>>
    tpu.enqueue_indirect_dma source(%dma_start3A_398 : memref<80x128xf32, #tpu.memory_space<vmem>>) target(%dma_start3A_404 : memref<10240x128xf32, #tpu.memory_space<vmem_shared>>) offsets(%dma_start3A_401 : memref<80xi32, #tpu.memory_space<vmem>>) semaphore(%arg29 : memref<!tpu.dma_semaphore, #tpu.memory_space<semaphore_mem>>) {add = true}
    %get3A_405 = arith.constant 0 : i32
    %get3A_406 = arith.index_cast %get3A_405 : i32 to index
    %get3A_407 = arith.constant 0 : index
    %get3A_408 = tpu.vector_load %arg15[%get3A_406, %get3A_407] {strides = array<i32>} : memref<2x80xi32, #tpu.memory_space<vmem>>, vector<16xi32>,
    %gather3A_409 = tpu.vector_load_idx %arg23[%get3A_408] : memref<10240xf32, #tpu.memory_space<vmem>>[vector<16xi32>], vector<16xf32>,
    %swap3A_410 = arith.constant 2 : i32
    %swap3A_411 = arith.index_cast %swap3A_410 : i32 to index
    %swap3A_412 = arith.constant 0 : index
    %swap3A_413 = tpu.vector_load %arg19[%swap3A_411, %swap3A_412] {strides = array<i32>} : memref<3x80xf32, #tpu.memory_space<vmem>>, vector<16xf32>,
    tpu.vector_store %arg19[%swap3A_411, %swap3A_412], %gather3A_409 {strides = array<i32>} : memref<3x80xf32, #tpu.memory_space<vmem>>, vector<16xf32>,
    %get3A_414 = arith.constant 0 : i32
    %get3A_415 = arith.index_cast %get3A_414 : i32 to index
    %get3A_416 = arith.constant 16 : index
    %get3A_417 = tpu.vector_load %arg15[%get3A_415, %get3A_416] {strides = array<i32>} : memref<2x80xi32, #tpu.memory_space<vmem>>, vector<16xi32>,
    %gather3A_418 = tpu.vector_load_idx %arg23[%get3A_417] : memref<10240xf32, #tpu.memory_space<vmem>>[vector<16xi32>], vector<16xf32>,
    %swap3A_419 = arith.constant 2 : i32
    %swap3A_420 = arith.index_cast %swap3A_419 : i32 to index
    %swap3A_421 = arith.constant 16 : index
    %swap3A_422 = tpu.vector_load %arg19[%swap3A_420, %swap3A_421] {strides = array<i32>} : memref<3x80xf32, #tpu.memory_space<vmem>>, vector<16xf32>,
    tpu.vector_store %arg19[%swap3A_420, %swap3A_421], %gather3A_418 {strides = array<i32>} : memref<3x80xf32, #tpu.memory_space<vmem>>, vector<16xf32>,
    %get3A_423 = arith.constant 0 : i32
    %get3A_424 = arith.index_cast %get3A_423 : i32 to index
    %get3A_425 = arith.constant 32 : index
    %get3A_426 = tpu.vector_load %arg15[%get3A_424, %get3A_425] {strides = array<i32>} : memref<2x80xi32, #tpu.memory_space<vmem>>, vector<16xi32>,
    %gather3A_427 = tpu.vector_load_idx %arg23[%get3A_426] : memref<10240xf32, #tpu.memory_space<vmem>>[vector<16xi32>], vector<16xf32>,
    %swap3A_428 = arith.constant 2 : i32
    %swap3A_429 = arith.index_cast %swap3A_428 : i32 to index
    %swap3A_430 = arith.constant 32 : index
    %swap3A_431 = tpu.vector_load %arg19[%swap3A_429, %swap3A_430] {strides = array<i32>} : memref<3x80xf32, #tpu.memory_space<vmem>>, vector<16xf32>,
    tpu.vector_store %arg19[%swap3A_429, %swap3A_430], %gather3A_427 {strides = array<i32>} : memref<3x80xf32, #tpu.memory_space<vmem>>, vector<16xf32>,
    %get3A_432 = arith.constant 0 : i32
    %get3A_433 = arith.index_cast %get3A_432 : i32 to index
    %get3A_434 = arith.constant 48 : index
    %get3A_435 = tpu.vector_load %arg15[%get3A_433, %get3A_434] {strides = array<i32>} : memref<2x80xi32, #tpu.memory_space<vmem>>, vector<16xi32>,
    %gather3A_436 = tpu.vector_load_idx %arg23[%get3A_435] : memref<10240xf32, #tpu.memory_space<vmem>>[vector<16xi32>], vector<16xf32>,
    %swap3A_437 = arith.constant 2 : i32
    %swap3A_438 = arith.index_cast %swap3A_437 : i32 to index
    %swap3A_439 = arith.constant 48 : index
    %swap3A_440 = tpu.vector_load %arg19[%swap3A_438, %swap3A_439] {strides = array<i32>} : memref<3x80xf32, #tpu.memory_space<vmem>>, vector<16xf32>,
    tpu.vector_store %arg19[%swap3A_438, %swap3A_439], %gather3A_436 {strides = array<i32>} : memref<3x80xf32, #tpu.memory_space<vmem>>, vector<16xf32>,
    %get3A_441 = arith.constant 0 : i32
    %get3A_442 = arith.index_cast %get3A_441 : i32 to index
    %get3A_443 = arith.constant 64 : index
    %get3A_444 = tpu.vector_load %arg15[%get3A_442, %get3A_443] {strides = array<i32>} : memref<2x80xi32, #tpu.memory_space<vmem>>, vector<16xi32>,
    %gather3A_445 = tpu.vector_load_idx %arg23[%get3A_444] : memref<10240xf32, #tpu.memory_space<vmem>>[vector<16xi32>], vector<16xf32>,
    %swap3A_446 = arith.constant 2 : i32
    %swap3A_447 = arith.index_cast %swap3A_446 : i32 to index
    %swap3A_448 = arith.constant 64 : index
    %swap3A_449 = tpu.vector_load %arg19[%swap3A_447, %swap3A_448] {strides = array<i32>} : memref<3x80xf32, #tpu.memory_space<vmem>>, vector<16xf32>,
    tpu.vector_store %arg19[%swap3A_447, %swap3A_448], %gather3A_445 {strides = array<i32>} : memref<3x80xf32, #tpu.memory_space<vmem>>, vector<16xf32>,
    %dma_start3A_450 = arith.constant 2 : i32
    %dma_start3A_451 = arith.constant 0 : i32
    %dma_start3A_452 = arith.constant 0 : i32
    %dma_start3A_453 = tpu.memref_slice %arg19[%dma_start3A_450, %dma_start3A_452] : memref<3x80xf32, #tpu.memory_space<vmem>> -> memref<1x80xf32, #tpu.memory_space<vmem>>
    %dma_start3A_454 = tpu.memref_squeeze %dma_start3A_453 : memref<1x80xf32, #tpu.memory_space<vmem>> -> memref<80xf32, #tpu.memory_space<vmem>>
    %dma_start3A_455 = arith.constant 0 : i32
    %dma_start3A_456 = tpu.memref_slice %arg14[%dma_start3A_451, %dma_start3A_455] : memref<2x80xi32, #tpu.memory_space<vmem>> -> memref<1x80xi32, #tpu.memory_space<vmem>>
    %dma_start3A_457 = tpu.memref_squeeze %dma_start3A_456 : memref<1x80xi32, #tpu.memory_space<vmem>> -> memref<80xi32, #tpu.memory_space<vmem>>
    %dma_start3A_458 = arith.constant 0 : i32
    %dma_start3A_459 = tpu.memref_slice %arg10[%dma_start3A_458] : memref<10240xf32, #tpu.memory_space<vmem_shared>> -> memref<10240xf32, #tpu.memory_space<vmem_shared>>
    tpu.enqueue_indirect_dma source(%dma_start3A_454 : memref<80xf32, #tpu.memory_space<vmem>>) target(%dma_start3A_459 : memref<10240xf32, #tpu.memory_space<vmem_shared>>) offsets(%dma_start3A_457 : memref<80xi32, #tpu.memory_space<vmem>>) semaphore(%arg32 : memref<!tpu.dma_semaphore, #tpu.memory_space<semaphore_mem>>) {add = true}
    %dma_wait3A_460 = arith.constant 1 : i32
    %dma_wait3A_461 = arith.constant 1 : i32
    %dma_wait3A_462 = arith.constant 0 : i32
    %dma_wait3A_463 = arith.constant 0 : i32
    %dma_wait3A_464 = tpu.memref_slice %arg18[%dma_wait3A_460, %dma_wait3A_462, %dma_wait3A_463] : memref<3x80x128xf32, #tpu.memory_space<vmem>> -> memref<1x80x128xf32, #tpu.memory_space<vmem>>
    %dma_wait3A_465 = tpu.memref_squeeze %dma_wait3A_464 : memref<1x80x128xf32, #tpu.memory_space<vmem>> -> memref<80x128xf32, #tpu.memory_space<vmem>>
    %dma_wait3A_466 = arith.constant 0 : i32
    %dma_wait3A_467 = tpu.memref_slice %arg13[%dma_wait3A_461, %dma_wait3A_466] : memref<2x80xi32, #tpu.memory_space<vmem>> -> memref<1x80xi32, #tpu.memory_space<vmem>>
    %dma_wait3A_468 = tpu.memref_squeeze %dma_wait3A_467 : memref<1x80xi32, #tpu.memory_space<vmem>> -> memref<80xi32, #tpu.memory_space<vmem>>
    %dma_wait3A_469 = arith.constant 0 : i32
    %dma_wait3A_470 = arith.constant 0 : i32
    %dma_wait3A_471 = tpu.memref_slice %arg9[%dma_wait3A_469, %dma_wait3A_470] : memref<10240x128xf32, #tpu.memory_space<vmem_shared>> -> memref<10240x128xf32, #tpu.memory_space<vmem_shared>>
    tpu.wait_indirect_dma semaphore(%arg28 : memref<!tpu.dma_semaphore, #tpu.memory_space<semaphore_mem>>) src(%dma_wait3A_465 : memref<80x128xf32, #tpu.memory_space<vmem>>) dst(%dma_wait3A_471 : memref<10240x128xf32, #tpu.memory_space<vmem_shared>>)
    %dma_wait3A_472 = arith.constant 1 : i32
    %dma_wait3A_473 = arith.constant 1 : i32
    %dma_wait3A_474 = arith.constant 0 : i32
    %dma_wait3A_475 = tpu.memref_slice %arg19[%dma_wait3A_472, %dma_wait3A_474] : memref<3x80xf32, #tpu.memory_space<vmem>> -> memref<1x80xf32, #tpu.memory_space<vmem>>
    %dma_wait3A_476 = tpu.memref_squeeze %dma_wait3A_475 : memref<1x80xf32, #tpu.memory_space<vmem>> -> memref<80xf32, #tpu.memory_space<vmem>>
    %dma_wait3A_477 = arith.constant 0 : i32
    %dma_wait3A_478 = tpu.memref_slice %arg12[%dma_wait3A_473, %dma_wait3A_477] : memref<2x80xi32, #tpu.memory_space<vmem>> -> memref<1x80xi32, #tpu.memory_space<vmem>>
    %dma_wait3A_479 = tpu.memref_squeeze %dma_wait3A_478 : memref<1x80xi32, #tpu.memory_space<vmem>> -> memref<80xi32, #tpu.memory_space<vmem>>
    %dma_wait3A_480 = arith.constant 0 : i32
    %dma_wait3A_481 = tpu.memref_slice %arg10[%dma_wait3A_480] : memref<10240xf32, #tpu.memory_space<vmem_shared>> -> memref<10240xf32, #tpu.memory_space<vmem_shared>>
    tpu.wait_indirect_dma semaphore(%arg31 : memref<!tpu.dma_semaphore, #tpu.memory_space<semaphore_mem>>) src(%dma_wait3A_476 : memref<80xf32, #tpu.memory_space<vmem>>) dst(%dma_wait3A_481 : memref<10240xf32, #tpu.memory_space<vmem_shared>>)
    "tpu.region"() ({
      %run_scoped3A_719 = tpu.sem_alloc : memref<!tpu.dma_semaphore, #tpu.memory_space<semaphore_mem>>
      %dma_start3A_720 = arith.constant 0 : i32
      %dma_start3A_721 = arith.constant 0 : i32
      %dma_start3A_722 = tpu.memref_slice %arg12[%dma_start3A_720, %dma_start3A_721] : memref<2x80xi32, #tpu.memory_space<vmem>> -> memref<1x80xi32, #tpu.memory_space<vmem>>
      %dma_start3A_723 = arith.constant 124 : i32
      %dma_start3A_724 = arith.constant 0 : i32
      %dma_start3A_725 = tpu.memref_slice %arg2[%add3A, %dma_start3A_723, %dma_start3A_724] : memref<32x125x80xi32, #tpu.memory_space<hbm>> -> memref<1x1x80xi32, #tpu.memory_space<hbm>>
      %dma_start3A_726 = tpu.memref_squeeze %dma_start3A_725 : memref<1x1x80xi32, #tpu.memory_space<hbm>> -> memref<1x80xi32, #tpu.memory_space<hbm>>
      %dma_start3A_727 = arith.constant 0 : i32
      %dma_start3A_728 = arith.constant 0 : i32
      %dma_start3A_729 = tpu.memref_slice %arg12[%dma_start3A_727, %dma_start3A_728] : memref<2x80xi32, #tpu.memory_space<vmem>> -> memref<1x80xi32, #tpu.memory_space<vmem>>
      %dma_start3A_730 = arith.constant 124 : i32
      %dma_start3A_731 = arith.constant 0 : i32
      %dma_start3A_732 = tpu.memref_slice %arg2[%add3A, %dma_start3A_730, %dma_start3A_731] : memref<32x125x80xi32, #tpu.memory_space<hbm>> -> memref<1x1x80xi32, #tpu.memory_space<hbm>>
      %dma_start3A_733 = tpu.memref_squeeze %dma_start3A_732 : memref<1x1x80xi32, #tpu.memory_space<hbm>> -> memref<1x80xi32, #tpu.memory_space<hbm>>
      tpu.enqueue_dma source(%dma_start3A_733 : memref<1x80xi32, #tpu.memory_space<hbm>>) target(%dma_start3A_729 : memref<1x80xi32, #tpu.memory_space<vmem>>) target_semaphore(%run_scoped3A_719 : memref<!tpu.dma_semaphore, #tpu.memory_space<semaphore_mem>>)
      %dma_wait3A_734 = arith.constant 0 : i32
      %dma_wait3A_735 = arith.constant 0 : i32
      %dma_wait3A_736 = tpu.memref_slice %arg12[%dma_wait3A_734, %dma_wait3A_735] : memref<2x80xi32, #tpu.memory_space<vmem>> -> memref<1x80xi32, #tpu.memory_space<vmem>>
      %dma_wait3A_737 = arith.constant 124 : i32
      %dma_wait3A_738 = arith.constant 0 : i32
      %dma_wait3A_739 = tpu.memref_slice %arg2[%add3A, %dma_wait3A_737, %dma_wait3A_738] : memref<32x125x80xi32, #tpu.memory_space<hbm>> -> memref<1x1x80xi32, #tpu.memory_space<hbm>>
      %dma_wait3A_740 = tpu.memref_squeeze %dma_wait3A_739 : memref<1x1x80xi32, #tpu.memory_space<hbm>> -> memref<1x80xi32, #tpu.memory_space<hbm>>
      %dma_wait3A_741 = arith.constant 0 : i32
      %dma_wait3A_742 = arith.constant 0 : i32
      %dma_wait3A_743 = tpu.memref_slice %arg12[%dma_wait3A_741, %dma_wait3A_742] : memref<2x80xi32, #tpu.memory_space<vmem>> -> memref<1x80xi32, #tpu.memory_space<vmem>>
      %dma_wait3A_744 = arith.constant 124 : i32
      %dma_wait3A_745 = arith.constant 0 : i32
      %dma_wait3A_746 = tpu.memref_slice %arg2[%add3A, %dma_wait3A_744, %dma_wait3A_745] : memref<32x125x80xi32, #tpu.memory_space<hbm>> -> memref<1x1x80xi32, #tpu.memory_space<hbm>>
      %dma_wait3A_747 = tpu.memref_squeeze %dma_wait3A_746 : memref<1x1x80xi32, #tpu.memory_space<hbm>> -> memref<1x80xi32, #tpu.memory_space<hbm>>
      tpu.wait_dma2 semaphore(%run_scoped3A_719 : memref<!tpu.dma_semaphore, #tpu.memory_space<semaphore_mem>>) src(%dma_wait3A_747 : memref<1x80xi32, #tpu.memory_space<hbm>>) dst(%dma_wait3A_743 : memref<1x80xi32, #tpu.memory_space<vmem>>)
      tpu.yield
    }) : () -> ()
    "tpu.region"() ({
      %run_scoped3A_719 = tpu.sem_alloc : memref<!tpu.dma_semaphore, #tpu.memory_space<semaphore_mem>>
      %dma_start3A_720 = arith.constant 0 : i32
      %dma_start3A_721 = arith.constant 0 : i32
      %dma_start3A_722 = tpu.memref_slice %arg13[%dma_start3A_720, %dma_start3A_721] : memref<2x80xi32, #tpu.memory_space<vmem>> -> memref<1x80xi32, #tpu.memory_space<vmem>>
      %dma_start3A_723 = arith.constant 124 : i32
      %dma_start3A_724 = arith.constant 0 : i32
      %dma_start3A_725 = tpu.memref_slice %arg3[%add3A, %dma_start3A_723, %dma_start3A_724] : memref<32x125x80xi32, #tpu.memory_space<hbm>> -> memref<1x1x80xi32, #tpu.memory_space<hbm>>
      %dma_start3A_726 = tpu.memref_squeeze %dma_start3A_725 : memref<1x1x80xi32, #tpu.memory_space<hbm>> -> memref<1x80xi32, #tpu.memory_space<hbm>>
      %dma_start3A_727 = arith.constant 0 : i32
      %dma_start3A_728 = arith.constant 0 : i32
      %dma_start3A_729 = tpu.memref_slice %arg13[%dma_start3A_727, %dma_start3A_728] : memref<2x80xi32, #tpu.memory_space<vmem>> -> memref<1x80xi32, #tpu.memory_space<vmem>>
      %dma_start3A_730 = arith.constant 124 : i32
      %dma_start3A_731 = arith.constant 0 : i32
      %dma_start3A_732 = tpu.memref_slice %arg3[%add3A, %dma_start3A_730, %dma_start3A_731] : memref<32x125x80xi32, #tpu.memory_space<hbm>> -> memref<1x1x80xi32, #tpu.memory_space<hbm>>
      %dma_start3A_733 = tpu.memref_squeeze %dma_start3A_732 : memref<1x1x80xi32, #tpu.memory_space<hbm>> -> memref<1x80xi32, #tpu.memory_space<hbm>>
      tpu.enqueue_dma source(%dma_start3A_733 : memref<1x80xi32, #tpu.memory_space<hbm>>) target(%dma_start3A_729 : memref<1x80xi32, #tpu.memory_space<vmem>>) target_semaphore(%run_scoped3A_719 : memref<!tpu.dma_semaphore, #tpu.memory_space<semaphore_mem>>)
      %dma_wait3A_734 = arith.constant 0 : i32
      %dma_wait3A_735 = arith.constant 0 : i32
      %dma_wait3A_736 = tpu.memref_slice %arg13[%dma_wait3A_734, %dma_wait3A_735] : memref<2x80xi32, #tpu.memory_space<vmem>> -> memref<1x80xi32, #tpu.memory_space<vmem>>
      %dma_wait3A_737 = arith.constant 124 : i32
      %dma_wait3A_738 = arith.constant 0 : i32
      %dma_wait3A_739 = tpu.memref_slice %arg3[%add3A, %dma_wait3A_737, %dma_wait3A_738] : memref<32x125x80xi32, #tpu.memory_space<hbm>> -> memref<1x1x80xi32, #tpu.memory_space<hbm>>
      %dma_wait3A_740 = tpu.memref_squeeze %dma_wait3A_739 : memref<1x1x80xi32, #tpu.memory_space<hbm>> -> memref<1x80xi32, #tpu.memory_space<hbm>>
      %dma_wait3A_741 = arith.constant 0 : i32
      %dma_wait3A_742 = arith.constant 0 : i32
      %dma_wait3A_743 = tpu.memref_slice %arg13[%dma_wait3A_741, %dma_wait3A_742] : memref<2x80xi32, #tpu.memory_space<vmem>> -> memref<1x80xi32, #tpu.memory_space<vmem>>
      %dma_wait3A_744 = arith.constant 124 : i32
      %dma_wait3A_745 = arith.constant 0 : i32
      %dma_wait3A_746 = tpu.memref_slice %arg3[%add3A, %dma_wait3A_744, %dma_wait3A_745] : memref<32x125x80xi32, #tpu.memory_space<hbm>> -> memref<1x1x80xi32, #tpu.memory_space<hbm>>
      %dma_wait3A_747 = tpu.memref_squeeze %dma_wait3A_746 : memref<1x1x80xi32, #tpu.memory_space<hbm>> -> memref<1x80xi32, #tpu.memory_space<hbm>>
      tpu.wait_dma2 semaphore(%run_scoped3A_719 : memref<!tpu.dma_semaphore, #tpu.memory_space<semaphore_mem>>) src(%dma_wait3A_747 : memref<1x80xi32, #tpu.memory_space<hbm>>) dst(%dma_wait3A_743 : memref<1x80xi32, #tpu.memory_space<vmem>>)
      tpu.yield
    }) : () -> ()
    %dma_start3A_482 = arith.constant 0 : i32
    %dma_start3A_483 = arith.constant 1 : i32
    %dma_start3A_484 = arith.constant 0 : i32
    %dma_start3A_485 = arith.constant 0 : i32
    %dma_start3A_486 = tpu.memref_slice %arg18[%dma_start3A_483, %dma_start3A_484, %dma_start3A_485] : memref<3x80x128xf32, #tpu.memory_space<vmem>> -> memref<1x80x128xf32, #tpu.memory_space<vmem>>
    %dma_start3A_487 = tpu.memref_squeeze %dma_start3A_486 : memref<1x80x128xf32, #tpu.memory_space<vmem>> -> memref<80x128xf32, #tpu.memory_space<vmem>>
    %dma_start3A_488 = arith.constant 0 : i32
    %dma_start3A_489 = tpu.memref_slice %arg12[%dma_start3A_482, %dma_start3A_488] : memref<2x80xi32, #tpu.memory_space<vmem>> -> memref<1x80xi32, #tpu.memory_space<vmem>>
    %dma_start3A_490 = tpu.memref_squeeze %dma_start3A_489 : memref<1x80xi32, #tpu.memory_space<vmem>> -> memref<80xi32, #tpu.memory_space<vmem>>
    %dma_start3A_491 = arith.constant 0 : i32
    %dma_start3A_492 = arith.constant 0 : i32
    %dma_start3A_493 = tpu.memref_slice %arg4[%dma_start3A_491, %dma_start3A_492] : memref<10000x128xf32, #tpu.memory_space<hbm>> -> memref<10000x128xf32, #tpu.memory_space<hbm>>
    tpu.enqueue_indirect_dma source(%dma_start3A_493 : memref<10000x128xf32, #tpu.memory_space<hbm>>) target(%dma_start3A_487 : memref<80x128xf32, #tpu.memory_space<vmem>>) offsets(%dma_start3A_490 : memref<80xi32, #tpu.memory_space<vmem>>) semaphore(%arg25 : memref<!tpu.dma_semaphore, #tpu.memory_space<semaphore_mem>>)
    %dma_wait3A_494 = arith.constant 1 : i32
    %dma_wait3A_495 = arith.constant 0 : i32
    %dma_wait3A_496 = arith.constant 0 : i32
    %dma_wait3A_497 = arith.constant 0 : i32
    %dma_wait3A_498 = tpu.memref_slice %arg18[%dma_wait3A_495, %dma_wait3A_496, %dma_wait3A_497] : memref<3x80x128xf32, #tpu.memory_space<vmem>> -> memref<1x80x128xf32, #tpu.memory_space<vmem>>
    %dma_wait3A_499 = tpu.memref_squeeze %dma_wait3A_498 : memref<1x80x128xf32, #tpu.memory_space<vmem>> -> memref<80x128xf32, #tpu.memory_space<vmem>>
    %dma_wait3A_500 = arith.constant 0 : i32
    %dma_wait3A_501 = tpu.memref_slice %arg14[%dma_wait3A_494, %dma_wait3A_500] : memref<2x80xi32, #tpu.memory_space<vmem>> -> memref<1x80xi32, #tpu.memory_space<vmem>>
    %dma_wait3A_502 = tpu.memref_squeeze %dma_wait3A_501 : memref<1x80xi32, #tpu.memory_space<vmem>> -> memref<80xi32, #tpu.memory_space<vmem>>
    %dma_wait3A_503 = arith.constant 0 : i32
    %dma_wait3A_504 = arith.constant 0 : i32
    %dma_wait3A_505 = tpu.memref_slice %arg4[%dma_wait3A_503, %dma_wait3A_504] : memref<10000x128xf32, #tpu.memory_space<hbm>> -> memref<10000x128xf32, #tpu.memory_space<hbm>>
    tpu.wait_indirect_dma semaphore(%arg24 : memref<!tpu.dma_semaphore, #tpu.memory_space<semaphore_mem>>) src(%dma_wait3A_505 : memref<10000x128xf32, #tpu.memory_space<hbm>>) dst(%dma_wait3A_499 : memref<80x128xf32, #tpu.memory_space<vmem>>)
    %dma_start3A_506 = arith.constant 0 : i32
    %dma_start3A_507 = arith.constant 1 : i32
    %dma_start3A_508 = arith.constant 0 : i32
    %dma_start3A_509 = arith.constant 0 : i32
    %dma_start3A_510 = tpu.memref_slice %arg18[%dma_start3A_506, %dma_start3A_508, %dma_start3A_509] : memref<3x80x128xf32, #tpu.memory_space<vmem>> -> memref<1x80x128xf32, #tpu.memory_space<vmem>>
    %dma_start3A_511 = tpu.memref_squeeze %dma_start3A_510 : memref<1x80x128xf32, #tpu.memory_space<vmem>> -> memref<80x128xf32, #tpu.memory_space<vmem>>
    %dma_start3A_512 = arith.constant 0 : i32
    %dma_start3A_513 = tpu.memref_slice %arg15[%dma_start3A_507, %dma_start3A_512] : memref<2x80xi32, #tpu.memory_space<vmem>> -> memref<1x80xi32, #tpu.memory_space<vmem>>
    %dma_start3A_514 = tpu.memref_squeeze %dma_start3A_513 : memref<1x80xi32, #tpu.memory_space<vmem>> -> memref<80xi32, #tpu.memory_space<vmem>>
    %dma_start3A_515 = arith.constant 0 : i32
    %dma_start3A_516 = arith.constant 0 : i32
    %dma_start3A_517 = tpu.memref_slice %arg9[%dma_start3A_515, %dma_start3A_516] : memref<10240x128xf32, #tpu.memory_space<vmem_shared>> -> memref<10240x128xf32, #tpu.memory_space<vmem_shared>>
    tpu.enqueue_indirect_dma source(%dma_start3A_511 : memref<80x128xf32, #tpu.memory_space<vmem>>) target(%dma_start3A_517 : memref<10240x128xf32, #tpu.memory_space<vmem_shared>>) offsets(%dma_start3A_514 : memref<80xi32, #tpu.memory_space<vmem>>) semaphore(%arg27 : memref<!tpu.dma_semaphore, #tpu.memory_space<semaphore_mem>>) {add = true}
    %get3A_518 = arith.constant 1 : i32
    %get3A_519 = arith.index_cast %get3A_518 : i32 to index
    %get3A_520 = arith.constant 0 : index
    %get3A_521 = tpu.vector_load %arg15[%get3A_519, %get3A_520] {strides = array<i32>} : memref<2x80xi32, #tpu.memory_space<vmem>>, vector<16xi32>,
    %gather3A_522 = tpu.vector_load_idx %arg23[%get3A_521] : memref<10240xf32, #tpu.memory_space<vmem>>[vector<16xi32>], vector<16xf32>,
    %swap3A_523 = arith.constant 0 : i32
    %swap3A_524 = arith.index_cast %swap3A_523 : i32 to index
    %swap3A_525 = arith.constant 0 : index
    %swap3A_526 = tpu.vector_load %arg19[%swap3A_524, %swap3A_525] {strides = array<i32>} : memref<3x80xf32, #tpu.memory_space<vmem>>, vector<16xf32>,
    tpu.vector_store %arg19[%swap3A_524, %swap3A_525], %gather3A_522 {strides = array<i32>} : memref<3x80xf32, #tpu.memory_space<vmem>>, vector<16xf32>,
    %get3A_527 = arith.constant 1 : i32
    %get3A_528 = arith.index_cast %get3A_527 : i32 to index
    %get3A_529 = arith.constant 16 : index
    %get3A_530 = tpu.vector_load %arg15[%get3A_528, %get3A_529] {strides = array<i32>} : memref<2x80xi32, #tpu.memory_space<vmem>>, vector<16xi32>,
    %gather3A_531 = tpu.vector_load_idx %arg23[%get3A_530] : memref<10240xf32, #tpu.memory_space<vmem>>[vector<16xi32>], vector<16xf32>,
    %swap3A_532 = arith.constant 0 : i32
    %swap3A_533 = arith.index_cast %swap3A_532 : i32 to index
    %swap3A_534 = arith.constant 16 : index
    %swap3A_535 = tpu.vector_load %arg19[%swap3A_533, %swap3A_534] {strides = array<i32>} : memref<3x80xf32, #tpu.memory_space<vmem>>, vector<16xf32>,
    tpu.vector_store %arg19[%swap3A_533, %swap3A_534], %gather3A_531 {strides = array<i32>} : memref<3x80xf32, #tpu.memory_space<vmem>>, vector<16xf32>,
    %get3A_536 = arith.constant 1 : i32
    %get3A_537 = arith.index_cast %get3A_536 : i32 to index
    %get3A_538 = arith.constant 32 : index
    %get3A_539 = tpu.vector_load %arg15[%get3A_537, %get3A_538] {strides = array<i32>} : memref<2x80xi32, #tpu.memory_space<vmem>>, vector<16xi32>,
    %gather3A_540 = tpu.vector_load_idx %arg23[%get3A_539] : memref<10240xf32, #tpu.memory_space<vmem>>[vector<16xi32>], vector<16xf32>,
    %swap3A_541 = arith.constant 0 : i32
    %swap3A_542 = arith.index_cast %swap3A_541 : i32 to index
    %swap3A_543 = arith.constant 32 : index
    %swap3A_544 = tpu.vector_load %arg19[%swap3A_542, %swap3A_543] {strides = array<i32>} : memref<3x80xf32, #tpu.memory_space<vmem>>, vector<16xf32>,
    tpu.vector_store %arg19[%swap3A_542, %swap3A_543], %gather3A_540 {strides = array<i32>} : memref<3x80xf32, #tpu.memory_space<vmem>>, vector<16xf32>,
    %get3A_545 = arith.constant 1 : i32
    %get3A_546 = arith.index_cast %get3A_545 : i32 to index
    %get3A_547 = arith.constant 48 : index
    %get3A_548 = tpu.vector_load %arg15[%get3A_546, %get3A_547] {strides = array<i32>} : memref<2x80xi32, #tpu.memory_space<vmem>>, vector<16xi32>,
    %gather3A_549 = tpu.vector_load_idx %arg23[%get3A_548] : memref<10240xf32, #tpu.memory_space<vmem>>[vector<16xi32>], vector<16xf32>,
    %swap3A_550 = arith.constant 0 : i32
    %swap3A_551 = arith.index_cast %swap3A_550 : i32 to index
    %swap3A_552 = arith.constant 48 : index
    %swap3A_553 = tpu.vector_load %arg19[%swap3A_551, %swap3A_552] {strides = array<i32>} : memref<3x80xf32, #tpu.memory_space<vmem>>, vector<16xf32>,
    tpu.vector_store %arg19[%swap3A_551, %swap3A_552], %gather3A_549 {strides = array<i32>} : memref<3x80xf32, #tpu.memory_space<vmem>>, vector<16xf32>,
    %get3A_554 = arith.constant 1 : i32
    %get3A_555 = arith.index_cast %get3A_554 : i32 to index
    %get3A_556 = arith.constant 64 : index
    %get3A_557 = tpu.vector_load %arg15[%get3A_555, %get3A_556] {strides = array<i32>} : memref<2x80xi32, #tpu.memory_space<vmem>>, vector<16xi32>,
    %gather3A_558 = tpu.vector_load_idx %arg23[%get3A_557] : memref<10240xf32, #tpu.memory_space<vmem>>[vector<16xi32>], vector<16xf32>,
    %swap3A_559 = arith.constant 0 : i32
    %swap3A_560 = arith.index_cast %swap3A_559 : i32 to index
    %swap3A_561 = arith.constant 64 : index
    %swap3A_562 = tpu.vector_load %arg19[%swap3A_560, %swap3A_561] {strides = array<i32>} : memref<3x80xf32, #tpu.memory_space<vmem>>, vector<16xf32>,
    tpu.vector_store %arg19[%swap3A_560, %swap3A_561], %gather3A_558 {strides = array<i32>} : memref<3x80xf32, #tpu.memory_space<vmem>>, vector<16xf32>,
    %dma_start3A_563 = arith.constant 0 : i32
    %dma_start3A_564 = arith.constant 1 : i32
    %dma_start3A_565 = arith.constant 0 : i32
    %dma_start3A_566 = tpu.memref_slice %arg19[%dma_start3A_563, %dma_start3A_565] : memref<3x80xf32, #tpu.memory_space<vmem>> -> memref<1x80xf32, #tpu.memory_space<vmem>>
    %dma_start3A_567 = tpu.memref_squeeze %dma_start3A_566 : memref<1x80xf32, #tpu.memory_space<vmem>> -> memref<80xf32, #tpu.memory_space<vmem>>
    %dma_start3A_568 = arith.constant 0 : i32
    %dma_start3A_569 = tpu.memref_slice %arg14[%dma_start3A_564, %dma_start3A_568] : memref<2x80xi32, #tpu.memory_space<vmem>> -> memref<1x80xi32, #tpu.memory_space<vmem>>
    %dma_start3A_570 = tpu.memref_squeeze %dma_start3A_569 : memref<1x80xi32, #tpu.memory_space<vmem>> -> memref<80xi32, #tpu.memory_space<vmem>>
    %dma_start3A_571 = arith.constant 0 : i32
    %dma_start3A_572 = tpu.memref_slice %arg10[%dma_start3A_571] : memref<10240xf32, #tpu.memory_space<vmem_shared>> -> memref<10240xf32, #tpu.memory_space<vmem_shared>>
    tpu.enqueue_indirect_dma source(%dma_start3A_567 : memref<80xf32, #tpu.memory_space<vmem>>) target(%dma_start3A_572 : memref<10240xf32, #tpu.memory_space<vmem_shared>>) offsets(%dma_start3A_570 : memref<80xi32, #tpu.memory_space<vmem>>) semaphore(%arg30 : memref<!tpu.dma_semaphore, #tpu.memory_space<semaphore_mem>>) {add = true}
    %dma_wait3A_573 = arith.constant 2 : i32
    %dma_wait3A_574 = arith.constant 0 : i32
    %dma_wait3A_575 = arith.constant 0 : i32
    %dma_wait3A_576 = arith.constant 0 : i32
    %dma_wait3A_577 = tpu.memref_slice %arg18[%dma_wait3A_573, %dma_wait3A_575, %dma_wait3A_576] : memref<3x80x128xf32, #tpu.memory_space<vmem>> -> memref<1x80x128xf32, #tpu.memory_space<vmem>>
    %dma_wait3A_578 = tpu.memref_squeeze %dma_wait3A_577 : memref<1x80x128xf32, #tpu.memory_space<vmem>> -> memref<80x128xf32, #tpu.memory_space<vmem>>
    %dma_wait3A_579 = arith.constant 0 : i32
    %dma_wait3A_580 = tpu.memref_slice %arg15[%dma_wait3A_574, %dma_wait3A_579] : memref<2x80xi32, #tpu.memory_space<vmem>> -> memref<1x80xi32, #tpu.memory_space<vmem>>
    %dma_wait3A_581 = tpu.memref_squeeze %dma_wait3A_580 : memref<1x80xi32, #tpu.memory_space<vmem>> -> memref<80xi32, #tpu.memory_space<vmem>>
    %dma_wait3A_582 = arith.constant 0 : i32
    %dma_wait3A_583 = arith.constant 0 : i32
    %dma_wait3A_584 = tpu.memref_slice %arg9[%dma_wait3A_582, %dma_wait3A_583] : memref<10240x128xf32, #tpu.memory_space<vmem_shared>> -> memref<10240x128xf32, #tpu.memory_space<vmem_shared>>
    tpu.wait_indirect_dma semaphore(%arg29 : memref<!tpu.dma_semaphore, #tpu.memory_space<semaphore_mem>>) src(%dma_wait3A_578 : memref<80x128xf32, #tpu.memory_space<vmem>>) dst(%dma_wait3A_584 : memref<10240x128xf32, #tpu.memory_space<vmem_shared>>)
    %dma_wait3A_585 = arith.constant 2 : i32
    %dma_wait3A_586 = arith.constant 0 : i32
    %dma_wait3A_587 = arith.constant 0 : i32
    %dma_wait3A_588 = tpu.memref_slice %arg19[%dma_wait3A_585, %dma_wait3A_587] : memref<3x80xf32, #tpu.memory_space<vmem>> -> memref<1x80xf32, #tpu.memory_space<vmem>>
    %dma_wait3A_589 = tpu.memref_squeeze %dma_wait3A_588 : memref<1x80xf32, #tpu.memory_space<vmem>> -> memref<80xf32, #tpu.memory_space<vmem>>
    %dma_wait3A_590 = arith.constant 0 : i32
    %dma_wait3A_591 = tpu.memref_slice %arg14[%dma_wait3A_586, %dma_wait3A_590] : memref<2x80xi32, #tpu.memory_space<vmem>> -> memref<1x80xi32, #tpu.memory_space<vmem>>
    %dma_wait3A_592 = tpu.memref_squeeze %dma_wait3A_591 : memref<1x80xi32, #tpu.memory_space<vmem>> -> memref<80xi32, #tpu.memory_space<vmem>>
    %dma_wait3A_593 = arith.constant 0 : i32
    %dma_wait3A_594 = tpu.memref_slice %arg10[%dma_wait3A_593] : memref<10240xf32, #tpu.memory_space<vmem_shared>> -> memref<10240xf32, #tpu.memory_space<vmem_shared>>
    tpu.wait_indirect_dma semaphore(%arg32 : memref<!tpu.dma_semaphore, #tpu.memory_space<semaphore_mem>>) src(%dma_wait3A_589 : memref<80xf32, #tpu.memory_space<vmem>>) dst(%dma_wait3A_594 : memref<10240xf32, #tpu.memory_space<vmem_shared>>)
    %dma_wait3A_595 = arith.constant 0 : i32
    %dma_wait3A_596 = arith.constant 1 : i32
    %dma_wait3A_597 = arith.constant 0 : i32
    %dma_wait3A_598 = arith.constant 0 : i32
    %dma_wait3A_599 = tpu.memref_slice %arg18[%dma_wait3A_596, %dma_wait3A_597, %dma_wait3A_598] : memref<3x80x128xf32, #tpu.memory_space<vmem>> -> memref<1x80x128xf32, #tpu.memory_space<vmem>>
    %dma_wait3A_600 = tpu.memref_squeeze %dma_wait3A_599 : memref<1x80x128xf32, #tpu.memory_space<vmem>> -> memref<80x128xf32, #tpu.memory_space<vmem>>
    %dma_wait3A_601 = arith.constant 0 : i32
    %dma_wait3A_602 = tpu.memref_slice %arg12[%dma_wait3A_595, %dma_wait3A_601] : memref<2x80xi32, #tpu.memory_space<vmem>> -> memref<1x80xi32, #tpu.memory_space<vmem>>
    %dma_wait3A_603 = tpu.memref_squeeze %dma_wait3A_602 : memref<1x80xi32, #tpu.memory_space<vmem>> -> memref<80xi32, #tpu.memory_space<vmem>>
    %dma_wait3A_604 = arith.constant 0 : i32
    %dma_wait3A_605 = arith.constant 0 : i32
    %dma_wait3A_606 = tpu.memref_slice %arg4[%dma_wait3A_604, %dma_wait3A_605] : memref<10000x128xf32, #tpu.memory_space<hbm>> -> memref<10000x128xf32, #tpu.memory_space<hbm>>
    tpu.wait_indirect_dma semaphore(%arg25 : memref<!tpu.dma_semaphore, #tpu.memory_space<semaphore_mem>>) src(%dma_wait3A_606 : memref<10000x128xf32, #tpu.memory_space<hbm>>) dst(%dma_wait3A_600 : memref<80x128xf32, #tpu.memory_space<vmem>>)
    %dma_start3A_607 = arith.constant 1 : i32
    %dma_start3A_608 = arith.constant 0 : i32
    %dma_start3A_609 = arith.constant 0 : i32
    %dma_start3A_610 = arith.constant 0 : i32
    %dma_start3A_611 = tpu.memref_slice %arg18[%dma_start3A_607, %dma_start3A_609, %dma_start3A_610] : memref<3x80x128xf32, #tpu.memory_space<vmem>> -> memref<1x80x128xf32, #tpu.memory_space<vmem>>
    %dma_start3A_612 = tpu.memref_squeeze %dma_start3A_611 : memref<1x80x128xf32, #tpu.memory_space<vmem>> -> memref<80x128xf32, #tpu.memory_space<vmem>>
    %dma_start3A_613 = arith.constant 0 : i32
    %dma_start3A_614 = tpu.memref_slice %arg13[%dma_start3A_608, %dma_start3A_613] : memref<2x80xi32, #tpu.memory_space<vmem>> -> memref<1x80xi32, #tpu.memory_space<vmem>>
    %dma_start3A_615 = tpu.memref_squeeze %dma_start3A_614 : memref<1x80xi32, #tpu.memory_space<vmem>> -> memref<80xi32, #tpu.memory_space<vmem>>
    %dma_start3A_616 = arith.constant 0 : i32
    %dma_start3A_617 = arith.constant 0 : i32
    %dma_start3A_618 = tpu.memref_slice %arg9[%dma_start3A_616, %dma_start3A_617] : memref<10240x128xf32, #tpu.memory_space<vmem_shared>> -> memref<10240x128xf32, #tpu.memory_space<vmem_shared>>
    tpu.enqueue_indirect_dma source(%dma_start3A_612 : memref<80x128xf32, #tpu.memory_space<vmem>>) target(%dma_start3A_618 : memref<10240x128xf32, #tpu.memory_space<vmem_shared>>) offsets(%dma_start3A_615 : memref<80xi32, #tpu.memory_space<vmem>>) semaphore(%arg28 : memref<!tpu.dma_semaphore, #tpu.memory_space<semaphore_mem>>) {add = true}
    %get3A_619 = arith.constant 0 : i32
    %get3A_620 = arith.index_cast %get3A_619 : i32 to index
    %get3A_621 = arith.constant 0 : index
    %get3A_622 = tpu.vector_load %arg13[%get3A_620, %get3A_621] {strides = array<i32>} : memref<2x80xi32, #tpu.memory_space<vmem>>, vector<16xi32>,
    %gather3A_623 = tpu.vector_load_idx %arg23[%get3A_622] : memref<10240xf32, #tpu.memory_space<vmem>>[vector<16xi32>], vector<16xf32>,
    %swap3A_624 = arith.constant 1 : i32
    %swap3A_625 = arith.index_cast %swap3A_624 : i32 to index
    %swap3A_626 = arith.constant 0 : index
    %swap3A_627 = tpu.vector_load %arg19[%swap3A_625, %swap3A_626] {strides = array<i32>} : memref<3x80xf32, #tpu.memory_space<vmem>>, vector<16xf32>,
    tpu.vector_store %arg19[%swap3A_625, %swap3A_626], %gather3A_623 {strides = array<i32>} : memref<3x80xf32, #tpu.memory_space<vmem>>, vector<16xf32>,
    %get3A_628 = arith.constant 0 : i32
    %get3A_629 = arith.index_cast %get3A_628 : i32 to index
    %get3A_630 = arith.constant 16 : index
    %get3A_631 = tpu.vector_load %arg13[%get3A_629, %get3A_630] {strides = array<i32>} : memref<2x80xi32, #tpu.memory_space<vmem>>, vector<16xi32>,
    %gather3A_632 = tpu.vector_load_idx %arg23[%get3A_631] : memref<10240xf32, #tpu.memory_space<vmem>>[vector<16xi32>], vector<16xf32>,
    %swap3A_633 = arith.constant 1 : i32
    %swap3A_634 = arith.index_cast %swap3A_633 : i32 to index
    %swap3A_635 = arith.constant 16 : index
    %swap3A_636 = tpu.vector_load %arg19[%swap3A_634, %swap3A_635] {strides = array<i32>} : memref<3x80xf32, #tpu.memory_space<vmem>>, vector<16xf32>,
    tpu.vector_store %arg19[%swap3A_634, %swap3A_635], %gather3A_632 {strides = array<i32>} : memref<3x80xf32, #tpu.memory_space<vmem>>, vector<16xf32>,
    %get3A_637 = arith.constant 0 : i32
    %get3A_638 = arith.index_cast %get3A_637 : i32 to index
    %get3A_639 = arith.constant 32 : index
    %get3A_640 = tpu.vector_load %arg13[%get3A_638, %get3A_639] {strides = array<i32>} : memref<2x80xi32, #tpu.memory_space<vmem>>, vector<16xi32>,
    %gather3A_641 = tpu.vector_load_idx %arg23[%get3A_640] : memref<10240xf32, #tpu.memory_space<vmem>>[vector<16xi32>], vector<16xf32>,
    %swap3A_642 = arith.constant 1 : i32
    %swap3A_643 = arith.index_cast %swap3A_642 : i32 to index
    %swap3A_644 = arith.constant 32 : index
    %swap3A_645 = tpu.vector_load %arg19[%swap3A_643, %swap3A_644] {strides = array<i32>} : memref<3x80xf32, #tpu.memory_space<vmem>>, vector<16xf32>,
    tpu.vector_store %arg19[%swap3A_643, %swap3A_644], %gather3A_641 {strides = array<i32>} : memref<3x80xf32, #tpu.memory_space<vmem>>, vector<16xf32>,
    %get3A_646 = arith.constant 0 : i32
    %get3A_647 = arith.index_cast %get3A_646 : i32 to index
    %get3A_648 = arith.constant 48 : index
    %get3A_649 = tpu.vector_load %arg13[%get3A_647, %get3A_648] {strides = array<i32>} : memref<2x80xi32, #tpu.memory_space<vmem>>, vector<16xi32>,
    %gather3A_650 = tpu.vector_load_idx %arg23[%get3A_649] : memref<10240xf32, #tpu.memory_space<vmem>>[vector<16xi32>], vector<16xf32>,
    %swap3A_651 = arith.constant 1 : i32
    %swap3A_652 = arith.index_cast %swap3A_651 : i32 to index
    %swap3A_653 = arith.constant 48 : index
    %swap3A_654 = tpu.vector_load %arg19[%swap3A_652, %swap3A_653] {strides = array<i32>} : memref<3x80xf32, #tpu.memory_space<vmem>>, vector<16xf32>,
    tpu.vector_store %arg19[%swap3A_652, %swap3A_653], %gather3A_650 {strides = array<i32>} : memref<3x80xf32, #tpu.memory_space<vmem>>, vector<16xf32>,
    %get3A_655 = arith.constant 0 : i32
    %get3A_656 = arith.index_cast %get3A_655 : i32 to index
    %get3A_657 = arith.constant 64 : index
    %get3A_658 = tpu.vector_load %arg13[%get3A_656, %get3A_657] {strides = array<i32>} : memref<2x80xi32, #tpu.memory_space<vmem>>, vector<16xi32>,
    %gather3A_659 = tpu.vector_load_idx %arg23[%get3A_658] : memref<10240xf32, #tpu.memory_space<vmem>>[vector<16xi32>], vector<16xf32>,
    %swap3A_660 = arith.constant 1 : i32
    %swap3A_661 = arith.index_cast %swap3A_660 : i32 to index
    %swap3A_662 = arith.constant 64 : index
    %swap3A_663 = tpu.vector_load %arg19[%swap3A_661, %swap3A_662] {strides = array<i32>} : memref<3x80xf32, #tpu.memory_space<vmem>>, vector<16xf32>,
    tpu.vector_store %arg19[%swap3A_661, %swap3A_662], %gather3A_659 {strides = array<i32>} : memref<3x80xf32, #tpu.memory_space<vmem>>, vector<16xf32>,
    %dma_start3A_664 = arith.constant 1 : i32
    %dma_start3A_665 = arith.constant 0 : i32
    %dma_start3A_666 = arith.constant 0 : i32
    %dma_start3A_667 = tpu.memref_slice %arg19[%dma_start3A_664, %dma_start3A_666] : memref<3x80xf32, #tpu.memory_space<vmem>> -> memref<1x80xf32, #tpu.memory_space<vmem>>
    %dma_start3A_668 = tpu.memref_squeeze %dma_start3A_667 : memref<1x80xf32, #tpu.memory_space<vmem>> -> memref<80xf32, #tpu.memory_space<vmem>>
    %dma_start3A_669 = arith.constant 0 : i32
    %dma_start3A_670 = tpu.memref_slice %arg12[%dma_start3A_665, %dma_start3A_669] : memref<2x80xi32, #tpu.memory_space<vmem>> -> memref<1x80xi32, #tpu.memory_space<vmem>>
    %dma_start3A_671 = tpu.memref_squeeze %dma_start3A_670 : memref<1x80xi32, #tpu.memory_space<vmem>> -> memref<80xi32, #tpu.memory_space<vmem>>
    %dma_start3A_672 = arith.constant 0 : i32
    %dma_start3A_673 = tpu.memref_slice %arg10[%dma_start3A_672] : memref<10240xf32, #tpu.memory_space<vmem_shared>> -> memref<10240xf32, #tpu.memory_space<vmem_shared>>
    tpu.enqueue_indirect_dma source(%dma_start3A_668 : memref<80xf32, #tpu.memory_space<vmem>>) target(%dma_start3A_673 : memref<10240xf32, #tpu.memory_space<vmem_shared>>) offsets(%dma_start3A_671 : memref<80xi32, #tpu.memory_space<vmem>>) semaphore(%arg31 : memref<!tpu.dma_semaphore, #tpu.memory_space<semaphore_mem>>) {add = true}
    %dma_wait3A_674 = arith.constant 0 : i32
    %dma_wait3A_675 = arith.constant 1 : i32
    %dma_wait3A_676 = arith.constant 0 : i32
    %dma_wait3A_677 = arith.constant 0 : i32
    %dma_wait3A_678 = tpu.memref_slice %arg18[%dma_wait3A_674, %dma_wait3A_676, %dma_wait3A_677] : memref<3x80x128xf32, #tpu.memory_space<vmem>> -> memref<1x80x128xf32, #tpu.memory_space<vmem>>
    %dma_wait3A_679 = tpu.memref_squeeze %dma_wait3A_678 : memref<1x80x128xf32, #tpu.memory_space<vmem>> -> memref<80x128xf32, #tpu.memory_space<vmem>>
    %dma_wait3A_680 = arith.constant 0 : i32
    %dma_wait3A_681 = tpu.memref_slice %arg15[%dma_wait3A_675, %dma_wait3A_680] : memref<2x80xi32, #tpu.memory_space<vmem>> -> memref<1x80xi32, #tpu.memory_space<vmem>>
    %dma_wait3A_682 = tpu.memref_squeeze %dma_wait3A_681 : memref<1x80xi32, #tpu.memory_space<vmem>> -> memref<80xi32, #tpu.memory_space<vmem>>
    %dma_wait3A_683 = arith.constant 0 : i32
    %dma_wait3A_684 = arith.constant 0 : i32
    %dma_wait3A_685 = tpu.memref_slice %arg9[%dma_wait3A_683, %dma_wait3A_684] : memref<10240x128xf32, #tpu.memory_space<vmem_shared>> -> memref<10240x128xf32, #tpu.memory_space<vmem_shared>>
    tpu.wait_indirect_dma semaphore(%arg27 : memref<!tpu.dma_semaphore, #tpu.memory_space<semaphore_mem>>) src(%dma_wait3A_679 : memref<80x128xf32, #tpu.memory_space<vmem>>) dst(%dma_wait3A_685 : memref<10240x128xf32, #tpu.memory_space<vmem_shared>>)
    %dma_wait3A_686 = arith.constant 0 : i32
    %dma_wait3A_687 = arith.constant 1 : i32
    %dma_wait3A_688 = arith.constant 0 : i32
    %dma_wait3A_689 = tpu.memref_slice %arg19[%dma_wait3A_686, %dma_wait3A_688] : memref<3x80xf32, #tpu.memory_space<vmem>> -> memref<1x80xf32, #tpu.memory_space<vmem>>
    %dma_wait3A_690 = tpu.memref_squeeze %dma_wait3A_689 : memref<1x80xf32, #tpu.memory_space<vmem>> -> memref<80xf32, #tpu.memory_space<vmem>>
    %dma_wait3A_691 = arith.constant 0 : i32
    %dma_wait3A_692 = tpu.memref_slice %arg14[%dma_wait3A_687, %dma_wait3A_691] : memref<2x80xi32, #tpu.memory_space<vmem>> -> memref<1x80xi32, #tpu.memory_space<vmem>>
    %dma_wait3A_693 = tpu.memref_squeeze %dma_wait3A_692 : memref<1x80xi32, #tpu.memory_space<vmem>> -> memref<80xi32, #tpu.memory_space<vmem>>
    %dma_wait3A_694 = arith.constant 0 : i32
    %dma_wait3A_695 = tpu.memref_slice %arg10[%dma_wait3A_694] : memref<10240xf32, #tpu.memory_space<vmem_shared>> -> memref<10240xf32, #tpu.memory_space<vmem_shared>>
    tpu.wait_indirect_dma semaphore(%arg30 : memref<!tpu.dma_semaphore, #tpu.memory_space<semaphore_mem>>) src(%dma_wait3A_690 : memref<80xf32, #tpu.memory_space<vmem>>) dst(%dma_wait3A_695 : memref<10240xf32, #tpu.memory_space<vmem_shared>>)
    %dma_wait3A_696 = arith.constant 1 : i32
    %dma_wait3A_697 = arith.constant 0 : i32
    %dma_wait3A_698 = arith.constant 0 : i32
    %dma_wait3A_699 = arith.constant 0 : i32
    %dma_wait3A_700 = tpu.memref_slice %arg18[%dma_wait3A_696, %dma_wait3A_698, %dma_wait3A_699] : memref<3x80x128xf32, #tpu.memory_space<vmem>> -> memref<1x80x128xf32, #tpu.memory_space<vmem>>
    %dma_wait3A_701 = tpu.memref_squeeze %dma_wait3A_700 : memref<1x80x128xf32, #tpu.memory_space<vmem>> -> memref<80x128xf32, #tpu.memory_space<vmem>>
    %dma_wait3A_702 = arith.constant 0 : i32
    %dma_wait3A_703 = tpu.memref_slice %arg13[%dma_wait3A_697, %dma_wait3A_702] : memref<2x80xi32, #tpu.memory_space<vmem>> -> memref<1x80xi32, #tpu.memory_space<vmem>>
    %dma_wait3A_704 = tpu.memref_squeeze %dma_wait3A_703 : memref<1x80xi32, #tpu.memory_space<vmem>> -> memref<80xi32, #tpu.memory_space<vmem>>
    %dma_wait3A_705 = arith.constant 0 : i32
    %dma_wait3A_706 = arith.constant 0 : i32
    %dma_wait3A_707 = tpu.memref_slice %arg9[%dma_wait3A_705, %dma_wait3A_706] : memref<10240x128xf32, #tpu.memory_space<vmem_shared>> -> memref<10240x128xf32, #tpu.memory_space<vmem_shared>>
    tpu.wait_indirect_dma semaphore(%arg28 : memref<!tpu.dma_semaphore, #tpu.memory_space<semaphore_mem>>) src(%dma_wait3A_701 : memref<80x128xf32, #tpu.memory_space<vmem>>) dst(%dma_wait3A_707 : memref<10240x128xf32, #tpu.memory_space<vmem_shared>>)
    %dma_wait3A_708 = arith.constant 1 : i32
    %dma_wait3A_709 = arith.constant 0 : i32
    %dma_wait3A_710 = arith.constant 0 : i32
    %dma_wait3A_711 = tpu.memref_slice %arg19[%dma_wait3A_708, %dma_wait3A_710] : memref<3x80xf32, #tpu.memory_space<vmem>> -> memref<1x80xf32, #tpu.memory_space<vmem>>
    %dma_wait3A_712 = tpu.memref_squeeze %dma_wait3A_711 : memref<1x80xf32, #tpu.memory_space<vmem>> -> memref<80xf32, #tpu.memory_space<vmem>>
    %dma_wait3A_713 = arith.constant 0 : i32
    %dma_wait3A_714 = tpu.memref_slice %arg12[%dma_wait3A_709, %dma_wait3A_713] : memref<2x80xi32, #tpu.memory_space<vmem>> -> memref<1x80xi32, #tpu.memory_space<vmem>>
    %dma_wait3A_715 = tpu.memref_squeeze %dma_wait3A_714 : memref<1x80xi32, #tpu.memory_space<vmem>> -> memref<80xi32, #tpu.memory_space<vmem>>
    %dma_wait3A_716 = arith.constant 0 : i32
    %dma_wait3A_717 = tpu.memref_slice %arg10[%dma_wait3A_716] : memref<10240xf32, #tpu.memory_space<vmem_shared>> -> memref<10240xf32, #tpu.memory_space<vmem_shared>>
    tpu.wait_indirect_dma semaphore(%arg31 : memref<!tpu.dma_semaphore, #tpu.memory_space<semaphore_mem>>) src(%dma_wait3A_712 : memref<80xf32, #tpu.memory_space<vmem>>) dst(%dma_wait3A_717 : memref<10240xf32, #tpu.memory_space<vmem_shared>>)
    %barrier3A_718 = arith.constant 0 : index
    tpu.barrier barrier_id(%barrier3A_718)
    "tpu.region"() ({
      %run_scoped3A_719 = tpu.sem_alloc : memref<!tpu.dma_semaphore, #tpu.memory_space<semaphore_mem>>
      %dma_start3A_720 = arith.constant 0 : i32
      %dma_start3A_721 = tpu.memref_slice %arg7[%arg0, %mul3A_2, %dma_start3A_720] : memref<2x10240x128xf32, #tpu.memory_space<hbm>> -> memref<1x640x128xf32, #tpu.memory_space<hbm>>
      %dma_start3A_722 = tpu.memref_squeeze %dma_start3A_721 : memref<1x640x128xf32, #tpu.memory_space<hbm>> -> memref<640x128xf32, #tpu.memory_space<hbm>>
      %dma_start3A_723 = arith.constant 0 : i32
      %dma_start3A_724 = tpu.memref_slice %arg9[%mul3A_2, %dma_start3A_723] : memref<10240x128xf32, #tpu.memory_space<vmem_shared>> -> memref<640x128xf32, #tpu.memory_space<vmem_shared>>
      tpu.enqueue_dma source(%dma_start3A_724 : memref<640x128xf32, #tpu.memory_space<vmem_shared>>) target(%dma_start3A_722 : memref<640x128xf32, #tpu.memory_space<hbm>>) target_semaphore(%run_scoped3A_719 : memref<!tpu.dma_semaphore, #tpu.memory_space<semaphore_mem>>)
      %dma_wait3A_725 = arith.constant 0 : i32
      %dma_wait3A_726 = tpu.memref_slice %arg7[%arg0, %mul3A_2, %dma_wait3A_725] : memref<2x10240x128xf32, #tpu.memory_space<hbm>> -> memref<1x640x128xf32, #tpu.memory_space<hbm>>
      %dma_wait3A_727 = tpu.memref_squeeze %dma_wait3A_726 : memref<1x640x128xf32, #tpu.memory_space<hbm>> -> memref<640x128xf32, #tpu.memory_space<hbm>>
      %dma_wait3A_728 = arith.constant 0 : i32
      %dma_wait3A_729 = tpu.memref_slice %arg9[%mul3A_2, %dma_wait3A_728] : memref<10240x128xf32, #tpu.memory_space<vmem_shared>> -> memref<640x128xf32, #tpu.memory_space<vmem_shared>>
      tpu.wait_dma2 semaphore(%run_scoped3A_719 : memref<!tpu.dma_semaphore, #tpu.memory_space<semaphore_mem>>) src(%dma_wait3A_729 : memref<640x128xf32, #tpu.memory_space<vmem_shared>>) dst(%dma_wait3A_727 : memref<640x128xf32, #tpu.memory_space<hbm>>)
      tpu.yield
    }) : () -> ()
    "tpu.region"() ({
      %run_scoped3A_719 = tpu.sem_alloc : memref<!tpu.dma_semaphore, #tpu.memory_space<semaphore_mem>>
      %dma_start3A_720 = tpu.memref_slice %arg8[%arg0, %mul3A_2] : memref<2x10240xf32, #tpu.memory_space<hbm>> -> memref<1x640xf32, #tpu.memory_space<hbm>>
      %dma_start3A_721 = tpu.memref_squeeze %dma_start3A_720 : memref<1x640xf32, #tpu.memory_space<hbm>> -> memref<640xf32, #tpu.memory_space<hbm>>
      %dma_start3A_722 = tpu.memref_slice %arg10[%mul3A_2] : memref<10240xf32, #tpu.memory_space<vmem_shared>> -> memref<640xf32, #tpu.memory_space<vmem_shared>>
      tpu.enqueue_dma source(%dma_start3A_722 : memref<640xf32, #tpu.memory_space<vmem_shared>>) target(%dma_start3A_721 : memref<640xf32, #tpu.memory_space<hbm>>) target_semaphore(%run_scoped3A_719 : memref<!tpu.dma_semaphore, #tpu.memory_space<semaphore_mem>>)
      %dma_wait3A_723 = tpu.memref_slice %arg8[%arg0, %mul3A_2] : memref<2x10240xf32, #tpu.memory_space<hbm>> -> memref<1x640xf32, #tpu.memory_space<hbm>>
      %dma_wait3A_724 = tpu.memref_squeeze %dma_wait3A_723 : memref<1x640xf32, #tpu.memory_space<hbm>> -> memref<640xf32, #tpu.memory_space<hbm>>
      %dma_wait3A_725 = tpu.memref_slice %arg10[%mul3A_2] : memref<10240xf32, #tpu.memory_space<vmem_shared>> -> memref<640xf32, #tpu.memory_space<vmem_shared>>
      tpu.wait_dma2 semaphore(%run_scoped3A_719 : memref<!tpu.dma_semaphore, #tpu.memory_space<semaphore_mem>>) src(%dma_wait3A_725 : memref<640xf32, #tpu.memory_space<vmem_shared>>) dst(%dma_wait3A_724 : memref<640xf32, #tpu.memory_space<hbm>>)
      tpu.yield
    }) : () -> ()
    return
  }
}

#map = affine_map<(d0, d1) -> (0, 0, 0)>
#map1 = affine_map<(d0, d1) -> (0, 0)>
module attributes {stable_mosaic.version = 14 : i64} {
  func.func @_sc_segsum_counts(%arg0: i32, %arg1: i32, %arg2: memref<32x125x80xi32, #tpu.memory_space<hbm>>, %arg3: memref<32x125x80xi32, #tpu.memory_space<hbm>>, %arg4: memref<10000x128xf32, #tpu.memory_space<hbm>>, %arg5: memref<640x128xf32, #tpu.memory_space<hbm>>, %arg6: memref<640x16xf32, #tpu.memory_space<hbm>>, %arg7: memref<2x10240x128xf32, #tpu.memory_space<hbm>>, %arg8: memref<2x10240x16xf32, #tpu.memory_space<hbm>>, %arg9: memref<10240x128xf32, #tpu.memory_space<vmem_shared>>, %arg10: memref<10240x16xf32, #tpu.memory_space<vmem_shared>>, %arg11: memref<2x80xi32, #tpu.memory_space<vmem>>, %arg12: memref<2x80xi32, #tpu.memory_space<vmem>>, %arg13: memref<2x80xi32, #tpu.memory_space<vmem>>, %arg14: memref<2x80xi32, #tpu.memory_space<vmem>>, %arg15: memref<2x80xi32, #tpu.memory_space<vmem>>, %arg16: memref<2x80xi32, #tpu.memory_space<vmem>>, %arg17: memref<3x80x128xf32, #tpu.memory_space<vmem>>, %arg18: memref<80x16xf32, #tpu.memory_space<vmem>>, %arg19: memref<!tpu.dma_semaphore, #tpu.memory_space<semaphore_mem>>, %arg20: memref<!tpu.dma_semaphore, #tpu.memory_space<semaphore_mem>>, %arg21: memref<!tpu.dma_semaphore, #tpu.memory_space<semaphore_mem>>, %arg22: memref<!tpu.dma_semaphore, #tpu.memory_space<semaphore_mem>>, %arg23: memref<!tpu.dma_semaphore, #tpu.memory_space<semaphore_mem>>, %arg24: memref<!tpu.dma_semaphore, #tpu.memory_space<semaphore_mem>>, %arg25: memref<!tpu.dma_semaphore, #tpu.memory_space<semaphore_mem>>, %arg26: memref<!tpu.dma_semaphore, #tpu.memory_space<semaphore_mem>>, %arg27: memref<!tpu.dma_semaphore, #tpu.memory_space<semaphore_mem>>, %arg28: memref<!tpu.dma_semaphore, #tpu.memory_space<semaphore_mem>>, %arg29: memref<!tpu.dma_semaphore, #tpu.memory_space<semaphore_mem>>, %arg30: memref<!tpu.dma_semaphore, #tpu.memory_space<semaphore_mem>>) attributes {dimension_semantics = [#tpu.dimension_semantics<core_parallel>, #tpu.dimension_semantics<subcore_parallel>], iteration_bounds = array<i64: 2, 16>, scalar_prefetch = 0 : i64, scratch_operands = 22 : i64, tpu.core_type = #tpu.core_type<sc_vector_subcore>, window_params = [{transform_indices = #map}, {transform_indices = #map}, {transform_indices = #map1}, {transform_indices = #map1}, {transform_indices = #map1}, {transform_indices = #map}, {transform_indices = #map}]} {
    %mul3A = arith.constant 16 : i32
    %mul3A_0 = arith.muli %arg0, %mul3A : i32
    %add3A = arith.addi %mul3A_0, %arg1 : i32
    %mul3A_1 = arith.constant 640 : i32
    %mul3A_2 = arith.muli %arg1, %mul3A_1 : i32
    "tpu.region"() ({
      %run_scoped3A = tpu.sem_alloc : memref<!tpu.dma_semaphore, #tpu.memory_space<semaphore_mem>>
      %dma_start3A_372 = arith.constant 0 : i32
      %dma_start3A_373 = arith.constant 0 : i32
      %dma_start3A_374 = tpu.memref_slice %arg2[%add3A, %dma_start3A_372, %dma_start3A_373] : memref<32x125x80xi32, #tpu.memory_space<hbm>> -> memref<1x2x80xi32, #tpu.memory_space<hbm>>
      %dma_start3A_375 = tpu.memref_squeeze %dma_start3A_374 : memref<1x2x80xi32, #tpu.memory_space<hbm>> -> memref<2x80xi32, #tpu.memory_space<hbm>>
      %dma_start3A_376 = arith.constant 0 : i32
      %dma_start3A_377 = arith.constant 0 : i32
      %dma_start3A_378 = tpu.memref_slice %arg2[%add3A, %dma_start3A_376, %dma_start3A_377] : memref<32x125x80xi32, #tpu.memory_space<hbm>> -> memref<1x2x80xi32, #tpu.memory_space<hbm>>
      %dma_start3A_379 = tpu.memref_squeeze %dma_start3A_378 : memref<1x2x80xi32, #tpu.memory_space<hbm>> -> memref<2x80xi32, #tpu.memory_space<hbm>>
      tpu.enqueue_dma source(%dma_start3A_379 : memref<2x80xi32, #tpu.memory_space<hbm>>) target(%arg11 : memref<2x80xi32, #tpu.memory_space<vmem>>) target_semaphore(%run_scoped3A : memref<!tpu.dma_semaphore, #tpu.memory_space<semaphore_mem>>)
      %dma_wait3A_380 = arith.constant 0 : i32
      %dma_wait3A_381 = arith.constant 0 : i32
      %dma_wait3A_382 = tpu.memref_slice %arg2[%add3A, %dma_wait3A_380, %dma_wait3A_381] : memref<32x125x80xi32, #tpu.memory_space<hbm>> -> memref<1x2x80xi32, #tpu.memory_space<hbm>>
      %dma_wait3A_383 = tpu.memref_squeeze %dma_wait3A_382 : memref<1x2x80xi32, #tpu.memory_space<hbm>> -> memref<2x80xi32, #tpu.memory_space<hbm>>
      %dma_wait3A_384 = arith.constant 0 : i32
      %dma_wait3A_385 = arith.constant 0 : i32
      %dma_wait3A_386 = tpu.memref_slice %arg2[%add3A, %dma_wait3A_384, %dma_wait3A_385] : memref<32x125x80xi32, #tpu.memory_space<hbm>> -> memref<1x2x80xi32, #tpu.memory_space<hbm>>
      %dma_wait3A_387 = tpu.memref_squeeze %dma_wait3A_386 : memref<1x2x80xi32, #tpu.memory_space<hbm>> -> memref<2x80xi32, #tpu.memory_space<hbm>>
      tpu.wait_dma2 semaphore(%run_scoped3A : memref<!tpu.dma_semaphore, #tpu.memory_space<semaphore_mem>>) src(%dma_wait3A_387 : memref<2x80xi32, #tpu.memory_space<hbm>>) dst(%arg11 : memref<2x80xi32, #tpu.memory_space<vmem>>)
      tpu.yield
    }) : () -> ()
    "tpu.region"() ({
      %run_scoped3A = tpu.sem_alloc : memref<!tpu.dma_semaphore, #tpu.memory_space<semaphore_mem>>
      %dma_start3A_372 = arith.constant 0 : i32
      %dma_start3A_373 = arith.constant 0 : i32
      %dma_start3A_374 = tpu.memref_slice %arg3[%add3A, %dma_start3A_372, %dma_start3A_373] : memref<32x125x80xi32, #tpu.memory_space<hbm>> -> memref<1x2x80xi32, #tpu.memory_space<hbm>>
      %dma_start3A_375 = tpu.memref_squeeze %dma_start3A_374 : memref<1x2x80xi32, #tpu.memory_space<hbm>> -> memref<2x80xi32, #tpu.memory_space<hbm>>
      %dma_start3A_376 = arith.constant 0 : i32
      %dma_start3A_377 = arith.constant 0 : i32
      %dma_start3A_378 = tpu.memref_slice %arg3[%add3A, %dma_start3A_376, %dma_start3A_377] : memref<32x125x80xi32, #tpu.memory_space<hbm>> -> memref<1x2x80xi32, #tpu.memory_space<hbm>>
      %dma_start3A_379 = tpu.memref_squeeze %dma_start3A_378 : memref<1x2x80xi32, #tpu.memory_space<hbm>> -> memref<2x80xi32, #tpu.memory_space<hbm>>
      tpu.enqueue_dma source(%dma_start3A_379 : memref<2x80xi32, #tpu.memory_space<hbm>>) target(%arg12 : memref<2x80xi32, #tpu.memory_space<vmem>>) target_semaphore(%run_scoped3A : memref<!tpu.dma_semaphore, #tpu.memory_space<semaphore_mem>>)
      %dma_wait3A_380 = arith.constant 0 : i32
      %dma_wait3A_381 = arith.constant 0 : i32
      %dma_wait3A_382 = tpu.memref_slice %arg3[%add3A, %dma_wait3A_380, %dma_wait3A_381] : memref<32x125x80xi32, #tpu.memory_space<hbm>> -> memref<1x2x80xi32, #tpu.memory_space<hbm>>
      %dma_wait3A_383 = tpu.memref_squeeze %dma_wait3A_382 : memref<1x2x80xi32, #tpu.memory_space<hbm>> -> memref<2x80xi32, #tpu.memory_space<hbm>>
      %dma_wait3A_384 = arith.constant 0 : i32
      %dma_wait3A_385 = arith.constant 0 : i32
      %dma_wait3A_386 = tpu.memref_slice %arg3[%add3A, %dma_wait3A_384, %dma_wait3A_385] : memref<32x125x80xi32, #tpu.memory_space<hbm>> -> memref<1x2x80xi32, #tpu.memory_space<hbm>>
      %dma_wait3A_387 = tpu.memref_squeeze %dma_wait3A_386 : memref<1x2x80xi32, #tpu.memory_space<hbm>> -> memref<2x80xi32, #tpu.memory_space<hbm>>
      tpu.wait_dma2 semaphore(%run_scoped3A : memref<!tpu.dma_semaphore, #tpu.memory_space<semaphore_mem>>) src(%dma_wait3A_387 : memref<2x80xi32, #tpu.memory_space<hbm>>) dst(%arg12 : memref<2x80xi32, #tpu.memory_space<vmem>>)
      tpu.yield
    }) : () -> ()
    %dma_start3A = arith.constant 2 : i32
    %dma_start3A_3 = arith.constant 0 : i32
    %dma_start3A_4 = tpu.memref_slice %arg2[%add3A, %dma_start3A, %dma_start3A_3] : memref<32x125x80xi32, #tpu.memory_space<hbm>> -> memref<1x2x80xi32, #tpu.memory_space<hbm>>
    %dma_start3A_5 = tpu.memref_squeeze %dma_start3A_4 : memref<1x2x80xi32, #tpu.memory_space<hbm>> -> memref<2x80xi32, #tpu.memory_space<hbm>>
    %dma_start3A_6 = arith.constant 2 : i32
    %dma_start3A_7 = arith.constant 0 : i32
    %dma_start3A_8 = tpu.memref_slice %arg2[%add3A, %dma_start3A_6, %dma_start3A_7] : memref<32x125x80xi32, #tpu.memory_space<hbm>> -> memref<1x2x80xi32, #tpu.memory_space<hbm>>
    %dma_start3A_9 = tpu.memref_squeeze %dma_start3A_8 : memref<1x2x80xi32, #tpu.memory_space<hbm>> -> memref<2x80xi32, #tpu.memory_space<hbm>>
    tpu.enqueue_dma source(%dma_start3A_9 : memref<2x80xi32, #tpu.memory_space<hbm>>) target(%arg13 : memref<2x80xi32, #tpu.memory_space<vmem>>) target_semaphore(%arg29 : memref<!tpu.dma_semaphore, #tpu.memory_space<semaphore_mem>>)
    %dma_start3A_10 = arith.constant 2 : i32
    %dma_start3A_11 = arith.constant 0 : i32
    %dma_start3A_12 = tpu.memref_slice %arg3[%add3A, %dma_start3A_10, %dma_start3A_11] : memref<32x125x80xi32, #tpu.memory_space<hbm>> -> memref<1x2x80xi32, #tpu.memory_space<hbm>>
    %dma_start3A_13 = tpu.memref_squeeze %dma_start3A_12 : memref<1x2x80xi32, #tpu.memory_space<hbm>> -> memref<2x80xi32, #tpu.memory_space<hbm>>
    %dma_start3A_14 = arith.constant 2 : i32
    %dma_start3A_15 = arith.constant 0 : i32
    %dma_start3A_16 = tpu.memref_slice %arg3[%add3A, %dma_start3A_14, %dma_start3A_15] : memref<32x125x80xi32, #tpu.memory_space<hbm>> -> memref<1x2x80xi32, #tpu.memory_space<hbm>>
    %dma_start3A_17 = tpu.memref_squeeze %dma_start3A_16 : memref<1x2x80xi32, #tpu.memory_space<hbm>> -> memref<2x80xi32, #tpu.memory_space<hbm>>
    tpu.enqueue_dma source(%dma_start3A_17 : memref<2x80xi32, #tpu.memory_space<hbm>>) target(%arg14 : memref<2x80xi32, #tpu.memory_space<vmem>>) target_semaphore(%arg29 : memref<!tpu.dma_semaphore, #tpu.memory_space<semaphore_mem>>)
    %dma_start3A_18 = arith.constant 4 : i32
    %dma_start3A_19 = arith.constant 0 : i32
    %dma_start3A_20 = tpu.memref_slice %arg2[%add3A, %dma_start3A_18, %dma_start3A_19] : memref<32x125x80xi32, #tpu.memory_space<hbm>> -> memref<1x2x80xi32, #tpu.memory_space<hbm>>
    %dma_start3A_21 = tpu.memref_squeeze %dma_start3A_20 : memref<1x2x80xi32, #tpu.memory_space<hbm>> -> memref<2x80xi32, #tpu.memory_space<hbm>>
    %dma_start3A_22 = arith.constant 4 : i32
    %dma_start3A_23 = arith.constant 0 : i32
    %dma_start3A_24 = tpu.memref_slice %arg2[%add3A, %dma_start3A_22, %dma_start3A_23] : memref<32x125x80xi32, #tpu.memory_space<hbm>> -> memref<1x2x80xi32, #tpu.memory_space<hbm>>
    %dma_start3A_25 = tpu.memref_squeeze %dma_start3A_24 : memref<1x2x80xi32, #tpu.memory_space<hbm>> -> memref<2x80xi32, #tpu.memory_space<hbm>>
    tpu.enqueue_dma source(%dma_start3A_25 : memref<2x80xi32, #tpu.memory_space<hbm>>) target(%arg15 : memref<2x80xi32, #tpu.memory_space<vmem>>) target_semaphore(%arg30 : memref<!tpu.dma_semaphore, #tpu.memory_space<semaphore_mem>>)
    %dma_start3A_26 = arith.constant 4 : i32
    %dma_start3A_27 = arith.constant 0 : i32
    %dma_start3A_28 = tpu.memref_slice %arg3[%add3A, %dma_start3A_26, %dma_start3A_27] : memref<32x125x80xi32, #tpu.memory_space<hbm>> -> memref<1x2x80xi32, #tpu.memory_space<hbm>>
    %dma_start3A_29 = tpu.memref_squeeze %dma_start3A_28 : memref<1x2x80xi32, #tpu.memory_space<hbm>> -> memref<2x80xi32, #tpu.memory_space<hbm>>
    %dma_start3A_30 = arith.constant 4 : i32
    %dma_start3A_31 = arith.constant 0 : i32
    %dma_start3A_32 = tpu.memref_slice %arg3[%add3A, %dma_start3A_30, %dma_start3A_31] : memref<32x125x80xi32, #tpu.memory_space<hbm>> -> memref<1x2x80xi32, #tpu.memory_space<hbm>>
    %dma_start3A_33 = tpu.memref_squeeze %dma_start3A_32 : memref<1x2x80xi32, #tpu.memory_space<hbm>> -> memref<2x80xi32, #tpu.memory_space<hbm>>
    tpu.enqueue_dma source(%dma_start3A_33 : memref<2x80xi32, #tpu.memory_space<hbm>>) target(%arg16 : memref<2x80xi32, #tpu.memory_space<vmem>>) target_semaphore(%arg30 : memref<!tpu.dma_semaphore, #tpu.memory_space<semaphore_mem>>)
    %dma_start3A_34 = arith.constant 0 : i32
    %dma_start3A_35 = arith.constant 0 : i32
    %dma_start3A_36 = arith.constant 0 : i32
    %dma_start3A_37 = arith.constant 0 : i32
    %dma_start3A_38 = tpu.memref_slice %arg17[%dma_start3A_35, %dma_start3A_36, %dma_start3A_37] : memref<3x80x128xf32, #tpu.memory_space<vmem>> -> memref<1x80x128xf32, #tpu.memory_space<vmem>>
    %dma_start3A_39 = tpu.memref_squeeze %dma_start3A_38 : memref<1x80x128xf32, #tpu.memory_space<vmem>> -> memref<80x128xf32, #tpu.memory_space<vmem>>
    %dma_start3A_40 = arith.constant 0 : i32
    %dma_start3A_41 = tpu.memref_slice %arg11[%dma_start3A_34, %dma_start3A_40] : memref<2x80xi32, #tpu.memory_space<vmem>> -> memref<1x80xi32, #tpu.memory_space<vmem>>
    %dma_start3A_42 = tpu.memref_squeeze %dma_start3A_41 : memref<1x80xi32, #tpu.memory_space<vmem>> -> memref<80xi32, #tpu.memory_space<vmem>>
    %dma_start3A_43 = arith.constant 0 : i32
    %dma_start3A_44 = arith.constant 0 : i32
    %dma_start3A_45 = tpu.memref_slice %arg4[%dma_start3A_43, %dma_start3A_44] : memref<10000x128xf32, #tpu.memory_space<hbm>> -> memref<10000x128xf32, #tpu.memory_space<hbm>>
    tpu.enqueue_indirect_dma source(%dma_start3A_45 : memref<10000x128xf32, #tpu.memory_space<hbm>>) target(%dma_start3A_39 : memref<80x128xf32, #tpu.memory_space<vmem>>) offsets(%dma_start3A_42 : memref<80xi32, #tpu.memory_space<vmem>>) semaphore(%arg19 : memref<!tpu.dma_semaphore, #tpu.memory_space<semaphore_mem>>)
    %dma_start3A_46 = arith.constant 1 : i32
    %dma_start3A_47 = arith.constant 1 : i32
    %dma_start3A_48 = arith.constant 0 : i32
    %dma_start3A_49 = arith.constant 0 : i32
    %dma_start3A_50 = tpu.memref_slice %arg17[%dma_start3A_47, %dma_start3A_48, %dma_start3A_49] : memref<3x80x128xf32, #tpu.memory_space<vmem>> -> memref<1x80x128xf32, #tpu.memory_space<vmem>>
    %dma_start3A_51 = tpu.memref_squeeze %dma_start3A_50 : memref<1x80x128xf32, #tpu.memory_space<vmem>> -> memref<80x128xf32, #tpu.memory_space<vmem>>
    %dma_start3A_52 = arith.constant 0 : i32
    %dma_start3A_53 = tpu.memref_slice %arg11[%dma_start3A_46, %dma_start3A_52] : memref<2x80xi32, #tpu.memory_space<vmem>> -> memref<1x80xi32, #tpu.memory_space<vmem>>
    %dma_start3A_54 = tpu.memref_squeeze %dma_start3A_53 : memref<1x80xi32, #tpu.memory_space<vmem>> -> memref<80xi32, #tpu.memory_space<vmem>>
    %dma_start3A_55 = arith.constant 0 : i32
    %dma_start3A_56 = arith.constant 0 : i32
    %dma_start3A_57 = tpu.memref_slice %arg4[%dma_start3A_55, %dma_start3A_56] : memref<10000x128xf32, #tpu.memory_space<hbm>> -> memref<10000x128xf32, #tpu.memory_space<hbm>>
    tpu.enqueue_indirect_dma source(%dma_start3A_57 : memref<10000x128xf32, #tpu.memory_space<hbm>>) target(%dma_start3A_51 : memref<80x128xf32, #tpu.memory_space<vmem>>) offsets(%dma_start3A_54 : memref<80xi32, #tpu.memory_space<vmem>>) semaphore(%arg20 : memref<!tpu.dma_semaphore, #tpu.memory_space<semaphore_mem>>)
    %broadcast_in_dim3A = arith.constant 1.000000e+00 : f32
    %broadcast_in_dim3A_58 = vector.broadcast %broadcast_in_dim3A : f32 to vector<16xf32>
    %scan3A = arith.constant 0 : i32
    %scan3A_59 = arith.constant 0 : i32
    %scan3A_60 = arith.constant 80 : i32
    %scan3A_61 = arith.addi %scan3A_59, %scan3A_60 : i32
    %scan3A_62 = arith.constant 1 : i32
    scf.for %scan3A_372 = %scan3A_59 to %scan3A_61 step %scan3A_62  : i32 {
      %swap3A = arith.index_cast %scan3A_372 : i32 to index
      %swap3A_373 = arith.constant 0 : index
      %swap3A_374 = tpu.vector_load %arg18[%swap3A, %swap3A_373] {strides = array<i32>} : memref<80x16xf32, #tpu.memory_space<vmem>>, vector<16xf32>,
      tpu.vector_store %arg18[%swap3A, %swap3A_373], %broadcast_in_dim3A_58 {strides = array<i32>} : memref<80x16xf32, #tpu.memory_space<vmem>>, vector<16xf32>,
    }
    %scan3A_63 = arith.constant 80 : i32
    "tpu.region"() ({
      %run_scoped3A = tpu.sem_alloc : memref<!tpu.dma_semaphore, #tpu.memory_space<semaphore_mem>>
      %dma_start3A_372 = arith.constant 0 : i32
      %dma_start3A_373 = tpu.memref_slice %arg9[%mul3A_2, %dma_start3A_372] : memref<10240x128xf32, #tpu.memory_space<vmem_shared>> -> memref<640x128xf32, #tpu.memory_space<vmem_shared>>
      tpu.enqueue_dma source(%arg5 : memref<640x128xf32, #tpu.memory_space<hbm>>) target(%dma_start3A_373 : memref<640x128xf32, #tpu.memory_space<vmem_shared>>) target_semaphore(%run_scoped3A : memref<!tpu.dma_semaphore, #tpu.memory_space<semaphore_mem>>)
      %dma_wait3A_374 = arith.constant 0 : i32
      %dma_wait3A_375 = tpu.memref_slice %arg9[%mul3A_2, %dma_wait3A_374] : memref<10240x128xf32, #tpu.memory_space<vmem_shared>> -> memref<640x128xf32, #tpu.memory_space<vmem_shared>>
      tpu.wait_dma2 semaphore(%run_scoped3A : memref<!tpu.dma_semaphore, #tpu.memory_space<semaphore_mem>>) src(%arg5 : memref<640x128xf32, #tpu.memory_space<hbm>>) dst(%dma_wait3A_375 : memref<640x128xf32, #tpu.memory_space<vmem_shared>>)
      tpu.yield
    }) : () -> ()
    "tpu.region"() ({
      %run_scoped3A = tpu.sem_alloc : memref<!tpu.dma_semaphore, #tpu.memory_space<semaphore_mem>>
      %dma_start3A_372 = arith.constant 0 : i32
      %dma_start3A_373 = tpu.memref_slice %arg10[%mul3A_2, %dma_start3A_372] : memref<10240x16xf32, #tpu.memory_space<vmem_shared>> -> memref<640x16xf32, #tpu.memory_space<vmem_shared>>
      tpu.enqueue_dma source(%arg6 : memref<640x16xf32, #tpu.memory_space<hbm>>) target(%dma_start3A_373 : memref<640x16xf32, #tpu.memory_space<vmem_shared>>) target_semaphore(%run_scoped3A : memref<!tpu.dma_semaphore, #tpu.memory_space<semaphore_mem>>)
      %dma_wait3A_374 = arith.constant 0 : i32
      %dma_wait3A_375 = tpu.memref_slice %arg10[%mul3A_2, %dma_wait3A_374] : memref<10240x16xf32, #tpu.memory_space<vmem_shared>> -> memref<640x16xf32, #tpu.memory_space<vmem_shared>>
      tpu.wait_dma2 semaphore(%run_scoped3A : memref<!tpu.dma_semaphore, #tpu.memory_space<semaphore_mem>>) src(%arg6 : memref<640x16xf32, #tpu.memory_space<hbm>>) dst(%dma_wait3A_375 : memref<640x16xf32, #tpu.memory_space<vmem_shared>>)
      tpu.yield
    }) : () -> ()
    %barrier3A = arith.constant 0 : index
    tpu.barrier barrier_id(%barrier3A)
    %scan3A_64 = arith.constant 0 : i32
    %scan3A_65 = arith.constant 0 : i32
    %scan3A_66 = arith.constant 20 : i32
    %scan3A_67 = arith.addi %scan3A_65, %scan3A_66 : i32
    %scan3A_68 = arith.constant 1 : i32
    scf.for %scan3A_372 = %scan3A_65 to %scan3A_67 step %scan3A_68  : i32 {
      %mul3A_373 = arith.constant 6 : i32
      %mul3A_374 = arith.muli %mul3A_373, %scan3A_372 : i32
      %dma_wait3A_375 = arith.constant 0 : i32
      %dma_wait3A_376 = arith.constant 0 : i32
      %dma_wait3A_377 = arith.constant 0 : i32
      %dma_wait3A_378 = arith.constant 0 : i32
      %dma_wait3A_379 = tpu.memref_slice %arg17[%dma_wait3A_376, %dma_wait3A_377, %dma_wait3A_378] : memref<3x80x128xf32, #tpu.memory_space<vmem>> -> memref<1x80x128xf32, #tpu.memory_space<vmem>>
      %dma_wait3A_380 = tpu.memref_squeeze %dma_wait3A_379 : memref<1x80x128xf32, #tpu.memory_space<vmem>> -> memref<80x128xf32, #tpu.memory_space<vmem>>
      %dma_wait3A_381 = arith.constant 0 : i32
      %dma_wait3A_382 = tpu.memref_slice %arg11[%dma_wait3A_375, %dma_wait3A_381] : memref<2x80xi32, #tpu.memory_space<vmem>> -> memref<1x80xi32, #tpu.memory_space<vmem>>
      %dma_wait3A_383 = tpu.memref_squeeze %dma_wait3A_382 : memref<1x80xi32, #tpu.memory_space<vmem>> -> memref<80xi32, #tpu.memory_space<vmem>>
      %dma_wait3A_384 = arith.constant 0 : i32
      %dma_wait3A_385 = arith.constant 0 : i32
      %dma_wait3A_386 = tpu.memref_slice %arg4[%dma_wait3A_384, %dma_wait3A_385] : memref<10000x128xf32, #tpu.memory_space<hbm>> -> memref<10000x128xf32, #tpu.memory_space<hbm>>
      tpu.wait_indirect_dma semaphore(%arg19 : memref<!tpu.dma_semaphore, #tpu.memory_space<semaphore_mem>>) src(%dma_wait3A_386 : memref<10000x128xf32, #tpu.memory_space<hbm>>) dst(%dma_wait3A_380 : memref<80x128xf32, #tpu.memory_space<vmem>>)
      %dma_start3A_387 = arith.constant 0 : i32
      %dma_start3A_388 = arith.constant 0 : i32
      %dma_start3A_389 = arith.constant 0 : i32
      %dma_start3A_390 = arith.constant 0 : i32
      %dma_start3A_391 = tpu.memref_slice %arg17[%dma_start3A_387, %dma_start3A_389, %dma_start3A_390] : memref<3x80x128xf32, #tpu.memory_space<vmem>> -> memref<1x80x128xf32, #tpu.memory_space<vmem>>
      %dma_start3A_392 = tpu.memref_squeeze %dma_start3A_391 : memref<1x80x128xf32, #tpu.memory_space<vmem>> -> memref<80x128xf32, #tpu.memory_space<vmem>>
      %dma_start3A_393 = arith.constant 0 : i32
      %dma_start3A_394 = tpu.memref_slice %arg12[%dma_start3A_388, %dma_start3A_393] : memref<2x80xi32, #tpu.memory_space<vmem>> -> memref<1x80xi32, #tpu.memory_space<vmem>>
      %dma_start3A_395 = tpu.memref_squeeze %dma_start3A_394 : memref<1x80xi32, #tpu.memory_space<vmem>> -> memref<80xi32, #tpu.memory_space<vmem>>
      %dma_start3A_396 = arith.constant 0 : i32
      %dma_start3A_397 = arith.constant 0 : i32
      %dma_start3A_398 = tpu.memref_slice %arg9[%dma_start3A_396, %dma_start3A_397] : memref<10240x128xf32, #tpu.memory_space<vmem_shared>> -> memref<10240x128xf32, #tpu.memory_space<vmem_shared>>
      tpu.enqueue_indirect_dma source(%dma_start3A_392 : memref<80x128xf32, #tpu.memory_space<vmem>>) target(%dma_start3A_398 : memref<10240x128xf32, #tpu.memory_space<vmem_shared>>) offsets(%dma_start3A_395 : memref<80xi32, #tpu.memory_space<vmem>>) semaphore(%arg22 : memref<!tpu.dma_semaphore, #tpu.memory_space<semaphore_mem>>) {add = true}
      %dma_start3A_399 = arith.constant 0 : i32
      %dma_start3A_400 = arith.constant 0 : i32
      %dma_start3A_401 = tpu.memref_slice %arg12[%dma_start3A_399, %dma_start3A_400] : memref<2x80xi32, #tpu.memory_space<vmem>> -> memref<1x80xi32, #tpu.memory_space<vmem>>
      %dma_start3A_402 = tpu.memref_squeeze %dma_start3A_401 : memref<1x80xi32, #tpu.memory_space<vmem>> -> memref<80xi32, #tpu.memory_space<vmem>>
      %dma_start3A_403 = arith.constant 0 : i32
      %dma_start3A_404 = arith.constant 0 : i32
      %dma_start3A_405 = tpu.memref_slice %arg10[%dma_start3A_403, %dma_start3A_404] : memref<10240x16xf32, #tpu.memory_space<vmem_shared>> -> memref<10240x16xf32, #tpu.memory_space<vmem_shared>>
      tpu.enqueue_indirect_dma source(%arg18 : memref<80x16xf32, #tpu.memory_space<vmem>>) target(%dma_start3A_405 : memref<10240x16xf32, #tpu.memory_space<vmem_shared>>) offsets(%dma_start3A_402 : memref<80xi32, #tpu.memory_space<vmem>>) semaphore(%arg25 : memref<!tpu.dma_semaphore, #tpu.memory_space<semaphore_mem>>) {add = true}
      %dma_wait3A_406 = arith.constant 0 : i32
      %dma_wait3A_407 = arith.constant 0 : i32
      %dma_wait3A_408 = tpu.memref_slice %arg2[%add3A, %dma_wait3A_406, %dma_wait3A_407] : memref<32x125x80xi32, #tpu.memory_space<hbm>> -> memref<1x2x80xi32, #tpu.memory_space<hbm>>
      %dma_wait3A_409 = tpu.memref_squeeze %dma_wait3A_408 : memref<1x2x80xi32, #tpu.memory_space<hbm>> -> memref<2x80xi32, #tpu.memory_space<hbm>>
      %dma_wait3A_410 = arith.constant 0 : i32
      %dma_wait3A_411 = arith.constant 0 : i32
      %dma_wait3A_412 = tpu.memref_slice %arg2[%add3A, %dma_wait3A_410, %dma_wait3A_411] : memref<32x125x80xi32, #tpu.memory_space<hbm>> -> memref<1x2x80xi32, #tpu.memory_space<hbm>>
      %dma_wait3A_413 = tpu.memref_squeeze %dma_wait3A_412 : memref<1x2x80xi32, #tpu.memory_space<hbm>> -> memref<2x80xi32, #tpu.memory_space<hbm>>
      tpu.wait_dma2 semaphore(%arg29 : memref<!tpu.dma_semaphore, #tpu.memory_space<semaphore_mem>>) src(%dma_wait3A_413 : memref<2x80xi32, #tpu.memory_space<hbm>>) dst(%arg13 : memref<2x80xi32, #tpu.memory_space<vmem>>)
      %dma_wait3A_414 = arith.constant 0 : i32
      %dma_wait3A_415 = arith.constant 0 : i32
      %dma_wait3A_416 = tpu.memref_slice %arg3[%add3A, %dma_wait3A_414, %dma_wait3A_415] : memref<32x125x80xi32, #tpu.memory_space<hbm>> -> memref<1x2x80xi32, #tpu.memory_space<hbm>>
      %dma_wait3A_417 = tpu.memref_squeeze %dma_wait3A_416 : memref<1x2x80xi32, #tpu.memory_space<hbm>> -> memref<2x80xi32, #tpu.memory_space<hbm>>
      %dma_wait3A_418 = arith.constant 0 : i32
      %dma_wait3A_419 = arith.constant 0 : i32
      %dma_wait3A_420 = tpu.memref_slice %arg3[%add3A, %dma_wait3A_418, %dma_wait3A_419] : memref<32x125x80xi32, #tpu.memory_space<hbm>> -> memref<1x2x80xi32, #tpu.memory_space<hbm>>
      %dma_wait3A_421 = tpu.memref_squeeze %dma_wait3A_420 : memref<1x2x80xi32, #tpu.memory_space<hbm>> -> memref<2x80xi32, #tpu.memory_space<hbm>>
      tpu.wait_dma2 semaphore(%arg29 : memref<!tpu.dma_semaphore, #tpu.memory_space<semaphore_mem>>) src(%dma_wait3A_421 : memref<2x80xi32, #tpu.memory_space<hbm>>) dst(%arg14 : memref<2x80xi32, #tpu.memory_space<vmem>>)
      %dma_start3A_422 = arith.constant 0 : i32
      %dma_start3A_423 = arith.constant 2 : i32
      %dma_start3A_424 = arith.constant 0 : i32
      %dma_start3A_425 = arith.constant 0 : i32
      %dma_start3A_426 = tpu.memref_slice %arg17[%dma_start3A_423, %dma_start3A_424, %dma_start3A_425] : memref<3x80x128xf32, #tpu.memory_space<vmem>> -> memref<1x80x128xf32, #tpu.memory_space<vmem>>
      %dma_start3A_427 = tpu.memref_squeeze %dma_start3A_426 : memref<1x80x128xf32, #tpu.memory_space<vmem>> -> memref<80x128xf32, #tpu.memory_space<vmem>>
      %dma_start3A_428 = arith.constant 0 : i32
      %dma_start3A_429 = tpu.memref_slice %arg13[%dma_start3A_422, %dma_start3A_428] : memref<2x80xi32, #tpu.memory_space<vmem>> -> memref<1x80xi32, #tpu.memory_space<vmem>>
      %dma_start3A_430 = tpu.memref_squeeze %dma_start3A_429 : memref<1x80xi32, #tpu.memory_space<vmem>> -> memref<80xi32, #tpu.memory_space<vmem>>
      %dma_start3A_431 = arith.constant 0 : i32
      %dma_start3A_432 = arith.constant 0 : i32
      %dma_start3A_433 = tpu.memref_slice %arg4[%dma_start3A_431, %dma_start3A_432] : memref<10000x128xf32, #tpu.memory_space<hbm>> -> memref<10000x128xf32, #tpu.memory_space<hbm>>
      tpu.enqueue_indirect_dma source(%dma_start3A_433 : memref<10000x128xf32, #tpu.memory_space<hbm>>) target(%dma_start3A_427 : memref<80x128xf32, #tpu.memory_space<vmem>>) offsets(%dma_start3A_430 : memref<80xi32, #tpu.memory_space<vmem>>) semaphore(%arg21 : memref<!tpu.dma_semaphore, #tpu.memory_space<semaphore_mem>>)
      %dma_wait3A_434 = arith.constant 1 : i32
      %dma_wait3A_435 = arith.constant 1 : i32
      %dma_wait3A_436 = arith.constant 0 : i32
      %dma_wait3A_437 = arith.constant 0 : i32
      %dma_wait3A_438 = tpu.memref_slice %arg17[%dma_wait3A_435, %dma_wait3A_436, %dma_wait3A_437] : memref<3x80x128xf32, #tpu.memory_space<vmem>> -> memref<1x80x128xf32, #tpu.memory_space<vmem>>
      %dma_wait3A_439 = tpu.memref_squeeze %dma_wait3A_438 : memref<1x80x128xf32, #tpu.memory_space<vmem>> -> memref<80x128xf32, #tpu.memory_space<vmem>>
      %dma_wait3A_440 = arith.constant 0 : i32
      %dma_wait3A_441 = tpu.memref_slice %arg11[%dma_wait3A_434, %dma_wait3A_440] : memref<2x80xi32, #tpu.memory_space<vmem>> -> memref<1x80xi32, #tpu.memory_space<vmem>>
      %dma_wait3A_442 = tpu.memref_squeeze %dma_wait3A_441 : memref<1x80xi32, #tpu.memory_space<vmem>> -> memref<80xi32, #tpu.memory_space<vmem>>
      %dma_wait3A_443 = arith.constant 0 : i32
      %dma_wait3A_444 = arith.constant 0 : i32
      %dma_wait3A_445 = tpu.memref_slice %arg4[%dma_wait3A_443, %dma_wait3A_444] : memref<10000x128xf32, #tpu.memory_space<hbm>> -> memref<10000x128xf32, #tpu.memory_space<hbm>>
      tpu.wait_indirect_dma semaphore(%arg20 : memref<!tpu.dma_semaphore, #tpu.memory_space<semaphore_mem>>) src(%dma_wait3A_445 : memref<10000x128xf32, #tpu.memory_space<hbm>>) dst(%dma_wait3A_439 : memref<80x128xf32, #tpu.memory_space<vmem>>)
      %dma_start3A_446 = arith.constant 1 : i32
      %dma_start3A_447 = arith.constant 1 : i32
      %dma_start3A_448 = arith.constant 0 : i32
      %dma_start3A_449 = arith.constant 0 : i32
      %dma_start3A_450 = tpu.memref_slice %arg17[%dma_start3A_446, %dma_start3A_448, %dma_start3A_449] : memref<3x80x128xf32, #tpu.memory_space<vmem>> -> memref<1x80x128xf32, #tpu.memory_space<vmem>>
      %dma_start3A_451 = tpu.memref_squeeze %dma_start3A_450 : memref<1x80x128xf32, #tpu.memory_space<vmem>> -> memref<80x128xf32, #tpu.memory_space<vmem>>
      %dma_start3A_452 = arith.constant 0 : i32
      %dma_start3A_453 = tpu.memref_slice %arg12[%dma_start3A_447, %dma_start3A_452] : memref<2x80xi32, #tpu.memory_space<vmem>> -> memref<1x80xi32, #tpu.memory_space<vmem>>
      %dma_start3A_454 = tpu.memref_squeeze %dma_start3A_453 : memref<1x80xi32, #tpu.memory_space<vmem>> -> memref<80xi32, #tpu.memory_space<vmem>>
      %dma_start3A_455 = arith.constant 0 : i32
      %dma_start3A_456 = arith.constant 0 : i32
      %dma_start3A_457 = tpu.memref_slice %arg9[%dma_start3A_455, %dma_start3A_456] : memref<10240x128xf32, #tpu.memory_space<vmem_shared>> -> memref<10240x128xf32, #tpu.memory_space<vmem_shared>>
      tpu.enqueue_indirect_dma source(%dma_start3A_451 : memref<80x128xf32, #tpu.memory_space<vmem>>) target(%dma_start3A_457 : memref<10240x128xf32, #tpu.memory_space<vmem_shared>>) offsets(%dma_start3A_454 : memref<80xi32, #tpu.memory_space<vmem>>) semaphore(%arg23 : memref<!tpu.dma_semaphore, #tpu.memory_space<semaphore_mem>>) {add = true}
      %dma_start3A_458 = arith.constant 1 : i32
      %dma_start3A_459 = arith.constant 0 : i32
      %dma_start3A_460 = tpu.memref_slice %arg12[%dma_start3A_458, %dma_start3A_459] : memref<2x80xi32, #tpu.memory_space<vmem>> -> memref<1x80xi32, #tpu.memory_space<vmem>>
      %dma_start3A_461 = tpu.memref_squeeze %dma_start3A_460 : memref<1x80xi32, #tpu.memory_space<vmem>> -> memref<80xi32, #tpu.memory_space<vmem>>
      %dma_start3A_462 = arith.constant 0 : i32
      %dma_start3A_463 = arith.constant 0 : i32
      %dma_start3A_464 = tpu.memref_slice %arg10[%dma_start3A_462, %dma_start3A_463] : memref<10240x16xf32, #tpu.memory_space<vmem_shared>> -> memref<10240x16xf32, #tpu.memory_space<vmem_shared>>
      tpu.enqueue_indirect_dma source(%arg18 : memref<80x16xf32, #tpu.memory_space<vmem>>) target(%dma_start3A_464 : memref<10240x16xf32, #tpu.memory_space<vmem_shared>>) offsets(%dma_start3A_461 : memref<80xi32, #tpu.memory_space<vmem>>) semaphore(%arg26 : memref<!tpu.dma_semaphore, #tpu.memory_space<semaphore_mem>>) {add = true}
      %dma_wait3A_465 = arith.constant 0 : i32
      %dma_wait3A_466 = arith.constant 0 : i32
      %dma_wait3A_467 = arith.constant 0 : i32
      %dma_wait3A_468 = arith.constant 0 : i32
      %dma_wait3A_469 = tpu.memref_slice %arg17[%dma_wait3A_465, %dma_wait3A_467, %dma_wait3A_468] : memref<3x80x128xf32, #tpu.memory_space<vmem>> -> memref<1x80x128xf32, #tpu.memory_space<vmem>>
      %dma_wait3A_470 = tpu.memref_squeeze %dma_wait3A_469 : memref<1x80x128xf32, #tpu.memory_space<vmem>> -> memref<80x128xf32, #tpu.memory_space<vmem>>
      %dma_wait3A_471 = arith.constant 0 : i32
      %dma_wait3A_472 = tpu.memref_slice %arg12[%dma_wait3A_466, %dma_wait3A_471] : memref<2x80xi32, #tpu.memory_space<vmem>> -> memref<1x80xi32, #tpu.memory_space<vmem>>
      %dma_wait3A_473 = tpu.memref_squeeze %dma_wait3A_472 : memref<1x80xi32, #tpu.memory_space<vmem>> -> memref<80xi32, #tpu.memory_space<vmem>>
      %dma_wait3A_474 = arith.constant 0 : i32
      %dma_wait3A_475 = arith.constant 0 : i32
      %dma_wait3A_476 = tpu.memref_slice %arg9[%dma_wait3A_474, %dma_wait3A_475] : memref<10240x128xf32, #tpu.memory_space<vmem_shared>> -> memref<10240x128xf32, #tpu.memory_space<vmem_shared>>
      tpu.wait_indirect_dma semaphore(%arg22 : memref<!tpu.dma_semaphore, #tpu.memory_space<semaphore_mem>>) src(%dma_wait3A_470 : memref<80x128xf32, #tpu.memory_space<vmem>>) dst(%dma_wait3A_476 : memref<10240x128xf32, #tpu.memory_space<vmem_shared>>)
      %dma_wait3A_477 = arith.constant 0 : i32
      %dma_wait3A_478 = arith.constant 0 : i32
      %dma_wait3A_479 = tpu.memref_slice %arg12[%dma_wait3A_477, %dma_wait3A_478] : memref<2x80xi32, #tpu.memory_space<vmem>> -> memref<1x80xi32, #tpu.memory_space<vmem>>
      %dma_wait3A_480 = tpu.memref_squeeze %dma_wait3A_479 : memref<1x80xi32, #tpu.memory_space<vmem>> -> memref<80xi32, #tpu.memory_space<vmem>>
      %dma_wait3A_481 = arith.constant 0 : i32
      %dma_wait3A_482 = arith.constant 0 : i32
      %dma_wait3A_483 = tpu.memref_slice %arg10[%dma_wait3A_481, %dma_wait3A_482] : memref<10240x16xf32, #tpu.memory_space<vmem_shared>> -> memref<10240x16xf32, #tpu.memory_space<vmem_shared>>
      tpu.wait_indirect_dma semaphore(%arg25 : memref<!tpu.dma_semaphore, #tpu.memory_space<semaphore_mem>>) src(%arg18 : memref<80x16xf32, #tpu.memory_space<vmem>>) dst(%dma_wait3A_483 : memref<10240x16xf32, #tpu.memory_space<vmem_shared>>)
      %dma_start3A_484 = arith.constant 1 : i32
      %dma_start3A_485 = arith.constant 0 : i32
      %dma_start3A_486 = arith.constant 0 : i32
      %dma_start3A_487 = arith.constant 0 : i32
      %dma_start3A_488 = tpu.memref_slice %arg17[%dma_start3A_485, %dma_start3A_486, %dma_start3A_487] : memref<3x80x128xf32, #tpu.memory_space<vmem>> -> memref<1x80x128xf32, #tpu.memory_space<vmem>>
      %dma_start3A_489 = tpu.memref_squeeze %dma_start3A_488 : memref<1x80x128xf32, #tpu.memory_space<vmem>> -> memref<80x128xf32, #tpu.memory_space<vmem>>
      %dma_start3A_490 = arith.constant 0 : i32
      %dma_start3A_491 = tpu.memref_slice %arg13[%dma_start3A_484, %dma_start3A_490] : memref<2x80xi32, #tpu.memory_space<vmem>> -> memref<1x80xi32, #tpu.memory_space<vmem>>
      %dma_start3A_492 = tpu.memref_squeeze %dma_start3A_491 : memref<1x80xi32, #tpu.memory_space<vmem>> -> memref<80xi32, #tpu.memory_space<vmem>>
      %dma_start3A_493 = arith.constant 0 : i32
      %dma_start3A_494 = arith.constant 0 : i32
      %dma_start3A_495 = tpu.memref_slice %arg4[%dma_start3A_493, %dma_start3A_494] : memref<10000x128xf32, #tpu.memory_space<hbm>> -> memref<10000x128xf32, #tpu.memory_space<hbm>>
      tpu.enqueue_indirect_dma source(%dma_start3A_495 : memref<10000x128xf32, #tpu.memory_space<hbm>>) target(%dma_start3A_489 : memref<80x128xf32, #tpu.memory_space<vmem>>) offsets(%dma_start3A_492 : memref<80xi32, #tpu.memory_space<vmem>>) semaphore(%arg19 : memref<!tpu.dma_semaphore, #tpu.memory_space<semaphore_mem>>)
      %dma_wait3A_496 = arith.constant 0 : i32
      %dma_wait3A_497 = arith.constant 2 : i32
      %dma_wait3A_498 = arith.constant 0 : i32
      %dma_wait3A_499 = arith.constant 0 : i32
      %dma_wait3A_500 = tpu.memref_slice %arg17[%dma_wait3A_497, %dma_wait3A_498, %dma_wait3A_499] : memref<3x80x128xf32, #tpu.memory_space<vmem>> -> memref<1x80x128xf32, #tpu.memory_space<vmem>>
      %dma_wait3A_501 = tpu.memref_squeeze %dma_wait3A_500 : memref<1x80x128xf32, #tpu.memory_space<vmem>> -> memref<80x128xf32, #tpu.memory_space<vmem>>
      %dma_wait3A_502 = arith.constant 0 : i32
      %dma_wait3A_503 = tpu.memref_slice %arg13[%dma_wait3A_496, %dma_wait3A_502] : memref<2x80xi32, #tpu.memory_space<vmem>> -> memref<1x80xi32, #tpu.memory_space<vmem>>
      %dma_wait3A_504 = tpu.memref_squeeze %dma_wait3A_503 : memref<1x80xi32, #tpu.memory_space<vmem>> -> memref<80xi32, #tpu.memory_space<vmem>>
      %dma_wait3A_505 = arith.constant 0 : i32
      %dma_wait3A_506 = arith.constant 0 : i32
      %dma_wait3A_507 = tpu.memref_slice %arg4[%dma_wait3A_505, %dma_wait3A_506] : memref<10000x128xf32, #tpu.memory_space<hbm>> -> memref<10000x128xf32, #tpu.memory_space<hbm>>
      tpu.wait_indirect_dma semaphore(%arg21 : memref<!tpu.dma_semaphore, #tpu.memory_space<semaphore_mem>>) src(%dma_wait3A_507 : memref<10000x128xf32, #tpu.memory_space<hbm>>) dst(%dma_wait3A_501 : memref<80x128xf32, #tpu.memory_space<vmem>>)
      %dma_start3A_508 = arith.constant 2 : i32
      %dma_start3A_509 = arith.constant 0 : i32
      %dma_start3A_510 = arith.constant 0 : i32
      %dma_start3A_511 = arith.constant 0 : i32
      %dma_start3A_512 = tpu.memref_slice %arg17[%dma_start3A_508, %dma_start3A_510, %dma_start3A_511] : memref<3x80x128xf32, #tpu.memory_space<vmem>> -> memref<1x80x128xf32, #tpu.memory_space<vmem>>
      %dma_start3A_513 = tpu.memref_squeeze %dma_start3A_512 : memref<1x80x128xf32, #tpu.memory_space<vmem>> -> memref<80x128xf32, #tpu.memory_space<vmem>>
      %dma_start3A_514 = arith.constant 0 : i32
      %dma_start3A_515 = tpu.memref_slice %arg14[%dma_start3A_509, %dma_start3A_514] : memref<2x80xi32, #tpu.memory_space<vmem>> -> memref<1x80xi32, #tpu.memory_space<vmem>>
      %dma_start3A_516 = tpu.memref_squeeze %dma_start3A_515 : memref<1x80xi32, #tpu.memory_space<vmem>> -> memref<80xi32, #tpu.memory_space<vmem>>
      %dma_start3A_517 = arith.constant 0 : i32
      %dma_start3A_518 = arith.constant 0 : i32
      %dma_start3A_519 = tpu.memref_slice %arg9[%dma_start3A_517, %dma_start3A_518] : memref<10240x128xf32, #tpu.memory_space<vmem_shared>> -> memref<10240x128xf32, #tpu.memory_space<vmem_shared>>
      tpu.enqueue_indirect_dma source(%dma_start3A_513 : memref<80x128xf32, #tpu.memory_space<vmem>>) target(%dma_start3A_519 : memref<10240x128xf32, #tpu.memory_space<vmem_shared>>) offsets(%dma_start3A_516 : memref<80xi32, #tpu.memory_space<vmem>>) semaphore(%arg24 : memref<!tpu.dma_semaphore, #tpu.memory_space<semaphore_mem>>) {add = true}
      %dma_start3A_520 = arith.constant 0 : i32
      %dma_start3A_521 = arith.constant 0 : i32
      %dma_start3A_522 = tpu.memref_slice %arg14[%dma_start3A_520, %dma_start3A_521] : memref<2x80xi32, #tpu.memory_space<vmem>> -> memref<1x80xi32, #tpu.memory_space<vmem>>
      %dma_start3A_523 = tpu.memref_squeeze %dma_start3A_522 : memref<1x80xi32, #tpu.memory_space<vmem>> -> memref<80xi32, #tpu.memory_space<vmem>>
      %dma_start3A_524 = arith.constant 0 : i32
      %dma_start3A_525 = arith.constant 0 : i32
      %dma_start3A_526 = tpu.memref_slice %arg10[%dma_start3A_524, %dma_start3A_525] : memref<10240x16xf32, #tpu.memory_space<vmem_shared>> -> memref<10240x16xf32, #tpu.memory_space<vmem_shared>>
      tpu.enqueue_indirect_dma source(%arg18 : memref<80x16xf32, #tpu.memory_space<vmem>>) target(%dma_start3A_526 : memref<10240x16xf32, #tpu.memory_space<vmem_shared>>) offsets(%dma_start3A_523 : memref<80xi32, #tpu.memory_space<vmem>>) semaphore(%arg27 : memref<!tpu.dma_semaphore, #tpu.memory_space<semaphore_mem>>) {add = true}
      %dma_wait3A_527 = arith.constant 1 : i32
      %dma_wait3A_528 = arith.constant 1 : i32
      %dma_wait3A_529 = arith.constant 0 : i32
      %dma_wait3A_530 = arith.constant 0 : i32
      %dma_wait3A_531 = tpu.memref_slice %arg17[%dma_wait3A_527, %dma_wait3A_529, %dma_wait3A_530] : memref<3x80x128xf32, #tpu.memory_space<vmem>> -> memref<1x80x128xf32, #tpu.memory_space<vmem>>
      %dma_wait3A_532 = tpu.memref_squeeze %dma_wait3A_531 : memref<1x80x128xf32, #tpu.memory_space<vmem>> -> memref<80x128xf32, #tpu.memory_space<vmem>>
      %dma_wait3A_533 = arith.constant 0 : i32
      %dma_wait3A_534 = tpu.memref_slice %arg12[%dma_wait3A_528, %dma_wait3A_533] : memref<2x80xi32, #tpu.memory_space<vmem>> -> memref<1x80xi32, #tpu.memory_space<vmem>>
      %dma_wait3A_535 = tpu.memref_squeeze %dma_wait3A_534 : memref<1x80xi32, #tpu.memory_space<vmem>> -> memref<80xi32, #tpu.memory_space<vmem>>
      %dma_wait3A_536 = arith.constant 0 : i32
      %dma_wait3A_537 = arith.constant 0 : i32
      %dma_wait3A_538 = tpu.memref_slice %arg9[%dma_wait3A_536, %dma_wait3A_537] : memref<10240x128xf32, #tpu.memory_space<vmem_shared>> -> memref<10240x128xf32, #tpu.memory_space<vmem_shared>>
      tpu.wait_indirect_dma semaphore(%arg23 : memref<!tpu.dma_semaphore, #tpu.memory_space<semaphore_mem>>) src(%dma_wait3A_532 : memref<80x128xf32, #tpu.memory_space<vmem>>) dst(%dma_wait3A_538 : memref<10240x128xf32, #tpu.memory_space<vmem_shared>>)
      %dma_wait3A_539 = arith.constant 1 : i32
      %dma_wait3A_540 = arith.constant 0 : i32
      %dma_wait3A_541 = tpu.memref_slice %arg12[%dma_wait3A_539, %dma_wait3A_540] : memref<2x80xi32, #tpu.memory_space<vmem>> -> memref<1x80xi32, #tpu.memory_space<vmem>>
      %dma_wait3A_542 = tpu.memref_squeeze %dma_wait3A_541 : memref<1x80xi32, #tpu.memory_space<vmem>> -> memref<80xi32, #tpu.memory_space<vmem>>
      %dma_wait3A_543 = arith.constant 0 : i32
      %dma_wait3A_544 = arith.constant 0 : i32
      %dma_wait3A_545 = tpu.memref_slice %arg10[%dma_wait3A_543, %dma_wait3A_544] : memref<10240x16xf32, #tpu.memory_space<vmem_shared>> -> memref<10240x16xf32, #tpu.memory_space<vmem_shared>>
      tpu.wait_indirect_dma semaphore(%arg26 : memref<!tpu.dma_semaphore, #tpu.memory_space<semaphore_mem>>) src(%arg18 : memref<80x16xf32, #tpu.memory_space<vmem>>) dst(%dma_wait3A_545 : memref<10240x16xf32, #tpu.memory_space<vmem_shared>>)
      %dma_wait3A_546 = arith.constant 0 : i32
      %dma_wait3A_547 = arith.constant 0 : i32
      %dma_wait3A_548 = tpu.memref_slice %arg2[%add3A, %dma_wait3A_546, %dma_wait3A_547] : memref<32x125x80xi32, #tpu.memory_space<hbm>> -> memref<1x2x80xi32, #tpu.memory_space<hbm>>
      %dma_wait3A_549 = tpu.memref_squeeze %dma_wait3A_548 : memref<1x2x80xi32, #tpu.memory_space<hbm>> -> memref<2x80xi32, #tpu.memory_space<hbm>>
      %dma_wait3A_550 = arith.constant 0 : i32
      %dma_wait3A_551 = arith.constant 0 : i32
      %dma_wait3A_552 = tpu.memref_slice %arg2[%add3A, %dma_wait3A_550, %dma_wait3A_551] : memref<32x125x80xi32, #tpu.memory_space<hbm>> -> memref<1x2x80xi32, #tpu.memory_space<hbm>>
      %dma_wait3A_553 = tpu.memref_squeeze %dma_wait3A_552 : memref<1x2x80xi32, #tpu.memory_space<hbm>> -> memref<2x80xi32, #tpu.memory_space<hbm>>
      tpu.wait_dma2 semaphore(%arg30 : memref<!tpu.dma_semaphore, #tpu.memory_space<semaphore_mem>>) src(%dma_wait3A_553 : memref<2x80xi32, #tpu.memory_space<hbm>>) dst(%arg15 : memref<2x80xi32, #tpu.memory_space<vmem>>)
      %dma_wait3A_554 = arith.constant 0 : i32
      %dma_wait3A_555 = arith.constant 0 : i32
      %dma_wait3A_556 = tpu.memref_slice %arg3[%add3A, %dma_wait3A_554, %dma_wait3A_555] : memref<32x125x80xi32, #tpu.memory_space<hbm>> -> memref<1x2x80xi32, #tpu.memory_space<hbm>>
      %dma_wait3A_557 = tpu.memref_squeeze %dma_wait3A_556 : memref<1x2x80xi32, #tpu.memory_space<hbm>> -> memref<2x80xi32, #tpu.memory_space<hbm>>
      %dma_wait3A_558 = arith.constant 0 : i32
      %dma_wait3A_559 = arith.constant 0 : i32
      %dma_wait3A_560 = tpu.memref_slice %arg3[%add3A, %dma_wait3A_558, %dma_wait3A_559] : memref<32x125x80xi32, #tpu.memory_space<hbm>> -> memref<1x2x80xi32, #tpu.memory_space<hbm>>
      %dma_wait3A_561 = tpu.memref_squeeze %dma_wait3A_560 : memref<1x2x80xi32, #tpu.memory_space<hbm>> -> memref<2x80xi32, #tpu.memory_space<hbm>>
      tpu.wait_dma2 semaphore(%arg30 : memref<!tpu.dma_semaphore, #tpu.memory_space<semaphore_mem>>) src(%dma_wait3A_561 : memref<2x80xi32, #tpu.memory_space<hbm>>) dst(%arg16 : memref<2x80xi32, #tpu.memory_space<vmem>>)
      %dma_start3A_562 = arith.constant 0 : i32
      %dma_start3A_563 = arith.constant 1 : i32
      %dma_start3A_564 = arith.constant 0 : i32
      %dma_start3A_565 = arith.constant 0 : i32
      %dma_start3A_566 = tpu.memref_slice %arg17[%dma_start3A_563, %dma_start3A_564, %dma_start3A_565] : memref<3x80x128xf32, #tpu.memory_space<vmem>> -> memref<1x80x128xf32, #tpu.memory_space<vmem>>
      %dma_start3A_567 = tpu.memref_squeeze %dma_start3A_566 : memref<1x80x128xf32, #tpu.memory_space<vmem>> -> memref<80x128xf32, #tpu.memory_space<vmem>>
      %dma_start3A_568 = arith.constant 0 : i32
      %dma_start3A_569 = tpu.memref_slice %arg15[%dma_start3A_562, %dma_start3A_568] : memref<2x80xi32, #tpu.memory_space<vmem>> -> memref<1x80xi32, #tpu.memory_space<vmem>>
      %dma_start3A_570 = tpu.memref_squeeze %dma_start3A_569 : memref<1x80xi32, #tpu.memory_space<vmem>> -> memref<80xi32, #tpu.memory_space<vmem>>
      %dma_start3A_571 = arith.constant 0 : i32
      %dma_start3A_572 = arith.constant 0 : i32
      %dma_start3A_573 = tpu.memref_slice %arg4[%dma_start3A_571, %dma_start3A_572] : memref<10000x128xf32, #tpu.memory_space<hbm>> -> memref<10000x128xf32, #tpu.memory_space<hbm>>
      tpu.enqueue_indirect_dma source(%dma_start3A_573 : memref<10000x128xf32, #tpu.memory_space<hbm>>) target(%dma_start3A_567 : memref<80x128xf32, #tpu.memory_space<vmem>>) offsets(%dma_start3A_570 : memref<80xi32, #tpu.memory_space<vmem>>) semaphore(%arg20 : memref<!tpu.dma_semaphore, #tpu.memory_space<semaphore_mem>>)
      %add3A_574 = arith.constant 6 : i32
      %add3A_575 = arith.addi %mul3A_374, %add3A_574 : i32
      %dma_start3A_576 = arith.constant 0 : i32
      %dma_start3A_577 = tpu.memref_slice %arg2[%add3A, %add3A_575, %dma_start3A_576] : memref<32x125x80xi32, #tpu.memory_space<hbm>> -> memref<1x2x80xi32, #tpu.memory_space<hbm>>
      %dma_start3A_578 = tpu.memref_squeeze %dma_start3A_577 : memref<1x2x80xi32, #tpu.memory_space<hbm>> -> memref<2x80xi32, #tpu.memory_space<hbm>>
      %dma_start3A_579 = arith.constant 0 : i32
      %dma_start3A_580 = tpu.memref_slice %arg2[%add3A, %add3A_575, %dma_start3A_579] : memref<32x125x80xi32, #tpu.memory_space<hbm>> -> memref<1x2x80xi32, #tpu.memory_space<hbm>>
      %dma_start3A_581 = tpu.memref_squeeze %dma_start3A_580 : memref<1x2x80xi32, #tpu.memory_space<hbm>> -> memref<2x80xi32, #tpu.memory_space<hbm>>
      tpu.enqueue_dma source(%dma_start3A_581 : memref<2x80xi32, #tpu.memory_space<hbm>>) target(%arg11 : memref<2x80xi32, #tpu.memory_space<vmem>>) target_semaphore(%arg28 : memref<!tpu.dma_semaphore, #tpu.memory_space<semaphore_mem>>)
      %add3A_582 = arith.constant 6 : i32
      %add3A_583 = arith.addi %mul3A_374, %add3A_582 : i32
      %dma_start3A_584 = arith.constant 0 : i32
      %dma_start3A_585 = tpu.memref_slice %arg3[%add3A, %add3A_583, %dma_start3A_584] : memref<32x125x80xi32, #tpu.memory_space<hbm>> -> memref<1x2x80xi32, #tpu.memory_space<hbm>>
      %dma_start3A_586 = tpu.memref_squeeze %dma_start3A_585 : memref<1x2x80xi32, #tpu.memory_space<hbm>> -> memref<2x80xi32, #tpu.memory_space<hbm>>
      %dma_start3A_587 = arith.constant 0 : i32
      %dma_start3A_588 = tpu.memref_slice %arg3[%add3A, %add3A_583, %dma_start3A_587] : memref<32x125x80xi32, #tpu.memory_space<hbm>> -> memref<1x2x80xi32, #tpu.memory_space<hbm>>
      %dma_start3A_589 = tpu.memref_squeeze %dma_start3A_588 : memref<1x2x80xi32, #tpu.memory_space<hbm>> -> memref<2x80xi32, #tpu.memory_space<hbm>>
      tpu.enqueue_dma source(%dma_start3A_589 : memref<2x80xi32, #tpu.memory_space<hbm>>) target(%arg12 : memref<2x80xi32, #tpu.memory_space<vmem>>) target_semaphore(%arg28 : memref<!tpu.dma_semaphore, #tpu.memory_space<semaphore_mem>>)
      %dma_wait3A_590 = arith.constant 1 : i32
      %dma_wait3A_591 = arith.constant 0 : i32
      %dma_wait3A_592 = arith.constant 0 : i32
      %dma_wait3A_593 = arith.constant 0 : i32
      %dma_wait3A_594 = tpu.memref_slice %arg17[%dma_wait3A_591, %dma_wait3A_592, %dma_wait3A_593] : memref<3x80x128xf32, #tpu.memory_space<vmem>> -> memref<1x80x128xf32, #tpu.memory_space<vmem>>
      %dma_wait3A_595 = tpu.memref_squeeze %dma_wait3A_594 : memref<1x80x128xf32, #tpu.memory_space<vmem>> -> memref<80x128xf32, #tpu.memory_space<vmem>>
      %dma_wait3A_596 = arith.constant 0 : i32
      %dma_wait3A_597 = tpu.memref_slice %arg13[%dma_wait3A_590, %dma_wait3A_596] : memref<2x80xi32, #tpu.memory_space<vmem>> -> memref<1x80xi32, #tpu.memory_space<vmem>>
      %dma_wait3A_598 = tpu.memref_squeeze %dma_wait3A_597 : memref<1x80xi32, #tpu.memory_space<vmem>> -> memref<80xi32, #tpu.memory_space<vmem>>
      %dma_wait3A_599 = arith.constant 0 : i32
      %dma_wait3A_600 = arith.constant 0 : i32
      %dma_wait3A_601 = tpu.memref_slice %arg4[%dma_wait3A_599, %dma_wait3A_600] : memref<10000x128xf32, #tpu.memory_space<hbm>> -> memref<10000x128xf32, #tpu.memory_space<hbm>>
      tpu.wait_indirect_dma semaphore(%arg19 : memref<!tpu.dma_semaphore, #tpu.memory_space<semaphore_mem>>) src(%dma_wait3A_601 : memref<10000x128xf32, #tpu.memory_space<hbm>>) dst(%dma_wait3A_595 : memref<80x128xf32, #tpu.memory_space<vmem>>)
      %dma_start3A_602 = arith.constant 0 : i32
      %dma_start3A_603 = arith.constant 1 : i32
      %dma_start3A_604 = arith.constant 0 : i32
      %dma_start3A_605 = arith.constant 0 : i32
      %dma_start3A_606 = tpu.memref_slice %arg17[%dma_start3A_602, %dma_start3A_604, %dma_start3A_605] : memref<3x80x128xf32, #tpu.memory_space<vmem>> -> memref<1x80x128xf32, #tpu.memory_space<vmem>>
      %dma_start3A_607 = tpu.memref_squeeze %dma_start3A_606 : memref<1x80x128xf32, #tpu.memory_space<vmem>> -> memref<80x128xf32, #tpu.memory_space<vmem>>
      %dma_start3A_608 = arith.constant 0 : i32
      %dma_start3A_609 = tpu.memref_slice %arg14[%dma_start3A_603, %dma_start3A_608] : memref<2x80xi32, #tpu.memory_space<vmem>> -> memref<1x80xi32, #tpu.memory_space<vmem>>
      %dma_start3A_610 = tpu.memref_squeeze %dma_start3A_609 : memref<1x80xi32, #tpu.memory_space<vmem>> -> memref<80xi32, #tpu.memory_space<vmem>>
      %dma_start3A_611 = arith.constant 0 : i32
      %dma_start3A_612 = arith.constant 0 : i32
      %dma_start3A_613 = tpu.memref_slice %arg9[%dma_start3A_611, %dma_start3A_612] : memref<10240x128xf32, #tpu.memory_space<vmem_shared>> -> memref<10240x128xf32, #tpu.memory_space<vmem_shared>>
      tpu.enqueue_indirect_dma source(%dma_start3A_607 : memref<80x128xf32, #tpu.memory_space<vmem>>) target(%dma_start3A_613 : memref<10240x128xf32, #tpu.memory_space<vmem_shared>>) offsets(%dma_start3A_610 : memref<80xi32, #tpu.memory_space<vmem>>) semaphore(%arg22 : memref<!tpu.dma_semaphore, #tpu.memory_space<semaphore_mem>>) {add = true}
      %dma_start3A_614 = arith.constant 1 : i32
      %dma_start3A_615 = arith.constant 0 : i32
      %dma_start3A_616 = tpu.memref_slice %arg14[%dma_start3A_614, %dma_start3A_615] : memref<2x80xi32, #tpu.memory_space<vmem>> -> memref<1x80xi32, #tpu.memory_space<vmem>>
      %dma_start3A_617 = tpu.memref_squeeze %dma_start3A_616 : memref<1x80xi32, #tpu.memory_space<vmem>> -> memref<80xi32, #tpu.memory_space<vmem>>
      %dma_start3A_618 = arith.constant 0 : i32
      %dma_start3A_619 = arith.constant 0 : i32
      %dma_start3A_620 = tpu.memref_slice %arg10[%dma_start3A_618, %dma_start3A_619] : memref<10240x16xf32, #tpu.memory_space<vmem_shared>> -> memref<10240x16xf32, #tpu.memory_space<vmem_shared>>
      tpu.enqueue_indirect_dma source(%arg18 : memref<80x16xf32, #tpu.memory_space<vmem>>) target(%dma_start3A_620 : memref<10240x16xf32, #tpu.memory_space<vmem_shared>>) offsets(%dma_start3A_617 : memref<80xi32, #tpu.memory_space<vmem>>) semaphore(%arg25 : memref<!tpu.dma_semaphore, #tpu.memory_space<semaphore_mem>>) {add = true}
      %dma_wait3A_621 = arith.constant 2 : i32
      %dma_wait3A_622 = arith.constant 0 : i32
      %dma_wait3A_623 = arith.constant 0 : i32
      %dma_wait3A_624 = arith.constant 0 : i32
      %dma_wait3A_625 = tpu.memref_slice %arg17[%dma_wait3A_621, %dma_wait3A_623, %dma_wait3A_624] : memref<3x80x128xf32, #tpu.memory_space<vmem>> -> memref<1x80x128xf32, #tpu.memory_space<vmem>>
      %dma_wait3A_626 = tpu.memref_squeeze %dma_wait3A_625 : memref<1x80x128xf32, #tpu.memory_space<vmem>> -> memref<80x128xf32, #tpu.memory_space<vmem>>
      %dma_wait3A_627 = arith.constant 0 : i32
      %dma_wait3A_628 = tpu.memref_slice %arg14[%dma_wait3A_622, %dma_wait3A_627] : memref<2x80xi32, #tpu.memory_space<vmem>> -> memref<1x80xi32, #tpu.memory_space<vmem>>
      %dma_wait3A_629 = tpu.memref_squeeze %dma_wait3A_628 : memref<1x80xi32, #tpu.memory_space<vmem>> -> memref<80xi32, #tpu.memory_space<vmem>>
      %dma_wait3A_630 = arith.constant 0 : i32
      %dma_wait3A_631 = arith.constant 0 : i32
      %dma_wait3A_632 = tpu.memref_slice %arg9[%dma_wait3A_630, %dma_wait3A_631] : memref<10240x128xf32, #tpu.memory_space<vmem_shared>> -> memref<10240x128xf32, #tpu.memory_space<vmem_shared>>
      tpu.wait_indirect_dma semaphore(%arg24 : memref<!tpu.dma_semaphore, #tpu.memory_space<semaphore_mem>>) src(%dma_wait3A_626 : memref<80x128xf32, #tpu.memory_space<vmem>>) dst(%dma_wait3A_632 : memref<10240x128xf32, #tpu.memory_space<vmem_shared>>)
      %dma_wait3A_633 = arith.constant 0 : i32
      %dma_wait3A_634 = arith.constant 0 : i32
      %dma_wait3A_635 = tpu.memref_slice %arg14[%dma_wait3A_633, %dma_wait3A_634] : memref<2x80xi32, #tpu.memory_space<vmem>> -> memref<1x80xi32, #tpu.memory_space<vmem>>
      %dma_wait3A_636 = tpu.memref_squeeze %dma_wait3A_635 : memref<1x80xi32, #tpu.memory_space<vmem>> -> memref<80xi32, #tpu.memory_space<vmem>>
      %dma_wait3A_637 = arith.constant 0 : i32
      %dma_wait3A_638 = arith.constant 0 : i32
      %dma_wait3A_639 = tpu.memref_slice %arg10[%dma_wait3A_637, %dma_wait3A_638] : memref<10240x16xf32, #tpu.memory_space<vmem_shared>> -> memref<10240x16xf32, #tpu.memory_space<vmem_shared>>
      tpu.wait_indirect_dma semaphore(%arg27 : memref<!tpu.dma_semaphore, #tpu.memory_space<semaphore_mem>>) src(%arg18 : memref<80x16xf32, #tpu.memory_space<vmem>>) dst(%dma_wait3A_639 : memref<10240x16xf32, #tpu.memory_space<vmem_shared>>)
      %dma_start3A_640 = arith.constant 1 : i32
      %dma_start3A_641 = arith.constant 2 : i32
      %dma_start3A_642 = arith.constant 0 : i32
      %dma_start3A_643 = arith.constant 0 : i32
      %dma_start3A_644 = tpu.memref_slice %arg17[%dma_start3A_641, %dma_start3A_642, %dma_start3A_643] : memref<3x80x128xf32, #tpu.memory_space<vmem>> -> memref<1x80x128xf32, #tpu.memory_space<vmem>>
      %dma_start3A_645 = tpu.memref_squeeze %dma_start3A_644 : memref<1x80x128xf32, #tpu.memory_space<vmem>> -> memref<80x128xf32, #tpu.memory_space<vmem>>
      %dma_start3A_646 = arith.constant 0 : i32
      %dma_start3A_647 = tpu.memref_slice %arg15[%dma_start3A_640, %dma_start3A_646] : memref<2x80xi32, #tpu.memory_space<vmem>> -> memref<1x80xi32, #tpu.memory_space<vmem>>
      %dma_start3A_648 = tpu.memref_squeeze %dma_start3A_647 : memref<1x80xi32, #tpu.memory_space<vmem>> -> memref<80xi32, #tpu.memory_space<vmem>>
      %dma_start3A_649 = arith.constant 0 : i32
      %dma_start3A_650 = arith.constant 0 : i32
      %dma_start3A_651 = tpu.memref_slice %arg4[%dma_start3A_649, %dma_start3A_650] : memref<10000x128xf32, #tpu.memory_space<hbm>> -> memref<10000x128xf32, #tpu.memory_space<hbm>>
      tpu.enqueue_indirect_dma source(%dma_start3A_651 : memref<10000x128xf32, #tpu.memory_space<hbm>>) target(%dma_start3A_645 : memref<80x128xf32, #tpu.memory_space<vmem>>) offsets(%dma_start3A_648 : memref<80xi32, #tpu.memory_space<vmem>>) semaphore(%arg21 : memref<!tpu.dma_semaphore, #tpu.memory_space<semaphore_mem>>)
      %dma_wait3A_652 = arith.constant 0 : i32
      %dma_wait3A_653 = arith.constant 1 : i32
      %dma_wait3A_654 = arith.constant 0 : i32
      %dma_wait3A_655 = arith.constant 0 : i32
      %dma_wait3A_656 = tpu.memref_slice %arg17[%dma_wait3A_653, %dma_wait3A_654, %dma_wait3A_655] : memref<3x80x128xf32, #tpu.memory_space<vmem>> -> memref<1x80x128xf32, #tpu.memory_space<vmem>>
      %dma_wait3A_657 = tpu.memref_squeeze %dma_wait3A_656 : memref<1x80x128xf32, #tpu.memory_space<vmem>> -> memref<80x128xf32, #tpu.memory_space<vmem>>
      %dma_wait3A_658 = arith.constant 0 : i32
      %dma_wait3A_659 = tpu.memref_slice %arg15[%dma_wait3A_652, %dma_wait3A_658] : memref<2x80xi32, #tpu.memory_space<vmem>> -> memref<1x80xi32, #tpu.memory_space<vmem>>
      %dma_wait3A_660 = tpu.memref_squeeze %dma_wait3A_659 : memref<1x80xi32, #tpu.memory_space<vmem>> -> memref<80xi32, #tpu.memory_space<vmem>>
      %dma_wait3A_661 = arith.constant 0 : i32
      %dma_wait3A_662 = arith.constant 0 : i32
      %dma_wait3A_663 = tpu.memref_slice %arg4[%dma_wait3A_661, %dma_wait3A_662] : memref<10000x128xf32, #tpu.memory_space<hbm>> -> memref<10000x128xf32, #tpu.memory_space<hbm>>
      tpu.wait_indirect_dma semaphore(%arg20 : memref<!tpu.dma_semaphore, #tpu.memory_space<semaphore_mem>>) src(%dma_wait3A_663 : memref<10000x128xf32, #tpu.memory_space<hbm>>) dst(%dma_wait3A_657 : memref<80x128xf32, #tpu.memory_space<vmem>>)
      %dma_start3A_664 = arith.constant 1 : i32
      %dma_start3A_665 = arith.constant 0 : i32
      %dma_start3A_666 = arith.constant 0 : i32
      %dma_start3A_667 = arith.constant 0 : i32
      %dma_start3A_668 = tpu.memref_slice %arg17[%dma_start3A_664, %dma_start3A_666, %dma_start3A_667] : memref<3x80x128xf32, #tpu.memory_space<vmem>> -> memref<1x80x128xf32, #tpu.memory_space<vmem>>
      %dma_start3A_669 = tpu.memref_squeeze %dma_start3A_668 : memref<1x80x128xf32, #tpu.memory_space<vmem>> -> memref<80x128xf32, #tpu.memory_space<vmem>>
      %dma_start3A_670 = arith.constant 0 : i32
      %dma_start3A_671 = tpu.memref_slice %arg16[%dma_start3A_665, %dma_start3A_670] : memref<2x80xi32, #tpu.memory_space<vmem>> -> memref<1x80xi32, #tpu.memory_space<vmem>>
      %dma_start3A_672 = tpu.memref_squeeze %dma_start3A_671 : memref<1x80xi32, #tpu.memory_space<vmem>> -> memref<80xi32, #tpu.memory_space<vmem>>
      %dma_start3A_673 = arith.constant 0 : i32
      %dma_start3A_674 = arith.constant 0 : i32
      %dma_start3A_675 = tpu.memref_slice %arg9[%dma_start3A_673, %dma_start3A_674] : memref<10240x128xf32, #tpu.memory_space<vmem_shared>> -> memref<10240x128xf32, #tpu.memory_space<vmem_shared>>
      tpu.enqueue_indirect_dma source(%dma_start3A_669 : memref<80x128xf32, #tpu.memory_space<vmem>>) target(%dma_start3A_675 : memref<10240x128xf32, #tpu.memory_space<vmem_shared>>) offsets(%dma_start3A_672 : memref<80xi32, #tpu.memory_space<vmem>>) semaphore(%arg23 : memref<!tpu.dma_semaphore, #tpu.memory_space<semaphore_mem>>) {add = true}
      %dma_start3A_676 = arith.constant 0 : i32
      %dma_start3A_677 = arith.constant 0 : i32
      %dma_start3A_678 = tpu.memref_slice %arg16[%dma_start3A_676, %dma_start3A_677] : memref<2x80xi32, #tpu.memory_space<vmem>> -> memref<1x80xi32, #tpu.memory_space<vmem>>
      %dma_start3A_679 = tpu.memref_squeeze %dma_start3A_678 : memref<1x80xi32, #tpu.memory_space<vmem>> -> memref<80xi32, #tpu.memory_space<vmem>>
      %dma_start3A_680 = arith.constant 0 : i32
      %dma_start3A_681 = arith.constant 0 : i32
      %dma_start3A_682 = tpu.memref_slice %arg10[%dma_start3A_680, %dma_start3A_681] : memref<10240x16xf32, #tpu.memory_space<vmem_shared>> -> memref<10240x16xf32, #tpu.memory_space<vmem_shared>>
      tpu.enqueue_indirect_dma source(%arg18 : memref<80x16xf32, #tpu.memory_space<vmem>>) target(%dma_start3A_682 : memref<10240x16xf32, #tpu.memory_space<vmem_shared>>) offsets(%dma_start3A_679 : memref<80xi32, #tpu.memory_space<vmem>>) semaphore(%arg26 : memref<!tpu.dma_semaphore, #tpu.memory_space<semaphore_mem>>) {add = true}
      %dma_wait3A_683 = arith.constant 0 : i32
      %dma_wait3A_684 = arith.constant 1 : i32
      %dma_wait3A_685 = arith.constant 0 : i32
      %dma_wait3A_686 = arith.constant 0 : i32
      %dma_wait3A_687 = tpu.memref_slice %arg17[%dma_wait3A_683, %dma_wait3A_685, %dma_wait3A_686] : memref<3x80x128xf32, #tpu.memory_space<vmem>> -> memref<1x80x128xf32, #tpu.memory_space<vmem>>
      %dma_wait3A_688 = tpu.memref_squeeze %dma_wait3A_687 : memref<1x80x128xf32, #tpu.memory_space<vmem>> -> memref<80x128xf32, #tpu.memory_space<vmem>>
      %dma_wait3A_689 = arith.constant 0 : i32
      %dma_wait3A_690 = tpu.memref_slice %arg14[%dma_wait3A_684, %dma_wait3A_689] : memref<2x80xi32, #tpu.memory_space<vmem>> -> memref<1x80xi32, #tpu.memory_space<vmem>>
      %dma_wait3A_691 = tpu.memref_squeeze %dma_wait3A_690 : memref<1x80xi32, #tpu.memory_space<vmem>> -> memref<80xi32, #tpu.memory_space<vmem>>
      %dma_wait3A_692 = arith.constant 0 : i32
      %dma_wait3A_693 = arith.constant 0 : i32
      %dma_wait3A_694 = tpu.memref_slice %arg9[%dma_wait3A_692, %dma_wait3A_693] : memref<10240x128xf32, #tpu.memory_space<vmem_shared>> -> memref<10240x128xf32, #tpu.memory_space<vmem_shared>>
      tpu.wait_indirect_dma semaphore(%arg22 : memref<!tpu.dma_semaphore, #tpu.memory_space<semaphore_mem>>) src(%dma_wait3A_688 : memref<80x128xf32, #tpu.memory_space<vmem>>) dst(%dma_wait3A_694 : memref<10240x128xf32, #tpu.memory_space<vmem_shared>>)
      %dma_wait3A_695 = arith.constant 1 : i32
      %dma_wait3A_696 = arith.constant 0 : i32
      %dma_wait3A_697 = tpu.memref_slice %arg14[%dma_wait3A_695, %dma_wait3A_696] : memref<2x80xi32, #tpu.memory_space<vmem>> -> memref<1x80xi32, #tpu.memory_space<vmem>>
      %dma_wait3A_698 = tpu.memref_squeeze %dma_wait3A_697 : memref<1x80xi32, #tpu.memory_space<vmem>> -> memref<80xi32, #tpu.memory_space<vmem>>
      %dma_wait3A_699 = arith.constant 0 : i32
      %dma_wait3A_700 = arith.constant 0 : i32
      %dma_wait3A_701 = tpu.memref_slice %arg10[%dma_wait3A_699, %dma_wait3A_700] : memref<10240x16xf32, #tpu.memory_space<vmem_shared>> -> memref<10240x16xf32, #tpu.memory_space<vmem_shared>>
      tpu.wait_indirect_dma semaphore(%arg25 : memref<!tpu.dma_semaphore, #tpu.memory_space<semaphore_mem>>) src(%arg18 : memref<80x16xf32, #tpu.memory_space<vmem>>) dst(%dma_wait3A_701 : memref<10240x16xf32, #tpu.memory_space<vmem_shared>>)
      %dma_wait3A_702 = arith.constant 0 : i32
      %dma_wait3A_703 = arith.constant 0 : i32
      %dma_wait3A_704 = tpu.memref_slice %arg2[%add3A, %dma_wait3A_702, %dma_wait3A_703] : memref<32x125x80xi32, #tpu.memory_space<hbm>> -> memref<1x2x80xi32, #tpu.memory_space<hbm>>
      %dma_wait3A_705 = tpu.memref_squeeze %dma_wait3A_704 : memref<1x2x80xi32, #tpu.memory_space<hbm>> -> memref<2x80xi32, #tpu.memory_space<hbm>>
      %dma_wait3A_706 = arith.constant 0 : i32
      %dma_wait3A_707 = arith.constant 0 : i32
      %dma_wait3A_708 = tpu.memref_slice %arg2[%add3A, %dma_wait3A_706, %dma_wait3A_707] : memref<32x125x80xi32, #tpu.memory_space<hbm>> -> memref<1x2x80xi32, #tpu.memory_space<hbm>>
      %dma_wait3A_709 = tpu.memref_squeeze %dma_wait3A_708 : memref<1x2x80xi32, #tpu.memory_space<hbm>> -> memref<2x80xi32, #tpu.memory_space<hbm>>
      tpu.wait_dma2 semaphore(%arg28 : memref<!tpu.dma_semaphore, #tpu.memory_space<semaphore_mem>>) src(%dma_wait3A_709 : memref<2x80xi32, #tpu.memory_space<hbm>>) dst(%arg11 : memref<2x80xi32, #tpu.memory_space<vmem>>)
      %dma_wait3A_710 = arith.constant 0 : i32
      %dma_wait3A_711 = arith.constant 0 : i32
      %dma_wait3A_712 = tpu.memref_slice %arg3[%add3A, %dma_wait3A_710, %dma_wait3A_711] : memref<32x125x80xi32, #tpu.memory_space<hbm>> -> memref<1x2x80xi32, #tpu.memory_space<hbm>>
      %dma_wait3A_713 = tpu.memref_squeeze %dma_wait3A_712 : memref<1x2x80xi32, #tpu.memory_space<hbm>> -> memref<2x80xi32, #tpu.memory_space<hbm>>
      %dma_wait3A_714 = arith.constant 0 : i32
      %dma_wait3A_715 = arith.constant 0 : i32
      %dma_wait3A_716 = tpu.memref_slice %arg3[%add3A, %dma_wait3A_714, %dma_wait3A_715] : memref<32x125x80xi32, #tpu.memory_space<hbm>> -> memref<1x2x80xi32, #tpu.memory_space<hbm>>
      %dma_wait3A_717 = tpu.memref_squeeze %dma_wait3A_716 : memref<1x2x80xi32, #tpu.memory_space<hbm>> -> memref<2x80xi32, #tpu.memory_space<hbm>>
      tpu.wait_dma2 semaphore(%arg28 : memref<!tpu.dma_semaphore, #tpu.memory_space<semaphore_mem>>) src(%dma_wait3A_717 : memref<2x80xi32, #tpu.memory_space<hbm>>) dst(%arg12 : memref<2x80xi32, #tpu.memory_space<vmem>>)
      %dma_start3A_718 = arith.constant 0 : i32
      %dma_start3A_719 = arith.constant 0 : i32
      %dma_start3A_720 = arith.constant 0 : i32
      %dma_start3A_721 = arith.constant 0 : i32
      %dma_start3A_722 = tpu.memref_slice %arg17[%dma_start3A_719, %dma_start3A_720, %dma_start3A_721] : memref<3x80x128xf32, #tpu.memory_space<vmem>> -> memref<1x80x128xf32, #tpu.memory_space<vmem>>
      %dma_start3A_723 = tpu.memref_squeeze %dma_start3A_722 : memref<1x80x128xf32, #tpu.memory_space<vmem>> -> memref<80x128xf32, #tpu.memory_space<vmem>>
      %dma_start3A_724 = arith.constant 0 : i32
      %dma_start3A_725 = tpu.memref_slice %arg11[%dma_start3A_718, %dma_start3A_724] : memref<2x80xi32, #tpu.memory_space<vmem>> -> memref<1x80xi32, #tpu.memory_space<vmem>>
      %dma_start3A_726 = tpu.memref_squeeze %dma_start3A_725 : memref<1x80xi32, #tpu.memory_space<vmem>> -> memref<80xi32, #tpu.memory_space<vmem>>
      %dma_start3A_727 = arith.constant 0 : i32
      %dma_start3A_728 = arith.constant 0 : i32
      %dma_start3A_729 = tpu.memref_slice %arg4[%dma_start3A_727, %dma_start3A_728] : memref<10000x128xf32, #tpu.memory_space<hbm>> -> memref<10000x128xf32, #tpu.memory_space<hbm>>
      tpu.enqueue_indirect_dma source(%dma_start3A_729 : memref<10000x128xf32, #tpu.memory_space<hbm>>) target(%dma_start3A_723 : memref<80x128xf32, #tpu.memory_space<vmem>>) offsets(%dma_start3A_726 : memref<80xi32, #tpu.memory_space<vmem>>) semaphore(%arg19 : memref<!tpu.dma_semaphore, #tpu.memory_space<semaphore_mem>>)
      %add3A_730 = arith.constant 8 : i32
      %add3A_731 = arith.addi %mul3A_374, %add3A_730 : i32
      %dma_start3A_732 = arith.constant 0 : i32
      %dma_start3A_733 = tpu.memref_slice %arg2[%add3A, %add3A_731, %dma_start3A_732] : memref<32x125x80xi32, #tpu.memory_space<hbm>> -> memref<1x2x80xi32, #tpu.memory_space<hbm>>
      %dma_start3A_734 = tpu.memref_squeeze %dma_start3A_733 : memref<1x2x80xi32, #tpu.memory_space<hbm>> -> memref<2x80xi32, #tpu.memory_space<hbm>>
      %dma_start3A_735 = arith.constant 0 : i32
      %dma_start3A_736 = tpu.memref_slice %arg2[%add3A, %add3A_731, %dma_start3A_735] : memref<32x125x80xi32, #tpu.memory_space<hbm>> -> memref<1x2x80xi32, #tpu.memory_space<hbm>>
      %dma_start3A_737 = tpu.memref_squeeze %dma_start3A_736 : memref<1x2x80xi32, #tpu.memory_space<hbm>> -> memref<2x80xi32, #tpu.memory_space<hbm>>
      tpu.enqueue_dma source(%dma_start3A_737 : memref<2x80xi32, #tpu.memory_space<hbm>>) target(%arg13 : memref<2x80xi32, #tpu.memory_space<vmem>>) target_semaphore(%arg29 : memref<!tpu.dma_semaphore, #tpu.memory_space<semaphore_mem>>)
      %add3A_738 = arith.constant 8 : i32
      %add3A_739 = arith.addi %mul3A_374, %add3A_738 : i32
      %dma_start3A_740 = arith.constant 0 : i32
      %dma_start3A_741 = tpu.memref_slice %arg3[%add3A, %add3A_739, %dma_start3A_740] : memref<32x125x80xi32, #tpu.memory_space<hbm>> -> memref<1x2x80xi32, #tpu.memory_space<hbm>>
      %dma_start3A_742 = tpu.memref_squeeze %dma_start3A_741 : memref<1x2x80xi32, #tpu.memory_space<hbm>> -> memref<2x80xi32, #tpu.memory_space<hbm>>
      %dma_start3A_743 = arith.constant 0 : i32
      %dma_start3A_744 = tpu.memref_slice %arg3[%add3A, %add3A_739, %dma_start3A_743] : memref<32x125x80xi32, #tpu.memory_space<hbm>> -> memref<1x2x80xi32, #tpu.memory_space<hbm>>
      %dma_start3A_745 = tpu.memref_squeeze %dma_start3A_744 : memref<1x2x80xi32, #tpu.memory_space<hbm>> -> memref<2x80xi32, #tpu.memory_space<hbm>>
      tpu.enqueue_dma source(%dma_start3A_745 : memref<2x80xi32, #tpu.memory_space<hbm>>) target(%arg14 : memref<2x80xi32, #tpu.memory_space<vmem>>) target_semaphore(%arg29 : memref<!tpu.dma_semaphore, #tpu.memory_space<semaphore_mem>>)
      %dma_wait3A_746 = arith.constant 1 : i32
      %dma_wait3A_747 = arith.constant 2 : i32
      %dma_wait3A_748 = arith.constant 0 : i32
      %dma_wait3A_749 = arith.constant 0 : i32
      %dma_wait3A_750 = tpu.memref_slice %arg17[%dma_wait3A_747, %dma_wait3A_748, %dma_wait3A_749] : memref<3x80x128xf32, #tpu.memory_space<vmem>> -> memref<1x80x128xf32, #tpu.memory_space<vmem>>
      %dma_wait3A_751 = tpu.memref_squeeze %dma_wait3A_750 : memref<1x80x128xf32, #tpu.memory_space<vmem>> -> memref<80x128xf32, #tpu.memory_space<vmem>>
      %dma_wait3A_752 = arith.constant 0 : i32
      %dma_wait3A_753 = tpu.memref_slice %arg15[%dma_wait3A_746, %dma_wait3A_752] : memref<2x80xi32, #tpu.memory_space<vmem>> -> memref<1x80xi32, #tpu.memory_space<vmem>>
      %dma_wait3A_754 = tpu.memref_squeeze %dma_wait3A_753 : memref<1x80xi32, #tpu.memory_space<vmem>> -> memref<80xi32, #tpu.memory_space<vmem>>
      %dma_wait3A_755 = arith.constant 0 : i32
      %dma_wait3A_756 = arith.constant 0 : i32
      %dma_wait3A_757 = tpu.memref_slice %arg4[%dma_wait3A_755, %dma_wait3A_756] : memref<10000x128xf32, #tpu.memory_space<hbm>> -> memref<10000x128xf32, #tpu.memory_space<hbm>>
      tpu.wait_indirect_dma semaphore(%arg21 : memref<!tpu.dma_semaphore, #tpu.memory_space<semaphore_mem>>) src(%dma_wait3A_757 : memref<10000x128xf32, #tpu.memory_space<hbm>>) dst(%dma_wait3A_751 : memref<80x128xf32, #tpu.memory_space<vmem>>)
      %dma_start3A_758 = arith.constant 2 : i32
      %dma_start3A_759 = arith.constant 1 : i32
      %dma_start3A_760 = arith.constant 0 : i32
      %dma_start3A_761 = arith.constant 0 : i32
      %dma_start3A_762 = tpu.memref_slice %arg17[%dma_start3A_758, %dma_start3A_760, %dma_start3A_761] : memref<3x80x128xf32, #tpu.memory_space<vmem>> -> memref<1x80x128xf32, #tpu.memory_space<vmem>>
      %dma_start3A_763 = tpu.memref_squeeze %dma_start3A_762 : memref<1x80x128xf32, #tpu.memory_space<vmem>> -> memref<80x128xf32, #tpu.memory_space<vmem>>
      %dma_start3A_764 = arith.constant 0 : i32
      %dma_start3A_765 = tpu.memref_slice %arg16[%dma_start3A_759, %dma_start3A_764] : memref<2x80xi32, #tpu.memory_space<vmem>> -> memref<1x80xi32, #tpu.memory_space<vmem>>
      %dma_start3A_766 = tpu.memref_squeeze %dma_start3A_765 : memref<1x80xi32, #tpu.memory_space<vmem>> -> memref<80xi32, #tpu.memory_space<vmem>>
      %dma_start3A_767 = arith.constant 0 : i32
      %dma_start3A_768 = arith.constant 0 : i32
      %dma_start3A_769 = tpu.memref_slice %arg9[%dma_start3A_767, %dma_start3A_768] : memref<10240x128xf32, #tpu.memory_space<vmem_shared>> -> memref<10240x128xf32, #tpu.memory_space<vmem_shared>>
      tpu.enqueue_indirect_dma source(%dma_start3A_763 : memref<80x128xf32, #tpu.memory_space<vmem>>) target(%dma_start3A_769 : memref<10240x128xf32, #tpu.memory_space<vmem_shared>>) offsets(%dma_start3A_766 : memref<80xi32, #tpu.memory_space<vmem>>) semaphore(%arg24 : memref<!tpu.dma_semaphore, #tpu.memory_space<semaphore_mem>>) {add = true}
      %dma_start3A_770 = arith.constant 1 : i32
      %dma_start3A_771 = arith.constant 0 : i32
      %dma_start3A_772 = tpu.memref_slice %arg16[%dma_start3A_770, %dma_start3A_771] : memref<2x80xi32, #tpu.memory_space<vmem>> -> memref<1x80xi32, #tpu.memory_space<vmem>>
      %dma_start3A_773 = tpu.memref_squeeze %dma_start3A_772 : memref<1x80xi32, #tpu.memory_space<vmem>> -> memref<80xi32, #tpu.memory_space<vmem>>
      %dma_start3A_774 = arith.constant 0 : i32
      %dma_start3A_775 = arith.constant 0 : i32
      %dma_start3A_776 = tpu.memref_slice %arg10[%dma_start3A_774, %dma_start3A_775] : memref<10240x16xf32, #tpu.memory_space<vmem_shared>> -> memref<10240x16xf32, #tpu.memory_space<vmem_shared>>
      tpu.enqueue_indirect_dma source(%arg18 : memref<80x16xf32, #tpu.memory_space<vmem>>) target(%dma_start3A_776 : memref<10240x16xf32, #tpu.memory_space<vmem_shared>>) offsets(%dma_start3A_773 : memref<80xi32, #tpu.memory_space<vmem>>) semaphore(%arg27 : memref<!tpu.dma_semaphore, #tpu.memory_space<semaphore_mem>>) {add = true}
      %dma_wait3A_777 = arith.constant 1 : i32
      %dma_wait3A_778 = arith.constant 0 : i32
      %dma_wait3A_779 = arith.constant 0 : i32
      %dma_wait3A_780 = arith.constant 0 : i32
      %dma_wait3A_781 = tpu.memref_slice %arg17[%dma_wait3A_777, %dma_wait3A_779, %dma_wait3A_780] : memref<3x80x128xf32, #tpu.memory_space<vmem>> -> memref<1x80x128xf32, #tpu.memory_space<vmem>>
      %dma_wait3A_782 = tpu.memref_squeeze %dma_wait3A_781 : memref<1x80x128xf32, #tpu.memory_space<vmem>> -> memref<80x128xf32, #tpu.memory_space<vmem>>
      %dma_wait3A_783 = arith.constant 0 : i32
      %dma_wait3A_784 = tpu.memref_slice %arg16[%dma_wait3A_778, %dma_wait3A_783] : memref<2x80xi32, #tpu.memory_space<vmem>> -> memref<1x80xi32, #tpu.memory_space<vmem>>
      %dma_wait3A_785 = tpu.memref_squeeze %dma_wait3A_784 : memref<1x80xi32, #tpu.memory_space<vmem>> -> memref<80xi32, #tpu.memory_space<vmem>>
      %dma_wait3A_786 = arith.constant 0 : i32
      %dma_wait3A_787 = arith.constant 0 : i32
      %dma_wait3A_788 = tpu.memref_slice %arg9[%dma_wait3A_786, %dma_wait3A_787] : memref<10240x128xf32, #tpu.memory_space<vmem_shared>> -> memref<10240x128xf32, #tpu.memory_space<vmem_shared>>
      tpu.wait_indirect_dma semaphore(%arg23 : memref<!tpu.dma_semaphore, #tpu.memory_space<semaphore_mem>>) src(%dma_wait3A_782 : memref<80x128xf32, #tpu.memory_space<vmem>>) dst(%dma_wait3A_788 : memref<10240x128xf32, #tpu.memory_space<vmem_shared>>)
      %dma_wait3A_789 = arith.constant 0 : i32
      %dma_wait3A_790 = arith.constant 0 : i32
      %dma_wait3A_791 = tpu.memref_slice %arg16[%dma_wait3A_789, %dma_wait3A_790] : memref<2x80xi32, #tpu.memory_space<vmem>> -> memref<1x80xi32, #tpu.memory_space<vmem>>
      %dma_wait3A_792 = tpu.memref_squeeze %dma_wait3A_791 : memref<1x80xi32, #tpu.memory_space<vmem>> -> memref<80xi32, #tpu.memory_space<vmem>>
      %dma_wait3A_793 = arith.constant 0 : i32
      %dma_wait3A_794 = arith.constant 0 : i32
      %dma_wait3A_795 = tpu.memref_slice %arg10[%dma_wait3A_793, %dma_wait3A_794] : memref<10240x16xf32, #tpu.memory_space<vmem_shared>> -> memref<10240x16xf32, #tpu.memory_space<vmem_shared>>
      tpu.wait_indirect_dma semaphore(%arg26 : memref<!tpu.dma_semaphore, #tpu.memory_space<semaphore_mem>>) src(%arg18 : memref<80x16xf32, #tpu.memory_space<vmem>>) dst(%dma_wait3A_795 : memref<10240x16xf32, #tpu.memory_space<vmem_shared>>)
      %dma_start3A_796 = arith.constant 1 : i32
      %dma_start3A_797 = arith.constant 1 : i32
      %dma_start3A_798 = arith.constant 0 : i32
      %dma_start3A_799 = arith.constant 0 : i32
      %dma_start3A_800 = tpu.memref_slice %arg17[%dma_start3A_797, %dma_start3A_798, %dma_start3A_799] : memref<3x80x128xf32, #tpu.memory_space<vmem>> -> memref<1x80x128xf32, #tpu.memory_space<vmem>>
      %dma_start3A_801 = tpu.memref_squeeze %dma_start3A_800 : memref<1x80x128xf32, #tpu.memory_space<vmem>> -> memref<80x128xf32, #tpu.memory_space<vmem>>
      %dma_start3A_802 = arith.constant 0 : i32
      %dma_start3A_803 = tpu.memref_slice %arg11[%dma_start3A_796, %dma_start3A_802] : memref<2x80xi32, #tpu.memory_space<vmem>> -> memref<1x80xi32, #tpu.memory_space<vmem>>
      %dma_start3A_804 = tpu.memref_squeeze %dma_start3A_803 : memref<1x80xi32, #tpu.memory_space<vmem>> -> memref<80xi32, #tpu.memory_space<vmem>>
      %dma_start3A_805 = arith.constant 0 : i32
      %dma_start3A_806 = arith.constant 0 : i32
      %dma_start3A_807 = tpu.memref_slice %arg4[%dma_start3A_805, %dma_start3A_806] : memref<10000x128xf32, #tpu.memory_space<hbm>> -> memref<10000x128xf32, #tpu.memory_space<hbm>>
      tpu.enqueue_indirect_dma source(%dma_start3A_807 : memref<10000x128xf32, #tpu.memory_space<hbm>>) target(%dma_start3A_801 : memref<80x128xf32, #tpu.memory_space<vmem>>) offsets(%dma_start3A_804 : memref<80xi32, #tpu.memory_space<vmem>>) semaphore(%arg20 : memref<!tpu.dma_semaphore, #tpu.memory_space<semaphore_mem>>)
      %lt3A = arith.constant 19 : i32
      %lt3A_808 = arith.cmpi slt, %scan3A_372, %lt3A : i32
      %convert_element_type3A = arith.extui %lt3A_808 : i1 to i32
      %cond3A = arith.constant 0 : i32
      %cond3A_809 = arith.cmpi ne, %convert_element_type3A, %cond3A : i32
      scf.if %cond3A_809 {
        %add3A_829 = arith.constant 10 : i32
        %add3A_830 = arith.addi %mul3A_374, %add3A_829 : i32
        %dma_start3A_831 = arith.constant 0 : i32
        %dma_start3A_832 = tpu.memref_slice %arg2[%add3A, %add3A_830, %dma_start3A_831] : memref<32x125x80xi32, #tpu.memory_space<hbm>> -> memref<1x2x80xi32, #tpu.memory_space<hbm>>
        %dma_start3A_833 = tpu.memref_squeeze %dma_start3A_832 : memref<1x2x80xi32, #tpu.memory_space<hbm>> -> memref<2x80xi32, #tpu.memory_space<hbm>>
        %dma_start3A_834 = arith.constant 0 : i32
        %dma_start3A_835 = tpu.memref_slice %arg2[%add3A, %add3A_830, %dma_start3A_834] : memref<32x125x80xi32, #tpu.memory_space<hbm>> -> memref<1x2x80xi32, #tpu.memory_space<hbm>>
        %dma_start3A_836 = tpu.memref_squeeze %dma_start3A_835 : memref<1x2x80xi32, #tpu.memory_space<hbm>> -> memref<2x80xi32, #tpu.memory_space<hbm>>
        tpu.enqueue_dma source(%dma_start3A_836 : memref<2x80xi32, #tpu.memory_space<hbm>>) target(%arg15 : memref<2x80xi32, #tpu.memory_space<vmem>>) target_semaphore(%arg30 : memref<!tpu.dma_semaphore, #tpu.memory_space<semaphore_mem>>)
        %add3A_837 = arith.constant 10 : i32
        %add3A_838 = arith.addi %mul3A_374, %add3A_837 : i32
        %dma_start3A_839 = arith.constant 0 : i32
        %dma_start3A_840 = tpu.memref_slice %arg3[%add3A, %add3A_838, %dma_start3A_839] : memref<32x125x80xi32, #tpu.memory_space<hbm>> -> memref<1x2x80xi32, #tpu.memory_space<hbm>>
        %dma_start3A_841 = tpu.memref_squeeze %dma_start3A_840 : memref<1x2x80xi32, #tpu.memory_space<hbm>> -> memref<2x80xi32, #tpu.memory_space<hbm>>
        %dma_start3A_842 = arith.constant 0 : i32
        %dma_start3A_843 = tpu.memref_slice %arg3[%add3A, %add3A_838, %dma_start3A_842] : memref<32x125x80xi32, #tpu.memory_space<hbm>> -> memref<1x2x80xi32, #tpu.memory_space<hbm>>
        %dma_start3A_844 = tpu.memref_squeeze %dma_start3A_843 : memref<1x2x80xi32, #tpu.memory_space<hbm>> -> memref<2x80xi32, #tpu.memory_space<hbm>>
        tpu.enqueue_dma source(%dma_start3A_844 : memref<2x80xi32, #tpu.memory_space<hbm>>) target(%arg16 : memref<2x80xi32, #tpu.memory_space<vmem>>) target_semaphore(%arg30 : memref<!tpu.dma_semaphore, #tpu.memory_space<semaphore_mem>>)
      } else {
      }
      %dma_wait3A_810 = arith.constant 2 : i32
      %dma_wait3A_811 = arith.constant 1 : i32
      %dma_wait3A_812 = arith.constant 0 : i32
      %dma_wait3A_813 = arith.constant 0 : i32
      %dma_wait3A_814 = tpu.memref_slice %arg17[%dma_wait3A_810, %dma_wait3A_812, %dma_wait3A_813] : memref<3x80x128xf32, #tpu.memory_space<vmem>> -> memref<1x80x128xf32, #tpu.memory_space<vmem>>
      %dma_wait3A_815 = tpu.memref_squeeze %dma_wait3A_814 : memref<1x80x128xf32, #tpu.memory_space<vmem>> -> memref<80x128xf32, #tpu.memory_space<vmem>>
      %dma_wait3A_816 = arith.constant 0 : i32
      %dma_wait3A_817 = tpu.memref_slice %arg16[%dma_wait3A_811, %dma_wait3A_816] : memref<2x80xi32, #tpu.memory_space<vmem>> -> memref<1x80xi32, #tpu.memory_space<vmem>>
      %dma_wait3A_818 = tpu.memref_squeeze %dma_wait3A_817 : memref<1x80xi32, #tpu.memory_space<vmem>> -> memref<80xi32, #tpu.memory_space<vmem>>
      %dma_wait3A_819 = arith.constant 0 : i32
      %dma_wait3A_820 = arith.constant 0 : i32
      %dma_wait3A_821 = tpu.memref_slice %arg9[%dma_wait3A_819, %dma_wait3A_820] : memref<10240x128xf32, #tpu.memory_space<vmem_shared>> -> memref<10240x128xf32, #tpu.memory_space<vmem_shared>>
      tpu.wait_indirect_dma semaphore(%arg24 : memref<!tpu.dma_semaphore, #tpu.memory_space<semaphore_mem>>) src(%dma_wait3A_815 : memref<80x128xf32, #tpu.memory_space<vmem>>) dst(%dma_wait3A_821 : memref<10240x128xf32, #tpu.memory_space<vmem_shared>>)
      %dma_wait3A_822 = arith.constant 1 : i32
      %dma_wait3A_823 = arith.constant 0 : i32
      %dma_wait3A_824 = tpu.memref_slice %arg16[%dma_wait3A_822, %dma_wait3A_823] : memref<2x80xi32, #tpu.memory_space<vmem>> -> memref<1x80xi32, #tpu.memory_space<vmem>>
      %dma_wait3A_825 = tpu.memref_squeeze %dma_wait3A_824 : memref<1x80xi32, #tpu.memory_space<vmem>> -> memref<80xi32, #tpu.memory_space<vmem>>
      %dma_wait3A_826 = arith.constant 0 : i32
      %dma_wait3A_827 = arith.constant 0 : i32
      %dma_wait3A_828 = tpu.memref_slice %arg10[%dma_wait3A_826, %dma_wait3A_827] : memref<10240x16xf32, #tpu.memory_space<vmem_shared>> -> memref<10240x16xf32, #tpu.memory_space<vmem_shared>>
      tpu.wait_indirect_dma semaphore(%arg27 : memref<!tpu.dma_semaphore, #tpu.memory_space<semaphore_mem>>) src(%arg18 : memref<80x16xf32, #tpu.memory_space<vmem>>) dst(%dma_wait3A_828 : memref<10240x16xf32, #tpu.memory_space<vmem_shared>>)
    }
    %scan3A_69 = arith.constant 20 : i32
    %dma_wait3A = arith.constant 0 : i32
    %dma_wait3A_70 = arith.constant 0 : i32
    %dma_wait3A_71 = arith.constant 0 : i32
    %dma_wait3A_72 = arith.constant 0 : i32
    %dma_wait3A_73 = tpu.memref_slice %arg17[%dma_wait3A_70, %dma_wait3A_71, %dma_wait3A_72] : memref<3x80x128xf32, #tpu.memory_space<vmem>> -> memref<1x80x128xf32, #tpu.memory_space<vmem>>
    %dma_wait3A_74 = tpu.memref_squeeze %dma_wait3A_73 : memref<1x80x128xf32, #tpu.memory_space<vmem>> -> memref<80x128xf32, #tpu.memory_space<vmem>>
    %dma_wait3A_75 = arith.constant 0 : i32
    %dma_wait3A_76 = tpu.memref_slice %arg11[%dma_wait3A, %dma_wait3A_75] : memref<2x80xi32, #tpu.memory_space<vmem>> -> memref<1x80xi32, #tpu.memory_space<vmem>>
    %dma_wait3A_77 = tpu.memref_squeeze %dma_wait3A_76 : memref<1x80xi32, #tpu.memory_space<vmem>> -> memref<80xi32, #tpu.memory_space<vmem>>
    %dma_wait3A_78 = arith.constant 0 : i32
    %dma_wait3A_79 = arith.constant 0 : i32
    %dma_wait3A_80 = tpu.memref_slice %arg4[%dma_wait3A_78, %dma_wait3A_79] : memref<10000x128xf32, #tpu.memory_space<hbm>> -> memref<10000x128xf32, #tpu.memory_space<hbm>>
    tpu.wait_indirect_dma semaphore(%arg19 : memref<!tpu.dma_semaphore, #tpu.memory_space<semaphore_mem>>) src(%dma_wait3A_80 : memref<10000x128xf32, #tpu.memory_space<hbm>>) dst(%dma_wait3A_74 : memref<80x128xf32, #tpu.memory_space<vmem>>)
    %dma_start3A_81 = arith.constant 0 : i32
    %dma_start3A_82 = arith.constant 0 : i32
    %dma_start3A_83 = arith.constant 0 : i32
    %dma_start3A_84 = arith.constant 0 : i32
    %dma_start3A_85 = tpu.memref_slice %arg17[%dma_start3A_81, %dma_start3A_83, %dma_start3A_84] : memref<3x80x128xf32, #tpu.memory_space<vmem>> -> memref<1x80x128xf32, #tpu.memory_space<vmem>>
    %dma_start3A_86 = tpu.memref_squeeze %dma_start3A_85 : memref<1x80x128xf32, #tpu.memory_space<vmem>> -> memref<80x128xf32, #tpu.memory_space<vmem>>
    %dma_start3A_87 = arith.constant 0 : i32
    %dma_start3A_88 = tpu.memref_slice %arg12[%dma_start3A_82, %dma_start3A_87] : memref<2x80xi32, #tpu.memory_space<vmem>> -> memref<1x80xi32, #tpu.memory_space<vmem>>
    %dma_start3A_89 = tpu.memref_squeeze %dma_start3A_88 : memref<1x80xi32, #tpu.memory_space<vmem>> -> memref<80xi32, #tpu.memory_space<vmem>>
    %dma_start3A_90 = arith.constant 0 : i32
    %dma_start3A_91 = arith.constant 0 : i32
    %dma_start3A_92 = tpu.memref_slice %arg9[%dma_start3A_90, %dma_start3A_91] : memref<10240x128xf32, #tpu.memory_space<vmem_shared>> -> memref<10240x128xf32, #tpu.memory_space<vmem_shared>>
    tpu.enqueue_indirect_dma source(%dma_start3A_86 : memref<80x128xf32, #tpu.memory_space<vmem>>) target(%dma_start3A_92 : memref<10240x128xf32, #tpu.memory_space<vmem_shared>>) offsets(%dma_start3A_89 : memref<80xi32, #tpu.memory_space<vmem>>) semaphore(%arg22 : memref<!tpu.dma_semaphore, #tpu.memory_space<semaphore_mem>>) {add = true}
    %dma_start3A_93 = arith.constant 0 : i32
    %dma_start3A_94 = arith.constant 0 : i32
    %dma_start3A_95 = tpu.memref_slice %arg12[%dma_start3A_93, %dma_start3A_94] : memref<2x80xi32, #tpu.memory_space<vmem>> -> memref<1x80xi32, #tpu.memory_space<vmem>>
    %dma_start3A_96 = tpu.memref_squeeze %dma_start3A_95 : memref<1x80xi32, #tpu.memory_space<vmem>> -> memref<80xi32, #tpu.memory_space<vmem>>
    %dma_start3A_97 = arith.constant 0 : i32
    %dma_start3A_98 = arith.constant 0 : i32
    %dma_start3A_99 = tpu.memref_slice %arg10[%dma_start3A_97, %dma_start3A_98] : memref<10240x16xf32, #tpu.memory_space<vmem_shared>> -> memref<10240x16xf32, #tpu.memory_space<vmem_shared>>
    tpu.enqueue_indirect_dma source(%arg18 : memref<80x16xf32, #tpu.memory_space<vmem>>) target(%dma_start3A_99 : memref<10240x16xf32, #tpu.memory_space<vmem_shared>>) offsets(%dma_start3A_96 : memref<80xi32, #tpu.memory_space<vmem>>) semaphore(%arg25 : memref<!tpu.dma_semaphore, #tpu.memory_space<semaphore_mem>>) {add = true}
    %dma_wait3A_100 = arith.constant 0 : i32
    %dma_wait3A_101 = arith.constant 0 : i32
    %dma_wait3A_102 = tpu.memref_slice %arg2[%add3A, %dma_wait3A_100, %dma_wait3A_101] : memref<32x125x80xi32, #tpu.memory_space<hbm>> -> memref<1x2x80xi32, #tpu.memory_space<hbm>>
    %dma_wait3A_103 = tpu.memref_squeeze %dma_wait3A_102 : memref<1x2x80xi32, #tpu.memory_space<hbm>> -> memref<2x80xi32, #tpu.memory_space<hbm>>
    %dma_wait3A_104 = arith.constant 0 : i32
    %dma_wait3A_105 = arith.constant 0 : i32
    %dma_wait3A_106 = tpu.memref_slice %arg2[%add3A, %dma_wait3A_104, %dma_wait3A_105] : memref<32x125x80xi32, #tpu.memory_space<hbm>> -> memref<1x2x80xi32, #tpu.memory_space<hbm>>
    %dma_wait3A_107 = tpu.memref_squeeze %dma_wait3A_106 : memref<1x2x80xi32, #tpu.memory_space<hbm>> -> memref<2x80xi32, #tpu.memory_space<hbm>>
    tpu.wait_dma2 semaphore(%arg29 : memref<!tpu.dma_semaphore, #tpu.memory_space<semaphore_mem>>) src(%dma_wait3A_107 : memref<2x80xi32, #tpu.memory_space<hbm>>) dst(%arg13 : memref<2x80xi32, #tpu.memory_space<vmem>>)
    %dma_wait3A_108 = arith.constant 0 : i32
    %dma_wait3A_109 = arith.constant 0 : i32
    %dma_wait3A_110 = tpu.memref_slice %arg3[%add3A, %dma_wait3A_108, %dma_wait3A_109] : memref<32x125x80xi32, #tpu.memory_space<hbm>> -> memref<1x2x80xi32, #tpu.memory_space<hbm>>
    %dma_wait3A_111 = tpu.memref_squeeze %dma_wait3A_110 : memref<1x2x80xi32, #tpu.memory_space<hbm>> -> memref<2x80xi32, #tpu.memory_space<hbm>>
    %dma_wait3A_112 = arith.constant 0 : i32
    %dma_wait3A_113 = arith.constant 0 : i32
    %dma_wait3A_114 = tpu.memref_slice %arg3[%add3A, %dma_wait3A_112, %dma_wait3A_113] : memref<32x125x80xi32, #tpu.memory_space<hbm>> -> memref<1x2x80xi32, #tpu.memory_space<hbm>>
    %dma_wait3A_115 = tpu.memref_squeeze %dma_wait3A_114 : memref<1x2x80xi32, #tpu.memory_space<hbm>> -> memref<2x80xi32, #tpu.memory_space<hbm>>
    tpu.wait_dma2 semaphore(%arg29 : memref<!tpu.dma_semaphore, #tpu.memory_space<semaphore_mem>>) src(%dma_wait3A_115 : memref<2x80xi32, #tpu.memory_space<hbm>>) dst(%arg14 : memref<2x80xi32, #tpu.memory_space<vmem>>)
    %dma_start3A_116 = arith.constant 0 : i32
    %dma_start3A_117 = arith.constant 2 : i32
    %dma_start3A_118 = arith.constant 0 : i32
    %dma_start3A_119 = arith.constant 0 : i32
    %dma_start3A_120 = tpu.memref_slice %arg17[%dma_start3A_117, %dma_start3A_118, %dma_start3A_119] : memref<3x80x128xf32, #tpu.memory_space<vmem>> -> memref<1x80x128xf32, #tpu.memory_space<vmem>>
    %dma_start3A_121 = tpu.memref_squeeze %dma_start3A_120 : memref<1x80x128xf32, #tpu.memory_space<vmem>> -> memref<80x128xf32, #tpu.memory_space<vmem>>
    %dma_start3A_122 = arith.constant 0 : i32
    %dma_start3A_123 = tpu.memref_slice %arg13[%dma_start3A_116, %dma_start3A_122] : memref<2x80xi32, #tpu.memory_space<vmem>> -> memref<1x80xi32, #tpu.memory_space<vmem>>
    %dma_start3A_124 = tpu.memref_squeeze %dma_start3A_123 : memref<1x80xi32, #tpu.memory_space<vmem>> -> memref<80xi32, #tpu.memory_space<vmem>>
    %dma_start3A_125 = arith.constant 0 : i32
    %dma_start3A_126 = arith.constant 0 : i32
    %dma_start3A_127 = tpu.memref_slice %arg4[%dma_start3A_125, %dma_start3A_126] : memref<10000x128xf32, #tpu.memory_space<hbm>> -> memref<10000x128xf32, #tpu.memory_space<hbm>>
    tpu.enqueue_indirect_dma source(%dma_start3A_127 : memref<10000x128xf32, #tpu.memory_space<hbm>>) target(%dma_start3A_121 : memref<80x128xf32, #tpu.memory_space<vmem>>) offsets(%dma_start3A_124 : memref<80xi32, #tpu.memory_space<vmem>>) semaphore(%arg21 : memref<!tpu.dma_semaphore, #tpu.memory_space<semaphore_mem>>)
    %dma_wait3A_128 = arith.constant 1 : i32
    %dma_wait3A_129 = arith.constant 1 : i32
    %dma_wait3A_130 = arith.constant 0 : i32
    %dma_wait3A_131 = arith.constant 0 : i32
    %dma_wait3A_132 = tpu.memref_slice %arg17[%dma_wait3A_129, %dma_wait3A_130, %dma_wait3A_131] : memref<3x80x128xf32, #tpu.memory_space<vmem>> -> memref<1x80x128xf32, #tpu.memory_space<vmem>>
    %dma_wait3A_133 = tpu.memref_squeeze %dma_wait3A_132 : memref<1x80x128xf32, #tpu.memory_space<vmem>> -> memref<80x128xf32, #tpu.memory_space<vmem>>
    %dma_wait3A_134 = arith.constant 0 : i32
    %dma_wait3A_135 = tpu.memref_slice %arg11[%dma_wait3A_128, %dma_wait3A_134] : memref<2x80xi32, #tpu.memory_space<vmem>> -> memref<1x80xi32, #tpu.memory_space<vmem>>
    %dma_wait3A_136 = tpu.memref_squeeze %dma_wait3A_135 : memref<1x80xi32, #tpu.memory_space<vmem>> -> memref<80xi32, #tpu.memory_space<vmem>>
    %dma_wait3A_137 = arith.constant 0 : i32
    %dma_wait3A_138 = arith.constant 0 : i32
    %dma_wait3A_139 = tpu.memref_slice %arg4[%dma_wait3A_137, %dma_wait3A_138] : memref<10000x128xf32, #tpu.memory_space<hbm>> -> memref<10000x128xf32, #tpu.memory_space<hbm>>
    tpu.wait_indirect_dma semaphore(%arg20 : memref<!tpu.dma_semaphore, #tpu.memory_space<semaphore_mem>>) src(%dma_wait3A_139 : memref<10000x128xf32, #tpu.memory_space<hbm>>) dst(%dma_wait3A_133 : memref<80x128xf32, #tpu.memory_space<vmem>>)
    %dma_start3A_140 = arith.constant 1 : i32
    %dma_start3A_141 = arith.constant 1 : i32
    %dma_start3A_142 = arith.constant 0 : i32
    %dma_start3A_143 = arith.constant 0 : i32
    %dma_start3A_144 = tpu.memref_slice %arg17[%dma_start3A_140, %dma_start3A_142, %dma_start3A_143] : memref<3x80x128xf32, #tpu.memory_space<vmem>> -> memref<1x80x128xf32, #tpu.memory_space<vmem>>
    %dma_start3A_145 = tpu.memref_squeeze %dma_start3A_144 : memref<1x80x128xf32, #tpu.memory_space<vmem>> -> memref<80x128xf32, #tpu.memory_space<vmem>>
    %dma_start3A_146 = arith.constant 0 : i32
    %dma_start3A_147 = tpu.memref_slice %arg12[%dma_start3A_141, %dma_start3A_146] : memref<2x80xi32, #tpu.memory_space<vmem>> -> memref<1x80xi32, #tpu.memory_space<vmem>>
    %dma_start3A_148 = tpu.memref_squeeze %dma_start3A_147 : memref<1x80xi32, #tpu.memory_space<vmem>> -> memref<80xi32, #tpu.memory_space<vmem>>
    %dma_start3A_149 = arith.constant 0 : i32
    %dma_start3A_150 = arith.constant 0 : i32
    %dma_start3A_151 = tpu.memref_slice %arg9[%dma_start3A_149, %dma_start3A_150] : memref<10240x128xf32, #tpu.memory_space<vmem_shared>> -> memref<10240x128xf32, #tpu.memory_space<vmem_shared>>
    tpu.enqueue_indirect_dma source(%dma_start3A_145 : memref<80x128xf32, #tpu.memory_space<vmem>>) target(%dma_start3A_151 : memref<10240x128xf32, #tpu.memory_space<vmem_shared>>) offsets(%dma_start3A_148 : memref<80xi32, #tpu.memory_space<vmem>>) semaphore(%arg23 : memref<!tpu.dma_semaphore, #tpu.memory_space<semaphore_mem>>) {add = true}
    %dma_start3A_152 = arith.constant 1 : i32
    %dma_start3A_153 = arith.constant 0 : i32
    %dma_start3A_154 = tpu.memref_slice %arg12[%dma_start3A_152, %dma_start3A_153] : memref<2x80xi32, #tpu.memory_space<vmem>> -> memref<1x80xi32, #tpu.memory_space<vmem>>
    %dma_start3A_155 = tpu.memref_squeeze %dma_start3A_154 : memref<1x80xi32, #tpu.memory_space<vmem>> -> memref<80xi32, #tpu.memory_space<vmem>>
    %dma_start3A_156 = arith.constant 0 : i32
    %dma_start3A_157 = arith.constant 0 : i32
    %dma_start3A_158 = tpu.memref_slice %arg10[%dma_start3A_156, %dma_start3A_157] : memref<10240x16xf32, #tpu.memory_space<vmem_shared>> -> memref<10240x16xf32, #tpu.memory_space<vmem_shared>>
    tpu.enqueue_indirect_dma source(%arg18 : memref<80x16xf32, #tpu.memory_space<vmem>>) target(%dma_start3A_158 : memref<10240x16xf32, #tpu.memory_space<vmem_shared>>) offsets(%dma_start3A_155 : memref<80xi32, #tpu.memory_space<vmem>>) semaphore(%arg26 : memref<!tpu.dma_semaphore, #tpu.memory_space<semaphore_mem>>) {add = true}
    %dma_wait3A_159 = arith.constant 0 : i32
    %dma_wait3A_160 = arith.constant 0 : i32
    %dma_wait3A_161 = arith.constant 0 : i32
    %dma_wait3A_162 = arith.constant 0 : i32
    %dma_wait3A_163 = tpu.memref_slice %arg17[%dma_wait3A_159, %dma_wait3A_161, %dma_wait3A_162] : memref<3x80x128xf32, #tpu.memory_space<vmem>> -> memref<1x80x128xf32, #tpu.memory_space<vmem>>
    %dma_wait3A_164 = tpu.memref_squeeze %dma_wait3A_163 : memref<1x80x128xf32, #tpu.memory_space<vmem>> -> memref<80x128xf32, #tpu.memory_space<vmem>>
    %dma_wait3A_165 = arith.constant 0 : i32
    %dma_wait3A_166 = tpu.memref_slice %arg12[%dma_wait3A_160, %dma_wait3A_165] : memref<2x80xi32, #tpu.memory_space<vmem>> -> memref<1x80xi32, #tpu.memory_space<vmem>>
    %dma_wait3A_167 = tpu.memref_squeeze %dma_wait3A_166 : memref<1x80xi32, #tpu.memory_space<vmem>> -> memref<80xi32, #tpu.memory_space<vmem>>
    %dma_wait3A_168 = arith.constant 0 : i32
    %dma_wait3A_169 = arith.constant 0 : i32
    %dma_wait3A_170 = tpu.memref_slice %arg9[%dma_wait3A_168, %dma_wait3A_169] : memref<10240x128xf32, #tpu.memory_space<vmem_shared>> -> memref<10240x128xf32, #tpu.memory_space<vmem_shared>>
    tpu.wait_indirect_dma semaphore(%arg22 : memref<!tpu.dma_semaphore, #tpu.memory_space<semaphore_mem>>) src(%dma_wait3A_164 : memref<80x128xf32, #tpu.memory_space<vmem>>) dst(%dma_wait3A_170 : memref<10240x128xf32, #tpu.memory_space<vmem_shared>>)
    %dma_wait3A_171 = arith.constant 0 : i32
    %dma_wait3A_172 = arith.constant 0 : i32
    %dma_wait3A_173 = tpu.memref_slice %arg12[%dma_wait3A_171, %dma_wait3A_172] : memref<2x80xi32, #tpu.memory_space<vmem>> -> memref<1x80xi32, #tpu.memory_space<vmem>>
    %dma_wait3A_174 = tpu.memref_squeeze %dma_wait3A_173 : memref<1x80xi32, #tpu.memory_space<vmem>> -> memref<80xi32, #tpu.memory_space<vmem>>
    %dma_wait3A_175 = arith.constant 0 : i32
    %dma_wait3A_176 = arith.constant 0 : i32
    %dma_wait3A_177 = tpu.memref_slice %arg10[%dma_wait3A_175, %dma_wait3A_176] : memref<10240x16xf32, #tpu.memory_space<vmem_shared>> -> memref<10240x16xf32, #tpu.memory_space<vmem_shared>>
    tpu.wait_indirect_dma semaphore(%arg25 : memref<!tpu.dma_semaphore, #tpu.memory_space<semaphore_mem>>) src(%arg18 : memref<80x16xf32, #tpu.memory_space<vmem>>) dst(%dma_wait3A_177 : memref<10240x16xf32, #tpu.memory_space<vmem_shared>>)
    %dma_start3A_178 = arith.constant 1 : i32
    %dma_start3A_179 = arith.constant 0 : i32
    %dma_start3A_180 = arith.constant 0 : i32
    %dma_start3A_181 = arith.constant 0 : i32
    %dma_start3A_182 = tpu.memref_slice %arg17[%dma_start3A_179, %dma_start3A_180, %dma_start3A_181] : memref<3x80x128xf32, #tpu.memory_space<vmem>> -> memref<1x80x128xf32, #tpu.memory_space<vmem>>
    %dma_start3A_183 = tpu.memref_squeeze %dma_start3A_182 : memref<1x80x128xf32, #tpu.memory_space<vmem>> -> memref<80x128xf32, #tpu.memory_space<vmem>>
    %dma_start3A_184 = arith.constant 0 : i32
    %dma_start3A_185 = tpu.memref_slice %arg13[%dma_start3A_178, %dma_start3A_184] : memref<2x80xi32, #tpu.memory_space<vmem>> -> memref<1x80xi32, #tpu.memory_space<vmem>>
    %dma_start3A_186 = tpu.memref_squeeze %dma_start3A_185 : memref<1x80xi32, #tpu.memory_space<vmem>> -> memref<80xi32, #tpu.memory_space<vmem>>
    %dma_start3A_187 = arith.constant 0 : i32
    %dma_start3A_188 = arith.constant 0 : i32
    %dma_start3A_189 = tpu.memref_slice %arg4[%dma_start3A_187, %dma_start3A_188] : memref<10000x128xf32, #tpu.memory_space<hbm>> -> memref<10000x128xf32, #tpu.memory_space<hbm>>
    tpu.enqueue_indirect_dma source(%dma_start3A_189 : memref<10000x128xf32, #tpu.memory_space<hbm>>) target(%dma_start3A_183 : memref<80x128xf32, #tpu.memory_space<vmem>>) offsets(%dma_start3A_186 : memref<80xi32, #tpu.memory_space<vmem>>) semaphore(%arg19 : memref<!tpu.dma_semaphore, #tpu.memory_space<semaphore_mem>>)
    %dma_wait3A_190 = arith.constant 0 : i32
    %dma_wait3A_191 = arith.constant 2 : i32
    %dma_wait3A_192 = arith.constant 0 : i32
    %dma_wait3A_193 = arith.constant 0 : i32
    %dma_wait3A_194 = tpu.memref_slice %arg17[%dma_wait3A_191, %dma_wait3A_192, %dma_wait3A_193] : memref<3x80x128xf32, #tpu.memory_space<vmem>> -> memref<1x80x128xf32, #tpu.memory_space<vmem>>
    %dma_wait3A_195 = tpu.memref_squeeze %dma_wait3A_194 : memref<1x80x128xf32, #tpu.memory_space<vmem>> -> memref<80x128xf32, #tpu.memory_space<vmem>>
    %dma_wait3A_196 = arith.constant 0 : i32
    %dma_wait3A_197 = tpu.memref_slice %arg13[%dma_wait3A_190, %dma_wait3A_196] : memref<2x80xi32, #tpu.memory_space<vmem>> -> memref<1x80xi32, #tpu.memory_space<vmem>>
    %dma_wait3A_198 = tpu.memref_squeeze %dma_wait3A_197 : memref<1x80xi32, #tpu.memory_space<vmem>> -> memref<80xi32, #tpu.memory_space<vmem>>
    %dma_wait3A_199 = arith.constant 0 : i32
    %dma_wait3A_200 = arith.constant 0 : i32
    %dma_wait3A_201 = tpu.memref_slice %arg4[%dma_wait3A_199, %dma_wait3A_200] : memref<10000x128xf32, #tpu.memory_space<hbm>> -> memref<10000x128xf32, #tpu.memory_space<hbm>>
    tpu.wait_indirect_dma semaphore(%arg21 : memref<!tpu.dma_semaphore, #tpu.memory_space<semaphore_mem>>) src(%dma_wait3A_201 : memref<10000x128xf32, #tpu.memory_space<hbm>>) dst(%dma_wait3A_195 : memref<80x128xf32, #tpu.memory_space<vmem>>)
    %dma_start3A_202 = arith.constant 2 : i32
    %dma_start3A_203 = arith.constant 0 : i32
    %dma_start3A_204 = arith.constant 0 : i32
    %dma_start3A_205 = arith.constant 0 : i32
    %dma_start3A_206 = tpu.memref_slice %arg17[%dma_start3A_202, %dma_start3A_204, %dma_start3A_205] : memref<3x80x128xf32, #tpu.memory_space<vmem>> -> memref<1x80x128xf32, #tpu.memory_space<vmem>>
    %dma_start3A_207 = tpu.memref_squeeze %dma_start3A_206 : memref<1x80x128xf32, #tpu.memory_space<vmem>> -> memref<80x128xf32, #tpu.memory_space<vmem>>
    %dma_start3A_208 = arith.constant 0 : i32
    %dma_start3A_209 = tpu.memref_slice %arg14[%dma_start3A_203, %dma_start3A_208] : memref<2x80xi32, #tpu.memory_space<vmem>> -> memref<1x80xi32, #tpu.memory_space<vmem>>
    %dma_start3A_210 = tpu.memref_squeeze %dma_start3A_209 : memref<1x80xi32, #tpu.memory_space<vmem>> -> memref<80xi32, #tpu.memory_space<vmem>>
    %dma_start3A_211 = arith.constant 0 : i32
    %dma_start3A_212 = arith.constant 0 : i32
    %dma_start3A_213 = tpu.memref_slice %arg9[%dma_start3A_211, %dma_start3A_212] : memref<10240x128xf32, #tpu.memory_space<vmem_shared>> -> memref<10240x128xf32, #tpu.memory_space<vmem_shared>>
    tpu.enqueue_indirect_dma source(%dma_start3A_207 : memref<80x128xf32, #tpu.memory_space<vmem>>) target(%dma_start3A_213 : memref<10240x128xf32, #tpu.memory_space<vmem_shared>>) offsets(%dma_start3A_210 : memref<80xi32, #tpu.memory_space<vmem>>) semaphore(%arg24 : memref<!tpu.dma_semaphore, #tpu.memory_space<semaphore_mem>>) {add = true}
    %dma_start3A_214 = arith.constant 0 : i32
    %dma_start3A_215 = arith.constant 0 : i32
    %dma_start3A_216 = tpu.memref_slice %arg14[%dma_start3A_214, %dma_start3A_215] : memref<2x80xi32, #tpu.memory_space<vmem>> -> memref<1x80xi32, #tpu.memory_space<vmem>>
    %dma_start3A_217 = tpu.memref_squeeze %dma_start3A_216 : memref<1x80xi32, #tpu.memory_space<vmem>> -> memref<80xi32, #tpu.memory_space<vmem>>
    %dma_start3A_218 = arith.constant 0 : i32
    %dma_start3A_219 = arith.constant 0 : i32
    %dma_start3A_220 = tpu.memref_slice %arg10[%dma_start3A_218, %dma_start3A_219] : memref<10240x16xf32, #tpu.memory_space<vmem_shared>> -> memref<10240x16xf32, #tpu.memory_space<vmem_shared>>
    tpu.enqueue_indirect_dma source(%arg18 : memref<80x16xf32, #tpu.memory_space<vmem>>) target(%dma_start3A_220 : memref<10240x16xf32, #tpu.memory_space<vmem_shared>>) offsets(%dma_start3A_217 : memref<80xi32, #tpu.memory_space<vmem>>) semaphore(%arg27 : memref<!tpu.dma_semaphore, #tpu.memory_space<semaphore_mem>>) {add = true}
    %dma_wait3A_221 = arith.constant 1 : i32
    %dma_wait3A_222 = arith.constant 1 : i32
    %dma_wait3A_223 = arith.constant 0 : i32
    %dma_wait3A_224 = arith.constant 0 : i32
    %dma_wait3A_225 = tpu.memref_slice %arg17[%dma_wait3A_221, %dma_wait3A_223, %dma_wait3A_224] : memref<3x80x128xf32, #tpu.memory_space<vmem>> -> memref<1x80x128xf32, #tpu.memory_space<vmem>>
    %dma_wait3A_226 = tpu.memref_squeeze %dma_wait3A_225 : memref<1x80x128xf32, #tpu.memory_space<vmem>> -> memref<80x128xf32, #tpu.memory_space<vmem>>
    %dma_wait3A_227 = arith.constant 0 : i32
    %dma_wait3A_228 = tpu.memref_slice %arg12[%dma_wait3A_222, %dma_wait3A_227] : memref<2x80xi32, #tpu.memory_space<vmem>> -> memref<1x80xi32, #tpu.memory_space<vmem>>
    %dma_wait3A_229 = tpu.memref_squeeze %dma_wait3A_228 : memref<1x80xi32, #tpu.memory_space<vmem>> -> memref<80xi32, #tpu.memory_space<vmem>>
    %dma_wait3A_230 = arith.constant 0 : i32
    %dma_wait3A_231 = arith.constant 0 : i32
    %dma_wait3A_232 = tpu.memref_slice %arg9[%dma_wait3A_230, %dma_wait3A_231] : memref<10240x128xf32, #tpu.memory_space<vmem_shared>> -> memref<10240x128xf32, #tpu.memory_space<vmem_shared>>
    tpu.wait_indirect_dma semaphore(%arg23 : memref<!tpu.dma_semaphore, #tpu.memory_space<semaphore_mem>>) src(%dma_wait3A_226 : memref<80x128xf32, #tpu.memory_space<vmem>>) dst(%dma_wait3A_232 : memref<10240x128xf32, #tpu.memory_space<vmem_shared>>)
    %dma_wait3A_233 = arith.constant 1 : i32
    %dma_wait3A_234 = arith.constant 0 : i32
    %dma_wait3A_235 = tpu.memref_slice %arg12[%dma_wait3A_233, %dma_wait3A_234] : memref<2x80xi32, #tpu.memory_space<vmem>> -> memref<1x80xi32, #tpu.memory_space<vmem>>
    %dma_wait3A_236 = tpu.memref_squeeze %dma_wait3A_235 : memref<1x80xi32, #tpu.memory_space<vmem>> -> memref<80xi32, #tpu.memory_space<vmem>>
    %dma_wait3A_237 = arith.constant 0 : i32
    %dma_wait3A_238 = arith.constant 0 : i32
    %dma_wait3A_239 = tpu.memref_slice %arg10[%dma_wait3A_237, %dma_wait3A_238] : memref<10240x16xf32, #tpu.memory_space<vmem_shared>> -> memref<10240x16xf32, #tpu.memory_space<vmem_shared>>
    tpu.wait_indirect_dma semaphore(%arg26 : memref<!tpu.dma_semaphore, #tpu.memory_space<semaphore_mem>>) src(%arg18 : memref<80x16xf32, #tpu.memory_space<vmem>>) dst(%dma_wait3A_239 : memref<10240x16xf32, #tpu.memory_space<vmem_shared>>)
    "tpu.region"() ({
      %run_scoped3A = tpu.sem_alloc : memref<!tpu.dma_semaphore, #tpu.memory_space<semaphore_mem>>
      %dma_start3A_372 = arith.constant 0 : i32
      %dma_start3A_373 = arith.constant 0 : i32
      %dma_start3A_374 = tpu.memref_slice %arg11[%dma_start3A_372, %dma_start3A_373] : memref<2x80xi32, #tpu.memory_space<vmem>> -> memref<1x80xi32, #tpu.memory_space<vmem>>
      %dma_start3A_375 = arith.constant 124 : i32
      %dma_start3A_376 = arith.constant 0 : i32
      %dma_start3A_377 = tpu.memref_slice %arg2[%add3A, %dma_start3A_375, %dma_start3A_376] : memref<32x125x80xi32, #tpu.memory_space<hbm>> -> memref<1x1x80xi32, #tpu.memory_space<hbm>>
      %dma_start3A_378 = tpu.memref_squeeze %dma_start3A_377 : memref<1x1x80xi32, #tpu.memory_space<hbm>> -> memref<1x80xi32, #tpu.memory_space<hbm>>
      %dma_start3A_379 = arith.constant 0 : i32
      %dma_start3A_380 = arith.constant 0 : i32
      %dma_start3A_381 = tpu.memref_slice %arg11[%dma_start3A_379, %dma_start3A_380] : memref<2x80xi32, #tpu.memory_space<vmem>> -> memref<1x80xi32, #tpu.memory_space<vmem>>
      %dma_start3A_382 = arith.constant 124 : i32
      %dma_start3A_383 = arith.constant 0 : i32
      %dma_start3A_384 = tpu.memref_slice %arg2[%add3A, %dma_start3A_382, %dma_start3A_383] : memref<32x125x80xi32, #tpu.memory_space<hbm>> -> memref<1x1x80xi32, #tpu.memory_space<hbm>>
      %dma_start3A_385 = tpu.memref_squeeze %dma_start3A_384 : memref<1x1x80xi32, #tpu.memory_space<hbm>> -> memref<1x80xi32, #tpu.memory_space<hbm>>
      tpu.enqueue_dma source(%dma_start3A_385 : memref<1x80xi32, #tpu.memory_space<hbm>>) target(%dma_start3A_381 : memref<1x80xi32, #tpu.memory_space<vmem>>) target_semaphore(%run_scoped3A : memref<!tpu.dma_semaphore, #tpu.memory_space<semaphore_mem>>)
      %dma_wait3A_386 = arith.constant 0 : i32
      %dma_wait3A_387 = arith.constant 0 : i32
      %dma_wait3A_388 = tpu.memref_slice %arg11[%dma_wait3A_386, %dma_wait3A_387] : memref<2x80xi32, #tpu.memory_space<vmem>> -> memref<1x80xi32, #tpu.memory_space<vmem>>
      %dma_wait3A_389 = arith.constant 124 : i32
      %dma_wait3A_390 = arith.constant 0 : i32
      %dma_wait3A_391 = tpu.memref_slice %arg2[%add3A, %dma_wait3A_389, %dma_wait3A_390] : memref<32x125x80xi32, #tpu.memory_space<hbm>> -> memref<1x1x80xi32, #tpu.memory_space<hbm>>
      %dma_wait3A_392 = tpu.memref_squeeze %dma_wait3A_391 : memref<1x1x80xi32, #tpu.memory_space<hbm>> -> memref<1x80xi32, #tpu.memory_space<hbm>>
      %dma_wait3A_393 = arith.constant 0 : i32
      %dma_wait3A_394 = arith.constant 0 : i32
      %dma_wait3A_395 = tpu.memref_slice %arg11[%dma_wait3A_393, %dma_wait3A_394] : memref<2x80xi32, #tpu.memory_space<vmem>> -> memref<1x80xi32, #tpu.memory_space<vmem>>
      %dma_wait3A_396 = arith.constant 124 : i32
      %dma_wait3A_397 = arith.constant 0 : i32
      %dma_wait3A_398 = tpu.memref_slice %arg2[%add3A, %dma_wait3A_396, %dma_wait3A_397] : memref<32x125x80xi32, #tpu.memory_space<hbm>> -> memref<1x1x80xi32, #tpu.memory_space<hbm>>
      %dma_wait3A_399 = tpu.memref_squeeze %dma_wait3A_398 : memref<1x1x80xi32, #tpu.memory_space<hbm>> -> memref<1x80xi32, #tpu.memory_space<hbm>>
      tpu.wait_dma2 semaphore(%run_scoped3A : memref<!tpu.dma_semaphore, #tpu.memory_space<semaphore_mem>>) src(%dma_wait3A_399 : memref<1x80xi32, #tpu.memory_space<hbm>>) dst(%dma_wait3A_395 : memref<1x80xi32, #tpu.memory_space<vmem>>)
      tpu.yield
    }) : () -> ()
    "tpu.region"() ({
      %run_scoped3A = tpu.sem_alloc : memref<!tpu.dma_semaphore, #tpu.memory_space<semaphore_mem>>
      %dma_start3A_372 = arith.constant 0 : i32
      %dma_start3A_373 = arith.constant 0 : i32
      %dma_start3A_374 = tpu.memref_slice %arg12[%dma_start3A_372, %dma_start3A_373] : memref<2x80xi32, #tpu.memory_space<vmem>> -> memref<1x80xi32, #tpu.memory_space<vmem>>
      %dma_start3A_375 = arith.constant 124 : i32
      %dma_start3A_376 = arith.constant 0 : i32
      %dma_start3A_377 = tpu.memref_slice %arg3[%add3A, %dma_start3A_375, %dma_start3A_376] : memref<32x125x80xi32, #tpu.memory_space<hbm>> -> memref<1x1x80xi32, #tpu.memory_space<hbm>>
      %dma_start3A_378 = tpu.memref_squeeze %dma_start3A_377 : memref<1x1x80xi32, #tpu.memory_space<hbm>> -> memref<1x80xi32, #tpu.memory_space<hbm>>
      %dma_start3A_379 = arith.constant 0 : i32
      %dma_start3A_380 = arith.constant 0 : i32
      %dma_start3A_381 = tpu.memref_slice %arg12[%dma_start3A_379, %dma_start3A_380] : memref<2x80xi32, #tpu.memory_space<vmem>> -> memref<1x80xi32, #tpu.memory_space<vmem>>
      %dma_start3A_382 = arith.constant 124 : i32
      %dma_start3A_383 = arith.constant 0 : i32
      %dma_start3A_384 = tpu.memref_slice %arg3[%add3A, %dma_start3A_382, %dma_start3A_383] : memref<32x125x80xi32, #tpu.memory_space<hbm>> -> memref<1x1x80xi32, #tpu.memory_space<hbm>>
      %dma_start3A_385 = tpu.memref_squeeze %dma_start3A_384 : memref<1x1x80xi32, #tpu.memory_space<hbm>> -> memref<1x80xi32, #tpu.memory_space<hbm>>
      tpu.enqueue_dma source(%dma_start3A_385 : memref<1x80xi32, #tpu.memory_space<hbm>>) target(%dma_start3A_381 : memref<1x80xi32, #tpu.memory_space<vmem>>) target_semaphore(%run_scoped3A : memref<!tpu.dma_semaphore, #tpu.memory_space<semaphore_mem>>)
      %dma_wait3A_386 = arith.constant 0 : i32
      %dma_wait3A_387 = arith.constant 0 : i32
      %dma_wait3A_388 = tpu.memref_slice %arg12[%dma_wait3A_386, %dma_wait3A_387] : memref<2x80xi32, #tpu.memory_space<vmem>> -> memref<1x80xi32, #tpu.memory_space<vmem>>
      %dma_wait3A_389 = arith.constant 124 : i32
      %dma_wait3A_390 = arith.constant 0 : i32
      %dma_wait3A_391 = tpu.memref_slice %arg3[%add3A, %dma_wait3A_389, %dma_wait3A_390] : memref<32x125x80xi32, #tpu.memory_space<hbm>> -> memref<1x1x80xi32, #tpu.memory_space<hbm>>
      %dma_wait3A_392 = tpu.memref_squeeze %dma_wait3A_391 : memref<1x1x80xi32, #tpu.memory_space<hbm>> -> memref<1x80xi32, #tpu.memory_space<hbm>>
      %dma_wait3A_393 = arith.constant 0 : i32
      %dma_wait3A_394 = arith.constant 0 : i32
      %dma_wait3A_395 = tpu.memref_slice %arg12[%dma_wait3A_393, %dma_wait3A_394] : memref<2x80xi32, #tpu.memory_space<vmem>> -> memref<1x80xi32, #tpu.memory_space<vmem>>
      %dma_wait3A_396 = arith.constant 124 : i32
      %dma_wait3A_397 = arith.constant 0 : i32
      %dma_wait3A_398 = tpu.memref_slice %arg3[%add3A, %dma_wait3A_396, %dma_wait3A_397] : memref<32x125x80xi32, #tpu.memory_space<hbm>> -> memref<1x1x80xi32, #tpu.memory_space<hbm>>
      %dma_wait3A_399 = tpu.memref_squeeze %dma_wait3A_398 : memref<1x1x80xi32, #tpu.memory_space<hbm>> -> memref<1x80xi32, #tpu.memory_space<hbm>>
      tpu.wait_dma2 semaphore(%run_scoped3A : memref<!tpu.dma_semaphore, #tpu.memory_space<semaphore_mem>>) src(%dma_wait3A_399 : memref<1x80xi32, #tpu.memory_space<hbm>>) dst(%dma_wait3A_395 : memref<1x80xi32, #tpu.memory_space<vmem>>)
      tpu.yield
    }) : () -> ()
    %dma_start3A_240 = arith.constant 0 : i32
    %dma_start3A_241 = arith.constant 1 : i32
    %dma_start3A_242 = arith.constant 0 : i32
    %dma_start3A_243 = arith.constant 0 : i32
    %dma_start3A_244 = tpu.memref_slice %arg17[%dma_start3A_241, %dma_start3A_242, %dma_start3A_243] : memref<3x80x128xf32, #tpu.memory_space<vmem>> -> memref<1x80x128xf32, #tpu.memory_space<vmem>>
    %dma_start3A_245 = tpu.memref_squeeze %dma_start3A_244 : memref<1x80x128xf32, #tpu.memory_space<vmem>> -> memref<80x128xf32, #tpu.memory_space<vmem>>
    %dma_start3A_246 = arith.constant 0 : i32
    %dma_start3A_247 = tpu.memref_slice %arg11[%dma_start3A_240, %dma_start3A_246] : memref<2x80xi32, #tpu.memory_space<vmem>> -> memref<1x80xi32, #tpu.memory_space<vmem>>
    %dma_start3A_248 = tpu.memref_squeeze %dma_start3A_247 : memref<1x80xi32, #tpu.memory_space<vmem>> -> memref<80xi32, #tpu.memory_space<vmem>>
    %dma_start3A_249 = arith.constant 0 : i32
    %dma_start3A_250 = arith.constant 0 : i32
    %dma_start3A_251 = tpu.memref_slice %arg4[%dma_start3A_249, %dma_start3A_250] : memref<10000x128xf32, #tpu.memory_space<hbm>> -> memref<10000x128xf32, #tpu.memory_space<hbm>>
    tpu.enqueue_indirect_dma source(%dma_start3A_251 : memref<10000x128xf32, #tpu.memory_space<hbm>>) target(%dma_start3A_245 : memref<80x128xf32, #tpu.memory_space<vmem>>) offsets(%dma_start3A_248 : memref<80xi32, #tpu.memory_space<vmem>>) semaphore(%arg20 : memref<!tpu.dma_semaphore, #tpu.memory_space<semaphore_mem>>)
    %dma_wait3A_252 = arith.constant 1 : i32
    %dma_wait3A_253 = arith.constant 0 : i32
    %dma_wait3A_254 = arith.constant 0 : i32
    %dma_wait3A_255 = arith.constant 0 : i32
    %dma_wait3A_256 = tpu.memref_slice %arg17[%dma_wait3A_253, %dma_wait3A_254, %dma_wait3A_255] : memref<3x80x128xf32, #tpu.memory_space<vmem>> -> memref<1x80x128xf32, #tpu.memory_space<vmem>>
    %dma_wait3A_257 = tpu.memref_squeeze %dma_wait3A_256 : memref<1x80x128xf32, #tpu.memory_space<vmem>> -> memref<80x128xf32, #tpu.memory_space<vmem>>
    %dma_wait3A_258 = arith.constant 0 : i32
    %dma_wait3A_259 = tpu.memref_slice %arg13[%dma_wait3A_252, %dma_wait3A_258] : memref<2x80xi32, #tpu.memory_space<vmem>> -> memref<1x80xi32, #tpu.memory_space<vmem>>
    %dma_wait3A_260 = tpu.memref_squeeze %dma_wait3A_259 : memref<1x80xi32, #tpu.memory_space<vmem>> -> memref<80xi32, #tpu.memory_space<vmem>>
    %dma_wait3A_261 = arith.constant 0 : i32
    %dma_wait3A_262 = arith.constant 0 : i32
    %dma_wait3A_263 = tpu.memref_slice %arg4[%dma_wait3A_261, %dma_wait3A_262] : memref<10000x128xf32, #tpu.memory_space<hbm>> -> memref<10000x128xf32, #tpu.memory_space<hbm>>
    tpu.wait_indirect_dma semaphore(%arg19 : memref<!tpu.dma_semaphore, #tpu.memory_space<semaphore_mem>>) src(%dma_wait3A_263 : memref<10000x128xf32, #tpu.memory_space<hbm>>) dst(%dma_wait3A_257 : memref<80x128xf32, #tpu.memory_space<vmem>>)
    %dma_start3A_264 = arith.constant 0 : i32
    %dma_start3A_265 = arith.constant 1 : i32
    %dma_start3A_266 = arith.constant 0 : i32
    %dma_start3A_267 = arith.constant 0 : i32
    %dma_start3A_268 = tpu.memref_slice %arg17[%dma_start3A_264, %dma_start3A_266, %dma_start3A_267] : memref<3x80x128xf32, #tpu.memory_space<vmem>> -> memref<1x80x128xf32, #tpu.memory_space<vmem>>
    %dma_start3A_269 = tpu.memref_squeeze %dma_start3A_268 : memref<1x80x128xf32, #tpu.memory_space<vmem>> -> memref<80x128xf32, #tpu.memory_space<vmem>>
    %dma_start3A_270 = arith.constant 0 : i32
    %dma_start3A_271 = tpu.memref_slice %arg14[%dma_start3A_265, %dma_start3A_270] : memref<2x80xi32, #tpu.memory_space<vmem>> -> memref<1x80xi32, #tpu.memory_space<vmem>>
    %dma_start3A_272 = tpu.memref_squeeze %dma_start3A_271 : memref<1x80xi32, #tpu.memory_space<vmem>> -> memref<80xi32, #tpu.memory_space<vmem>>
    %dma_start3A_273 = arith.constant 0 : i32
    %dma_start3A_274 = arith.constant 0 : i32
    %dma_start3A_275 = tpu.memref_slice %arg9[%dma_start3A_273, %dma_start3A_274] : memref<10240x128xf32, #tpu.memory_space<vmem_shared>> -> memref<10240x128xf32, #tpu.memory_space<vmem_shared>>
    tpu.enqueue_indirect_dma source(%dma_start3A_269 : memref<80x128xf32, #tpu.memory_space<vmem>>) target(%dma_start3A_275 : memref<10240x128xf32, #tpu.memory_space<vmem_shared>>) offsets(%dma_start3A_272 : memref<80xi32, #tpu.memory_space<vmem>>) semaphore(%arg22 : memref<!tpu.dma_semaphore, #tpu.memory_space<semaphore_mem>>) {add = true}
    %dma_start3A_276 = arith.constant 1 : i32
    %dma_start3A_277 = arith.constant 0 : i32
    %dma_start3A_278 = tpu.memref_slice %arg14[%dma_start3A_276, %dma_start3A_277] : memref<2x80xi32, #tpu.memory_space<vmem>> -> memref<1x80xi32, #tpu.memory_space<vmem>>
    %dma_start3A_279 = tpu.memref_squeeze %dma_start3A_278 : memref<1x80xi32, #tpu.memory_space<vmem>> -> memref<80xi32, #tpu.memory_space<vmem>>
    %dma_start3A_280 = arith.constant 0 : i32
    %dma_start3A_281 = arith.constant 0 : i32
    %dma_start3A_282 = tpu.memref_slice %arg10[%dma_start3A_280, %dma_start3A_281] : memref<10240x16xf32, #tpu.memory_space<vmem_shared>> -> memref<10240x16xf32, #tpu.memory_space<vmem_shared>>
    tpu.enqueue_indirect_dma source(%arg18 : memref<80x16xf32, #tpu.memory_space<vmem>>) target(%dma_start3A_282 : memref<10240x16xf32, #tpu.memory_space<vmem_shared>>) offsets(%dma_start3A_279 : memref<80xi32, #tpu.memory_space<vmem>>) semaphore(%arg25 : memref<!tpu.dma_semaphore, #tpu.memory_space<semaphore_mem>>) {add = true}
    %dma_wait3A_283 = arith.constant 2 : i32
    %dma_wait3A_284 = arith.constant 0 : i32
    %dma_wait3A_285 = arith.constant 0 : i32
    %dma_wait3A_286 = arith.constant 0 : i32
    %dma_wait3A_287 = tpu.memref_slice %arg17[%dma_wait3A_283, %dma_wait3A_285, %dma_wait3A_286] : memref<3x80x128xf32, #tpu.memory_space<vmem>> -> memref<1x80x128xf32, #tpu.memory_space<vmem>>
    %dma_wait3A_288 = tpu.memref_squeeze %dma_wait3A_287 : memref<1x80x128xf32, #tpu.memory_space<vmem>> -> memref<80x128xf32, #tpu.memory_space<vmem>>
    %dma_wait3A_289 = arith.constant 0 : i32
    %dma_wait3A_290 = tpu.memref_slice %arg14[%dma_wait3A_284, %dma_wait3A_289] : memref<2x80xi32, #tpu.memory_space<vmem>> -> memref<1x80xi32, #tpu.memory_space<vmem>>
    %dma_wait3A_291 = tpu.memref_squeeze %dma_wait3A_290 : memref<1x80xi32, #tpu.memory_space<vmem>> -> memref<80xi32, #tpu.memory_space<vmem>>
    %dma_wait3A_292 = arith.constant 0 : i32
    %dma_wait3A_293 = arith.constant 0 : i32
    %dma_wait3A_294 = tpu.memref_slice %arg9[%dma_wait3A_292, %dma_wait3A_293] : memref<10240x128xf32, #tpu.memory_space<vmem_shared>> -> memref<10240x128xf32, #tpu.memory_space<vmem_shared>>
    tpu.wait_indirect_dma semaphore(%arg24 : memref<!tpu.dma_semaphore, #tpu.memory_space<semaphore_mem>>) src(%dma_wait3A_288 : memref<80x128xf32, #tpu.memory_space<vmem>>) dst(%dma_wait3A_294 : memref<10240x128xf32, #tpu.memory_space<vmem_shared>>)
    %dma_wait3A_295 = arith.constant 0 : i32
    %dma_wait3A_296 = arith.constant 0 : i32
    %dma_wait3A_297 = tpu.memref_slice %arg14[%dma_wait3A_295, %dma_wait3A_296] : memref<2x80xi32, #tpu.memory_space<vmem>> -> memref<1x80xi32, #tpu.memory_space<vmem>>
    %dma_wait3A_298 = tpu.memref_squeeze %dma_wait3A_297 : memref<1x80xi32, #tpu.memory_space<vmem>> -> memref<80xi32, #tpu.memory_space<vmem>>
    %dma_wait3A_299 = arith.constant 0 : i32
    %dma_wait3A_300 = arith.constant 0 : i32
    %dma_wait3A_301 = tpu.memref_slice %arg10[%dma_wait3A_299, %dma_wait3A_300] : memref<10240x16xf32, #tpu.memory_space<vmem_shared>> -> memref<10240x16xf32, #tpu.memory_space<vmem_shared>>
    tpu.wait_indirect_dma semaphore(%arg27 : memref<!tpu.dma_semaphore, #tpu.memory_space<semaphore_mem>>) src(%arg18 : memref<80x16xf32, #tpu.memory_space<vmem>>) dst(%dma_wait3A_301 : memref<10240x16xf32, #tpu.memory_space<vmem_shared>>)
    %dma_wait3A_302 = arith.constant 0 : i32
    %dma_wait3A_303 = arith.constant 1 : i32
    %dma_wait3A_304 = arith.constant 0 : i32
    %dma_wait3A_305 = arith.constant 0 : i32
    %dma_wait3A_306 = tpu.memref_slice %arg17[%dma_wait3A_303, %dma_wait3A_304, %dma_wait3A_305] : memref<3x80x128xf32, #tpu.memory_space<vmem>> -> memref<1x80x128xf32, #tpu.memory_space<vmem>>
    %dma_wait3A_307 = tpu.memref_squeeze %dma_wait3A_306 : memref<1x80x128xf32, #tpu.memory_space<vmem>> -> memref<80x128xf32, #tpu.memory_space<vmem>>
    %dma_wait3A_308 = arith.constant 0 : i32
    %dma_wait3A_309 = tpu.memref_slice %arg11[%dma_wait3A_302, %dma_wait3A_308] : memref<2x80xi32, #tpu.memory_space<vmem>> -> memref<1x80xi32, #tpu.memory_space<vmem>>
    %dma_wait3A_310 = tpu.memref_squeeze %dma_wait3A_309 : memref<1x80xi32, #tpu.memory_space<vmem>> -> memref<80xi32, #tpu.memory_space<vmem>>
    %dma_wait3A_311 = arith.constant 0 : i32
    %dma_wait3A_312 = arith.constant 0 : i32
    %dma_wait3A_313 = tpu.memref_slice %arg4[%dma_wait3A_311, %dma_wait3A_312] : memref<10000x128xf32, #tpu.memory_space<hbm>> -> memref<10000x128xf32, #tpu.memory_space<hbm>>
    tpu.wait_indirect_dma semaphore(%arg20 : memref<!tpu.dma_semaphore, #tpu.memory_space<semaphore_mem>>) src(%dma_wait3A_313 : memref<10000x128xf32, #tpu.memory_space<hbm>>) dst(%dma_wait3A_307 : memref<80x128xf32, #tpu.memory_space<vmem>>)
    %dma_start3A_314 = arith.constant 1 : i32
    %dma_start3A_315 = arith.constant 0 : i32
    %dma_start3A_316 = arith.constant 0 : i32
    %dma_start3A_317 = arith.constant 0 : i32
    %dma_start3A_318 = tpu.memref_slice %arg17[%dma_start3A_314, %dma_start3A_316, %dma_start3A_317] : memref<3x80x128xf32, #tpu.memory_space<vmem>> -> memref<1x80x128xf32, #tpu.memory_space<vmem>>
    %dma_start3A_319 = tpu.memref_squeeze %dma_start3A_318 : memref<1x80x128xf32, #tpu.memory_space<vmem>> -> memref<80x128xf32, #tpu.memory_space<vmem>>
    %dma_start3A_320 = arith.constant 0 : i32
    %dma_start3A_321 = tpu.memref_slice %arg12[%dma_start3A_315, %dma_start3A_320] : memref<2x80xi32, #tpu.memory_space<vmem>> -> memref<1x80xi32, #tpu.memory_space<vmem>>
    %dma_start3A_322 = tpu.memref_squeeze %dma_start3A_321 : memref<1x80xi32, #tpu.memory_space<vmem>> -> memref<80xi32, #tpu.memory_space<vmem>>
    %dma_start3A_323 = arith.constant 0 : i32
    %dma_start3A_324 = arith.constant 0 : i32
    %dma_start3A_325 = tpu.memref_slice %arg9[%dma_start3A_323, %dma_start3A_324] : memref<10240x128xf32, #tpu.memory_space<vmem_shared>> -> memref<10240x128xf32, #tpu.memory_space<vmem_shared>>
    tpu.enqueue_indirect_dma source(%dma_start3A_319 : memref<80x128xf32, #tpu.memory_space<vmem>>) target(%dma_start3A_325 : memref<10240x128xf32, #tpu.memory_space<vmem_shared>>) offsets(%dma_start3A_322 : memref<80xi32, #tpu.memory_space<vmem>>) semaphore(%arg23 : memref<!tpu.dma_semaphore, #tpu.memory_space<semaphore_mem>>) {add = true}
    %dma_start3A_326 = arith.constant 0 : i32
    %dma_start3A_327 = arith.constant 0 : i32
    %dma_start3A_328 = tpu.memref_slice %arg12[%dma_start3A_326, %dma_start3A_327] : memref<2x80xi32, #tpu.memory_space<vmem>> -> memref<1x80xi32, #tpu.memory_space<vmem>>
    %dma_start3A_329 = tpu.memref_squeeze %dma_start3A_328 : memref<1x80xi32, #tpu.memory_space<vmem>> -> memref<80xi32, #tpu.memory_space<vmem>>
    %dma_start3A_330 = arith.constant 0 : i32
    %dma_start3A_331 = arith.constant 0 : i32
    %dma_start3A_332 = tpu.memref_slice %arg10[%dma_start3A_330, %dma_start3A_331] : memref<10240x16xf32, #tpu.memory_space<vmem_shared>> -> memref<10240x16xf32, #tpu.memory_space<vmem_shared>>
    tpu.enqueue_indirect_dma source(%arg18 : memref<80x16xf32, #tpu.memory_space<vmem>>) target(%dma_start3A_332 : memref<10240x16xf32, #tpu.memory_space<vmem_shared>>) offsets(%dma_start3A_329 : memref<80xi32, #tpu.memory_space<vmem>>) semaphore(%arg26 : memref<!tpu.dma_semaphore, #tpu.memory_space<semaphore_mem>>) {add = true}
    %dma_wait3A_333 = arith.constant 0 : i32
    %dma_wait3A_334 = arith.constant 1 : i32
    %dma_wait3A_335 = arith.constant 0 : i32
    %dma_wait3A_336 = arith.constant 0 : i32
    %dma_wait3A_337 = tpu.memref_slice %arg17[%dma_wait3A_333, %dma_wait3A_335, %dma_wait3A_336] : memref<3x80x128xf32, #tpu.memory_space<vmem>> -> memref<1x80x128xf32, #tpu.memory_space<vmem>>
    %dma_wait3A_338 = tpu.memref_squeeze %dma_wait3A_337 : memref<1x80x128xf32, #tpu.memory_space<vmem>> -> memref<80x128xf32, #tpu.memory_space<vmem>>
    %dma_wait3A_339 = arith.constant 0 : i32
    %dma_wait3A_340 = tpu.memref_slice %arg14[%dma_wait3A_334, %dma_wait3A_339] : memref<2x80xi32, #tpu.memory_space<vmem>> -> memref<1x80xi32, #tpu.memory_space<vmem>>
    %dma_wait3A_341 = tpu.memref_squeeze %dma_wait3A_340 : memref<1x80xi32, #tpu.memory_space<vmem>> -> memref<80xi32, #tpu.memory_space<vmem>>
    %dma_wait3A_342 = arith.constant 0 : i32
    %dma_wait3A_343 = arith.constant 0 : i32
    %dma_wait3A_344 = tpu.memref_slice %arg9[%dma_wait3A_342, %dma_wait3A_343] : memref<10240x128xf32, #tpu.memory_space<vmem_shared>> -> memref<10240x128xf32, #tpu.memory_space<vmem_shared>>
    tpu.wait_indirect_dma semaphore(%arg22 : memref<!tpu.dma_semaphore, #tpu.memory_space<semaphore_mem>>) src(%dma_wait3A_338 : memref<80x128xf32, #tpu.memory_space<vmem>>) dst(%dma_wait3A_344 : memref<10240x128xf32, #tpu.memory_space<vmem_shared>>)
    %dma_wait3A_345 = arith.constant 1 : i32
    %dma_wait3A_346 = arith.constant 0 : i32
    %dma_wait3A_347 = tpu.memref_slice %arg14[%dma_wait3A_345, %dma_wait3A_346] : memref<2x80xi32, #tpu.memory_space<vmem>> -> memref<1x80xi32, #tpu.memory_space<vmem>>
    %dma_wait3A_348 = tpu.memref_squeeze %dma_wait3A_347 : memref<1x80xi32, #tpu.memory_space<vmem>> -> memref<80xi32, #tpu.memory_space<vmem>>
    %dma_wait3A_349 = arith.constant 0 : i32
    %dma_wait3A_350 = arith.constant 0 : i32
    %dma_wait3A_351 = tpu.memref_slice %arg10[%dma_wait3A_349, %dma_wait3A_350] : memref<10240x16xf32, #tpu.memory_space<vmem_shared>> -> memref<10240x16xf32, #tpu.memory_space<vmem_shared>>
    tpu.wait_indirect_dma semaphore(%arg25 : memref<!tpu.dma_semaphore, #tpu.memory_space<semaphore_mem>>) src(%arg18 : memref<80x16xf32, #tpu.memory_space<vmem>>) dst(%dma_wait3A_351 : memref<10240x16xf32, #tpu.memory_space<vmem_shared>>)
    %dma_wait3A_352 = arith.constant 1 : i32
    %dma_wait3A_353 = arith.constant 0 : i32
    %dma_wait3A_354 = arith.constant 0 : i32
    %dma_wait3A_355 = arith.constant 0 : i32
    %dma_wait3A_356 = tpu.memref_slice %arg17[%dma_wait3A_352, %dma_wait3A_354, %dma_wait3A_355] : memref<3x80x128xf32, #tpu.memory_space<vmem>> -> memref<1x80x128xf32, #tpu.memory_space<vmem>>
    %dma_wait3A_357 = tpu.memref_squeeze %dma_wait3A_356 : memref<1x80x128xf32, #tpu.memory_space<vmem>> -> memref<80x128xf32, #tpu.memory_space<vmem>>
    %dma_wait3A_358 = arith.constant 0 : i32
    %dma_wait3A_359 = tpu.memref_slice %arg12[%dma_wait3A_353, %dma_wait3A_358] : memref<2x80xi32, #tpu.memory_space<vmem>> -> memref<1x80xi32, #tpu.memory_space<vmem>>
    %dma_wait3A_360 = tpu.memref_squeeze %dma_wait3A_359 : memref<1x80xi32, #tpu.memory_space<vmem>> -> memref<80xi32, #tpu.memory_space<vmem>>
    %dma_wait3A_361 = arith.constant 0 : i32
    %dma_wait3A_362 = arith.constant 0 : i32
    %dma_wait3A_363 = tpu.memref_slice %arg9[%dma_wait3A_361, %dma_wait3A_362] : memref<10240x128xf32, #tpu.memory_space<vmem_shared>> -> memref<10240x128xf32, #tpu.memory_space<vmem_shared>>
    tpu.wait_indirect_dma semaphore(%arg23 : memref<!tpu.dma_semaphore, #tpu.memory_space<semaphore_mem>>) src(%dma_wait3A_357 : memref<80x128xf32, #tpu.memory_space<vmem>>) dst(%dma_wait3A_363 : memref<10240x128xf32, #tpu.memory_space<vmem_shared>>)
    %dma_wait3A_364 = arith.constant 0 : i32
    %dma_wait3A_365 = arith.constant 0 : i32
    %dma_wait3A_366 = tpu.memref_slice %arg12[%dma_wait3A_364, %dma_wait3A_365] : memref<2x80xi32, #tpu.memory_space<vmem>> -> memref<1x80xi32, #tpu.memory_space<vmem>>
    %dma_wait3A_367 = tpu.memref_squeeze %dma_wait3A_366 : memref<1x80xi32, #tpu.memory_space<vmem>> -> memref<80xi32, #tpu.memory_space<vmem>>
    %dma_wait3A_368 = arith.constant 0 : i32
    %dma_wait3A_369 = arith.constant 0 : i32
    %dma_wait3A_370 = tpu.memref_slice %arg10[%dma_wait3A_368, %dma_wait3A_369] : memref<10240x16xf32, #tpu.memory_space<vmem_shared>> -> memref<10240x16xf32, #tpu.memory_space<vmem_shared>>
    tpu.wait_indirect_dma semaphore(%arg26 : memref<!tpu.dma_semaphore, #tpu.memory_space<semaphore_mem>>) src(%arg18 : memref<80x16xf32, #tpu.memory_space<vmem>>) dst(%dma_wait3A_370 : memref<10240x16xf32, #tpu.memory_space<vmem_shared>>)
    %barrier3A_371 = arith.constant 0 : index
    tpu.barrier barrier_id(%barrier3A_371)
    "tpu.region"() ({
      %run_scoped3A = tpu.sem_alloc : memref<!tpu.dma_semaphore, #tpu.memory_space<semaphore_mem>>
      %dma_start3A_372 = arith.constant 0 : i32
      %dma_start3A_373 = tpu.memref_slice %arg7[%arg0, %mul3A_2, %dma_start3A_372] : memref<2x10240x128xf32, #tpu.memory_space<hbm>> -> memref<1x640x128xf32, #tpu.memory_space<hbm>>
      %dma_start3A_374 = tpu.memref_squeeze %dma_start3A_373 : memref<1x640x128xf32, #tpu.memory_space<hbm>> -> memref<640x128xf32, #tpu.memory_space<hbm>>
      %dma_start3A_375 = arith.constant 0 : i32
      %dma_start3A_376 = tpu.memref_slice %arg9[%mul3A_2, %dma_start3A_375] : memref<10240x128xf32, #tpu.memory_space<vmem_shared>> -> memref<640x128xf32, #tpu.memory_space<vmem_shared>>
      tpu.enqueue_dma source(%dma_start3A_376 : memref<640x128xf32, #tpu.memory_space<vmem_shared>>) target(%dma_start3A_374 : memref<640x128xf32, #tpu.memory_space<hbm>>) target_semaphore(%run_scoped3A : memref<!tpu.dma_semaphore, #tpu.memory_space<semaphore_mem>>)
      %dma_wait3A_377 = arith.constant 0 : i32
      %dma_wait3A_378 = tpu.memref_slice %arg7[%arg0, %mul3A_2, %dma_wait3A_377] : memref<2x10240x128xf32, #tpu.memory_space<hbm>> -> memref<1x640x128xf32, #tpu.memory_space<hbm>>
      %dma_wait3A_379 = tpu.memref_squeeze %dma_wait3A_378 : memref<1x640x128xf32, #tpu.memory_space<hbm>> -> memref<640x128xf32, #tpu.memory_space<hbm>>
      %dma_wait3A_380 = arith.constant 0 : i32
      %dma_wait3A_381 = tpu.memref_slice %arg9[%mul3A_2, %dma_wait3A_380] : memref<10240x128xf32, #tpu.memory_space<vmem_shared>> -> memref<640x128xf32, #tpu.memory_space<vmem_shared>>
      tpu.wait_dma2 semaphore(%run_scoped3A : memref<!tpu.dma_semaphore, #tpu.memory_space<semaphore_mem>>) src(%dma_wait3A_381 : memref<640x128xf32, #tpu.memory_space<vmem_shared>>) dst(%dma_wait3A_379 : memref<640x128xf32, #tpu.memory_space<hbm>>)
      tpu.yield
    }) : () -> ()
    "tpu.region"() ({
      %run_scoped3A = tpu.sem_alloc : memref<!tpu.dma_semaphore, #tpu.memory_space<semaphore_mem>>
      %dma_start3A_372 = arith.constant 0 : i32
      %dma_start3A_373 = tpu.memref_slice %arg8[%arg0, %mul3A_2, %dma_start3A_372] : memref<2x10240x16xf32, #tpu.memory_space<hbm>> -> memref<1x640x16xf32, #tpu.memory_space<hbm>>
      %dma_start3A_374 = tpu.memref_squeeze %dma_start3A_373 : memref<1x640x16xf32, #tpu.memory_space<hbm>> -> memref<640x16xf32, #tpu.memory_space<hbm>>
      %dma_start3A_375 = arith.constant 0 : i32
      %dma_start3A_376 = tpu.memref_slice %arg10[%mul3A_2, %dma_start3A_375] : memref<10240x16xf32, #tpu.memory_space<vmem_shared>> -> memref<640x16xf32, #tpu.memory_space<vmem_shared>>
      tpu.enqueue_dma source(%dma_start3A_376 : memref<640x16xf32, #tpu.memory_space<vmem_shared>>) target(%dma_start3A_374 : memref<640x16xf32, #tpu.memory_space<hbm>>) target_semaphore(%run_scoped3A : memref<!tpu.dma_semaphore, #tpu.memory_space<semaphore_mem>>)
      %dma_wait3A_377 = arith.constant 0 : i32
      %dma_wait3A_378 = tpu.memref_slice %arg8[%arg0, %mul3A_2, %dma_wait3A_377] : memref<2x10240x16xf32, #tpu.memory_space<hbm>> -> memref<1x640x16xf32, #tpu.memory_space<hbm>>
      %dma_wait3A_379 = tpu.memref_squeeze %dma_wait3A_378 : memref<1x640x16xf32, #tpu.memory_space<hbm>> -> memref<640x16xf32, #tpu.memory_space<hbm>>
      %dma_wait3A_380 = arith.constant 0 : i32
      %dma_wait3A_381 = tpu.memref_slice %arg10[%mul3A_2, %dma_wait3A_380] : memref<10240x16xf32, #tpu.memory_space<vmem_shared>> -> memref<640x16xf32, #tpu.memory_space<vmem_shared>>
      tpu.wait_dma2 semaphore(%run_scoped3A : memref<!tpu.dma_semaphore, #tpu.memory_space<semaphore_mem>>) src(%dma_wait3A_381 : memref<640x16xf32, #tpu.memory_space<vmem_shared>>) dst(%dma_wait3A_379 : memref<640x16xf32, #tpu.memory_space<hbm>>)
      tpu.yield
    }) : () -> ()
    return
  }
}

module attributes {stable_mosaic.version = 14 : i64} {
  func.func @_dense1_body(%arg0: i32, %arg1: memref<2x2000x128xf32, #tpu.memory_space<vmem>>, %arg2: memref<2x2000x16xf32, #tpu.memory_space<vmem>>, %arg3: memref<2000x128xf32, #tpu.memory_space<vmem>>, %arg4: memref<128x128xf32, #tpu.memory_space<vmem>>, %arg5: memref<1x128xf32, #tpu.memory_space<vmem>>, %arg6: memref<128x128xf32, #tpu.memory_space<vmem>>, %arg7: memref<2000x128xf32, #tpu.memory_space<vmem>>) attributes {dimension_semantics = [#tpu.dimension_semantics<arbitrary>], iteration_bounds = array<i64: 5>, scalar_prefetch = 0 : i64, scratch_operands = 0 : i64, tpu.core_type = #tpu.core_type<tc>, window_params = [{transform_indices = @transform_0, window_bounds = array<i64: 2, 2000, 128>}, {transform_indices = @transform_1, window_bounds = array<i64: 2, 2000, 16>}, {transform_indices = @transform_2, window_bounds = array<i64: 2000, 128>}, {pipeline_mode = #tpu.pipeline_mode<synchronous>, transform_indices = @transform_3, window_bounds = array<i64: 128, 128>}, {pipeline_mode = #tpu.pipeline_mode<synchronous>, transform_indices = @transform_4, window_bounds = array<i64: 1, 128>}, {pipeline_mode = #tpu.pipeline_mode<synchronous>, transform_indices = @transform_5, window_bounds = array<i64: 128, 128>}, {transform_indices = @transform_6, window_bounds = array<i64: 2000, 128>}]} {
    %get3A = arith.constant 0 : index
    %get3A_0 = arith.constant 0 : index
    %get3A_1 = arith.constant 0 : index
    %get3A_2 = vector.load %arg2[%get3A, %get3A_0, %get3A_1] : memref<2x2000x16xf32, #tpu.memory_space<vmem>>, vector<1x2000x16xf32>
    %get3A_3 = vector.shape_cast %get3A_2 : vector<1x2000x16xf32> to vector<2000x16xf32>
    %slice3A = vector.extract_strided_slice %get3A_3 {offsets = [0, 0], sizes = [2000, 1], strides = [1, 1]} : vector<2000x16xf32> to vector<2000x1xf32>
    %get3A_4 = arith.constant 1 : index
    %get3A_5 = arith.constant 0 : index
    %get3A_6 = arith.constant 0 : index
    %get3A_7 = vector.load %arg2[%get3A_4, %get3A_5, %get3A_6] : memref<2x2000x16xf32, #tpu.memory_space<vmem>>, vector<1x2000x16xf32>
    %get3A_8 = vector.shape_cast %get3A_7 : vector<1x2000x16xf32> to vector<2000x16xf32>
    %slice3A_9 = vector.extract_strided_slice %get3A_8 {offsets = [0, 0], sizes = [2000, 1], strides = [1, 1]} : vector<2000x16xf32> to vector<2000x1xf32>
    %add3A = arith.addf %slice3A, %slice3A_9 : vector<2000x1xf32>
    %max3A = arith.constant 1.000000e+00 : f32
    %max3A_10 = vector.broadcast %max3A : f32 to vector<2000x1xf32>
    %max3A_11 = arith.maximumf %add3A, %max3A_10 : vector<2000x1xf32>
    %div3A = arith.constant 1.000000e+00 : f32
    %div3A_12 = vector.broadcast %div3A : f32 to vector<2000x1xf32>
    %div3A_13 = arith.divf %div3A_12, %max3A_11 : vector<2000x1xf32>
    %get3A_14 = arith.constant 0 : index
    %get3A_15 = arith.constant 0 : index
    %get3A_16 = arith.constant 0 : index
    %get3A_17 = vector.load %arg1[%get3A_14, %get3A_15, %get3A_16] : memref<2x2000x128xf32, #tpu.memory_space<vmem>>, vector<1x2000x128xf32>
    %get3A_18 = vector.shape_cast %get3A_17 : vector<1x2000x128xf32> to vector<2000x128xf32>
    %get3A_19 = arith.constant 1 : index
    %get3A_20 = arith.constant 0 : index
    %get3A_21 = arith.constant 0 : index
    %get3A_22 = vector.load %arg1[%get3A_19, %get3A_20, %get3A_21] : memref<2x2000x128xf32, #tpu.memory_space<vmem>>, vector<1x2000x128xf32>
    %get3A_23 = vector.shape_cast %get3A_22 : vector<1x2000x128xf32> to vector<2000x128xf32>
    %add3A_24 = arith.addf %get3A_18, %get3A_23 : vector<2000x128xf32>
    %mul3A = vector.broadcast %div3A_13 : vector<2000x1xf32> to vector<2000x128xf32>
    %mul3A_25 = arith.mulf %add3A_24, %mul3A : vector<2000x128xf32>
    %get3A_26 = arith.constant 0 : index
    %get3A_27 = arith.constant 0 : index
    %get3A_28 = vector.load %arg4[%get3A_26, %get3A_27] : memref<128x128xf32, #tpu.memory_space<vmem>>, vector<128x128xf32>
    %dot_general3A = arith.constant dense<0.000000e+00> : vector<2000x128xf32>
    %dot_general3A_29 = tpu.matmul %mul3A_25, %get3A_28, %dot_general3A {dimension_numbers = #tpu.dot_dimension_numbers<[1], [1], [0], [0], [0, 0, 1, 0], [], []>, transpose_lhs_hint = false} : vector<2000x128xf32>, vector<128x128xf32>, vector<2000x128xf32> -> vector<2000x128xf32>
    %get3A_30 = arith.constant 0 : index
    %get3A_31 = arith.constant 0 : index
    %get3A_32 = vector.load %arg3[%get3A_30, %get3A_31] : memref<2000x128xf32, #tpu.memory_space<vmem>>, vector<2000x128xf32>
    %get3A_33 = arith.constant 0 : index
    %get3A_34 = arith.constant 0 : index
    %get3A_35 = vector.load %arg6[%get3A_33, %get3A_34] : memref<128x128xf32, #tpu.memory_space<vmem>>, vector<128x128xf32>
    %dot_general3A_36 = arith.constant dense<0.000000e+00> : vector<2000x128xf32>
    %dot_general3A_37 = tpu.matmul %get3A_32, %get3A_35, %dot_general3A_36 {dimension_numbers = #tpu.dot_dimension_numbers<[1], [1], [0], [0], [0, 0, 1, 0], [], []>, transpose_lhs_hint = false} : vector<2000x128xf32>, vector<128x128xf32>, vector<2000x128xf32> -> vector<2000x128xf32>
    %add3A_38 = arith.addf %dot_general3A_29, %dot_general3A_37 : vector<2000x128xf32>
    %get3A_39 = arith.constant 0 : index
    %get3A_40 = arith.constant 0 : index
    %get3A_41 = vector.load %arg5[%get3A_39, %get3A_40] : memref<1x128xf32, #tpu.memory_space<vmem>>, vector<1x128xf32>
    %add3A_42 = vector.broadcast %get3A_41 : vector<1x128xf32> to vector<2000x128xf32>
    %add3A_43 = arith.addf %add3A_38, %add3A_42 : vector<2000x128xf32>
    %max3A_44 = arith.constant 0.000000e+00 : f32
    %max3A_45 = vector.broadcast %max3A_44 : f32 to vector<2000x128xf32>
    %max3A_46 = arith.maximumf %add3A_43, %max3A_45 : vector<2000x128xf32>
    %swap3A = arith.constant 0 : index
    %swap3A_47 = arith.constant 0 : index
    %swap3A_48 = vector.load %arg7[%swap3A, %swap3A_47] : memref<2000x128xf32, #tpu.memory_space<vmem>>, vector<2000x128xf32>
    tpu.vector_store %arg7[%swap3A, %swap3A_47], %max3A_46 {strides = array<i32>} : memref<2000x128xf32, #tpu.memory_space<vmem>>, vector<2000x128xf32>,
    return
  }
  func.func @transform_0(%arg0: i32) -> (i32, i32, i32) {
    %c0_i32 = arith.constant 0 : i32
    %c0_i32_0 = arith.constant 0 : i32
    %c0_i32_1 = arith.constant 0 : i32
    return %c0_i32, %arg0, %c0_i32_0 : i32, i32, i32
  }
  func.func @transform_1(%arg0: i32) -> (i32, i32, i32) {
    %c0_i32 = arith.constant 0 : i32
    %c0_i32_0 = arith.constant 0 : i32
    %c0_i32_1 = arith.constant 0 : i32
    return %c0_i32, %arg0, %c0_i32_0 : i32, i32, i32
  }
  func.func @transform_2(%arg0: i32) -> (i32, i32) {
    %c0_i32 = arith.constant 0 : i32
    %c0_i32_0 = arith.constant 0 : i32
    return %arg0, %c0_i32 : i32, i32
  }
  func.func @transform_3(%arg0: i32) -> (i32, i32) {
    %c0_i32 = arith.constant 0 : i32
    %c0_i32_0 = arith.constant 0 : i32
    %c0_i32_1 = arith.constant 0 : i32
    return %c0_i32, %c0_i32_0 : i32, i32
  }
  func.func @transform_4(%arg0: i32) -> (i32, i32) {
    %c0_i32 = arith.constant 0 : i32
    %c0_i32_0 = arith.constant 0 : i32
    %c0_i32_1 = arith.constant 0 : i32
    return %c0_i32, %c0_i32_0 : i32, i32
  }
  func.func @transform_5(%arg0: i32) -> (i32, i32) {
    %c0_i32 = arith.constant 0 : i32
    %c0_i32_0 = arith.constant 0 : i32
    %c0_i32_1 = arith.constant 0 : i32
    return %c0_i32, %c0_i32_0 : i32, i32
  }
  func.func @transform_6(%arg0: i32) -> (i32, i32) {
    %c0_i32 = arith.constant 0 : i32
    %c0_i32_0 = arith.constant 0 : i32
    return %arg0, %c0_i32 : i32, i32
  }
}

module attributes {stable_mosaic.version = 14 : i64} {
  func.func @_dense2_body(%arg0: i32, %arg1: memref<2x2000x128xf32, #tpu.memory_space<vmem>>, %arg2: memref<2000x2xf32, #tpu.memory_space<vmem>>, %arg3: memref<2000x128xf32, #tpu.memory_space<vmem>>, %arg4: memref<2x2000x16xf32, #tpu.memory_space<vmem>>, %arg5: memref<128x128xf32, #tpu.memory_space<vmem>>, %arg6: memref<1x128xf32, #tpu.memory_space<vmem>>, %arg7: memref<128x128xf32, #tpu.memory_space<vmem>>, %arg8: memref<128x128xf32, #tpu.memory_space<vmem>>, %arg9: memref<1x128xf32, #tpu.memory_space<vmem>>, %arg10: memref<128x128xf32, #tpu.memory_space<vmem>>, %arg11: memref<5x128xf32, #tpu.memory_space<vmem>>, %arg12: memref<1x5xf32, #tpu.memory_space<vmem>>, %arg13: memref<1x5xf32, #tpu.memory_space<vmem>>, %arg14: memref<1x128xf32, #tpu.memory_space<vmem>>, %arg15: memref<1x128xf32, #tpu.memory_space<vmem>>) attributes {dimension_semantics = [#tpu.dimension_semantics<arbitrary>], iteration_bounds = array<i64: 5>, scalar_prefetch = 0 : i64, scratch_operands = 2 : i64, tpu.core_type = #tpu.core_type<tc>, window_params = [{transform_indices = @transform_0, window_bounds = array<i64: 2, 2000, 128>}, {transform_indices = @transform_1, window_bounds = array<i64: 2000, 2>}, {transform_indices = @transform_2, window_bounds = array<i64: 2000, 128>}, {transform_indices = @transform_3, window_bounds = array<i64: 2, 2000, 16>}, {pipeline_mode = #tpu.pipeline_mode<synchronous>, transform_indices = @transform_4, window_bounds = array<i64: 128, 128>}, {pipeline_mode = #tpu.pipeline_mode<synchronous>, transform_indices = @transform_5, window_bounds = array<i64: 1, 128>}, {pipeline_mode = #tpu.pipeline_mode<synchronous>, transform_indices = @transform_6, window_bounds = array<i64: 128, 128>}, {pipeline_mode = #tpu.pipeline_mode<synchronous>, transform_indices = @transform_7, window_bounds = array<i64: 128, 128>}, {pipeline_mode = #tpu.pipeline_mode<synchronous>, transform_indices = @transform_8, window_bounds = array<i64: 1, 128>}, {pipeline_mode = #tpu.pipeline_mode<synchronous>, transform_indices = @transform_9, window_bounds = array<i64: 128, 128>}, {pipeline_mode = #tpu.pipeline_mode<synchronous>, transform_indices = @transform_10, window_bounds = array<i64: 5, 128>}, {pipeline_mode = #tpu.pipeline_mode<synchronous>, transform_indices = @transform_11, window_bounds = array<i64: 1, 5>}, {pipeline_mode = #tpu.pipeline_mode<synchronous>, transform_indices = @transform_12, window_bounds = array<i64: 1, 5>}]} {
    %get3A = arith.constant 0 : index
    %get3A_0 = arith.constant 0 : index
    %get3A_1 = arith.constant 0 : index
    %get3A_2 = vector.load %arg4[%get3A, %get3A_0, %get3A_1] : memref<2x2000x16xf32, #tpu.memory_space<vmem>>, vector<1x2000x16xf32>
    %get3A_3 = vector.shape_cast %get3A_2 : vector<1x2000x16xf32> to vector<2000x16xf32>
    %slice3A = vector.extract_strided_slice %get3A_3 {offsets = [0, 0], sizes = [2000, 1], strides = [1, 1]} : vector<2000x16xf32> to vector<2000x1xf32>
    %get3A_4 = arith.constant 1 : index
    %get3A_5 = arith.constant 0 : index
    %get3A_6 = arith.constant 0 : index
    %get3A_7 = vector.load %arg4[%get3A_4, %get3A_5, %get3A_6] : memref<2x2000x16xf32, #tpu.memory_space<vmem>>, vector<1x2000x16xf32>
    %get3A_8 = vector.shape_cast %get3A_7 : vector<1x2000x16xf32> to vector<2000x16xf32>
    %slice3A_9 = vector.extract_strided_slice %get3A_8 {offsets = [0, 0], sizes = [2000, 1], strides = [1, 1]} : vector<2000x16xf32> to vector<2000x1xf32>
    %add3A = arith.addf %slice3A, %slice3A_9 : vector<2000x1xf32>
    %max3A = arith.constant 1.000000e+00 : f32
    %max3A_10 = vector.broadcast %max3A : f32 to vector<2000x1xf32>
    %max3A_11 = arith.maximumf %add3A, %max3A_10 : vector<2000x1xf32>
    %div3A = arith.constant 1.000000e+00 : f32
    %div3A_12 = vector.broadcast %div3A : f32 to vector<2000x1xf32>
    %div3A_13 = arith.divf %div3A_12, %max3A_11 : vector<2000x1xf32>
    %get3A_14 = arith.constant 0 : index
    %get3A_15 = arith.constant 0 : index
    %get3A_16 = arith.constant 0 : index
    %get3A_17 = vector.load %arg1[%get3A_14, %get3A_15, %get3A_16] : memref<2x2000x128xf32, #tpu.memory_space<vmem>>, vector<1x2000x128xf32>
    %get3A_18 = vector.shape_cast %get3A_17 : vector<1x2000x128xf32> to vector<2000x128xf32>
    %get3A_19 = arith.constant 1 : index
    %get3A_20 = arith.constant 0 : index
    %get3A_21 = arith.constant 0 : index
    %get3A_22 = vector.load %arg1[%get3A_19, %get3A_20, %get3A_21] : memref<2x2000x128xf32, #tpu.memory_space<vmem>>, vector<1x2000x128xf32>
    %get3A_23 = vector.shape_cast %get3A_22 : vector<1x2000x128xf32> to vector<2000x128xf32>
    %add3A_24 = arith.addf %get3A_18, %get3A_23 : vector<2000x128xf32>
    %mul3A = vector.broadcast %div3A_13 : vector<2000x1xf32> to vector<2000x128xf32>
    %mul3A_25 = arith.mulf %add3A_24, %mul3A : vector<2000x128xf32>
    %get3A_26 = arith.constant 0 : index
    %get3A_27 = arith.constant 0 : index
    %get3A_28 = vector.load %arg5[%get3A_26, %get3A_27] : memref<128x128xf32, #tpu.memory_space<vmem>>, vector<128x128xf32>
    %dot_general3A = arith.constant dense<0.000000e+00> : vector<2000x128xf32>
    %dot_general3A_29 = tpu.matmul %mul3A_25, %get3A_28, %dot_general3A {dimension_numbers = #tpu.dot_dimension_numbers<[1], [1], [0], [0], [0, 0, 1, 0], [], []>, transpose_lhs_hint = false} : vector<2000x128xf32>, vector<128x128xf32>, vector<2000x128xf32> -> vector<2000x128xf32>
    %get3A_30 = arith.constant 0 : index
    %get3A_31 = arith.constant 0 : index
    %get3A_32 = vector.load %arg3[%get3A_30, %get3A_31] : memref<2000x128xf32, #tpu.memory_space<vmem>>, vector<2000x128xf32>
    %get3A_33 = arith.constant 0 : index
    %get3A_34 = arith.constant 0 : index
    %get3A_35 = vector.load %arg7[%get3A_33, %get3A_34] : memref<128x128xf32, #tpu.memory_space<vmem>>, vector<128x128xf32>
    %dot_general3A_36 = arith.constant dense<0.000000e+00> : vector<2000x128xf32>
    %dot_general3A_37 = tpu.matmul %get3A_32, %get3A_35, %dot_general3A_36 {dimension_numbers = #tpu.dot_dimension_numbers<[1], [1], [0], [0], [0, 0, 1, 0], [], []>, transpose_lhs_hint = false} : vector<2000x128xf32>, vector<128x128xf32>, vector<2000x128xf32> -> vector<2000x128xf32>
    %add3A_38 = arith.addf %dot_general3A_29, %dot_general3A_37 : vector<2000x128xf32>
    %get3A_39 = arith.constant 0 : index
    %get3A_40 = arith.constant 0 : index
    %get3A_41 = vector.load %arg6[%get3A_39, %get3A_40] : memref<1x128xf32, #tpu.memory_space<vmem>>, vector<1x128xf32>
    %add3A_42 = vector.broadcast %get3A_41 : vector<1x128xf32> to vector<2000x128xf32>
    %add3A_43 = arith.addf %add3A_38, %add3A_42 : vector<2000x128xf32>
    %max3A_44 = arith.constant 0.000000e+00 : f32
    %max3A_45 = vector.broadcast %max3A_44 : f32 to vector<2000x128xf32>
    %max3A_46 = arith.maximumf %add3A_43, %max3A_45 : vector<2000x128xf32>
    %get3A_47 = arith.constant 0 : index
    %get3A_48 = arith.constant 0 : index
    %get3A_49 = vector.load %arg2[%get3A_47, %get3A_48] : memref<2000x2xf32, #tpu.memory_space<vmem>>, vector<2000x1xf32>
    %get3A_50 = arith.constant 0 : index
    %get3A_51 = arith.constant 1 : index
    %get3A_52 = vector.load %arg2[%get3A_50, %get3A_51] : memref<2000x2xf32, #tpu.memory_space<vmem>>, vector<2000x1xf32>
    %add3A_53 = arith.addf %get3A_49, %get3A_52 : vector<2000x1xf32>
    %mul3A_54 = vector.broadcast %add3A_53 : vector<2000x1xf32> to vector<2000x128xf32>
    %mul3A_55 = arith.mulf %mul3A_54, %max3A_46 : vector<2000x128xf32>
    %reduce_sum3A = arith.constant dense<0.000000e+00> : vector<128xf32>
    %reduce_sum3A_56 = vector.multi_reduction <add>, %mul3A_55, %reduce_sum3A [0] : vector<2000x128xf32> to vector<128xf32>
    %broadcast_in_dim3A = vector.shape_cast %reduce_sum3A_56 : vector<128xf32> to vector<1x128xf32>
    %reduce_sum3A_57 = arith.constant dense<0.000000e+00> : vector<128xf32>
    %reduce_sum3A_58 = vector.multi_reduction <add>, %max3A_46, %reduce_sum3A_57 [0] : vector<2000x128xf32> to vector<128xf32>
    %broadcast_in_dim3A_59 = vector.shape_cast %reduce_sum3A_58 : vector<128xf32> to vector<1x128xf32>
    %eq3A = arith.constant 0 : i32
    %eq3A_60 = arith.cmpi eq, %arg0, %eq3A : i32
    %convert_element_type3A = arith.extui %eq3A_60 : i1 to i32
    %cond3A = arith.constant 0 : i32
    %cond3A_61 = arith.cmpi ne, %convert_element_type3A, %cond3A : i32
    scf.if %cond3A_61 {
      %broadcast_in_dim3A_80 = arith.constant 0.000000e+00 : f32
      %broadcast_in_dim3A_81 = vector.broadcast %broadcast_in_dim3A_80 : f32 to vector<1x128xf32>
      %swap3A_82 = arith.constant 0 : index
      %swap3A_83 = arith.constant 0 : index
      %swap3A_84 = vector.load %arg14[%swap3A_82, %swap3A_83] : memref<1x128xf32, #tpu.memory_space<vmem>>, vector<1x128xf32>
      tpu.vector_store %arg14[%swap3A_82, %swap3A_83], %broadcast_in_dim3A_81 {strides = array<i32>} : memref<1x128xf32, #tpu.memory_space<vmem>>, vector<1x128xf32>,
      %broadcast_in_dim3A_85 = arith.constant 0.000000e+00 : f32
      %broadcast_in_dim3A_86 = vector.broadcast %broadcast_in_dim3A_85 : f32 to vector<1x128xf32>
      %swap3A_87 = arith.constant 0 : index
      %swap3A_88 = arith.constant 0 : index
      %swap3A_89 = vector.load %arg15[%swap3A_87, %swap3A_88] : memref<1x128xf32, #tpu.memory_space<vmem>>, vector<1x128xf32>
      tpu.vector_store %arg15[%swap3A_87, %swap3A_88], %broadcast_in_dim3A_86 {strides = array<i32>} : memref<1x128xf32, #tpu.memory_space<vmem>>, vector<1x128xf32>,
    } else {
    }
    %get3A_62 = arith.constant 0 : index
    %get3A_63 = arith.constant 0 : index
    %get3A_64 = vector.load %arg14[%get3A_62, %get3A_63] : memref<1x128xf32, #tpu.memory_space<vmem>>, vector<1x128xf32>
    %add3A_65 = arith.addf %get3A_64, %broadcast_in_dim3A : vector<1x128xf32>
    %swap3A = arith.constant 0 : index
    %swap3A_66 = arith.constant 0 : index
    %swap3A_67 = vector.load %arg14[%swap3A, %swap3A_66] : memref<1x128xf32, #tpu.memory_space<vmem>>, vector<1x128xf32>
    tpu.vector_store %arg14[%swap3A, %swap3A_66], %add3A_65 {strides = array<i32>} : memref<1x128xf32, #tpu.memory_space<vmem>>, vector<1x128xf32>,
    %get3A_68 = arith.constant 0 : index
    %get3A_69 = arith.constant 0 : index
    %get3A_70 = vector.load %arg15[%get3A_68, %get3A_69] : memref<1x128xf32, #tpu.memory_space<vmem>>, vector<1x128xf32>
    %add3A_71 = arith.addf %get3A_70, %broadcast_in_dim3A_59 : vector<1x128xf32>
    %swap3A_72 = arith.constant 0 : index
    %swap3A_73 = arith.constant 0 : index
    %swap3A_74 = vector.load %arg15[%swap3A_72, %swap3A_73] : memref<1x128xf32, #tpu.memory_space<vmem>>, vector<1x128xf32>
    tpu.vector_store %arg15[%swap3A_72, %swap3A_73], %add3A_71 {strides = array<i32>} : memref<1x128xf32, #tpu.memory_space<vmem>>, vector<1x128xf32>,
    %eq3A_75 = arith.constant 4 : i32
    %eq3A_76 = arith.cmpi eq, %arg0, %eq3A_75 : i32
    %convert_element_type3A_77 = arith.extui %eq3A_76 : i1 to i32
    %cond3A_78 = arith.constant 0 : i32
    %cond3A_79 = arith.cmpi ne, %convert_element_type3A_77, %cond3A_78 : i32
    scf.if %cond3A_79 {
      %get3A_80 = arith.constant 0 : index
      %get3A_81 = arith.constant 0 : index
      %get3A_82 = vector.load %arg14[%get3A_80, %get3A_81] : memref<1x128xf32, #tpu.memory_space<vmem>>, vector<1x128xf32>
      %mul3A_83 = arith.constant 9.99999974E-5 : f32
      %mul3A_84 = vector.broadcast %mul3A_83 : f32 to vector<1x128xf32>
      %mul3A_85 = arith.mulf %get3A_82, %mul3A_84 : vector<1x128xf32>
      %get3A_86 = arith.constant 0 : index
      %get3A_87 = arith.constant 0 : index
      %get3A_88 = vector.load %arg15[%get3A_86, %get3A_87] : memref<1x128xf32, #tpu.memory_space<vmem>>, vector<1x128xf32>
      %mul3A_89 = arith.constant 9.99999974E-5 : f32
      %mul3A_90 = vector.broadcast %mul3A_89 : f32 to vector<1x128xf32>
      %mul3A_91 = arith.mulf %get3A_88, %mul3A_90 : vector<1x128xf32>
      %get3A_92 = arith.constant 0 : index
      %get3A_93 = arith.constant 0 : index
      %get3A_94 = vector.load %arg8[%get3A_92, %get3A_93] : memref<128x128xf32, #tpu.memory_space<vmem>>, vector<128x128xf32>
      %dot_general3A_95 = arith.constant dense<0.000000e+00> : vector<1x128xf32>
      %dot_general3A_96 = tpu.matmul %mul3A_85, %get3A_94, %dot_general3A_95 {dimension_numbers = #tpu.dot_dimension_numbers<[1], [1], [0], [0], [0, 0, 1, 0], [], []>, transpose_lhs_hint = false} : vector<1x128xf32>, vector<128x128xf32>, vector<1x128xf32> -> vector<1x128xf32>
      %get3A_97 = arith.constant 0 : index
      %get3A_98 = arith.constant 0 : index
      %get3A_99 = vector.load %arg9[%get3A_97, %get3A_98] : memref<1x128xf32, #tpu.memory_space<vmem>>, vector<1x128xf32>
      %add3A_100 = arith.addf %dot_general3A_96, %get3A_99 : vector<1x128xf32>
      %get3A_101 = arith.constant 0 : index
      %get3A_102 = arith.constant 0 : index
      %get3A_103 = vector.load %arg10[%get3A_101, %get3A_102] : memref<128x128xf32, #tpu.memory_space<vmem>>, vector<128x128xf32>
      %dot_general3A_104 = arith.constant dense<0.000000e+00> : vector<1x128xf32>
      %dot_general3A_105 = tpu.matmul %mul3A_91, %get3A_103, %dot_general3A_104 {dimension_numbers = #tpu.dot_dimension_numbers<[1], [1], [0], [0], [0, 0, 1, 0], [], []>, transpose_lhs_hint = false} : vector<1x128xf32>, vector<128x128xf32>, vector<1x128xf32> -> vector<1x128xf32>
      %add3A_106 = arith.addf %add3A_100, %dot_general3A_105 : vector<1x128xf32>
      %get3A_107 = arith.constant 0 : index
      %get3A_108 = arith.constant 0 : index
      %get3A_109 = vector.load %arg11[%get3A_107, %get3A_108] : memref<5x128xf32, #tpu.memory_space<vmem>>, vector<5x128xf32>
      %dot_general3A_110 = arith.constant dense<0.000000e+00> : vector<1x5xf32>
      %dot_general3A_111 = tpu.matmul %add3A_106, %get3A_109, %dot_general3A_110 {dimension_numbers = #tpu.dot_dimension_numbers<[1], [1], [0], [0], [0, 0, 1, 0], [], []>, transpose_lhs_hint = false} : vector<1x128xf32>, vector<5x128xf32>, vector<1x5xf32> -> vector<1x5xf32>
      %get3A_112 = arith.constant 0 : index
      %get3A_113 = arith.constant 0 : index
      %get3A_114 = vector.load %arg12[%get3A_112, %get3A_113] : memref<1x5xf32, #tpu.memory_space<vmem>>, vector<1x5xf32>
      %add3A_115 = arith.addf %dot_general3A_111, %get3A_114 : vector<1x5xf32>
      %swap3A_116 = arith.constant 0 : index
      %swap3A_117 = arith.constant 0 : index
      %swap3A_118 = vector.load %arg13[%swap3A_116, %swap3A_117] : memref<1x5xf32, #tpu.memory_space<vmem>>, vector<1x5xf32>
      tpu.vector_store %arg13[%swap3A_116, %swap3A_117], %add3A_115 {strides = array<i32>} : memref<1x5xf32, #tpu.memory_space<vmem>>, vector<1x5xf32>,
    } else {
    }
    return
  }
  func.func @transform_0(%arg0: i32) -> (i32, i32, i32) {
    %c0_i32 = arith.constant 0 : i32
    %c0_i32_0 = arith.constant 0 : i32
    %c0_i32_1 = arith.constant 0 : i32
    return %c0_i32, %arg0, %c0_i32_0 : i32, i32, i32
  }
  func.func @transform_1(%arg0: i32) -> (i32, i32) {
    %c0_i32 = arith.constant 0 : i32
    %c0_i32_0 = arith.constant 0 : i32
    return %arg0, %c0_i32 : i32, i32
  }
  func.func @transform_2(%arg0: i32) -> (i32, i32) {
    %c0_i32 = arith.constant 0 : i32
    %c0_i32_0 = arith.constant 0 : i32
    return %arg0, %c0_i32 : i32, i32
  }
  func.func @transform_3(%arg0: i32) -> (i32, i32, i32) {
    %c0_i32 = arith.constant 0 : i32
    %c0_i32_0 = arith.constant 0 : i32
    %c0_i32_1 = arith.constant 0 : i32
    return %c0_i32, %arg0, %c0_i32_0 : i32, i32, i32
  }
  func.func @transform_4(%arg0: i32) -> (i32, i32) {
    %c0_i32 = arith.constant 0 : i32
    %c0_i32_0 = arith.constant 0 : i32
    %c0_i32_1 = arith.constant 0 : i32
    return %c0_i32, %c0_i32_0 : i32, i32
  }
  func.func @transform_5(%arg0: i32) -> (i32, i32) {
    %c0_i32 = arith.constant 0 : i32
    %c0_i32_0 = arith.constant 0 : i32
    %c0_i32_1 = arith.constant 0 : i32
    return %c0_i32, %c0_i32_0 : i32, i32
  }
  func.func @transform_6(%arg0: i32) -> (i32, i32) {
    %c0_i32 = arith.constant 0 : i32
    %c0_i32_0 = arith.constant 0 : i32
    %c0_i32_1 = arith.constant 0 : i32
    return %c0_i32, %c0_i32_0 : i32, i32
  }
  func.func @transform_7(%arg0: i32) -> (i32, i32) {
    %c0_i32 = arith.constant 0 : i32
    %c0_i32_0 = arith.constant 0 : i32
    %c0_i32_1 = arith.constant 0 : i32
    return %c0_i32, %c0_i32_0 : i32, i32
  }
  func.func @transform_8(%arg0: i32) -> (i32, i32) {
    %c0_i32 = arith.constant 0 : i32
    %c0_i32_0 = arith.constant 0 : i32
    %c0_i32_1 = arith.constant 0 : i32
    return %c0_i32, %c0_i32_0 : i32, i32
  }
  func.func @transform_9(%arg0: i32) -> (i32, i32) {
    %c0_i32 = arith.constant 0 : i32
    %c0_i32_0 = arith.constant 0 : i32
    %c0_i32_1 = arith.constant 0 : i32
    return %c0_i32, %c0_i32_0 : i32, i32
  }
  func.func @transform_10(%arg0: i32) -> (i32, i32) {
    %c0_i32 = arith.constant 0 : i32
    %c0_i32_0 = arith.constant 0 : i32
    %c0_i32_1 = arith.constant 0 : i32
    return %c0_i32, %c0_i32_0 : i32, i32
  }
  func.func @transform_11(%arg0: i32) -> (i32, i32) {
    %c0_i32 = arith.constant 0 : i32
    %c0_i32_0 = arith.constant 0 : i32
    %c0_i32_1 = arith.constant 0 : i32
    return %c0_i32, %c0_i32_0 : i32, i32
  }
  func.func @transform_12(%arg0: i32) -> (i32, i32) {
    %c0_i32 = arith.constant 0 : i32
    %c0_i32_0 = arith.constant 0 : i32
    %c0_i32_1 = arith.constant 0 : i32
    return %c0_i32, %c0_i32_0 : i32, i32
  }
}

</mosaic_0001>

<sc_bundles>
// kernel: kernel.6.cloned.1.call-start
scs
__scs_entry_jumppad:
0x0: {  	(pc) =	sbr.rel $0x88, $3  }
0x1: {  	(tag) =	ssettag $0x0;
	lr =	simm.s32 $0x1  }
0x2: {  	[smem:$0x3F94] =	sst lr;
	_ =	strace $0xD0000000  }
0x3: {  	_ = 	snop  }
0x4: {  	_ = 	snop  }
0x5: {  	_ = 	snop  }
0x6: {  	_ = 	snop  }
0x7: {  	_ = 	snop  }
__scs_overlays_trampoline_lowered:
0x8: {  	[smem:$0x3FA3] =	sst s0  }
0x9: {  	[smem:$0x3FA4] =	sst s1  }
0xa: {  	[smem:$0x3FA5] =	sst s2  }
0xb: {  	[smem:$0x3FA6] =	sst s3  }
0xc: {  	[smem:$0x3FA7] =	sst s4  }
0xd: {  	[smem:$0x3FA8] =	sst s5  }
0xe: {  	[smem:$0x3FA9] =	sst s6  }
0xf: {  	[smem:$0x3FAA] =	sst s7  }
0x10: {  	[smem:$0x3FAB] =	sst s8  }
0x11: {  	[smem:$0x3FAC] =	sst s9;
	s0 =	simm.s32 @!p0 $0x0  }
0x12: {  	s1 =	sld [smem:$0x3F92];
	s0 =	simm.s32 @p0 $0x1  }
0x13: {  	[smem:$0x3FAD] =	sst s0;
	s0 =	simm.s32 @!p1 $0x0  }
0x14: {  	s2 =	sld [smem:$0x3F91];
	s0 =	simm.s32 @p1 $0x1  }
0x15: {  	[smem:$0x3FAE] =	sst s0;
	s0 =	simm.s32 @!p2 $0x0  }
0x16: {  	s3 =	sld [smem:$0x3FDB];
	s0 =	simm.s32 @p2 $0x1  }
0x17: {  	s4 =	simm.s32 $0x1BF5;
	[smem:$0x3FB0] =	sst s0  }
0x18: {  	s0 =	sld [smem:$0x3F93];
	_ =	swait.ge [sflag:s4], $0x0  }
0x19: {  	s7 =	sld [smem:$0x3F94]  }
0x1a: {  	s8 =	sadd.s32 $0xFFFFE003, lr  }
0x1b: {  	s9 =	sadd.s32 $0xFFFFFEF7, lr;
	s5 =	simm.s32 $0xFFFFFFFF;
	p2 =	slt.u32 s8, $0xFFFFF086  }
0x1c: {  	p1 =	slt.u32 s9, $0xF7A;
	s5 =	simm.s32 @!p2 $0x0  }
0x1d: {  	s5 =	simm.s32 @p1 $0x1;
	p0 =	seq.s32 s7, s2  }
0x1e: {  	s7 =	smul.u32 @!p0 $0xF7A, s2;
	p2 =	seq.s32 @!p0 s5, $0x0  }
0x1f: {  	s9 =	smul.u32 $0xF7A, s1;
	s8 =	simm.s32 @!p0 $0x1BF5;
	p2 =	por !p2, p0  }
0x20: {  	[sflag:s8] =	ssyncset.s32 @!p0 $0xFFFFF086;
	s6 =	sadd.s32 @!p0 s3, s7;
	s7 =	simm.s32 @!p0 $0x108  }
0x21: {  	s3 =	sadd.s32 s3, s9;
	s6 =	sadd.s32 @!p0 $0x88, s6;
	s7 =	simm.s32 @p2 $0x1082  }
0x22: {  	[simem:s7], [sflag:s8] =	dma.local @!p0 [hbm:s6], $0xF7A  }
0x23: {  	s9 =	sor.u32 $0xD0000000, s2;
	s6 =	simm.s32 $0x108;
	_ =	swait.ge @!p0 [sflag:s8], $0x0  }
0x24: {  	s3 =	sadd.s32 $0x88, s3;
	s6 =	simm.s32 @!p1 $0x1082;
	[sflag:s4] =	ssyncset.s32 $0xFFFFF086  }
0x25: {  	[simem:s6], [sflag:s4] =	dma.local [hbm:s3], $0xF7A  }
0x26: {  	[smem:$0x3F94] =	sst s1;
	(tag) =	ssettag s2;
	_ =	strace s9  }
0x27: {  	s1 =	sld [smem:$0x3FA4]  }
0x28: {  	s2 =	sld [smem:$0x3FA5]  }
0x29: {  	s4 =	sld [smem:$0x3FA7]  }
0x2a: {  	p0 =	seq.s32 s5, $0x0;
	s5 =	sld [smem:$0x3FA8]  }
0x2b: {  	s6 =	sld [smem:$0x3FA9]  }
0x2c: {  	s7 =	sld [smem:$0x3FAA]  }
0x2d: {  	s3 =	simm.s32 $0x108;
	s8 =	sld [smem:$0x3FAB]  }
0x2e: {  	s3 =	simm.s32 @!p0 $0x1082;
	s9 =	sld [smem:$0x3FAC]  }
0x2f: {  	lr =	sadd.s32 s0, s3;
	s0 =	sld [smem:$0x3FA3]  }
0x30: {  	s3 =	sld [smem:$0x3FA6]  }
0x31: {  	[smem:$0x3FAF] =	sst s10  }
0x32: {  	s10 =	sld [smem:$0x3FAD];
	_ =	sdelay $0x3  }
0x33: {  	p0 =	seq.s32 s10, $0x1;
	s10 =	sld [smem:$0x3FAF];
	_ =	sdelay $0x3  }
0x34: {  	[smem:$0x3FAF] =	sst s10  }
0x35: {  	s10 =	sld [smem:$0x3FAE];
	_ =	sdelay $0x3  }
0x36: {  	p1 =	seq.s32 s10, $0x1;
	s10 =	sld [smem:$0x3FAF];
	_ =	sdelay $0x3  }
0x37: {  	[smem:$0x3FAF] =	sst s10  }
0x38: {  	s10 =	sld [smem:$0x3FB0]  }
0x39: {  	_ = 	snop;
	(pc) =	sbr.ind lr, $3  }
0x3a: {  	_ = 	snop  }
0x3b: {  	_ = 	snop  }
0x3c: {  	p2 =	seq.s32 s10, $0x1;
	s10 =	sld [smem:$0x3FAF]  }
0x3d: {  	_ =	shalt  }
0x3e: {  	_ =	shalt  }
0x3f: {  	_ =	shalt  }
0x40: {  	_ =	shalt  }
0x41: {  	_ =	shalt  }
0x42: {  	_ =	shalt  }
0x43: {  	_ =	shalt  }
0x44: {  	_ =	shalt  }
0x45: {  	_ =	shalt  }
0x46: {  	_ =	shalt  }
0x47: {  	_ =	shalt  }
0x48: {  	_ =	shalt  }
0x49: {  	_ =	shalt  }
0x4a: {  	_ =	shalt  }
0x4b: {  	_ =	shalt  }
0x4c: {  	_ =	shalt  }
0x4d: {  	_ =	shalt  }
0x4e: {  	_ =	shalt  }
0x4f: {  	_ =	shalt  }
0x50: {  	_ =	shalt  }
0x51: {  	_ =	shalt  }
0x52: {  	_ =	shalt  }
0x53: {  	_ =	shalt  }
0x54: {  	_ =	shalt  }
0x55: {  	_ =	shalt  }
0x56: {  	_ =	shalt  }
0x57: {  	_ =	shalt  }
0x58: {  	_ =	shalt  }
0x59: {  	_ =	shalt  }
0x5a: {  	_ =	shalt  }
0x5b: {  	_ =	shalt  }
0x5c: {  	_ =	shalt  }
0x5d: {  	_ =	shalt  }
0x5e: {  	_ =	shalt  }
0x5f: {  	_ =	shalt  }
0x60: {  	_ =	shalt  }
0x61: {  	_ =	shalt  }
0x62: {  	_ =	shalt  }
0x63: {  	_ =	shalt  }
0x64: {  	_ =	shalt  }
0x65: {  	_ =	shalt  }
0x66: {  	_ =	shalt  }
0x67: {  	_ =	shalt  }
0x68: {  	_ =	shalt  }
0x69: {  	_ =	shalt  }
0x6a: {  	_ =	shalt  }
0x6b: {  	_ =	shalt  }
0x6c: {  	_ =	shalt  }
0x6d: {  	_ =	shalt  }
0x6e: {  	_ =	shalt  }
0x6f: {  	_ =	shalt  }
0x70: {  	_ =	shalt  }
0x71: {  	_ =	shalt  }
0x72: {  	_ =	shalt  }
0x73: {  	_ =	shalt  }
0x74: {  	_ =	shalt  }
0x75: {  	_ =	shalt  }
0x76: {  	_ =	shalt  }
0x77: {  	_ =	shalt  }
0x78: {  	_ =	shalt  }
0x79: {  	_ =	shalt  }
0x7a: {  	_ =	shalt  }
0x7b: {  	_ =	shalt  }
0x7c: {  	_ =	shalt  }
0x7d: {  	_ =	shalt  }
0x7e: {  	_ =	shalt  }
0x7f: {  	_ =	shalt  }
0x80: {  	_ =	shalt  }
0x81: {  	_ =	shalt  }
0x82: {  	_ =	shalt  }
0x83: {  	_ =	shalt  }
0x84: {  	_ =	shalt  }
0x85: {  	_ =	shalt  }
0x86: {  	_ =	shalt  }
0x87: {  	_ =	shalt  }
.Lfunc_end0:
.L_simem_size_0:
called_computation_lowered:
.L_overlay_start_0:
0x88: {  	s2 =	sld [smem:$0x3FD9]  }
0x89: {  	s3 =	sld [smem:$0x3FFE];
	_ =	sdelay $0x1  }
0x8a: {  	s1 =	srdreg.scid  }
0x8b: {  	s0 =	sand.u32 $0x1, s1  }
0x8c: {  	s17 =	sshll.u32 s0, $0xA;
	s2 =	sadd.s32 s3, s2  }
0x8d: {  	s2 =	sadd.s32 s2, s17  }
0x8e: {  	[smem:$0x3FBB] =	sst s2  }
0x8f: {  	_ = 	snop  }
0x90: {  	s2 =	sld [smem:$0x3FC9];
	(tm) =	ssettm $0x1  }
0x91: {  	s18 =	sld [smem:$0x3FFB];
	_ =	sdelay $0x3  }
0x92: {  	_ =	strace s18  }
0x93: {  	s3 =	sld [smem:$0x3FFC];
	_ =	sdelay $0x3  }
0x94: {  	_ =	strace s3  }
0x95: {  	s3 =	sld [smem:$0x3FFD];
	_ =	sdelay $0x3  }
0x96: {  	_ =	strace s3  }
0x97: {  	_ =	strace $0x8FFFFFFF  }
0x98: {  	s19 =	sld [smem:$0x3FDB];
	_ =	sdelay $0x1  }
0x99: {  	s4 =	simm.s32 $_scs_section_size  }
0x9a: {  	s5 =	simm.s32 $_size__tile_overlayer_lowered;
	s6 =	simm.s32 $_tile_overlayer_lowered  }
0x9b: {  	s22 =	simm.s32 $0x1BFF;
	s21 =	sshll.u32 s6, $0x1;
	s3 =	sadd.s32 s4, s19  }
0x9c: {  	s7 =	simm.s32 $0x0;
	s20 =	sshll.u32 s5, $0x1;
	s5 =	sadd.s32 s21, s3  }
0x9d: {  	[timem:s7], [sflag:s22] =	dma.local [hbm:s5], s20  }
0x9e: {  	_ =	swait.ge [sflag:s22], s20  }
0x9f: {  	s4 =	ssub.s32 $0x0, s20;
	[sflag:s22] =	ssyncset.done $0x0  }
0xa0: {  	[sflag:s22] =	ssyncadd.s32 s4;
	_ =	sdelay $0x1  }
0xa1: {  	s23 =	simm.s32 $0x1B8B  }
0xa2: {  	_ =	swait.ge [sflag:s23], $0x1  }
0xa3: {  	[sflag:s23] =	ssyncset.done $0x0  }
0xa4: {  	s25 =	simm.s32 $0x1B8E;
	s24 =	sld [smem:$0x3FFE];
	[sflag:s23] =	ssyncadd.s32 $0xFFFFFFFF  }
0xa5: {  	s26 =	simm.s32 $execute0_lowered;
	[smem:$0x3FD2] =	sst s25  }
0xa6: {  	s5 =	sshll.u32 s26, $0x1;
	_ =	strace $0x80000046;
	[dreg:$0x1] =	wrdreg $0xFFFFFFFF  }
0xa7: {  	s28 =	simm.s32 $_size_execute0_lowered;
	s3 =	sadd.s32 s3, s5;
	[dreg:$0x0] =	wrdreg $0x0  }
0xa8: {  	s5 =	sshll.u32 s28, $0x1;
	[dreg:$0x2] =	wrdreg s3  }
0xa9: {  	[dreg:$0x3] =	wrdreg s5  }
0xaa: {  	[dreg:$0x4] =	wrdreg $0xC0  }
0xab: {  	_ =	task [dreg:s7], $0x5FFFF  }
0xac: {  	[dreg:$0x1] =	wrdreg $0xFFFFFFFF  }
0xad: {  	[dreg:$0x0] =	wrdreg $0x60  }
0xae: {  	[dreg:$0x2] =	wrdreg s24  }
0xaf: {  	[dreg:$0x3] =	wrdreg s2  }
0xb0: {  	[dreg:$0x4] =	wrdreg $0x0  }
0xb1: {  	[dreg:$0x5] =	wrdreg $0x140000  }
0xb2: {  	[dreg:$0x6] =	wrdreg $0x9  }
0xb3: {  	_ =	task.clear_ibuf [dreg:s7], $0x7FFFF;
	_ =	strace $0x90000046  }
0xb4: {  	s29 =	simm.s32 $0x9;
	_ =	strace $0x80000048  }
0xb5: {  	_ =	swait.ge [sflag:s29], $0x1  }
0xb6: {  	[sflag:s29] =	ssyncadd.s32 $0xFFFFFFFF  }
0xb7: {  	_ =	strace $0x90000048  }
0xb8: {  	_ =	sfence  }
0xb9: {  	s30 =	sld [smem:$0x0];
	_ =	sdelay $0x2  }
0xba: {  	s31 =	sshll.u32 s1, $0xD;
	s1 =	sshrl.u32 s1, $0x2  }
0xbb: {  	s3 =	sand.u32 $0x4000, s31;
	s1 =	sadd.s32 s1, s30  }
0xbc: {  	s0 =	sor.u32 s3, s0;
	s1 =	sshll.u32 s1, $0x11  }
0xbd: {  	s0 =	sor.u32 s1, s0  }
0xbe: {  	s0 =	sadd.s32 $0x8F2B, s0  }
0xbf: {  	[sflag:s0] =	ssyncadd.remote.s32 $0x1  }
0xc0: {  	_ =	sfence.sel $0xFFFF  }
0xc1: {  	[dreg:$0x0] =	wrdreg $0xFFFFFFFF;
	(pc) =	sbr.abs _section_cstart, $3  }
0xc2: {  	[dreg:$0x1] =	wrdreg $0xFFFFFFFF  }
0xc3: {  	_ =	task.clear_ibuf [dreg:s7], $0x2FFFF;
	_ =	strace $0x9FFFFFFF  }
0xc4: {  	(tm) =	ssettm $0x7FFFFFFF  }
0xc5: {  	_ =	shalt  }
tec
execute0_lowered:
.L_overlay_start_1:
0x0: {  	(tag) =	ssettag $0x1  }
0x1: {  	s0 =	rddreg [dreg:$0x0]  }
0x2: {  	s3 =	rddreg [dreg:$0x1]  }
0x3: {  	s1 =	rddreg [dreg:$0x2]  }
0x4: {  	s4 =	rddreg [dreg:$0x3]  }
0x5: {  	s2 =	srdreg.scid;
	s12 =	stileid.u32  }
0x6: {  	s28 =	simm.s32 $0x0;
	s31 =	simm.s32 $0x16A80;
	s29 =	simm.s32 $0x193C0  }
0x7: {  	s30 =	simm.s32 $0x9;
	s2 =	sand.u32 $0x1, s2;
	s6 =	smul.u32 $0x14000, s12  }
0x8: {  	[smem:$0x7FF] =	sst s28;
	s15 =	sadd.s32 $0xD200, s0;
	s8 =	smul.u32 $0x2800, s12  }
0x9: {  	s18 =	sadd.s32 $0x3400, s0;
	s9 =	sadd.s32 $0x17600, s0;
	s10 =	sadd.s32 $0x17000, s0  }
0xa: {  	s7 =	smul.u32 $0x140000, s2;
	_ =	strace $0x80000047;
	[dreg:$0xa] =	wrdreg s9  }
0xb: {  	s20 =	smul.u32 $0x28000, s2;
	[dreg:$0xb] =	wrdreg s10;
	s21 =	sshll.u32 s2, $0x4  }
0xc: {  	s22 =	ssub.s32 $0x2, s2;
	s2 =	smul.u32 $0x27100, s2;
	s10 =	sor.u32 s12, s21  }
0xd: {  	s11 =	sshrl.u32 s22, $0x1;
	s12 =	smul.u32 $0x2710, s12;
	s16 =	sadd.s32 s8, s4  }
0xe: {  	s7 =	sadd.s32 s6, s7;
	s9 =	sadd.s32 s8, s20;
	s10 =	smul.u32 $0x2710, s10  }
0xf: {  	s6 =	sadd.s32 s6, s1;
	[dreg:$0x13] =	wrdreg s16;
	s1 =	simm.s32 $0x16850  }
0x10: {  	s16 =	simm.s32 $0x4;
	s7 =	sshrl.u32 s7, $0x3;
	s9 =	sshrl.u32 s9, $0x3  }
0x11: {  	s2 =	sadd.s32 s12, s2;
	[dreg:$0x12] =	wrdreg s6;
	s7 =	sadd.s32 s7, s0  }
0x12: {  	s0 =	sadd.s32 s9, s0;
	s10 =	sshrl.u32 s10, $0x3;
	s9 =	ssub.s32 s22, s11  }
0x13: {  	s12 =	sadd.s32 $0x320, s2;
	s20 =	sadd.s32 $0x280, s2;
	s23 =	sadd.s32 s15, s10  }
0x14: {  	s24 =	sadd.s32 $0x14, s10;
	s13 =	sadd.s32 s18, s10;
	[dreg:$0xc] =	wrdreg s23  }
0x15: {  	s26 =	sadd.s32 $0x28, s10;
	s7 =	sadd.s32 $0x19E00, s7;
	[dreg:$0xd] =	wrdreg s13  }
0x16: {  	s14 =	sshrl.u32 s12, $0x3;
	s0 =	sadd.s32 $0x69E00, s0;
	[dreg:$0x16] =	wrdreg s7  }
0x17: {  	s19 =	sadd.s32 $0x4D8, s10;
	s25 =	sadd.s32 s15, s24;
	[dreg:$0x17] =	wrdreg s0  }
0x18: {  	s6 =	sshrl.u32 s20, $0x3;
	s11 =	sadd.s32 s18, s24;
	[dreg:$0xe] =	wrdreg s25  }
0x19: {  	s12 =	simm.s32 $0xB;
	s5 =	sadd.s32 s15, s26;
	[dreg:$0xf] =	wrdreg s11  }
0x1a: {  	s20 =	simm.s32 $0x5;
	s17 =	sadd.s32 s14, s18;
	[dreg:$0x10] =	wrdreg s5  }
0x1b: {  	s10 =	sadd.s32 s15, s19;
	s21 =	sadd.s32 s14, s15;
	[dreg:$0x5] =	wrdreg s17  }
0x1c: {  	s8 =	sadd.s32 s18, s19;
	s22 =	sadd.s32 s6, s18;
	[dreg:$0x14] =	wrdreg s10  }
0x1d: {  	s6 =	sadd.s32 s6, s15;
	s23 =	smax.u32 s9, $0x1;
	[dreg:$0x15] =	wrdreg s8  }
0x1e: {  	s24 =	sadd.s32 $0x1E0, s2;
	s7 =	simm.s32 $0x16940;
	[dreg:$0x6] =	wrdreg s21  }
0x1f: {  	s2 =	simm.s32 $0x16B20;
	s0 =	simm.s32 $0x50;
	[dreg:$0x7] =	wrdreg s22  }
0x20: {  	s9 =	simm.s32 $0x16BC0;
	s14 =	simm.s32 $0x2;
	[dreg:$0x18] =	wrdreg s23  }
0x21: {  	s19 =	simm.s32 $0x3;
	s13 =	simm.s32 $0x0;
	[dreg:$0x8] =	wrdreg s6  }
0x22: {  	s11 =	sadd.s32 s18, s26;
	[dreg:$0x19] =	wrdreg s24;
	s26 =	simm.s32 $0x16800  }
0x23: {  	s25 =	simm.s32 $0x16AD0;
	s23 =	simm.s32 $0xD;
	s24 =	simm.s32 $0x168A0  }
0x24: {  	s5 =	simm.s32 $0x169E0;
	s17 =	simm.s32 $0x7;
	s21 =	simm.s32 $0x8  }
0x25: {  	s22 =	simm.s32 $0xC;
	s8 =	simm.s32 $0xA;
	[dreg:$0x11] =	wrdreg s11  }
0x26: {  	v0 =	vimm.f32 $1.000000000e+00;
	[dreg:$0x9] =	wrdreg s25;
	s11 =	simm.s32 $0x1E3C0;
	s25 =	simm.s32 $0x6  }
.LBB2_1:
0x27: {  	[dreg:$0x1a] =	wrdreg s13  }
0x28: {  	s6 =	rddreg [dreg:$0xc]  }
0x29: {  	[tilespmem:s26], [sflag:$0xD] =	stream.linear.gather [hbm4b:s6+s28], $0xA0, $0x38;
	[tilespmem:$0x1E8C0] =	vst v63  }
0x2a: {  	_ =	swait.ge [sflag:s23], $0xA0  }
0x2b: {  	[sflag:s23] =	ssyncset.done $0x0  }
0x2c: {  	s10 =	rddreg [dreg:$0xd];
	[sflag:s23] =	ssyncadd.s32 $0xFFFFFF60  }
0x2d: {  	[tilespmem:s24], [sflag:$0xD] =	stream.linear.gather [hbm4b:s10+s28], $0xA0, $0x38;
	[tilespmem:$0x1E8C0] =	vst v63  }
0x2e: {  	_ =	swait.ge [sflag:s23], $0xA0  }
0x2f: {  	[sflag:s23] =	ssyncset.done $0x0  }
0x30: {  	s13 =	rddreg [dreg:$0xe];
	[sflag:s23] =	ssyncadd.s32 $0xFFFFFF60  }
0x31: {  	[tilespmem:s7], [sflag:$0xB] =	stream.linear.gather [hbm4b:s13+s28], $0xA0, $0x38;
	[tilespmem:$0x1E8C0] =	vst v63  }
0x32: {  	s7 =	rddreg [dreg:$0xf]  }
0x33: {  	[tilespmem:s5], [sflag:$0xB] =	stream.linear.gather [hbm4b:s7+s28], $0xA0, $0x38;
	[tilespmem:$0x1E8C0] =	vst v63  }
0x34: {  	s10 =	rddreg [dreg:$0x10]  }
0x35: {  	[tilespmem:s31], [sflag:$0xC] =	stream.linear.gather [hbm4b:s10+s28], $0xA0, $0x38;
	[tilespmem:$0x1E8C0] =	vst v63  }
0x36: {  	s13 =	rddreg [dreg:$0x11]  }
0x37: {  	[tilespmem:s2], [sflag:$0xC] =	stream.linear.gather [hbm4b:s13+s28], $0xA0, $0x38;
	[tilespmem:$0x1E8C0] =	vst v63  }
0x38: {  	_ = 	snop  }
0x39: {  	[tilespmem:s9], [sflag:$0x1] =	stream.indirect.gather [hbm4b:s3+s0], $0x80, s26, s0, $0xb8;
	[tilespmem:$0x1E8C0] =	vst v63  }
0x3a: {  	s6 =	simm.s32 $0x40;
	s7 =	simm.s32 $0x0  }
0x3b: {  	[tilespmem:s29], [sflag:$0x2] =	stream.indirect.gather [hbm4b:s3+s0], $0x80, s1, s0, $0xb8;
	[tilespmem:$0x1E8C0] =	vst v63  }
.LBB2_2:
0x3c: {  	p0 =	sne.s32 s6, $0x13C0;
	[tilespmem:s7+$0x1E3C0] =	vst v0;
	s7 =	smov.u32 s6;
	s6 =	sadd.s32 $0x40, s6  }
.Ltmp0:
0x3d: {  	(pc) =	sbr.rel @p0 .LBB2_2-.Ltmp0, $2  }
0x3e: {  	_ =	sdelay $0x2  }
0x3f: {  	s7 =	sshra.s32 s7, $0x2  }
0x40: {  	s6 =	stileid.u32;
	s1 =	rddreg [dreg:$0x12]  }
0x41: {  	s10 =	rddreg [dreg:$0xa];
	s6 =	sshll.u32 s6, $0x6;
	s13 =	sshrl.u32 s1, $0x3  }
0x42: {  	[tilespmem:s7+$0x1E3C0] =	vst v0;
	s7 =	sor.u32 $0x1C0D, s6;
	[dreg:$0x1c] =	wrdreg s13  }
0x43: {  	[spmem:s13], [sflag:s7] =	dma.local [hbm:s10], $0x2800  }
0x44: {  	_ =	swait.ge [sflag:s23], $0x2800;
	[dreg:$0x1b] =	wrdreg s7  }
0x45: {  	s1 =	rddreg [dreg:$0x13]  }
0x46: {  	[sflag:s23] =	ssyncset.done $0x0;
	s10 =	rddreg [dreg:$0xb];
	s6 =	sshrl.u32 s1, $0x3  }
0x47: {  	[sflag:s23] =	ssyncadd.s32 $0xFFFFD800;
	[dreg:$0x1d] =	wrdreg s6  }
0x48: {  	[spmem:s6], [sflag:s7] =	dma.local [hbm:s10], $0x500  }
0x49: {  	_ =	swait.ge [sflag:s23], $0x500  }
0x4a: {  	[sflag:s23] =	ssyncset.done $0x0  }
0x4b: {  	[sflag:s23] =	ssyncadd.s32 $0xFFFFFB00  }
0x4c: {  	s10 =	simm.s32 $0x1;
	[bflag:$0x0] =	sbarrier.arrive $0xFFFF  }
0x4d: {  	_ =	swait.ge [sflag:s10], $0x2800  }
0x4e: {  	[sflag:s10] =	ssyncset.done $0x0  }
0x4f: {  	[sflag:s10] =	ssyncadd.s32 $0xFFFFD800  }
0x50: {  	s1 =	rddreg [dreg:$0x2]  }
0x51: {  	[spmem:s1] =	stream.indirect.scatter.add.f32 [tilespmem:s9], [sflag:$0x4], $0x80, s24, s0, $0xb8;
	[tilespmem:$0x1E8C0] =	vst v63  }
0x52: {  	_ = 	snop  }
0x53: {  	[spmem:s4] =	stream.indirect.scatter.add.f32 [tilespmem:s11], [sflag:$0x7], $0x10, s24, s0, $0xb8;
	[tilespmem:$0x1E8C0] =	vst v63  }
0x54: {  	_ =	swait.ge [sflag:s12], $0xA0  }
0x55: {  	[sflag:s12] =	ssyncset.done $0x0  }
0x56: {  	[sflag:s12] =	ssyncadd.s32 $0xFFFFFF60  }
0x57: {  	_ =	swait.ge [sflag:s12], $0xA0  }
0x58: {  	[sflag:s12] =	ssyncset.done $0x0  }
0x59: {  	s13 =	simm.s32 $0x1BBC0;
	s23 =	simm.s32 $0x16940;
	[sflag:s12] =	ssyncadd.s32 $0xFFFFFF60  }
0x5a: {  	[tilespmem:s13], [sflag:$0x3] =	stream.indirect.gather [hbm4b:s3+s0], $0x80, s23, s0, $0xb8;
	[tilespmem:$0x1E8C0] =	vst v63  }
0x5b: {  	_ =	swait.ge [sflag:s14], $0x2800  }
0x5c: {  	[sflag:s14] =	ssyncset.done $0x0  }
0x5d: {  	s7 =	simm.s32 $0x168F0;
	[sflag:s14] =	ssyncadd.s32 $0xFFFFD800  }
0x5e: {  	[spmem:s1] =	stream.indirect.scatter.add.f32 [tilespmem:s29], [sflag:$0x5], $0x80, s7, s0, $0xb8;
	[tilespmem:$0x1E8C0] =	vst v63  }
0x5f: {  	_ = 	snop  }
0x60: {  	[spmem:s4] =	stream.indirect.scatter.add.f32 [tilespmem:s11], [sflag:$0x8], $0x10, s7, s0, $0xb8;
	[tilespmem:$0x1E8C0] =	vst v63  }
0x61: {  	_ =	swait.ge [sflag:s16], $0x2800  }
0x62: {  	[sflag:s16] =	ssyncset.done $0x0  }
0x63: {  	[sflag:s16] =	ssyncadd.s32 $0xFFFFD800  }
0x64: {  	_ =	swait.ge [sflag:s17], $0x500  }
0x65: {  	[sflag:s17] =	ssyncset.done $0x0  }
0x66: {  	s23 =	simm.s32 $0x16990;
	[sflag:s17] =	ssyncadd.s32 $0xFFFFFB00  }
0x67: {  	[tilespmem:s9], [sflag:$0x1] =	stream.indirect.gather [hbm4b:s3+s0], $0x80, s23, s0, $0xb8;
	[tilespmem:$0x1E8C0] =	vst v63  }
0x68: {  	_ =	swait.ge [sflag:s19], $0x2800  }
0x69: {  	[sflag:s19] =	ssyncset.done $0x0  }
0x6a: {  	[sflag:s19] =	ssyncadd.s32 $0xFFFFD800  }
0x6b: {  	[spmem:s1] =	stream.indirect.scatter.add.f32 [tilespmem:s13], [sflag:$0x6], $0x80, s5, s0, $0xb8;
	[tilespmem:$0x1E8C0] =	vst v63  }
0x6c: {  	_ = 	snop  }
0x6d: {  	[spmem:s4] =	stream.indirect.scatter.add.f32 [tilespmem:s11], [sflag:$0x9], $0x10, s5, s0, $0xb8;
	[tilespmem:$0x1E8C0] =	vst v63  }
0x6e: {  	_ =	swait.ge [sflag:s20], $0x2800  }
0x6f: {  	[sflag:s20] =	ssyncset.done $0x0  }
0x70: {  	[sflag:s20] =	ssyncadd.s32 $0xFFFFD800  }
0x71: {  	_ =	swait.ge [sflag:s21], $0x500  }
0x72: {  	[sflag:s21] =	ssyncset.done $0x0  }
0x73: {  	[sflag:s21] =	ssyncadd.s32 $0xFFFFFB00  }
0x74: {  	_ =	swait.ge [sflag:s22], $0xA0  }
0x75: {  	[sflag:s22] =	ssyncset.done $0x0  }
0x76: {  	[sflag:s22] =	ssyncadd.s32 $0xFFFFFF60  }
0x77: {  	_ =	swait.ge [sflag:s22], $0xA0  }
0x78: {  	[sflag:s22] =	ssyncset.done $0x0;
	s23 =	rddreg [dreg:$0x19]  }
0x79: {  	[sflag:s22] =	ssyncadd.s32 $0xFFFFFF60;
	s6 =	sshrl.u32 s23, $0x3  }
0x7a: {  	[tilespmem:s29], [sflag:$0x2] =	stream.indirect.gather [hbm4b:s3+s0], $0x80, s31, s0, $0xb8;
	[tilespmem:$0x1E8C0] =	vst v63  }
0x7b: {  	s7 =	sadd.s32 s15, s6  }
0x7c: {  	[tilespmem:s26], [sflag:$0xA] =	stream.linear.gather [hbm4b:s7+s28], $0xA0, $0x38;
	[tilespmem:$0x1E8C0] =	vst v63  }
0x7d: {  	s6 =	sadd.s32 s18, s6  }
0x7e: {  	[tilespmem:s24], [sflag:$0xA] =	stream.linear.gather [hbm4b:s6+s28], $0xA0, $0x38;
	[tilespmem:$0x1E8C0] =	vst v63  }
0x7f: {  	_ =	swait.ge [sflag:s10], $0x2800  }
0x80: {  	[sflag:s10] =	ssyncset.done $0x0  }
0x81: {  	s7 =	simm.s32 $0x16A30;
	[sflag:s10] =	ssyncadd.s32 $0xFFFFD800  }
0x82: {  	[spmem:s1] =	stream.indirect.scatter.add.f32 [tilespmem:s9], [sflag:$0x4], $0x80, s7, s0, $0xb8;
	[tilespmem:$0x1E8C0] =	vst v63  }
0x83: {  	_ = 	snop  }
0x84: {  	[spmem:s4] =	stream.indirect.scatter.add.f32 [tilespmem:s11], [sflag:$0x7], $0x10, s7, s0, $0xb8;
	[tilespmem:$0x1E8C0] =	vst v63  }
0x85: {  	_ =	swait.ge [sflag:s25], $0x2800  }
0x86: {  	[sflag:s25] =	ssyncset.done $0x0  }
0x87: {  	[sflag:s25] =	ssyncadd.s32 $0xFFFFD800  }
0x88: {  	_ =	swait.ge [sflag:s30], $0x500  }
0x89: {  	[sflag:s30] =	ssyncset.done $0x0  }
0x8a: {  	s10 =	rddreg [dreg:$0x9];
	[sflag:s30] =	ssyncadd.s32 $0xFFFFFB00  }
0x8b: {  	[tilespmem:s13], [sflag:$0x3] =	stream.indirect.gather [hbm4b:s3+s0], $0x80, s10, s0, $0xb8;
	[tilespmem:$0x1E8C0] =	vst v63  }
0x8c: {  	_ =	swait.ge [sflag:s14], $0x2800  }
0x8d: {  	[sflag:s14] =	ssyncset.done $0x0  }
0x8e: {  	[sflag:s14] =	ssyncadd.s32 $0xFFFFD800  }
0x8f: {  	[spmem:s1] =	stream.indirect.scatter.add.f32 [tilespmem:s29], [sflag:$0x5], $0x80, s2, s0, $0xb8;
	[tilespmem:$0x1E8C0] =	vst v63  }
0x90: {  	_ = 	snop  }
0x91: {  	[spmem:s4] =	stream.indirect.scatter.add.f32 [tilespmem:s11], [sflag:$0x8], $0x10, s2, s0, $0xb8;
	[tilespmem:$0x1E8C0] =	vst v63  }
0x92: {  	_ =	swait.ge [sflag:s16], $0x2800  }
0x93: {  	[sflag:s16] =	ssyncset.done $0x0  }
0x94: {  	[sflag:s16] =	ssyncadd.s32 $0xFFFFD800  }
0x95: {  	_ =	swait.ge [sflag:s17], $0x500  }
0x96: {  	[sflag:s17] =	ssyncset.done $0x0  }
0x97: {  	[sflag:s17] =	ssyncadd.s32 $0xFFFFFB00  }
0x98: {  	_ =	swait.ge [sflag:s8], $0xA0  }
0x99: {  	[sflag:s8] =	ssyncset.done $0x0  }
0x9a: {  	[sflag:s8] =	ssyncadd.s32 $0xFFFFFF60  }
0x9b: {  	_ =	swait.ge [sflag:s8], $0xA0  }
0x9c: {  	[sflag:s8] =	ssyncset.done $0x0  }
0x9d: {  	s13 =	rddreg [dreg:$0x8];
	[sflag:s8] =	ssyncadd.s32 $0xFFFFFF60  }
0x9e: {  	[tilespmem:s9], [sflag:$0x1] =	stream.indirect.gather [hbm4b:s3+s0], $0x80, s26, s0, $0xb8;
	[tilespmem:$0x1E8C0] =	vst v63  }
0x9f: {  	s24 =	rddreg [dreg:$0x7];
	s6 =	sadd.s32 $0x0, s13;
	s9 =	simm.s32 $0x16940  }
0xa0: {  	[tilespmem:s9], [sflag:$0xB] =	stream.linear.gather [hbm4b:s6+s28], $0xA0, $0x38;
	[tilespmem:$0x1E8C0] =	vst v63  }
0xa1: {  	s10 =	sadd.s32 $0x0, s24  }
0xa2: {  	[tilespmem:s5], [sflag:$0xB] =	stream.linear.gather [hbm4b:s10+s28], $0xA0, $0x38;
	[tilespmem:$0x1E8C0] =	vst v63  }
0xa3: {  	_ =	swait.ge [sflag:s19], $0x2800  }
0xa4: {  	[sflag:s19] =	ssyncset.done $0x0  }
0xa5: {  	s13 =	simm.s32 $0x16B70;
	s28 =	simm.s32 $0x1BBC0;
	[sflag:s19] =	ssyncadd.s32 $0xFFFFD800  }
0xa6: {  	[spmem:s1] =	stream.indirect.scatter.add.f32 [tilespmem:s28], [sflag:$0x6], $0x80, s13, s0, $0xb8;
	[tilespmem:$0x1E8C0] =	vst v63  }
0xa7: {  	_ = 	snop  }
0xa8: {  	[spmem:s4] =	stream.indirect.scatter.add.f32 [tilespmem:s11], [sflag:$0x9], $0x10, s13, s0, $0xb8;
	[tilespmem:$0x1E8C0] =	vst v63  }
0xa9: {  	_ =	swait.ge [sflag:s20], $0x2800  }
0xaa: {  	[sflag:s20] =	ssyncset.done $0x0  }
0xab: {  	[sflag:s20] =	ssyncadd.s32 $0xFFFFD800  }
0xac: {  	p0 =	por $0x0, $0x0;
	_ =	swait.ge [sflag:s21], $0x500  }
0xad: {  	s24 =	simm.s32 $0x16850;
	[sflag:s21] =	ssyncset.done $0x0;
	s6 =	rddreg [dreg:$0x6]  }
0xae: {  	s7 =	rddreg [dreg:$0x5];
	[sflag:s21] =	ssyncadd.s32 $0xFFFFFB00;
	s6 =	sadd.s32 @!p0 $0x0, s6  }
0xaf: {  	[tilespmem:s29], [sflag:$0x2] =	stream.indirect.gather [hbm4b:s3+s0], $0x80, s24, s0, $0xb8;
	[tilespmem:$0x1E8C0] =	vst v63  }
0xb0: {  	s29 =	smov.u32 s1;
	s1 =	simm.s32 @!p0 $0x0;
	s24 =	simm.s32 @!p0 $0x16A80  }
0xb1: {  	[tilespmem:s24], [sflag:$0xC] =	stream.linear.gather @!p0 [hbm4b:s6+s1], $0xA0, $0x38;
	[tilespmem:$0x1E8C0] =	vst v63  }
0xb2: {  	s6 =	sadd.s32 @!p0 $0x0, s7;
	s7 =	simm.s32 @!p0 $0x16B20  }
0xb3: {  	[tilespmem:s7], [sflag:$0xC] =	stream.linear.gather @!p0 [hbm4b:s6+s1], $0xA0, $0x38;
	[tilespmem:$0x1E8C0] =	vst v63  }
0xb4: {  	_ =	swait.ge [sflag:s25], $0x2800  }
0xb5: {  	s2 =	simm.s32 $0x0;
	s9 =	simm.s32 $0x193C0;
	[sflag:s25] =	ssyncset.done $0x0  }
0xb6: {  	s5 =	simm.s32 $0x169E0;
	s10 =	smov.u32 s4;
	[sflag:s25] =	ssyncadd.s32 $0xFFFFD800  }
0xb7: {  	s13 =	simm.s32 $0x16BC0;
	s4 =	simm.s32 $0x1;
	_ =	swait.ge [sflag:s30], $0x500  }
0xb8: {  	s6 =	simm.s32 $0x3C;
	s7 =	smov.u32 s23;
	[sflag:s30] =	ssyncset.done $0x0  }
.LBB2_4:
0xb9: {  	[sflag:s30] =	ssyncadd.s32 $0xFFFFFB00  }
0xba: {  	_ =	swait.ge [sflag:s4], $0x2800  }
0xbb: {  	[sflag:s4] =	ssyncset.done $0x0  }
0xbc: {  	[sflag:s4] =	ssyncadd.s32 $0xFFFFD800;
	s4 =	simm.s32 $0x168A0  }
0xbd: {  	[spmem:s29] =	stream.indirect.scatter.add.f32 [tilespmem:s13], [sflag:$0x4], $0x80, s4, s0, $0xb8;
	[tilespmem:$0x1E8C0] =	vst v63  }
0xbe: {  	_ = 	snop  }
0xbf: {  	[spmem:s10] =	stream.indirect.scatter.add.f32 [tilespmem:s11], [sflag:$0x7], $0x10, s4, s0, $0xb8;
	[tilespmem:$0x1E8C0] =	vst v63  }
0xc0: {  	_ =	swait.ge [sflag:s12], $0xA0  }
0xc1: {  	[sflag:s12] =	ssyncset.done $0x0  }
0xc2: {  	[sflag:s12] =	ssyncadd.s32 $0xFFFFFF60  }
0xc3: {  	_ =	swait.ge [sflag:s12], $0xA0  }
0xc4: {  	[sflag:s12] =	ssyncset.done $0x0  }
0xc5: {  	s29 =	simm.s32 $0x16940;
	[sflag:s12] =	ssyncadd.s32 $0xFFFFFF60  }
0xc6: {  	[tilespmem:s28], [sflag:$0x3] =	stream.indirect.gather [hbm4b:s3+s0], $0x80, s29, s0, $0xb8;
	[tilespmem:$0x1E8C0] =	vst v63  }
0xc7: {  	_ =	swait.ge [sflag:s14], $0x2800  }
0xc8: {  	[sflag:s14] =	ssyncset.done $0x0  }
0xc9: {  	[sflag:s14] =	ssyncadd.s32 $0xFFFFD800  }
0xca: {  	s23 =	simm.s32 $0x168F0;
	s1 =	rddreg [dreg:$0x2]  }
0xcb: {  	[spmem:s1] =	stream.indirect.scatter.add.f32 [tilespmem:s9], [sflag:$0x5], $0x80, s23, s0, $0xb8;
	[tilespmem:$0x1E8C0] =	vst v63  }
0xcc: {  	_ = 	snop  }
0xcd: {  	[spmem:s10] =	stream.indirect.scatter.add.f32 [tilespmem:s11], [sflag:$0x8], $0x10, s23, s0, $0xb8;
	[tilespmem:$0x1E8C0] =	vst v63  }
0xce: {  	_ =	swait.ge [sflag:s16], $0x2800  }
0xcf: {  	[sflag:s16] =	ssyncset.done $0x0  }
0xd0: {  	[sflag:s16] =	ssyncadd.s32 $0xFFFFD800  }
0xd1: {  	_ =	swait.ge [sflag:s17], $0x500  }
0xd2: {  	[sflag:s17] =	ssyncset.done $0x0  }
0xd3: {  	s23 =	simm.s32 $0x16990;
	[sflag:s17] =	ssyncadd.s32 $0xFFFFFB00  }
0xd4: {  	[tilespmem:s13], [sflag:$0x1] =	stream.indirect.gather [hbm4b:s3+s0], $0x80, s23, s0, $0xb8;
	[tilespmem:$0x1E8C0] =	vst v63  }
0xd5: {  	_ =	swait.ge [sflag:s19], $0x2800  }
0xd6: {  	[sflag:s19] =	ssyncset.done $0x0  }
0xd7: {  	[sflag:s19] =	ssyncadd.s32 $0xFFFFD800  }
0xd8: {  	s23 =	rddreg [dreg:$0x2]  }
0xd9: {  	[spmem:s23] =	stream.indirect.scatter.add.f32 [tilespmem:s28], [sflag:$0x6], $0x80, s5, s0, $0xb8;
	[tilespmem:$0x1E8C0] =	vst v63  }
0xda: {  	_ = 	snop  }
0xdb: {  	[spmem:s10] =	stream.indirect.scatter.add.f32 [tilespmem:s11], [sflag:$0x9], $0x10, s5, s0, $0xb8;
	[tilespmem:$0x1E8C0] =	vst v63  }
0xdc: {  	_ =	swait.ge [sflag:s20], $0x2800  }
0xdd: {  	[sflag:s20] =	ssyncset.done $0x0  }
0xde: {  	[sflag:s20] =	ssyncadd.s32 $0xFFFFD800  }
0xdf: {  	_ =	swait.ge [sflag:s21], $0x500  }
0xe0: {  	[sflag:s21] =	ssyncset.done $0x0  }
0xe1: {  	[sflag:s21] =	ssyncadd.s32 $0xFFFFFB00  }
0xe2: {  	_ =	swait.ge [sflag:s22], $0xA0  }
0xe3: {  	[sflag:s22] =	ssyncset.done $0x0  }
0xe4: {  	[sflag:s22] =	ssyncadd.s32 $0xFFFFFF60  }
0xe5: {  	_ =	swait.ge [sflag:s22], $0xA0  }
0xe6: {  	s7 =	sadd.s32 $0x1E0, s7;
	[sflag:s22] =	ssyncset.done $0x0  }
0xe7: {  	s28 =	sshrl.u32 s7, $0x3;
	[sflag:s22] =	ssyncadd.s32 $0xFFFFFF60  }
0xe8: {  	[tilespmem:s9], [sflag:$0x2] =	stream.indirect.gather [hbm4b:s3+s0], $0x80, s31, s0, $0xb8;
	[tilespmem:$0x1E8C0] =	vst v63  }
0xe9: {  	s31 =	sadd.s32 s15, s28  }
0xea: {  	[tilespmem:s26], [sflag:$0xA] =	stream.linear.gather [hbm4b:s31+s2], $0xA0, $0x38;
	[tilespmem:$0x1E8C0] =	vst v63  }
0xeb: {  	s28 =	sadd.s32 s18, s28  }
0xec: {  	[tilespmem:s4], [sflag:$0xA] =	stream.linear.gather [hbm4b:s28+s2], $0xA0, $0x38;
	[tilespmem:$0x1E8C0] =	vst v63  }
0xed: {  	s4 =	simm.s32 $0x1  }
0xee: {  	_ =	swait.ge [sflag:s4], $0x2800  }
0xef: {  	[sflag:s4] =	ssyncset.done $0x0  }
0xf0: {  	[sflag:s4] =	ssyncadd.s32 $0xFFFFD800  }
0xf1: {  	s28 =	simm.s32 $0x16A30;
	s1 =	rddreg [dreg:$0x2]  }
0xf2: {  	[spmem:s1] =	stream.indirect.scatter.add.f32 [tilespmem:s13], [sflag:$0x4], $0x80, s28, s0, $0xb8;
	[tilespmem:$0x1E8C0] =	vst v63  }
0xf3: {  	_ = 	snop  }
0xf4: {  	[spmem:s10] =	stream.indirect.scatter.add.f32 [tilespmem:s11], [sflag:$0x7], $0x10, s28, s0, $0xb8;
	[tilespmem:$0x1E8C0] =	vst v63  }
0xf5: {  	_ =	swait.ge [sflag:s25], $0x2800  }
0xf6: {  	[sflag:s25] =	ssyncset.done $0x0  }
0xf7: {  	[sflag:s25] =	ssyncadd.s32 $0xFFFFD800  }
0xf8: {  	_ =	swait.ge [sflag:s30], $0x500  }
0xf9: {  	[sflag:s30] =	ssyncset.done $0x0  }
0xfa: {  	s23 =	simm.s32 $0x1BBC0;
	s28 =	rddreg [dreg:$0x9];
	[sflag:s30] =	ssyncadd.s32 $0xFFFFFB00  }
0xfb: {  	[tilespmem:s23], [sflag:$0x3] =	stream.indirect.gather [hbm4b:s3+s0], $0x80, s28, s0, $0xb8;
	[tilespmem:$0x1E8C0] =	vst v63  }
0xfc: {  	_ =	swait.ge [sflag:s14], $0x2800  }
0xfd: {  	[sflag:s14] =	ssyncset.done $0x0  }
0xfe: {  	[sflag:s14] =	ssyncadd.s32 $0xFFFFD800  }
0xff: {  	s28 =	simm.s32 $0x16B20;
	s1 =	rddreg [dreg:$0x2]  }
0x100: {  	[spmem:s1] =	stream.indirect.scatter.add.f32 [tilespmem:s9], [sflag:$0x5], $0x80, s28, s0, $0xb8;
	[tilespmem:$0x1E8C0] =	vst v63  }
0x101: {  	_ = 	snop  }
0x102: {  	[spmem:s10] =	stream.indirect.scatter.add.f32 [tilespmem:s11], [sflag:$0x8], $0x10, s28, s0, $0xb8;
	[tilespmem:$0x1E8C0] =	vst v63  }
0x103: {  	_ =	swait.ge [sflag:s16], $0x2800  }
0x104: {  	[sflag:s16] =	ssyncset.done $0x0  }
0x105: {  	[sflag:s16] =	ssyncadd.s32 $0xFFFFD800  }
0x106: {  	_ =	swait.ge [sflag:s17], $0x500  }
0x107: {  	[sflag:s17] =	ssyncset.done $0x0  }
0x108: {  	[sflag:s17] =	ssyncadd.s32 $0xFFFFFB00  }
0x109: {  	_ =	swait.ge [sflag:s8], $0xA0  }
0x10a: {  	[sflag:s8] =	ssyncset.done $0x0  }
0x10b: {  	[sflag:s8] =	ssyncadd.s32 $0xFFFFFF60  }
0x10c: {  	_ =	swait.ge [sflag:s8], $0xA0  }
0x10d: {  	[sflag:s8] =	ssyncset.done $0x0  }
0x10e: {  	s24 =	smov.u32 s6;
	s28 =	rddreg [dreg:$0x8];
	[sflag:s8] =	ssyncadd.s32 $0xFFFFFF60  }
0x10f: {  	[tilespmem:s13], [sflag:$0x1] =	stream.indirect.gather [hbm4b:s3+s0], $0x80, s26, s0, $0xb8;
	[tilespmem:$0x1E8C0] =	vst v63  }
0x110: {  	s31 =	rddreg [dreg:$0x7];
	s28 =	sadd.s32 s24, s28  }
0x111: {  	[tilespmem:s29], [sflag:$0xB] =	stream.linear.gather [hbm4b:s28+s2], $0xA0, $0x38;
	[tilespmem:$0x1E8C0] =	vst v63  }
0x112: {  	s28 =	sadd.s32 s24, s31  }
0x113: {  	[tilespmem:s5], [sflag:$0xB] =	stream.linear.gather [hbm4b:s28+s2], $0xA0, $0x38;
	[tilespmem:$0x1E8C0] =	vst v63  }
0x114: {  	s29 =	rddreg [dreg:$0x2];
	_ =	swait.ge [sflag:s19], $0x2800  }
0x115: {  	[sflag:s19] =	ssyncset.done $0x0  }
0x116: {  	s26 =	simm.s32 $0x16B70;
	[sflag:s19] =	ssyncadd.s32 $0xFFFFD800  }
0x117: {  	[spmem:s29] =	stream.indirect.scatter.add.f32 [tilespmem:s23], [sflag:$0x6], $0x80, s26, s0, $0xb8;
	[tilespmem:$0x1E8C0] =	vst v63  }
0x118: {  	_ = 	snop  }
0x119: {  	[spmem:s10] =	stream.indirect.scatter.add.f32 [tilespmem:s11], [sflag:$0x9], $0x10, s26, s0, $0xb8;
	[tilespmem:$0x1E8C0] =	vst v63  }
0x11a: {  	_ =	swait.ge [sflag:s20], $0x2800  }
0x11b: {  	[sflag:s20] =	ssyncset.done $0x0  }
0x11c: {  	[sflag:s20] =	ssyncadd.s32 $0xFFFFD800  }
0x11d: {  	p1 =	seq.s32 s24, $0x474;
	_ =	swait.ge [sflag:s21], $0x500  }
0x11e: {  	s6 =	sadd.s32 $0x3C, s6;
	s23 =	simm.s32 @!p1 $0x16A80;
	[sflag:s21] =	ssyncset.done $0x0  }
0x11f: {  	s26 =	simm.s32 $0x16850;
	s28 =	rddreg [dreg:$0x6];
	[sflag:s21] =	ssyncadd.s32 $0xFFFFFB00  }
0x120: {  	[tilespmem:s9], [sflag:$0x2] =	stream.indirect.gather [hbm4b:s3+s0], $0x80, s26, s0, $0xb8;
	[tilespmem:$0x1E8C0] =	vst v63  }
0x121: {  	s31 =	rddreg [dreg:$0x5];
	s28 =	sadd.s32 @!p1 s24, s28;
	s26 =	simm.s32 @!p1 $0x0  }
0x122: {  	[tilespmem:s23], [sflag:$0xC] =	stream.linear.gather @!p1 [hbm4b:s28+s26], $0xA0, $0x38;
	[tilespmem:$0x1E8C0] =	vst v63  }
0x123: {  	p0 =	sne.s32 s6, $0x4B0;
	s23 =	sadd.s32 @!p1 s24, s31;
	s24 =	simm.s32 @!p1 $0x16B20  }
0x124: {  	[tilespmem:s24], [sflag:$0xC] =	stream.linear.gather @!p1 [hbm4b:s23+s26], $0xA0, $0x38;
	[tilespmem:$0x1E8C0] =	vst v63  }
.Ltmp1:
0x125: {  	_ =	swait.ge [sflag:s25], $0x2800;
	(pc) =	sbr.rel @p0 .LBB2_4-.Ltmp1, $4  }
0x126: {  	[sflag:s25] =	ssyncset.done $0x0  }
0x127: {  	[sflag:s25] =	ssyncadd.s32 $0xFFFFD800  }
0x128: {  	s1 =	simm.s32 $0x16940;
	s28 =	simm.s32 $0x1BBC0;
	_ =	swait.ge [sflag:s30], $0x500  }
0x129: {  	s31 =	simm.s32 $0x16A80;
	s26 =	simm.s32 $0x16800;
	[sflag:s30] =	ssyncset.done $0x0  }
0x12a: {  	[sflag:s30] =	ssyncadd.s32 $0xFFFFFB00  }
0x12b: {  	_ =	swait.ge [sflag:s4], $0x2800  }
0x12c: {  	[sflag:s4] =	ssyncset.done $0x0  }
0x12d: {  	[sflag:s4] =	ssyncadd.s32 $0xFFFFD800;
	s4 =	simm.s32 $0x168A0  }
0x12e: {  	[spmem:s29] =	stream.indirect.scatter.add.f32 [tilespmem:s13], [sflag:$0x4], $0x80, s4, s0, $0xb8;
	[tilespmem:$0x1E8C0] =	vst v63  }
0x12f: {  	_ = 	snop  }
0x130: {  	[spmem:s10] =	stream.indirect.scatter.add.f32 [tilespmem:s11], [sflag:$0x7], $0x10, s4, s0, $0xb8;
	[tilespmem:$0x1E8C0] =	vst v63  }
0x131: {  	_ =	swait.ge [sflag:s12], $0xA0  }
0x132: {  	[sflag:s12] =	ssyncset.done $0x0  }
0x133: {  	[sflag:s12] =	ssyncadd.s32 $0xFFFFFF60  }
0x134: {  	_ =	swait.ge [sflag:s12], $0xA0  }
0x135: {  	[sflag:s12] =	ssyncset.done $0x0  }
0x136: {  	[sflag:s12] =	ssyncadd.s32 $0xFFFFFF60  }
0x137: {  	[tilespmem:s28], [sflag:$0x3] =	stream.indirect.gather [hbm4b:s3+s0], $0x80, s1, s0, $0xb8;
	[tilespmem:$0x1E8C0] =	vst v63  }
0x138: {  	_ =	swait.ge [sflag:s14], $0x2800  }
0x139: {  	[sflag:s14] =	ssyncset.done $0x0  }
0x13a: {  	s6 =	simm.s32 $0x168F0;
	[sflag:s14] =	ssyncadd.s32 $0xFFFFD800  }
0x13b: {  	[spmem:s29] =	stream.indirect.scatter.add.f32 [tilespmem:s9], [sflag:$0x5], $0x80, s6, s0, $0xb8;
	[tilespmem:$0x1E8C0] =	vst v63  }
0x13c: {  	_ = 	snop  }
0x13d: {  	[spmem:s10] =	stream.indirect.scatter.add.f32 [tilespmem:s11], [sflag:$0x8], $0x10, s6, s0, $0xb8;
	[tilespmem:$0x1E8C0] =	vst v63  }
0x13e: {  	_ =	swait.ge [sflag:s16], $0x2800  }
0x13f: {  	[sflag:s16] =	ssyncset.done $0x0  }
0x140: {  	[sflag:s16] =	ssyncadd.s32 $0xFFFFD800  }
0x141: {  	_ =	swait.ge [sflag:s17], $0x500  }
0x142: {  	[sflag:s17] =	ssyncset.done $0x0  }
0x143: {  	s24 =	simm.s32 $0x16990;
	[sflag:s17] =	ssyncadd.s32 $0xFFFFFB00  }
0x144: {  	[tilespmem:s13], [sflag:$0x1] =	stream.indirect.gather [hbm4b:s3+s0], $0x80, s24, s0, $0xb8;
	[tilespmem:$0x1E8C0] =	vst v63  }
0x145: {  	_ =	swait.ge [sflag:s19], $0x2800  }
0x146: {  	[sflag:s19] =	ssyncset.done $0x0  }
0x147: {  	[sflag:s19] =	ssyncadd.s32 $0xFFFFD800  }
0x148: {  	[spmem:s29] =	stream.indirect.scatter.add.f32 [tilespmem:s28], [sflag:$0x6], $0x80, s5, s0, $0xb8;
	[tilespmem:$0x1E8C0] =	vst v63  }
0x149: {  	_ = 	snop  }
0x14a: {  	[spmem:s10] =	stream.indirect.scatter.add.f32 [tilespmem:s11], [sflag:$0x9], $0x10, s5, s0, $0xb8;
	[tilespmem:$0x1E8C0] =	vst v63  }
0x14b: {  	_ =	swait.ge [sflag:s20], $0x2800  }
0x14c: {  	[sflag:s20] =	ssyncset.done $0x0  }
0x14d: {  	[sflag:s20] =	ssyncadd.s32 $0xFFFFD800  }
0x14e: {  	_ =	swait.ge [sflag:s21], $0x500  }
0x14f: {  	[sflag:s21] =	ssyncset.done $0x0  }
0x150: {  	s23 =	simm.s32 $0xD;
	s1 =	rddreg [dreg:$0x14];
	[sflag:s21] =	ssyncadd.s32 $0xFFFFFB00  }
0x151: {  	[tilespmem:s26], [sflag:$0xD] =	stream.linear.gather [hbm4b:s1+s2], $0x50, $0x38;
	[tilespmem:$0x1E8C0] =	vst v63  }
0x152: {  	_ =	swait.ge [sflag:s23], $0x50  }
0x153: {  	[sflag:s23] =	ssyncset.done $0x0  }
0x154: {  	s5 =	rddreg [dreg:$0x15];
	[sflag:s23] =	ssyncadd.s32 $0xFFFFFFB0  }
0x155: {  	[tilespmem:s4], [sflag:$0xD] =	stream.linear.gather [hbm4b:s5+s2], $0x50, $0x38;
	[tilespmem:$0x1E8C0] =	vst v63  }
0x156: {  	_ =	swait.ge [sflag:s23], $0x50  }
0x157: {  	[sflag:s23] =	ssyncset.done $0x0  }
0x158: {  	s7 =	simm.s32 $0x1;
	[sflag:s23] =	ssyncadd.s32 $0xFFFFFFB0  }
0x159: {  	[tilespmem:s9], [sflag:$0x2] =	stream.indirect.gather [hbm4b:s3+s0], $0x80, s26, s0, $0xb8;
	[tilespmem:$0x1E8C0] =	vst v63  }
0x15a: {  	_ =	swait.ge [sflag:s7], $0x2800  }
0x15b: {  	[sflag:s7] =	ssyncset.done $0x0  }
0x15c: {  	[sflag:s7] =	ssyncadd.s32 $0xFFFFD800;
	s7 =	simm.s32 $0x16A30  }
0x15d: {  	[spmem:s29] =	stream.indirect.scatter.add.f32 [tilespmem:s13], [sflag:$0x4], $0x80, s7, s0, $0xb8;
	[tilespmem:$0x1E8C0] =	vst v63  }
0x15e: {  	_ = 	snop  }
0x15f: {  	[spmem:s10] =	stream.indirect.scatter.add.f32 [tilespmem:s11], [sflag:$0x7], $0x10, s7, s0, $0xb8;
	[tilespmem:$0x1E8C0] =	vst v63  }
0x160: {  	_ =	swait.ge [sflag:s25], $0x2800  }
0x161: {  	[sflag:s25] =	ssyncset.done $0x0  }
0x162: {  	[sflag:s25] =	ssyncadd.s32 $0xFFFFD800  }
0x163: {  	_ =	swait.ge [sflag:s30], $0x500  }
0x164: {  	[sflag:s30] =	ssyncset.done $0x0  }
0x165: {  	[sflag:s30] =	ssyncadd.s32 $0xFFFFFB00  }
0x166: {  	_ =	swait.ge [sflag:s14], $0x2800  }
0x167: {  	[sflag:s14] =	ssyncset.done $0x0  }
0x168: {  	[sflag:s14] =	ssyncadd.s32 $0xFFFFD800  }
0x169: {  	[spmem:s29] =	stream.indirect.scatter.add.f32 [tilespmem:s9], [sflag:$0x5], $0x80, s4, s0, $0xb8;
	[tilespmem:$0x1E8C0] =	vst v63  }
0x16a: {  	_ = 	snop  }
0x16b: {  	[spmem:s10] =	stream.indirect.scatter.add.f32 [tilespmem:s11], [sflag:$0x8], $0x10, s4, s0, $0xb8;
	[tilespmem:$0x1E8C0] =	vst v63  }
0x16c: {  	_ =	swait.ge [sflag:s16], $0x2800  }
0x16d: {  	[sflag:s16] =	ssyncset.done $0x0  }
0x16e: {  	[sflag:s16] =	ssyncadd.s32 $0xFFFFD800  }
0x16f: {  	_ =	swait.ge [sflag:s17], $0x500  }
0x170: {  	[sflag:s17] =	ssyncset.done $0x0  }
0x171: {  	[sflag:s17] =	ssyncadd.s32 $0xFFFFFB00  }
0x172: {  	_ =	swait.ge [sflag:s20], $0x2800  }
0x173: {  	[sflag:s20] =	ssyncset.done $0x0  }
0x174: {  	[sflag:s20] =	ssyncadd.s32 $0xFFFFD800  }
0x175: {  	_ =	swait.ge [sflag:s21], $0x500  }
0x176: {  	[sflag:s21] =	ssyncset.done $0x0  }
0x177: {  	[sflag:s21] =	ssyncadd.s32 $0xFFFFFB00  }
0x178: {  	[bflag:$0x0] =	sbarrier.arrive $0xFFFF  }
0x179: {  	s24 =	rddreg [dreg:$0x16]  }
0x17a: {  	s1 =	rddreg [dreg:$0x1b]  }
0x17b: {  	s4 =	rddreg [dreg:$0x1c]  }
0x17c: {  	[hbm:s24], [sflag:s1] =	dma.local [spmem:s4], $0x2800  }
0x17d: {  	_ =	swait.ge [sflag:s23], $0x2800  }
0x17e: {  	[sflag:s23] =	ssyncset.done $0x0;
	s5 =	rddreg [dreg:$0x17]  }
0x17f: {  	s7 =	rddreg [dreg:$0x1d];
	[sflag:s23] =	ssyncadd.s32 $0xFFFFD800  }
0x180: {  	[hbm:s5], [sflag:s1] =	dma.local [spmem:s7], $0x500  }
0x181: {  	_ =	swait.ge [sflag:s23], $0x500  }
0x182: {  	s9 =	rddreg [dreg:$0x1a]  }
0x183: {  	s24 =	rddreg [dreg:$0x18];
	s13 =	sadd.s32 $0x1, s9  }
0x184: {  	p0 =	sne.s32 s13, s24  }
.Ltmp2:
0x185: {  	_ = 	snop;
	(pc) =	sbr.rel @p0 .LBB2_1-.Ltmp2, $4  }
0x186: {  	s28 =	simm.s32 $0x0;
	s2 =	simm.s32 $0x16B20  }
0x187: {  	s29 =	simm.s32 $0x193C0;
	s4 =	smov.u32 s10;
	s7 =	simm.s32 $0x16940  }
0x188: {  	s5 =	simm.s32 $0x169E0;
	s1 =	simm.s32 $0x16850;
	[sflag:s23] =	ssyncset.done $0x0  }
0x189: {  	[sflag:s23] =	ssyncadd.s32 $0xFFFFFB00;
	s9 =	simm.s32 $0x16BC0;
	s24 =	simm.s32 $0x168A0  }
0x18a: {  	_ =	sfence.sel $0x180000  }
0x18b: {  	[bflag:$0x0] =	sbarrier.arrive $0xFFFF  }
0x18c: {  	_ =	strace $0x90000047  }
0x18d: {  	s0 =	stileid.u32;
	[bflag:$0x2] =	sbarrier.arrive $0xFFFF  }
0x18e: {  	p0 =	sne.s32 s0, $0x0;
	s0 =	rddreg [dreg:$0x4]  }
0x18f: {  	s0 =	sadd.s32 @!p0 $0x100000, s0  }
0x190: {  	[sflag:s0] =	ssyncadd.tile.s32 @!p0 $0x1;
	_ =	shalt  }
.Lfunc_end2:
_tile_overlayer_lowered:
.L_overlay_start_2:
0x191: {  	(tag) =	ssettag $0x2  }
0x192: {  	s0 =	rddreg [dreg:$0x0];
	s2 =	stileid.u32  }
0x193: {  	s1 =	rddreg [dreg:$0x1];
	p0 =	sne.s32 s2, $0x0  }
0x194: {  	s3 =	rddreg [dreg:$0x2];
	[bflag:$0x3] =	sbarrier.arrive $0xFFFF;
	s2 =	simm.s32 @!p0 $0x1C0D  }
0x195: {  	[timem:s3], [sflag:s2] =	dma.local @!p0 [hbm:s0], s1  }
0x196: {  	s0 =	simm.s32 @!p0 $0xD  }
0x197: {  	_ =	swait.ge @!p0 [sflag:s0], s1  }
0x198: {  	s1 =	ssub.s32 @!p0 $0x0, s1;
	[sflag:s0] =	ssyncset.done @!p0 $0x0  }
0x199: {  	[sflag:s0] =	ssyncadd.s32 @!p0 s1  }
0x19a: {  	[bflag:$0x3] =	sbarrier.arrive $0xFFFF  }
0x19b: {  	_ =	shalt  }

// kernel: kernel.9.cloned.1.call-start
scs
__scs_entry_jumppad:
0x0: {  	(pc) =	sbr.rel $0x88, $3  }
0x1: {  	(tag) =	ssettag $0x0;
	lr =	simm.s32 $0x1  }
0x2: {  	[smem:$0x3F94] =	sst lr;
	_ =	strace $0xD0000000  }
0x3: {  	_ = 	snop  }
0x4: {  	_ = 	snop  }
0x5: {  	_ = 	snop  }
0x6: {  	_ = 	snop  }
0x7: {  	_ = 	snop  }
__scs_overlays_trampoline_lowered:
0x8: {  	[smem:$0x3FA3] =	sst s0  }
0x9: {  	[smem:$0x3FA4] =	sst s1  }
0xa: {  	[smem:$0x3FA5] =	sst s2  }
0xb: {  	[smem:$0x3FA6] =	sst s3  }
0xc: {  	[smem:$0x3FA7] =	sst s4  }
0xd: {  	[smem:$0x3FA8] =	sst s5  }
0xe: {  	[smem:$0x3FA9] =	sst s6  }
0xf: {  	[smem:$0x3FAA] =	sst s7  }
0x10: {  	[smem:$0x3FAB] =	sst s8  }
0x11: {  	[smem:$0x3FAC] =	sst s9;
	s0 =	simm.s32 @!p0 $0x0  }
0x12: {  	s1 =	sld [smem:$0x3F92];
	s0 =	simm.s32 @p0 $0x1  }
0x13: {  	[smem:$0x3FAD] =	sst s0;
	s0 =	simm.s32 @!p1 $0x0  }
0x14: {  	s2 =	sld [smem:$0x3F91];
	s0 =	simm.s32 @p1 $0x1  }
0x15: {  	[smem:$0x3FAE] =	sst s0;
	s0 =	simm.s32 @!p2 $0x0  }
0x16: {  	s3 =	sld [smem:$0x3FDB];
	s0 =	simm.s32 @p2 $0x1  }
0x17: {  	s4 =	simm.s32 $0x1BF5;
	[smem:$0x3FB0] =	sst s0  }
0x18: {  	s0 =	sld [smem:$0x3F93];
	_ =	swait.ge [sflag:s4], $0x0  }
0x19: {  	s7 =	sld [smem:$0x3F94]  }
0x1a: {  	s8 =	sadd.s32 $0xFFFFE003, lr  }
0x1b: {  	s9 =	sadd.s32 $0xFFFFFEF7, lr;
	s5 =	simm.s32 $0xFFFFFFFF;
	p2 =	slt.u32 s8, $0xFFFFF086  }
0x1c: {  	p1 =	slt.u32 s9, $0xF7A;
	s5 =	simm.s32 @!p2 $0x0  }
0x1d: {  	s5 =	simm.s32 @p1 $0x1;
	p0 =	seq.s32 s7, s2  }
0x1e: {  	s7 =	smul.u32 @!p0 $0xF7A, s2;
	p2 =	seq.s32 @!p0 s5, $0x0  }
0x1f: {  	s9 =	smul.u32 $0xF7A, s1;
	s8 =	simm.s32 @!p0 $0x1BF5;
	p2 =	por !p2, p0  }
0x20: {  	[sflag:s8] =	ssyncset.s32 @!p0 $0xFFFFF086;
	s6 =	sadd.s32 @!p0 s3, s7;
	s7 =	simm.s32 @!p0 $0x108  }
0x21: {  	s3 =	sadd.s32 s3, s9;
	s6 =	sadd.s32 @!p0 $0x88, s6;
	s7 =	simm.s32 @p2 $0x1082  }
0x22: {  	[simem:s7], [sflag:s8] =	dma.local @!p0 [hbm:s6], $0xF7A  }
0x23: {  	s9 =	sor.u32 $0xD0000000, s2;
	s6 =	simm.s32 $0x108;
	_ =	swait.ge @!p0 [sflag:s8], $0x0  }
0x24: {  	s3 =	sadd.s32 $0x88, s3;
	s6 =	simm.s32 @!p1 $0x1082;
	[sflag:s4] =	ssyncset.s32 $0xFFFFF086  }
0x25: {  	[simem:s6], [sflag:s4] =	dma.local [hbm:s3], $0xF7A  }
0x26: {  	[smem:$0x3F94] =	sst s1;
	(tag) =	ssettag s2;
	_ =	strace s9  }
0x27: {  	s1 =	sld [smem:$0x3FA4]  }
0x28: {  	s2 =	sld [smem:$0x3FA5]  }
0x29: {  	s4 =	sld [smem:$0x3FA7]  }
0x2a: {  	p0 =	seq.s32 s5, $0x0;
	s5 =	sld [smem:$0x3FA8]  }
0x2b: {  	s6 =	sld [smem:$0x3FA9]  }
0x2c: {  	s7 =	sld [smem:$0x3FAA]  }
0x2d: {  	s3 =	simm.s32 $0x108;
	s8 =	sld [smem:$0x3FAB]  }
0x2e: {  	s3 =	simm.s32 @!p0 $0x1082;
	s9 =	sld [smem:$0x3FAC]  }
0x2f: {  	lr =	sadd.s32 s0, s3;
	s0 =	sld [smem:$0x3FA3]  }
0x30: {  	s3 =	sld [smem:$0x3FA6]  }
0x31: {  	[smem:$0x3FAF] =	sst s10  }
0x32: {  	s10 =	sld [smem:$0x3FAD];
	_ =	sdelay $0x3  }
0x33: {  	p0 =	seq.s32 s10, $0x1;
	s10 =	sld [smem:$0x3FAF];
	_ =	sdelay $0x3  }
0x34: {  	[smem:$0x3FAF] =	sst s10  }
0x35: {  	s10 =	sld [smem:$0x3FAE];
	_ =	sdelay $0x3  }
0x36: {  	p1 =	seq.s32 s10, $0x1;
	s10 =	sld [smem:$0x3FAF];
	_ =	sdelay $0x3  }
0x37: {  	[smem:$0x3FAF] =	sst s10  }
0x38: {  	s10 =	sld [smem:$0x3FB0]  }
0x39: {  	_ = 	snop;
	(pc) =	sbr.ind lr, $3  }
0x3a: {  	_ = 	snop  }
0x3b: {  	_ = 	snop  }
0x3c: {  	p2 =	seq.s32 s10, $0x1;
	s10 =	sld [smem:$0x3FAF]  }
0x3d: {  	_ =	shalt  }
0x3e: {  	_ =	shalt  }
0x3f: {  	_ =	shalt  }
0x40: {  	_ =	shalt  }
0x41: {  	_ =	shalt  }
0x42: {  	_ =	shalt  }
0x43: {  	_ =	shalt  }
0x44: {  	_ =	shalt  }
0x45: {  	_ =	shalt  }
0x46: {  	_ =	shalt  }
0x47: {  	_ =	shalt  }
0x48: {  	_ =	shalt  }
0x49: {  	_ =	shalt  }
0x4a: {  	_ =	shalt  }
0x4b: {  	_ =	shalt  }
0x4c: {  	_ =	shalt  }
0x4d: {  	_ =	shalt  }
0x4e: {  	_ =	shalt  }
0x4f: {  	_ =	shalt  }
0x50: {  	_ =	shalt  }
0x51: {  	_ =	shalt  }
0x52: {  	_ =	shalt  }
0x53: {  	_ =	shalt  }
0x54: {  	_ =	shalt  }
0x55: {  	_ =	shalt  }
0x56: {  	_ =	shalt  }
0x57: {  	_ =	shalt  }
0x58: {  	_ =	shalt  }
0x59: {  	_ =	shalt  }
0x5a: {  	_ =	shalt  }
0x5b: {  	_ =	shalt  }
0x5c: {  	_ =	shalt  }
0x5d: {  	_ =	shalt  }
0x5e: {  	_ =	shalt  }
0x5f: {  	_ =	shalt  }
0x60: {  	_ =	shalt  }
0x61: {  	_ =	shalt  }
0x62: {  	_ =	shalt  }
0x63: {  	_ =	shalt  }
0x64: {  	_ =	shalt  }
0x65: {  	_ =	shalt  }
0x66: {  	_ =	shalt  }
0x67: {  	_ =	shalt  }
0x68: {  	_ =	shalt  }
0x69: {  	_ =	shalt  }
0x6a: {  	_ =	shalt  }
0x6b: {  	_ =	shalt  }
0x6c: {  	_ =	shalt  }
0x6d: {  	_ =	shalt  }
0x6e: {  	_ =	shalt  }
0x6f: {  	_ =	shalt  }
0x70: {  	_ =	shalt  }
0x71: {  	_ =	shalt  }
0x72: {  	_ =	shalt  }
0x73: {  	_ =	shalt  }
0x74: {  	_ =	shalt  }
0x75: {  	_ =	shalt  }
0x76: {  	_ =	shalt  }
0x77: {  	_ =	shalt  }
0x78: {  	_ =	shalt  }
0x79: {  	_ =	shalt  }
0x7a: {  	_ =	shalt  }
0x7b: {  	_ =	shalt  }
0x7c: {  	_ =	shalt  }
0x7d: {  	_ =	shalt  }
0x7e: {  	_ =	shalt  }
0x7f: {  	_ =	shalt  }
0x80: {  	_ =	shalt  }
0x81: {  	_ =	shalt  }
0x82: {  	_ =	shalt  }
0x83: {  	_ =	shalt  }
0x84: {  	_ =	shalt  }
0x85: {  	_ =	shalt  }
0x86: {  	_ =	shalt  }
0x87: {  	_ =	shalt  }
.Lfunc_end0:
.L_simem_size_0:
called_computation.1_lowered:
.L_overlay_start_0:
0x88: {  	s2 =	sld [smem:$0x3FD9]  }
0x89: {  	s3 =	sld [smem:$0x3FFE];
	_ =	sdelay $0x1  }
0x8a: {  	s1 =	srdreg.scid  }
0x8b: {  	s0 =	sand.u32 $0x1, s1  }
0x8c: {  	s16 =	sshll.u32 s0, $0xA;
	s2 =	sadd.s32 s3, s2  }
0x8d: {  	s2 =	sadd.s32 s2, s16  }
0x8e: {  	[smem:$0x3FBB] =	sst s2  }
0x8f: {  	_ = 	snop  }
0x90: {  	(tm) =	ssettm $0x1  }
0x91: {  	s17 =	sld [smem:$0x3FFB];
	_ =	sdelay $0x3  }
0x92: {  	_ =	strace s17  }
0x93: {  	s2 =	sld [smem:$0x3FFC];
	_ =	sdelay $0x3  }
0x94: {  	_ =	strace s2  }
0x95: {  	s2 =	sld [smem:$0x3FFD];
	_ =	sdelay $0x3  }
0x96: {  	_ =	strace s2  }
0x97: {  	_ =	strace $0x8FFFFFFF  }
0x98: {  	s18 =	sld [smem:$0x3FDB];
	_ =	sdelay $0x1  }
0x99: {  	s19 =	simm.s32 $_scs_section_size  }
0x9a: {  	s4 =	simm.s32 $_size__tile_overlayer_lowered;
	s5 =	simm.s32 $_tile_overlayer_lowered  }
0x9b: {  	s22 =	simm.s32 $0x1BFF;
	s21 =	sshll.u32 s5, $0x1;
	s2 =	sadd.s32 s19, s18  }
0x9c: {  	s6 =	simm.s32 $0x0;
	s20 =	sshll.u32 s4, $0x1;
	s4 =	sadd.s32 s21, s2  }
0x9d: {  	[timem:s6], [sflag:s22] =	dma.local [hbm:s4], s20  }
0x9e: {  	_ =	swait.ge [sflag:s22], s20  }
0x9f: {  	s3 =	ssub.s32 $0x0, s20;
	[sflag:s22] =	ssyncset.done $0x0  }
0xa0: {  	[sflag:s22] =	ssyncadd.s32 s3;
	_ =	sdelay $0x1  }
0xa1: {  	s23 =	simm.s32 $0x1B8B  }
0xa2: {  	_ =	swait.ge [sflag:s23], $0x1  }
0xa3: {  	[sflag:s23] =	ssyncset.done $0x0  }
0xa4: {  	s25 =	simm.s32 $0x1B8E;
	s24 =	sld [smem:$0x3FFE];
	[sflag:s23] =	ssyncadd.s32 $0xFFFFFFFF  }
0xa5: {  	s26 =	simm.s32 $execute0_lowered;
	[smem:$0x3FD2] =	sst s25  }
0xa6: {  	s4 =	sshll.u32 s26, $0x1;
	_ =	strace $0x80000049;
	[dreg:$0x1] =	wrdreg $0xFFFFFFFF  }
0xa7: {  	s28 =	simm.s32 $_size_execute0_lowered;
	s2 =	sadd.s32 s2, s4;
	[dreg:$0x0] =	wrdreg $0x0  }
0xa8: {  	s4 =	sshll.u32 s28, $0x1;
	[dreg:$0x2] =	wrdreg s2  }
0xa9: {  	[dreg:$0x3] =	wrdreg s4  }
0xaa: {  	[dreg:$0x4] =	wrdreg $0xC0  }
0xab: {  	_ =	task [dreg:s6], $0x5FFFF  }
0xac: {  	[dreg:$0x1] =	wrdreg $0xFFFFFFFF  }
0xad: {  	[dreg:$0x0] =	wrdreg $0x60  }
0xae: {  	[dreg:$0x2] =	wrdreg s24  }
0xaf: {  	[dreg:$0x3] =	wrdreg $0x142800  }
0xb0: {  	[dreg:$0x4] =	wrdreg $0x0  }
0xb1: {  	[dreg:$0x5] =	wrdreg $0x140000  }
0xb2: {  	[dreg:$0x6] =	wrdreg $0x9  }
0xb3: {  	_ =	task.clear_ibuf [dreg:s6], $0x7FFFF;
	_ =	strace $0x90000049  }
0xb4: {  	s29 =	simm.s32 $0x9;
	_ =	strace $0x8000004B  }
0xb5: {  	_ =	swait.ge [sflag:s29], $0x1  }
0xb6: {  	[sflag:s29] =	ssyncadd.s32 $0xFFFFFFFF  }
0xb7: {  	_ =	strace $0x9000004B  }
0xb8: {  	_ =	sfence  }
0xb9: {  	s30 =	sld [smem:$0x0];
	_ =	sdelay $0x2  }
0xba: {  	s31 =	sshll.u32 s1, $0xD;
	s1 =	sshrl.u32 s1, $0x2  }
0xbb: {  	s3 =	sand.u32 $0x4000, s31;
	s1 =	sadd.s32 s1, s30  }
0xbc: {  	s0 =	sor.u32 s3, s0;
	s1 =	sshll.u32 s1, $0x11  }
0xbd: {  	s0 =	sor.u32 s1, s0  }
0xbe: {  	s0 =	sadd.s32 $0x8F2B, s0  }
0xbf: {  	[sflag:s0] =	ssyncadd.remote.s32 $0x1  }
0xc0: {  	_ =	sfence.sel $0xFFFF  }
0xc1: {  	[dreg:$0x0] =	wrdreg $0xFFFFFFFF;
	(pc) =	sbr.abs _section_cstart, $3  }
0xc2: {  	[dreg:$0x1] =	wrdreg $0xFFFFFFFF  }
0xc3: {  	_ =	task.clear_ibuf [dreg:s6], $0x2FFFF;
	_ =	strace $0x9FFFFFFF  }
0xc4: {  	(tm) =	ssettm $0x7FFFFFFF  }
0xc5: {  	_ =	shalt  }
tec
execute0_lowered:
.L_overlay_start_1:
0x0: {  	(tag) =	ssettag $0x1  }
0x1: {  	s0 =	rddreg [dreg:$0x0]  }
0x2: {  	s16 =	rddreg [dreg:$0x1]  }
0x3: {  	s2 =	rddreg [dreg:$0x2]  }
0x4: {  	s29 =	rddreg [dreg:$0x3];
	s13 =	stileid.u32  }
0x5: {  	s1 =	simm.s32 $0x0;
	s3 =	srdreg.scid;
	s18 =	smul.u32 $0x2800, s13  }
0x6: {  	[smem:$0x7FF] =	sst s1;
	s17 =	sadd.s32 $0xD200, s0;
	s6 =	smul.u32 $0x14000, s13  }
0x7: {  	s3 =	sand.u32 $0x1, s3;
	s4 =	sadd.s32 $0x19E00, s0;
	s9 =	smul.u32 $0x280, s13  }
0x8: {  	s12 =	sadd.s32 $0x17600, s0;
	_ =	strace $0x8000004A;
	[smem:$0x7F1] =	sst s4  }
0x9: {  	s5 =	sadd.s32 $0x3400, s0;
	s7 =	smul.u32 $0x140000, s3;
	[dreg:$0xa] =	wrdreg s12  }
0xa: {  	s10 =	sshll.u32 s3, $0x4;
	s11 =	smul.u32 $0x2800, s3;
	[smem:$0x7F5] =	sst s17  }
0xb: {  	s19 =	smul.u32 $0x27100, s3;
	s3 =	ssub.s32 $0x2, s3;
	[smem:$0x7F7] =	sst s5  }
0xc: {  	s1 =	sshrl.u32 s18, $0x3;
	s10 =	sor.u32 s13, s10;
	s13 =	smul.u32 $0x2710, s13  }
0xd: {  	s20 =	sshrl.u32 s3, $0x1;
	s1 =	sadd.s32 s1, s0;
	s7 =	sadd.s32 s6, s7  }
0xe: {  	s10 =	smul.u32 $0x2710, s10;
	s11 =	sadd.s32 s9, s11;
	s3 =	ssub.s32 s3, s20  }
0xf: {  	s7 =	sshrl.u32 s7, $0x3;
	s11 =	sshrl.u32 s11, $0x3;
	s18 =	sadd.s32 $0x6EE00, s1  }
0x10: {  	s12 =	sadd.s32 s13, s19;
	s20 =	sadd.s32 $0x69EA0, s1;
	[dreg:$0x10] =	wrdreg s18  }
0x11: {  	s19 =	simm.s32 $0x14870;
	s7 =	sadd.s32 s7, s0;
	[dreg:$0x11] =	wrdreg s20  }
0x12: {  	s0 =	sadd.s32 s11, s0;
	[dreg:$0x9] =	wrdreg s19;
	s18 =	sadd.s32 $0x6A260, s1  }
0x13: {  	s10 =	sshrl.u32 s10, $0x3;
	s19 =	sadd.s32 s6, s2;
	[dreg:$0x1d] =	wrdreg s18  }
0x14: {  	s22 =	sadd.s32 $0x320, s12;
	s20 =	sadd.s32 s9, s16;
	[dreg:$0x1f] =	wrdreg s19  }
0x15: {  	s11 =	sshrl.u32 s22, $0x3;
	s22 =	sadd.s32 $0x69F40, s1;
	[smem:$0x7F2] =	sst s20  }
0x16: {  	s14 =	sadd.s32 $0x14, s10;
	s0 =	sadd.s32 $0x41000, s0;
	[dreg:$0x13] =	wrdreg s22  }
0x17: {  	s21 =	sadd.s32 s17, s14;
	[smem:$0x7FA] =	sst s0  }
0x18: {  	s24 =	sadd.s32 $0x28, s10;
	s23 =	sadd.s32 s5, s14;
	[dreg:$0xb] =	wrdreg s21  }
0x19: {  	s25 =	sadd.s32 s17, s24;
	[dreg:$0xc] =	wrdreg s23  }
0x1a: {  	s26 =	sadd.s32 s11, s5;
	[dreg:$0xd] =	wrdreg s25  }
0x1b: {  	s15 =	sadd.s32 $0x280, s12;
	s13 =	sadd.s32 s5, s24;
	[dreg:$0x5] =	wrdreg s26  }
0x1c: {  	s4 =	sshrl.u32 s15, $0x3;
	s11 =	sadd.s32 s11, s17;
	[dreg:$0xe] =	wrdreg s13  }
0x1d: {  	s8 =	sadd.s32 s4, s5;
	[dreg:$0x6] =	wrdreg s11  }
0x1e: {  	s15 =	sadd.s32 s4, s17;
	[dreg:$0x7] =	wrdreg s8  }
0x1f: {  	s24 =	sadd.s32 $0x69FE0, s1;
	[dreg:$0x8] =	wrdreg s15  }
0x20: {  	s4 =	sadd.s32 $0x6F080, s1;
	[dreg:$0x15] =	wrdreg s24  }
0x21: {  	s14 =	sadd.s32 $0x6A1C0, s1;
	[dreg:$0x18] =	wrdreg s4  }
0x22: {  	s22 =	sadd.s32 s5, s10;
	[dreg:$0x1b] =	wrdreg s14  }
0x23: {  	s13 =	sadd.s32 $0x69E00, s1;
	[smem:$0x7F4] =	sst s22  }
0x24: {  	s21 =	sadd.s32 $0x6EEA0, s1;
	[dreg:$0xf] =	wrdreg s13  }
0x25: {  	s23 =	sadd.s32 $0x6EF40, s1;
	[dreg:$0x12] =	wrdreg s21  }
0x26: {  	s31 =	simm.s32 $0x1CE30;
	s25 =	sadd.s32 $0x6EFE0, s1;
	[dreg:$0x14] =	wrdreg s23  }
0x27: {  	s30 =	simm.s32 $0x7;
	s26 =	sadd.s32 $0x6A080, s1;
	[dreg:$0x16] =	wrdreg s25  }
0x28: {  	s28 =	simm.s32 $0x8;
	s8 =	sadd.s32 $0x6A120, s1;
	[dreg:$0x17] =	wrdreg s26  }
0x29: {  	s16 =	simm.s32 $0x14780;
	s15 =	sadd.s32 $0x6F1C0, s1;
	[dreg:$0x19] =	wrdreg s8  }
0x2a: {  	s19 =	simm.s32 $0x146E0;
	s13 =	sadd.s32 $0x6F120, s1;
	[dreg:$0x1c] =	wrdreg s15  }
0x2b: {  	s0 =	simm.s32 $0x0;
	s1 =	sadd.s32 $0x6F260, s1;
	[dreg:$0x1a] =	wrdreg s13  }
0x2c: {  	s22 =	simm.s32 $0xD;
	s21 =	sadd.s32 s17, s10;
	[dreg:$0x1e] =	wrdreg s1  }
0x2d: {  	s8 =	sadd.s32 s9, s29;
	s25 =	sadd.s32 $0xC3E00, s7;
	[smem:$0x7F3] =	sst s21  }
0x2e: {  	s23 =	sadd.s32 $0x4D8, s10;
	s26 =	smax.u32 s3, $0x1;
	[smem:$0x7F9] =	sst s25  }
0x2f: {  	v0 =	vlaneseq.u32;
	s29 =	sadd.s32 $0x1E0, s12;
	s10 =	simm.s32 $0x14550;
	[smem:$0x7FB] =	sst s26  }
0x30: {  	v0 =	vmul.u32 $0x10, v0;
	s24 =	sadd.s32 s17, s23;
	s1 =	sadd.s32 s5, s23;
	[smem:$0x7FC] =	sst s29  }
0x31: {  	s21 =	simm.s32 $0x145A0;
	s25 =	simm.s32 $0x14640;
	[smem:$0x7FD] =	sst s8  }
0x32: {  	v5 =	vimm.f32 $0.0e+00;
	v1 =	vor.u32 $0x100, v0;
	s17 =	simm.s32 $0x14820;
	s26 =	simm.s32 $0x148C0;
	[smem:$0x7F6] =	sst s24  }
0x33: {  	v2 =	vor.u32 $0x200, v0;
	v3 =	vor.u32 $0x300, v0;
	v4 =	vor.u32 $0x400, v0;
	s5 =	simm.s32 $0x170C0;
	s23 =	simm.s32 $0x3;
	[smem:$0x7F8] =	sst s1  }
.LBB2_1:
0x34: {  	s3 =	sld [smem:$0x7F3];
	_ =	sdelay $0x1  }
0x35: {  	[smem:$0x7EE] =	sst s0;
	s24 =	simm.s32 $0x14500;
	s15 =	simm.s32 $0x0  }
0x36: {  	[tilespmem:s24], [sflag:$0xD] =	stream.linear.gather [hbm4b:s3+s15], $0xA0, $0x38;
	[tilespmem:$0x1F630] =	vst v63  }
0x37: {  	_ =	swait.ge [sflag:s22], $0xA0  }
0x38: {  	s11 =	sld [smem:$0x7F4]  }
0x39: {  	[sflag:s22] =	ssyncset.done $0x0  }
0x3a: {  	[sflag:s22] =	ssyncadd.s32 $0xFFFFFF60  }
0x3b: {  	[tilespmem:s21], [sflag:$0xD] =	stream.linear.gather [hbm4b:s11+s15], $0xA0, $0x38;
	[tilespmem:$0x1F630] =	vst v63  }
0x3c: {  	_ =	swait.ge [sflag:s22], $0xA0  }
0x3d: {  	[sflag:s22] =	ssyncset.done $0x0;
	s12 =	rddreg [dreg:$0xb]  }
0x3e: {  	s13 =	rddreg [dreg:$0xc];
	[sflag:s22] =	ssyncadd.s32 $0xFFFFFF60  }
0x3f: {  	[tilespmem:s25], [sflag:$0xB] =	stream.linear.gather [hbm4b:s12+s15], $0xA0, $0x38;
	[tilespmem:$0x1F630] =	vst v63  }
0x40: {  	s14 =	rddreg [dreg:$0xd]  }
0x41: {  	[tilespmem:s19], [sflag:$0xB] =	stream.linear.gather [hbm4b:s13+s15], $0xA0, $0x38;
	[tilespmem:$0x1F630] =	vst v63  }
0x42: {  	s18 =	rddreg [dreg:$0xe]  }
0x43: {  	[tilespmem:s16], [sflag:$0xC] =	stream.linear.gather [hbm4b:s14+s15], $0xA0, $0x38;
	[tilespmem:$0x1F630] =	vst v63  }
0x44: {  	s19 =	sld [smem:$0x7F1]  }
0x45: {  	[tilespmem:s17], [sflag:$0xC] =	stream.linear.gather [hbm4b:s18+s15], $0xA0, $0x38;
	[tilespmem:$0x1F630] =	vst v63  }
0x46: {  	s1 =	simm.s32 $0x50  }
0x47: {  	[tilespmem:s26], [sflag:$0x1] =	stream.indirect.gather [hbm4b:s19+s1], $0x80, s24, s1, $0xb8;
	[tilespmem:$0x1F630] =	vst v63  }
0x48: {  	_ = 	snop  }
0x49: {  	[tilespmem:s5], [sflag:$0x2] =	stream.indirect.gather [hbm4b:s19+s1], $0x80, s10, s1, $0xb8;
	[tilespmem:$0x1F630] =	vst v63  }
0x4a: {  	s4 =	simm.s32 $0x1C430;
	s20 =	rddreg [dreg:$0xf]  }
0x4b: {  	[tilespmem:s4], [sflag:$0xD] =	stream.linear.gather [hbm4b:s20+s15], $0x500, $0x38;
	[tilespmem:$0x1F630] =	vst v63  }
0x4c: {  	_ =	swait.ge [sflag:s22], $0x500  }
0x4d: {  	[sflag:s22] =	ssyncset.done $0x0  }
0x4e: {  	s24 =	simm.s32 $0x1C930;
	s21 =	rddreg [dreg:$0x10];
	[sflag:s22] =	ssyncadd.s32 $0xFFFFFB00  }
0x4f: {  	[tilespmem:s24], [sflag:$0xD] =	stream.linear.gather [hbm4b:s21+s15], $0x500, $0x38;
	[tilespmem:$0x1F630] =	vst v63  }
0x50: {  	_ =	swait.ge [sflag:s22], $0x500  }
0x51: {  	[sflag:s22] =	ssyncset.done $0x0  }
0x52: {  	[sflag:s22] =	ssyncadd.s32 $0xFFFFFB00  }
0x53: {  	v6 =	vld.idx.msk [tilespmem:v0+s4+$0x0], $0xffff  }
0x54: {  	v7 =	vld.idx.msk [tilespmem:v0+s24+$0x0], $0xffff;
	_ =	sdelay $0x4  }
0x55: {  	v6 =	vadd.f32 v7, v6;
	_ =	sdelay $0x1  }
0x56: {  	v6 =	vmax.f32 v6, $1.000000000e+00  }
0x57: {  	(erf) = vrcp.f32 v6;
	_ =	sdelay $0x8  }
0x58: {  	v6 =	vpop (erf)  }
0x59: {  	[tilespmem:$0x1C1B0] =	vst v6  }
0x5a: {  	v6 =	vld.idx.msk [tilespmem:v1+s4+$0x0], $0xffff  }
0x5b: {  	v7 =	vld.idx.msk [tilespmem:v1+s24+$0x0], $0xffff;
	_ =	sdelay $0x4  }
0x5c: {  	v6 =	vadd.f32 v7, v6;
	_ =	sdelay $0x1  }
0x5d: {  	v6 =	vmax.f32 v6, $1.000000000e+00  }
0x5e: {  	(erf) = vrcp.f32 v6;
	_ =	sdelay $0x8  }
0x5f: {  	v6 =	vpop (erf)  }
0x60: {  	[tilespmem:$0x1C1C0] =	vst v6  }
0x61: {  	v6 =	vld.idx.msk [tilespmem:v2+s4+$0x0], $0xffff  }
0x62: {  	v7 =	vld.idx.msk [tilespmem:v2+s24+$0x0], $0xffff;
	_ =	sdelay $0x4  }
0x63: {  	v6 =	vadd.f32 v7, v6;
	_ =	sdelay $0x1  }
0x64: {  	v6 =	vmax.f32 v6, $1.000000000e+00  }
0x65: {  	(erf) = vrcp.f32 v6;
	_ =	sdelay $0x8  }
0x66: {  	v6 =	vpop (erf)  }
0x67: {  	[tilespmem:$0x1C1D0] =	vst v6  }
0x68: {  	v6 =	vld.idx.msk [tilespmem:v3+s4+$0x0], $0xffff  }
0x69: {  	v7 =	vld.idx.msk [tilespmem:v3+s24+$0x0], $0xffff;
	_ =	sdelay $0x4  }
0x6a: {  	v6 =	vadd.f32 v7, v6;
	_ =	sdelay $0x1  }
0x6b: {  	v6 =	vmax.f32 v6, $1.000000000e+00  }
0x6c: {  	(erf) = vrcp.f32 v6;
	_ =	sdelay $0x8  }
0x6d: {  	v6 =	vpop (erf)  }
0x6e: {  	[tilespmem:$0x1C1E0] =	vst v6  }
0x6f: {  	v6 =	vld.idx.msk [tilespmem:v4+s4+$0x0], $0xffff  }
0x70: {  	v7 =	vld.idx.msk [tilespmem:v4+s24+$0x0], $0xffff;
	_ =	sdelay $0x4  }
0x71: {  	v6 =	vadd.f32 v7, v6;
	_ =	sdelay $0x1  }
0x72: {  	v6 =	vmax.f32 v6, $1.000000000e+00  }
0x73: {  	(erf) = vrcp.f32 v6;
	_ =	sdelay $0x8  }
0x74: {  	v6 =	vpop (erf)  }
0x75: {  	s25 =	rddreg [dreg:$0x11];
	[tilespmem:$0x1C1F0] =	vst v6  }
0x76: {  	[tilespmem:s4], [sflag:$0xD] =	stream.linear.gather [hbm4b:s25+s15], $0x500, $0x38;
	[tilespmem:$0x1F630] =	vst v63  }
0x77: {  	_ =	swait.ge [sflag:s22], $0x500  }
0x78: {  	[sflag:s22] =	ssyncset.done $0x0  }
0x79: {  	s26 =	rddreg [dreg:$0x12];
	[sflag:s22] =	ssyncadd.s32 $0xFFFFFB00  }
0x7a: {  	[tilespmem:s24], [sflag:$0xD] =	stream.linear.gather [hbm4b:s26+s15], $0x500, $0x38;
	[tilespmem:$0x1F630] =	vst v63  }
0x7b: {  	_ =	swait.ge [sflag:s22], $0x500  }
0x7c: {  	[sflag:s22] =	ssyncset.done $0x0  }
0x7d: {  	[sflag:s22] =	ssyncadd.s32 $0xFFFFFB00  }
0x7e: {  	v6 =	vld.idx.msk [tilespmem:v0+s4+$0x0], $0xffff  }
0x7f: {  	v7 =	vld.idx.msk [tilespmem:v0+s24+$0x0], $0xffff;
	_ =	sdelay $0x4  }
0x80: {  	v6 =	vadd.f32 v7, v6;
	_ =	sdelay $0x1  }
0x81: {  	v6 =	vmax.f32 v6, $1.000000000e+00  }
0x82: {  	(erf) = vrcp.f32 v6;
	_ =	sdelay $0x8  }
0x83: {  	v6 =	vpop (erf)  }
0x84: {  	[tilespmem:$0x1C200] =	vst v6  }
0x85: {  	v6 =	vld.idx.msk [tilespmem:v1+s4+$0x0], $0xffff  }
0x86: {  	v7 =	vld.idx.msk [tilespmem:v1+s24+$0x0], $0xffff;
	_ =	sdelay $0x4  }
0x87: {  	v6 =	vadd.f32 v7, v6;
	_ =	sdelay $0x1  }
0x88: {  	v6 =	vmax.f32 v6, $1.000000000e+00  }
0x89: {  	(erf) = vrcp.f32 v6;
	_ =	sdelay $0x8  }
0x8a: {  	v6 =	vpop (erf)  }
0x8b: {  	[tilespmem:$0x1C210] =	vst v6  }
0x8c: {  	v6 =	vld.idx.msk [tilespmem:v2+s4+$0x0], $0xffff  }
0x8d: {  	v7 =	vld.idx.msk [tilespmem:v2+s24+$0x0], $0xffff;
	_ =	sdelay $0x4  }
0x8e: {  	v6 =	vadd.f32 v7, v6;
	_ =	sdelay $0x1  }
0x8f: {  	v6 =	vmax.f32 v6, $1.000000000e+00  }
0x90: {  	(erf) = vrcp.f32 v6;
	_ =	sdelay $0x8  }
0x91: {  	v6 =	vpop (erf)  }
0x92: {  	[tilespmem:$0x1C220] =	vst v6  }
0x93: {  	v6 =	vld.idx.msk [tilespmem:v3+s4+$0x0], $0xffff  }
0x94: {  	v7 =	vld.idx.msk [tilespmem:v3+s24+$0x0], $0xffff;
	_ =	sdelay $0x4  }
0x95: {  	v6 =	vadd.f32 v7, v6;
	_ =	sdelay $0x1  }
0x96: {  	v6 =	vmax.f32 v6, $1.000000000e+00  }
0x97: {  	(erf) = vrcp.f32 v6;
	_ =	sdelay $0x8  }
0x98: {  	v6 =	vpop (erf)  }
0x99: {  	[tilespmem:$0x1C230] =	vst v6  }
0x9a: {  	v6 =	vld.idx.msk [tilespmem:v4+s4+$0x0], $0xffff  }
0x9b: {  	v7 =	vld.idx.msk [tilespmem:v4+s24+$0x0], $0xffff;
	_ =	sdelay $0x4  }
0x9c: {  	v6 =	vadd.f32 v7, v6;
	_ =	sdelay $0x1  }
0x9d: {  	v6 =	vmax.f32 v6, $1.000000000e+00  }
0x9e: {  	(erf) = vrcp.f32 v6;
	_ =	sdelay $0x8  }
0x9f: {  	v6 =	vpop (erf)  }
0xa0: {  	s29 =	rddreg [dreg:$0x13];
	[tilespmem:$0x1C240] =	vst v6  }
0xa1: {  	[tilespmem:s4], [sflag:$0xD] =	stream.linear.gather [hbm4b:s29+s15], $0x500, $0x38;
	[tilespmem:$0x1F630] =	vst v63  }
0xa2: {  	_ =	swait.ge [sflag:s22], $0x500  }
0xa3: {  	[sflag:s22] =	ssyncset.done $0x0  }
0xa4: {  	s0 =	rddreg [dreg:$0x14];
	[sflag:s22] =	ssyncadd.s32 $0xFFFFFB00  }
0xa5: {  	[tilespmem:s24], [sflag:$0xD] =	stream.linear.gather [hbm4b:s0+s15], $0x500, $0x38;
	[tilespmem:$0x1F630] =	vst v63  }
0xa6: {  	_ =	swait.ge [sflag:s22], $0x500  }
0xa7: {  	[sflag:s22] =	ssyncset.done $0x0  }
0xa8: {  	[sflag:s22] =	ssyncadd.s32 $0xFFFFFB00  }
0xa9: {  	v6 =	vld.idx.msk [tilespmem:v0+s4+$0x0], $0xffff  }
0xaa: {  	v7 =	vld.idx.msk [tilespmem:v0+s24+$0x0], $0xffff;
	_ =	sdelay $0x4  }
0xab: {  	v6 =	vadd.f32 v7, v6;
	_ =	sdelay $0x1  }
0xac: {  	v6 =	vmax.f32 v6, $1.000000000e+00  }
0xad: {  	(erf) = vrcp.f32 v6;
	_ =	sdelay $0x8  }
0xae: {  	v6 =	vpop (erf)  }
0xaf: {  	[tilespmem:$0x1C250] =	vst v6  }
0xb0: {  	v6 =	vld.idx.msk [tilespmem:v1+s4+$0x0], $0xffff  }
0xb1: {  	v7 =	vld.idx.msk [tilespmem:v1+s24+$0x0], $0xffff;
	_ =	sdelay $0x4  }
0xb2: {  	v6 =	vadd.f32 v7, v6;
	_ =	sdelay $0x1  }
0xb3: {  	v6 =	vmax.f32 v6, $1.000000000e+00  }
0xb4: {  	(erf) = vrcp.f32 v6;
	_ =	sdelay $0x8  }
0xb5: {  	v6 =	vpop (erf)  }
0xb6: {  	[tilespmem:$0x1C260] =	vst v6  }
0xb7: {  	v6 =	vld.idx.msk [tilespmem:v2+s4+$0x0], $0xffff  }
0xb8: {  	v7 =	vld.idx.msk [tilespmem:v2+s24+$0x0], $0xffff;
	_ =	sdelay $0x4  }
0xb9: {  	v6 =	vadd.f32 v7, v6;
	_ =	sdelay $0x1  }
0xba: {  	v6 =	vmax.f32 v6, $1.000000000e+00  }
0xbb: {  	(erf) = vrcp.f32 v6;
	_ =	sdelay $0x8  }
0xbc: {  	v6 =	vpop (erf)  }
0xbd: {  	[tilespmem:$0x1C270] =	vst v6  }
0xbe: {  	v6 =	vld.idx.msk [tilespmem:v3+s4+$0x0], $0xffff  }
0xbf: {  	v7 =	vld.idx.msk [tilespmem:v3+s24+$0x0], $0xffff;
	_ =	sdelay $0x4  }
0xc0: {  	v6 =	vadd.f32 v7, v6;
	_ =	sdelay $0x1  }
0xc1: {  	v6 =	vmax.f32 v6, $1.000000000e+00  }
0xc2: {  	(erf) = vrcp.f32 v6;
	_ =	sdelay $0x8  }
0xc3: {  	v6 =	vpop (erf)  }
0xc4: {  	[tilespmem:$0x1C280] =	vst v6  }
0xc5: {  	v6 =	vld.idx.msk [tilespmem:v4+s4+$0x0], $0xffff  }
0xc6: {  	v7 =	vld.idx.msk [tilespmem:v4+s24+$0x0], $0xffff;
	_ =	sdelay $0x4  }
0xc7: {  	v6 =	vadd.f32 v7, v6;
	_ =	sdelay $0x1  }
0xc8: {  	v6 =	vmax.f32 v6, $1.000000000e+00  }
0xc9: {  	(erf) = vrcp.f32 v6;
	_ =	sdelay $0x8  }
0xca: {  	v6 =	vpop (erf)  }
0xcb: {  	s1 =	rddreg [dreg:$0x15];
	[tilespmem:$0x1C290] =	vst v6  }
0xcc: {  	[tilespmem:s4], [sflag:$0xD] =	stream.linear.gather [hbm4b:s1+s15], $0x500, $0x38;
	[tilespmem:$0x1F630] =	vst v63  }
0xcd: {  	_ =	swait.ge [sflag:s22], $0x500  }
0xce: {  	[sflag:s22] =	ssyncset.done $0x0  }
0xcf: {  	s6 =	rddreg [dreg:$0x16];
	[sflag:s22] =	ssyncadd.s32 $0xFFFFFB00  }
0xd0: {  	[tilespmem:s24], [sflag:$0xD] =	stream.linear.gather [hbm4b:s6+s15], $0x500, $0x38;
	[tilespmem:$0x1F630] =	vst v63  }
0xd1: {  	_ =	swait.ge [sflag:s22], $0x500  }
0xd2: {  	[sflag:s22] =	ssyncset.done $0x0  }
0xd3: {  	[sflag:s22] =	ssyncadd.s32 $0xFFFFFB00  }
0xd4: {  	v6 =	vld.idx.msk [tilespmem:v0+s4+$0x0], $0xffff  }
0xd5: {  	v7 =	vld.idx.msk [tilespmem:v0+s24+$0x0], $0xffff;
	_ =	sdelay $0x4  }
0xd6: {  	v6 =	vadd.f32 v7, v6;
	_ =	sdelay $0x1  }
0xd7: {  	v6 =	vmax.f32 v6, $1.000000000e+00  }
0xd8: {  	(erf) = vrcp.f32 v6;
	_ =	sdelay $0x8  }
0xd9: {  	v6 =	vpop (erf)  }
0xda: {  	[tilespmem:$0x1C2A0] =	vst v6  }
0xdb: {  	v6 =	vld.idx.msk [tilespmem:v1+s4+$0x0], $0xffff  }
0xdc: {  	v7 =	vld.idx.msk [tilespmem:v1+s24+$0x0], $0xffff;
	_ =	sdelay $0x4  }
0xdd: {  	v6 =	vadd.f32 v7, v6;
	_ =	sdelay $0x1  }
0xde: {  	v6 =	vmax.f32 v6, $1.000000000e+00  }
0xdf: {  	(erf) = vrcp.f32 v6;
	_ =	sdelay $0x8  }
0xe0: {  	v6 =	vpop (erf)  }
0xe1: {  	[tilespmem:$0x1C2B0] =	vst v6  }
0xe2: {  	v6 =	vld.idx.msk [tilespmem:v2+s4+$0x0], $0xffff  }
0xe3: {  	v7 =	vld.idx.msk [tilespmem:v2+s24+$0x0], $0xffff;
	_ =	sdelay $0x4  }
0xe4: {  	v6 =	vadd.f32 v7, v6;
	_ =	sdelay $0x1  }
0xe5: {  	v6 =	vmax.f32 v6, $1.000000000e+00  }
0xe6: {  	(erf) = vrcp.f32 v6;
	_ =	sdelay $0x8  }
0xe7: {  	v6 =	vpop (erf)  }
0xe8: {  	[tilespmem:$0x1C2C0] =	vst v6  }
0xe9: {  	v6 =	vld.idx.msk [tilespmem:v3+s4+$0x0], $0xffff  }
0xea: {  	v7 =	vld.idx.msk [tilespmem:v3+s24+$0x0], $0xffff;
	_ =	sdelay $0x4  }
0xeb: {  	v6 =	vadd.f32 v7, v6;
	_ =	sdelay $0x1  }
0xec: {  	v6 =	vmax.f32 v6, $1.000000000e+00  }
0xed: {  	(erf) = vrcp.f32 v6;
	_ =	sdelay $0x8  }
0xee: {  	v6 =	vpop (erf)  }
0xef: {  	[tilespmem:$0x1C2D0] =	vst v6  }
0xf0: {  	v6 =	vld.idx.msk [tilespmem:v4+s4+$0x0], $0xffff  }
0xf1: {  	v7 =	vld.idx.msk [tilespmem:v4+s24+$0x0], $0xffff;
	_ =	sdelay $0x4  }
0xf2: {  	v6 =	vadd.f32 v7, v6;
	_ =	sdelay $0x1  }
0xf3: {  	v6 =	vmax.f32 v6, $1.000000000e+00  }
0xf4: {  	(erf) = vrcp.f32 v6;
	_ =	sdelay $0x8  }
0xf5: {  	v6 =	vpop (erf)  }
0xf6: {  	s7 =	rddreg [dreg:$0x17];
	[tilespmem:$0x1C2E0] =	vst v6  }
0xf7: {  	[tilespmem:s4], [sflag:$0xD] =	stream.linear.gather [hbm4b:s7+s15], $0x500, $0x38;
	[tilespmem:$0x1F630] =	vst v63  }
0xf8: {  	_ =	swait.ge [sflag:s22], $0x500  }
0xf9: {  	[sflag:s22] =	ssyncset.done $0x0  }
0xfa: {  	s9 =	rddreg [dreg:$0x18];
	[sflag:s22] =	ssyncadd.s32 $0xFFFFFB00  }
0xfb: {  	[tilespmem:s24], [sflag:$0xD] =	stream.linear.gather [hbm4b:s9+s15], $0x500, $0x38;
	[tilespmem:$0x1F630] =	vst v63  }
0xfc: {  	_ =	swait.ge [sflag:s22], $0x500  }
0xfd: {  	[sflag:s22] =	ssyncset.done $0x0  }
0xfe: {  	[sflag:s22] =	ssyncadd.s32 $0xFFFFFB00  }
0xff: {  	v6 =	vld.idx.msk [tilespmem:v0+s4+$0x0], $0xffff  }
0x100: {  	v7 =	vld.idx.msk [tilespmem:v0+s24+$0x0], $0xffff;
	_ =	sdelay $0x4  }
0x101: {  	v6 =	vadd.f32 v7, v6;
	_ =	sdelay $0x1  }
0x102: {  	v6 =	vmax.f32 v6, $1.000000000e+00  }
0x103: {  	(erf) = vrcp.f32 v6;
	_ =	sdelay $0x8  }
0x104: {  	v6 =	vpop (erf)  }
0x105: {  	[tilespmem:$0x1C2F0] =	vst v6  }
0x106: {  	v6 =	vld.idx.msk [tilespmem:v1+s4+$0x0], $0xffff  }
0x107: {  	v7 =	vld.idx.msk [tilespmem:v1+s24+$0x0], $0xffff;
	_ =	sdelay $0x4  }
0x108: {  	v6 =	vadd.f32 v7, v6;
	_ =	sdelay $0x1  }
0x109: {  	v6 =	vmax.f32 v6, $1.000000000e+00  }
0x10a: {  	(erf) = vrcp.f32 v6;
	_ =	sdelay $0x8  }
0x10b: {  	v6 =	vpop (erf)  }
0x10c: {  	[tilespmem:$0x1C300] =	vst v6  }
0x10d: {  	v6 =	vld.idx.msk [tilespmem:v2+s4+$0x0], $0xffff  }
0x10e: {  	v7 =	vld.idx.msk [tilespmem:v2+s24+$0x0], $0xffff;
	_ =	sdelay $0x4  }
0x10f: {  	v6 =	vadd.f32 v7, v6;
	_ =	sdelay $0x1  }
0x110: {  	v6 =	vmax.f32 v6, $1.000000000e+00  }
0x111: {  	(erf) = vrcp.f32 v6;
	_ =	sdelay $0x8  }
0x112: {  	v6 =	vpop (erf)  }
0x113: {  	[tilespmem:$0x1C310] =	vst v6  }
0x114: {  	v6 =	vld.idx.msk [tilespmem:v3+s4+$0x0], $0xffff  }
0x115: {  	v7 =	vld.idx.msk [tilespmem:v3+s24+$0x0], $0xffff;
	_ =	sdelay $0x4  }
0x116: {  	v6 =	vadd.f32 v7, v6;
	_ =	sdelay $0x1  }
0x117: {  	v6 =	vmax.f32 v6, $1.000000000e+00  }
0x118: {  	(erf) = vrcp.f32 v6;
	_ =	sdelay $0x8  }
0x119: {  	v6 =	vpop (erf)  }
0x11a: {  	[tilespmem:$0x1C320] =	vst v6  }
0x11b: {  	v6 =	vld.idx.msk [tilespmem:v4+s4+$0x0], $0xffff  }
0x11c: {  	v7 =	vld.idx.msk [tilespmem:v4+s24+$0x0], $0xffff;
	_ =	sdelay $0x4  }
0x11d: {  	v6 =	vadd.f32 v7, v6;
	_ =	sdelay $0x1  }
0x11e: {  	v6 =	vmax.f32 v6, $1.000000000e+00  }
0x11f: {  	(erf) = vrcp.f32 v6;
	_ =	sdelay $0x8  }
0x120: {  	v6 =	vpop (erf)  }
0x121: {  	s10 =	rddreg [dreg:$0x19];
	[tilespmem:$0x1C330] =	vst v6  }
0x122: {  	[tilespmem:s4], [sflag:$0xD] =	stream.linear.gather [hbm4b:s10+s15], $0x500, $0x38;
	[tilespmem:$0x1F630] =	vst v63  }
0x123: {  	_ =	swait.ge [sflag:s22], $0x500  }
0x124: {  	[sflag:s22] =	ssyncset.done $0x0  }
0x125: {  	s11 =	rddreg [dreg:$0x1a];
	[sflag:s22] =	ssyncadd.s32 $0xFFFFFB00  }
0x126: {  	[tilespmem:s24], [sflag:$0xD] =	stream.linear.gather [hbm4b:s11+s15], $0x500, $0x38;
	[tilespmem:$0x1F630] =	vst v63  }
0x127: {  	_ =	swait.ge [sflag:s22], $0x500  }
0x128: {  	[sflag:s22] =	ssyncset.done $0x0  }
0x129: {  	[sflag:s22] =	ssyncadd.s32 $0xFFFFFB00  }
0x12a: {  	v6 =	vld.idx.msk [tilespmem:v0+s4+$0x0], $0xffff  }
0x12b: {  	v7 =	vld.idx.msk [tilespmem:v0+s24+$0x0], $0xffff;
	_ =	sdelay $0x4  }
0x12c: {  	v6 =	vadd.f32 v7, v6;
	_ =	sdelay $0x1  }
0x12d: {  	v6 =	vmax.f32 v6, $1.000000000e+00  }
0x12e: {  	(erf) = vrcp.f32 v6;
	_ =	sdelay $0x8  }
0x12f: {  	v6 =	vpop (erf)  }
0x130: {  	[tilespmem:$0x1C340] =	vst v6  }
0x131: {  	v6 =	vld.idx.msk [tilespmem:v1+s4+$0x0], $0xffff  }
0x132: {  	v7 =	vld.idx.msk [tilespmem:v1+s24+$0x0], $0xffff;
	_ =	sdelay $0x4  }
0x133: {  	v6 =	vadd.f32 v7, v6;
	_ =	sdelay $0x1  }
0x134: {  	v6 =	vmax.f32 v6, $1.000000000e+00  }
0x135: {  	(erf) = vrcp.f32 v6;
	_ =	sdelay $0x8  }
0x136: {  	v6 =	vpop (erf)  }
0x137: {  	[tilespmem:$0x1C350] =	vst v6  }
0x138: {  	v6 =	vld.idx.msk [tilespmem:v2+s4+$0x0], $0xffff  }
0x139: {  	v7 =	vld.idx.msk [tilespmem:v2+s24+$0x0], $0xffff;
	_ =	sdelay $0x4  }
0x13a: {  	v6 =	vadd.f32 v7, v6;
	_ =	sdelay $0x1  }
0x13b: {  	v6 =	vmax.f32 v6, $1.000000000e+00  }
0x13c: {  	(erf) = vrcp.f32 v6;
	_ =	sdelay $0x8  }
0x13d: {  	v6 =	vpop (erf)  }
0x13e: {  	[tilespmem:$0x1C360] =	vst v6  }
0x13f: {  	v6 =	vld.idx.msk [tilespmem:v3+s4+$0x0], $0xffff  }
0x140: {  	v7 =	vld.idx.msk [tilespmem:v3+s24+$0x0], $0xffff;
	_ =	sdelay $0x4  }
0x141: {  	v6 =	vadd.f32 v7, v6;
	_ =	sdelay $0x1  }
0x142: {  	v6 =	vmax.f32 v6, $1.000000000e+00  }
0x143: {  	(erf) = vrcp.f32 v6;
	_ =	sdelay $0x8  }
0x144: {  	v6 =	vpop (erf)  }
0x145: {  	[tilespmem:$0x1C370] =	vst v6  }
0x146: {  	v6 =	vld.idx.msk [tilespmem:v4+s4+$0x0], $0xffff  }
0x147: {  	v7 =	vld.idx.msk [tilespmem:v4+s24+$0x0], $0xffff;
	_ =	sdelay $0x4  }
0x148: {  	v6 =	vadd.f32 v7, v6;
	_ =	sdelay $0x1  }
0x149: {  	v6 =	vmax.f32 v6, $1.000000000e+00  }
0x14a: {  	(erf) = vrcp.f32 v6;
	_ =	sdelay $0x8  }
0x14b: {  	v6 =	vpop (erf)  }
0x14c: {  	s12 =	rddreg [dreg:$0x1b];
	[tilespmem:$0x1C380] =	vst v6  }
0x14d: {  	[tilespmem:s4], [sflag:$0xD] =	stream.linear.gather [hbm4b:s12+s15], $0x500, $0x38;
	[tilespmem:$0x1F630] =	vst v63  }
0x14e: {  	_ =	swait.ge [sflag:s22], $0x500  }
0x14f: {  	[sflag:s22] =	ssyncset.done $0x0  }
0x150: {  	s13 =	rddreg [dreg:$0x1c];
	[sflag:s22] =	ssyncadd.s32 $0xFFFFFB00  }
0x151: {  	[tilespmem:s24], [sflag:$0xD] =	stream.linear.gather [hbm4b:s13+s15], $0x500, $0x38;
	[tilespmem:$0x1F630] =	vst v63  }
0x152: {  	_ =	swait.ge [sflag:s22], $0x500  }
0x153: {  	[sflag:s22] =	ssyncset.done $0x0  }
0x154: {  	[sflag:s22] =	ssyncadd.s32 $0xFFFFFB00  }
0x155: {  	v6 =	vld.idx.msk [tilespmem:v0+s4+$0x0], $0xffff  }
0x156: {  	v7 =	vld.idx.msk [tilespmem:v0+s24+$0x0], $0xffff;
	_ =	sdelay $0x4  }
0x157: {  	v6 =	vadd.f32 v7, v6;
	_ =	sdelay $0x1  }
0x158: {  	v6 =	vmax.f32 v6, $1.000000000e+00  }
0x159: {  	(erf) = vrcp.f32 v6;
	_ =	sdelay $0x8  }
0x15a: {  	v6 =	vpop (erf)  }
0x15b: {  	[tilespmem:$0x1C390] =	vst v6  }
0x15c: {  	v6 =	vld.idx.msk [tilespmem:v1+s4+$0x0], $0xffff  }
0x15d: {  	v7 =	vld.idx.msk [tilespmem:v1+s24+$0x0], $0xffff;
	_ =	sdelay $0x4  }
0x15e: {  	v6 =	vadd.f32 v7, v6;
	_ =	sdelay $0x1  }
0x15f: {  	v6 =	vmax.f32 v6, $1.000000000e+00  }
0x160: {  	(erf) = vrcp.f32 v6;
	_ =	sdelay $0x8  }
0x161: {  	v6 =	vpop (erf)  }
0x162: {  	[tilespmem:$0x1C3A0] =	vst v6  }
0x163: {  	v6 =	vld.idx.msk [tilespmem:v2+s4+$0x0], $0xffff  }
0x164: {  	v7 =	vld.idx.msk [tilespmem:v2+s24+$0x0], $0xffff;
	_ =	sdelay $0x4  }
0x165: {  	v6 =	vadd.f32 v7, v6;
	_ =	sdelay $0x1  }
0x166: {  	v6 =	vmax.f32 v6, $1.000000000e+00  }
0x167: {  	(erf) = vrcp.f32 v6;
	_ =	sdelay $0x8  }
0x168: {  	v6 =	vpop (erf)  }
0x169: {  	[tilespmem:$0x1C3B0] =	vst v6  }
0x16a: {  	v6 =	vld.idx.msk [tilespmem:v3+s4+$0x0], $0xffff  }
0x16b: {  	v7 =	vld.idx.msk [tilespmem:v3+s24+$0x0], $0xffff;
	_ =	sdelay $0x4  }
0x16c: {  	v6 =	vadd.f32 v7, v6;
	_ =	sdelay $0x1  }
0x16d: {  	v6 =	vmax.f32 v6, $1.000000000e+00  }
0x16e: {  	(erf) = vrcp.f32 v6;
	_ =	sdelay $0x8  }
0x16f: {  	v6 =	vpop (erf)  }
0x170: {  	[tilespmem:$0x1C3C0] =	vst v6  }
0x171: {  	v6 =	vld.idx.msk [tilespmem:v4+s4+$0x0], $0xffff  }
0x172: {  	v7 =	vld.idx.msk [tilespmem:v4+s24+$0x0], $0xffff;
	_ =	sdelay $0x4  }
0x173: {  	v6 =	vadd.f32 v7, v6;
	_ =	sdelay $0x1  }
0x174: {  	v6 =	vmax.f32 v6, $1.000000000e+00  }
0x175: {  	(erf) = vrcp.f32 v6;
	_ =	sdelay $0x8  }
0x176: {  	v6 =	vpop (erf)  }
0x177: {  	s14 =	rddreg [dreg:$0x1d];
	[tilespmem:$0x1C3D0] =	vst v6  }
0x178: {  	[tilespmem:s4], [sflag:$0xD] =	stream.linear.gather [hbm4b:s14+s15], $0x500, $0x38;
	[tilespmem:$0x1F630] =	vst v63  }
0x179: {  	_ =	swait.ge [sflag:s22], $0x500  }
0x17a: {  	[sflag:s22] =	ssyncset.done $0x0  }
0x17b: {  	s16 =	rddreg [dreg:$0x1e];
	[sflag:s22] =	ssyncadd.s32 $0xFFFFFB00  }
0x17c: {  	[tilespmem:s24], [sflag:$0xD] =	stream.linear.gather [hbm4b:s16+s15], $0x500, $0x38;
	[tilespmem:$0x1F630] =	vst v63  }
0x17d: {  	_ =	swait.ge [sflag:s22], $0x500  }
0x17e: {  	[sflag:s22] =	ssyncset.done $0x0  }
0x17f: {  	[sflag:s22] =	ssyncadd.s32 $0xFFFFFB00  }
0x180: {  	v6 =	vld.idx.msk [tilespmem:v0+s4+$0x0], $0xffff  }
0x181: {  	v7 =	vld.idx.msk [tilespmem:v0+s24+$0x0], $0xffff;
	_ =	sdelay $0x4  }
0x182: {  	v6 =	vadd.f32 v7, v6;
	_ =	sdelay $0x1  }
0x183: {  	v6 =	vmax.f32 v6, $1.000000000e+00  }
0x184: {  	(erf) = vrcp.f32 v6;
	_ =	sdelay $0x8  }
0x185: {  	v6 =	vpop (erf)  }
0x186: {  	[tilespmem:$0x1C3E0] =	vst v6  }
0x187: {  	v6 =	vld.idx.msk [tilespmem:v1+s4+$0x0], $0xffff  }
0x188: {  	v7 =	vld.idx.msk [tilespmem:v1+s24+$0x0], $0xffff;
	_ =	sdelay $0x4  }
0x189: {  	v6 =	vadd.f32 v7, v6;
	_ =	sdelay $0x1  }
0x18a: {  	v6 =	vmax.f32 v6, $1.000000000e+00  }
0x18b: {  	(erf) = vrcp.f32 v6;
	_ =	sdelay $0x8  }
0x18c: {  	v6 =	vpop (erf)  }
0x18d: {  	[tilespmem:$0x1C3F0] =	vst v6  }
0x18e: {  	v6 =	vld.idx.msk [tilespmem:v2+s4+$0x0], $0xffff  }
0x18f: {  	v7 =	vld.idx.msk [tilespmem:v2+s24+$0x0], $0xffff;
	_ =	sdelay $0x4  }
0x190: {  	v6 =	vadd.f32 v7, v6;
	_ =	sdelay $0x1  }
0x191: {  	v6 =	vmax.f32 v6, $1.000000000e+00  }
0x192: {  	(erf) = vrcp.f32 v6;
	_ =	sdelay $0x8  }
0x193: {  	v6 =	vpop (erf)  }
0x194: {  	[tilespmem:$0x1C400] =	vst v6  }
0x195: {  	v6 =	vld.idx.msk [tilespmem:v3+s4+$0x0], $0xffff  }
0x196: {  	v7 =	vld.idx.msk [tilespmem:v3+s24+$0x0], $0xffff;
	_ =	sdelay $0x4  }
0x197: {  	v6 =	vadd.f32 v7, v6;
	_ =	sdelay $0x1  }
0x198: {  	v6 =	vmax.f32 v6, $1.000000000e+00  }
0x199: {  	(erf) = vrcp.f32 v6;
	_ =	sdelay $0x8  }
0x19a: {  	v6 =	vpop (erf)  }
0x19b: {  	[tilespmem:$0x1C410] =	vst v6  }
0x19c: {  	v6 =	vld.idx.msk [tilespmem:v4+s4+$0x0], $0xffff  }
0x19d: {  	v7 =	vld.idx.msk [tilespmem:v4+s24+$0x0], $0xffff;
	_ =	sdelay $0x4  }
0x19e: {  	v6 =	vadd.f32 v7, v6;
	_ =	sdelay $0x1  }
0x19f: {  	v6 =	vmax.f32 v6, $1.000000000e+00  }
0x1a0: {  	(erf) = vrcp.f32 v6;
	_ =	sdelay $0x7  }
0x1a1: {  	s17 =	sld [smem:$0x7F2]  }
0x1a2: {  	v6 =	vpop (erf)  }
0x1a3: {  	s18 =	simm.s32 $0x1C1B0;
	[tilespmem:$0x1C420] =	vst v6  }
0x1a4: {  	[spmem:s17] =	stream.linear.scatter [tilespmem:s18], [sflag:$0xD], $0x280, $0x38;
	[tilespmem:$0x1F630] =	vst v63  }
0x1a5: {  	s19 =	stileid.u32;
	_ =	swait.ge [sflag:s22], $0x280  }
0x1a6: {  	s20 =	sshll.u32 s19, $0x6;
	s24 =	rddreg [dreg:$0x1f]  }
0x1a7: {  	s21 =	sor.u32 $0x1C0D, s20;
	s26 =	rddreg [dreg:$0xa]  }
0x1a8: {  	[sflag:s22] =	ssyncset.done $0x0;
	[smem:$0x7EF] =	sst s21;
	s25 =	sshrl.u32 s24, $0x3  }
0x1a9: {  	[sflag:s22] =	ssyncadd.s32 $0xFFFFFD80;
	[smem:$0x7F0] =	sst s25  }
0x1aa: {  	[spmem:s25], [sflag:s21] =	dma.local [hbm:s26], $0x2800  }
0x1ab: {  	_ =	swait.ge [sflag:s22], $0x2800  }
0x1ac: {  	[sflag:s22] =	ssyncset.done $0x0  }
0x1ad: {  	[sflag:s22] =	ssyncadd.s32 $0xFFFFD800  }
0x1ae: {  	[tilespmem:$0x1C1B0] =	vst v5  }
0x1af: {  	[tilespmem:$0x1C1C0] =	vst v5  }
0x1b0: {  	[tilespmem:$0x1C1D0] =	vst v5  }
0x1b1: {  	[tilespmem:$0x1C1E0] =	vst v5  }
0x1b2: {  	[tilespmem:$0x1C1F0] =	vst v5  }
0x1b3: {  	[tilespmem:$0x1C200] =	vst v5  }
0x1b4: {  	[tilespmem:$0x1C210] =	vst v5  }
0x1b5: {  	[tilespmem:$0x1C220] =	vst v5  }
0x1b6: {  	[tilespmem:$0x1C230] =	vst v5  }
0x1b7: {  	[tilespmem:$0x1C240] =	vst v5  }
0x1b8: {  	[tilespmem:$0x1C250] =	vst v5  }
0x1b9: {  	[tilespmem:$0x1C260] =	vst v5  }
0x1ba: {  	[tilespmem:$0x1C270] =	vst v5  }
0x1bb: {  	[tilespmem:$0x1C280] =	vst v5  }
0x1bc: {  	[tilespmem:$0x1C290] =	vst v5  }
0x1bd: {  	[tilespmem:$0x1C2A0] =	vst v5  }
0x1be: {  	[tilespmem:$0x1C2B0] =	vst v5  }
0x1bf: {  	[tilespmem:$0x1C2C0] =	vst v5  }
0x1c0: {  	[tilespmem:$0x1C2D0] =	vst v5  }
0x1c1: {  	[tilespmem:$0x1C2E0] =	vst v5  }
0x1c2: {  	[tilespmem:$0x1C2F0] =	vst v5  }
0x1c3: {  	[tilespmem:$0x1C300] =	vst v5  }
0x1c4: {  	[tilespmem:$0x1C310] =	vst v5  }
0x1c5: {  	[tilespmem:$0x1C320] =	vst v5  }
0x1c6: {  	[tilespmem:$0x1C330] =	vst v5  }
0x1c7: {  	[tilespmem:$0x1C340] =	vst v5  }
0x1c8: {  	[tilespmem:$0x1C350] =	vst v5  }
0x1c9: {  	[tilespmem:$0x1C360] =	vst v5  }
0x1ca: {  	[tilespmem:$0x1C370] =	vst v5  }
0x1cb: {  	[tilespmem:$0x1C380] =	vst v5  }
0x1cc: {  	[tilespmem:$0x1C390] =	vst v5  }
0x1cd: {  	[tilespmem:$0x1C3A0] =	vst v5  }
0x1ce: {  	[tilespmem:$0x1C3B0] =	vst v5  }
0x1cf: {  	[tilespmem:$0x1C3C0] =	vst v5  }
0x1d0: {  	[tilespmem:$0x1C3D0] =	vst v5  }
0x1d1: {  	[tilespmem:$0x1C3E0] =	vst v5  }
0x1d2: {  	[tilespmem:$0x1C3F0] =	vst v5  }
0x1d3: {  	[tilespmem:$0x1C400] =	vst v5  }
0x1d4: {  	[tilespmem:$0x1C410] =	vst v5  }
0x1d5: {  	[tilespmem:$0x1C420] =	vst v5  }
0x1d6: {  	[spmem:s8] =	stream.linear.scatter [tilespmem:s18], [sflag:$0xD], $0x280, $0x38;
	[tilespmem:$0x1F630] =	vst v63  }
0x1d7: {  	_ =	swait.ge [sflag:s22], $0x280  }
0x1d8: {  	[sflag:s22] =	ssyncset.done $0x0  }
0x1d9: {  	[sflag:s22] =	ssyncadd.s32 $0xFFFFFD80  }
0x1da: {  	[bflag:$0x0] =	sbarrier.arrive $0xFFFF  }
0x1db: {  	s29 =	rddreg [dreg:$0x1]  }
0x1dc: {  	[tilespmem:s31], [sflag:$0xD] =	stream.linear.gather [spmem:s29], $0x2800, $0x38;
	[tilespmem:$0x1F630] =	vst v63  }
0x1dd: {  	s9 =	simm.s32 $0xC;
	_ =	swait.ge [sflag:s22], $0x2800  }
0x1de: {  	s24 =	simm.s32 $0xB;
	s21 =	simm.s32 $0x0;
	[sflag:s22] =	ssyncset.done $0x0  }
0x1df: {  	s8 =	simm.s32 $0xA;
	s25 =	sld [smem:$0x7FC];
	[sflag:s22] =	ssyncadd.s32 $0xFFFFD800  }
.LBB2_2:
0x1e0: {  	s0 =	simm.s32 $0x1  }
0x1e1: {  	_ =	swait.ge [sflag:s0], $0x2800  }
0x1e2: {  	s15 =	simm.s32 $0x145A0;
	[sflag:s0] =	ssyncset.done $0x0  }
0x1e3: {  	s26 =	simm.s32 $0x148C0;
	s11 =	simm.s32 $0x50;
	[sflag:s0] =	ssyncadd.s32 $0xFFFFD800  }
0x1e4: {  	[spmem:s2] =	stream.indirect.scatter.add.f32 [tilespmem:s26], [sflag:$0x4], $0x80, s15, s11, $0xb8;
	[tilespmem:$0x1F630] =	vst v63  }
0x1e5: {  	v6 =	vld [tilespmem:$0x145A0];
	_ =	sdelay $0x5  }
0x1e6: {  	v7 =	vld [tilespmem:$0x145B0];
	_ =	sdelay $0x1  }
0x1e7: {  	v6 =	vld.idx.msk [tilespmem:v6+s31+$0x0], $0xffff;
	_ =	sdelay $0x3  }
0x1e8: {  	v8 =	vld [tilespmem:$0x145C0]  }
0x1e9: {  	[tilespmem:$0x1C0C0] =	vst v6  }
0x1ea: {  	v6 =	vld.idx.msk [tilespmem:v7+s31+$0x0], $0xffff;
	_ =	sdelay $0x3  }
0x1eb: {  	v7 =	vld [tilespmem:$0x145D0]  }
0x1ec: {  	[tilespmem:$0x1C0D0] =	vst v6  }
0x1ed: {  	v6 =	vld.idx.msk [tilespmem:v8+s31+$0x0], $0xffff;
	_ =	sdelay $0x3  }
0x1ee: {  	v53 =	vld [tilespmem:$0x145E0]  }
0x1ef: {  	[tilespmem:$0x1C0E0] =	vst v6  }
0x1f0: {  	v6 =	vld.idx.msk [tilespmem:v7+s31+$0x0], $0xffff;
	_ =	sdelay $0x4  }
0x1f1: {  	[tilespmem:$0x1C0F0] =	vst v6  }
0x1f2: {  	v6 =	vld.idx.msk [tilespmem:v53+s31+$0x0], $0xffff;
	_ =	sdelay $0x4  }
0x1f3: {  	s10 =	simm.s32 $0x14500;
	s16 =	simm.s32 $0x1C0C0;
	s29 =	rddreg [dreg:$0x3];
	[tilespmem:$0x1C100] =	vst v6  }
0x1f4: {  	[spmem:s29] =	stream.indirect.scatter.add.f32 [tilespmem:s16], [sflag:$0x7], $0x1, s10, s11, $0xb8;
	[tilespmem:$0x1F630] =	vst v63  }
0x1f5: {  	_ =	swait.ge [sflag:s24], $0xA0  }
0x1f6: {  	[sflag:s24] =	ssyncset.done $0x0  }
0x1f7: {  	[sflag:s24] =	ssyncadd.s32 $0xFFFFFF60  }
0x1f8: {  	_ =	swait.ge [sflag:s24], $0xA0  }
0x1f9: {  	s1 =	sld [smem:$0x7F1]  }
0x1fa: {  	s19 =	simm.s32 $0x14640;
	[sflag:s24] =	ssyncset.done $0x0  }
0x1fb: {  	s18 =	simm.s32 $0x198C0;
	s14 =	simm.s32 $0x2;
	[sflag:s24] =	ssyncadd.s32 $0xFFFFFF60  }
0x1fc: {  	[tilespmem:s18], [sflag:$0x3] =	stream.indirect.gather [hbm4b:s1+s11], $0x80, s19, s11, $0xb8;
	[tilespmem:$0x1F630] =	vst v63  }
0x1fd: {  	_ =	swait.ge [sflag:s14], $0x2800  }
0x1fe: {  	[sflag:s14] =	ssyncset.done $0x0  }
0x1ff: {  	s5 =	simm.s32 $0x170C0;
	s3 =	simm.s32 $0x145F0;
	[sflag:s14] =	ssyncadd.s32 $0xFFFFD800  }
0x200: {  	[spmem:s2] =	stream.indirect.scatter.add.f32 [tilespmem:s5], [sflag:$0x5], $0x80, s3, s11, $0xb8;
	[tilespmem:$0x1F630] =	vst v63  }
0x201: {  	v6 =	vld [tilespmem:$0x145F0];
	_ =	sdelay $0x5  }
0x202: {  	v7 =	vld [tilespmem:$0x14600];
	_ =	sdelay $0x1  }
0x203: {  	v6 =	vld.idx.msk [tilespmem:v6+s31+$0x0], $0xffff;
	_ =	sdelay $0x3  }
0x204: {  	v54 =	vld [tilespmem:$0x14610]  }
0x205: {  	[tilespmem:$0x1C110] =	vst v6  }
0x206: {  	v6 =	vld.idx.msk [tilespmem:v7+s31+$0x0], $0xffff;
	_ =	sdelay $0x3  }
0x207: {  	v7 =	vld [tilespmem:$0x14620]  }
0x208: {  	[tilespmem:$0x1C120] =	vst v6  }
0x209: {  	v6 =	vld.idx.msk [tilespmem:v54+s31+$0x0], $0xffff;
	_ =	sdelay $0x3  }
0x20a: {  	v55 =	vld [tilespmem:$0x14630]  }
0x20b: {  	[tilespmem:$0x1C130] =	vst v6  }
0x20c: {  	v6 =	vld.idx.msk [tilespmem:v7+s31+$0x0], $0xffff;
	_ =	sdelay $0x4  }
0x20d: {  	[tilespmem:$0x1C140] =	vst v6  }
0x20e: {  	v6 =	vld.idx.msk [tilespmem:v55+s31+$0x0], $0xffff;
	_ =	sdelay $0x4  }
0x20f: {  	s20 =	simm.s32 $0x14550;
	s7 =	simm.s32 $0x1C110;
	s6 =	simm.s32 $0x4;
	[tilespmem:$0x1C150] =	vst v6  }
0x210: {  	[spmem:s29] =	stream.indirect.scatter.add.f32 [tilespmem:s7], [sflag:$0x8], $0x1, s20, s11, $0xb8;
	[tilespmem:$0x1F630] =	vst v63  }
0x211: {  	_ =	swait.ge [sflag:s6], $0x2800  }
0x212: {  	[sflag:s6] =	ssyncset.done $0x0  }
0x213: {  	[sflag:s6] =	ssyncadd.s32 $0xFFFFD800  }
0x214: {  	_ =	swait.ge [sflag:s30], $0x50  }
0x215: {  	[sflag:s30] =	ssyncset.done $0x0  }
0x216: {  	s20 =	simm.s32 $0x14690;
	[sflag:s30] =	ssyncadd.s32 $0xFFFFFFB0  }
0x217: {  	[tilespmem:s26], [sflag:$0x1] =	stream.indirect.gather [hbm4b:s1+s11], $0x80, s20, s11, $0xb8;
	[tilespmem:$0x1F630] =	vst v63  }
0x218: {  	_ =	swait.ge [sflag:s23], $0x2800  }
0x219: {  	[sflag:s23] =	ssyncset.done $0x0  }
0x21a: {  	s17 =	simm.s32 $0x146E0;
	[sflag:s23] =	ssyncadd.s32 $0xFFFFD800  }
0x21b: {  	[spmem:s2] =	stream.indirect.scatter.add.f32 [tilespmem:s18], [sflag:$0x6], $0x80, s17, s11, $0xb8;
	[tilespmem:$0x1F630] =	vst v63  }
0x21c: {  	v6 =	vld [tilespmem:$0x146E0];
	_ =	sdelay $0x5  }
0x21d: {  	v7 =	vld [tilespmem:$0x146F0];
	_ =	sdelay $0x1  }
0x21e: {  	v6 =	vld.idx.msk [tilespmem:v6+s31+$0x0], $0xffff;
	_ =	sdelay $0x3  }
0x21f: {  	v56 =	vld [tilespmem:$0x14700]  }
0x220: {  	[tilespmem:$0x1C160] =	vst v6  }
0x221: {  	v6 =	vld.idx.msk [tilespmem:v7+s31+$0x0], $0xffff;
	_ =	sdelay $0x3  }
0x222: {  	v7 =	vld [tilespmem:$0x14710]  }
0x223: {  	[tilespmem:$0x1C170] =	vst v6  }
0x224: {  	v6 =	vld.idx.msk [tilespmem:v56+s31+$0x0], $0xffff;
	_ =	sdelay $0x3  }
0x225: {  	v57 =	vld [tilespmem:$0x14720]  }
0x226: {  	[tilespmem:$0x1C180] =	vst v6  }
0x227: {  	v6 =	vld.idx.msk [tilespmem:v7+s31+$0x0], $0xffff;
	_ =	sdelay $0x4  }
0x228: {  	[tilespmem:$0x1C190] =	vst v6  }
0x229: {  	v6 =	vld.idx.msk [tilespmem:v57+s31+$0x0], $0xffff;
	_ =	sdelay $0x4  }
0x22a: {  	s22 =	simm.s32 $0x1C160;
	s12 =	simm.s32 $0x5;
	[tilespmem:$0x1C1A0] =	vst v6  }
0x22b: {  	[spmem:s29] =	stream.indirect.scatter.add.f32 [tilespmem:s22], [sflag:$0x9], $0x1, s19, s11, $0xb8;
	[tilespmem:$0x1F630] =	vst v63  }
0x22c: {  	_ =	swait.ge [sflag:s12], $0x2800  }
0x22d: {  	[sflag:s12] =	ssyncset.done $0x0  }
0x22e: {  	[sflag:s12] =	ssyncadd.s32 $0xFFFFD800  }
0x22f: {  	_ =	swait.ge [sflag:s28], $0x50  }
0x230: {  	[sflag:s28] =	ssyncset.done $0x0  }
0x231: {  	[sflag:s28] =	ssyncadd.s32 $0xFFFFFFB0  }
0x232: {  	_ =	swait.ge [sflag:s9], $0xA0  }
0x233: {  	[sflag:s9] =	ssyncset.done $0x0  }
0x234: {  	[sflag:s9] =	ssyncadd.s32 $0xFFFFFF60  }
0x235: {  	_ =	swait.ge [sflag:s9], $0xA0  }
0x236: {  	[sflag:s9] =	ssyncset.done $0x0;
	s4 =	sld [smem:$0x7F5]  }
0x237: {  	s13 =	simm.s32 $0x14780;
	s22 =	sshrl.u32 s25, $0x3;
	[sflag:s9] =	ssyncadd.s32 $0xFFFFFF60  }
0x238: {  	[tilespmem:s5], [sflag:$0x2] =	stream.indirect.gather [hbm4b:s1+s11], $0x80, s13, s11, $0xb8;
	[tilespmem:$0x1F630] =	vst v63  }
0x239: {  	s3 =	sadd.s32 s4, s22;
	s4 =	smov.u32 s2;
	s2 =	simm.s32 $0x0  }
0x23a: {  	[tilespmem:s10], [sflag:$0xA] =	stream.linear.gather [hbm4b:s3+s2], $0xA0, $0x38;
	[tilespmem:$0x1F630] =	vst v63  }
0x23b: {  	s3 =	sld [smem:$0x7F7];
	_ =	sdelay $0x2  }
0x23c: {  	s3 =	sadd.s32 s3, s22  }
0x23d: {  	[tilespmem:s15], [sflag:$0xA] =	stream.linear.gather [hbm4b:s3+s2], $0xA0, $0x38;
	[tilespmem:$0x1F630] =	vst v63  }
0x23e: {  	_ =	swait.ge [sflag:s0], $0x2800  }
0x23f: {  	[sflag:s0] =	ssyncset.done $0x0  }
0x240: {  	[sflag:s0] =	ssyncadd.s32 $0xFFFFD800;
	s0 =	simm.s32 $0x14730  }
0x241: {  	[spmem:s4] =	stream.indirect.scatter.add.f32 [tilespmem:s26], [sflag:$0x4], $0x80, s0, s11, $0xb8;
	[tilespmem:$0x1F630] =	vst v63  }
0x242: {  	v6 =	vld [tilespmem:$0x14730];
	_ =	sdelay $0x5  }
0x243: {  	v7 =	vld [tilespmem:$0x14740];
	_ =	sdelay $0x1  }
0x244: {  	v6 =	vld.idx.msk [tilespmem:v6+s31+$0x0], $0xffff;
	_ =	sdelay $0x3  }
0x245: {  	v58 =	vld [tilespmem:$0x14750]  }
0x246: {  	[tilespmem:$0x1C0C0] =	vst v6  }
0x247: {  	v6 =	vld.idx.msk [tilespmem:v7+s31+$0x0], $0xffff;
	_ =	sdelay $0x3  }
0x248: {  	v7 =	vld [tilespmem:$0x14760]  }
0x249: {  	[tilespmem:$0x1C0D0] =	vst v6  }
0x24a: {  	v6 =	vld.idx.msk [tilespmem:v58+s31+$0x0], $0xffff;
	_ =	sdelay $0x3  }
0x24b: {  	v59 =	vld [tilespmem:$0x14770]  }
0x24c: {  	[tilespmem:$0x1C0E0] =	vst v6  }
0x24d: {  	v6 =	vld.idx.msk [tilespmem:v7+s31+$0x0], $0xffff;
	_ =	sdelay $0x4  }
0x24e: {  	[tilespmem:$0x1C0F0] =	vst v6  }
0x24f: {  	v6 =	vld.idx.msk [tilespmem:v59+s31+$0x0], $0xffff;
	_ =	sdelay $0x4  }
0x250: {  	[tilespmem:$0x1C100] =	vst v6  }
0x251: {  	[spmem:s29] =	stream.indirect.scatter.add.f32 [tilespmem:s16], [sflag:$0x7], $0x1, s20, s11, $0xb8;
	[tilespmem:$0x1F630] =	vst v63  }
0x252: {  	s20 =	simm.s32 $0x6  }
0x253: {  	_ =	swait.ge [sflag:s20], $0x2800  }
0x254: {  	[sflag:s20] =	ssyncset.done $0x0  }
0x255: {  	s16 =	simm.s32 $0x9;
	[sflag:s20] =	ssyncadd.s32 $0xFFFFD800  }
0x256: {  	_ =	swait.ge [sflag:s16], $0x50  }
0x257: {  	[sflag:s16] =	ssyncset.done $0x0  }
0x258: {  	s15 =	simm.s32 $0x147D0;
	[sflag:s16] =	ssyncadd.s32 $0xFFFFFFB0  }
0x259: {  	[tilespmem:s18], [sflag:$0x3] =	stream.indirect.gather [hbm4b:s1+s11], $0x80, s15, s11, $0xb8;
	[tilespmem:$0x1F630] =	vst v63  }
0x25a: {  	_ =	swait.ge [sflag:s14], $0x2800  }
0x25b: {  	[sflag:s14] =	ssyncset.done $0x0  }
0x25c: {  	s3 =	simm.s32 $0x14820;
	[sflag:s14] =	ssyncadd.s32 $0xFFFFD800  }
0x25d: {  	[spmem:s4] =	stream.indirect.scatter.add.f32 [tilespmem:s5], [sflag:$0x5], $0x80, s3, s11, $0xb8;
	[tilespmem:$0x1F630] =	vst v63  }
0x25e: {  	v6 =	vld [tilespmem:$0x14820];
	_ =	sdelay $0x5  }
0x25f: {  	v7 =	vld [tilespmem:$0x14830];
	_ =	sdelay $0x1  }
0x260: {  	v6 =	vld.idx.msk [tilespmem:v6+s31+$0x0], $0xffff;
	_ =	sdelay $0x3  }
0x261: {  	v60 =	vld [tilespmem:$0x14840]  }
0x262: {  	[tilespmem:$0x1C110] =	vst v6  }
0x263: {  	v6 =	vld.idx.msk [tilespmem:v7+s31+$0x0], $0xffff;
	_ =	sdelay $0x3  }
0x264: {  	v7 =	vld [tilespmem:$0x14850]  }
0x265: {  	[tilespmem:$0x1C120] =	vst v6  }
0x266: {  	v6 =	vld.idx.msk [tilespmem:v60+s31+$0x0], $0xffff;
	_ =	sdelay $0x3  }
0x267: {  	v61 =	vld [tilespmem:$0x14860]  }
0x268: {  	[tilespmem:$0x1C130] =	vst v6  }
0x269: {  	v6 =	vld.idx.msk [tilespmem:v7+s31+$0x0], $0xffff;
	_ =	sdelay $0x4  }
0x26a: {  	[tilespmem:$0x1C140] =	vst v6  }
0x26b: {  	v6 =	vld.idx.msk [tilespmem:v61+s31+$0x0], $0xffff;
	_ =	sdelay $0x4  }
0x26c: {  	[tilespmem:$0x1C150] =	vst v6  }
0x26d: {  	[spmem:s29] =	stream.indirect.scatter.add.f32 [tilespmem:s7], [sflag:$0x8], $0x1, s13, s11, $0xb8;
	[tilespmem:$0x1F630] =	vst v63  }
0x26e: {  	_ =	swait.ge [sflag:s6], $0x2800  }
0x26f: {  	[sflag:s6] =	ssyncset.done $0x0  }
0x270: {  	[sflag:s6] =	ssyncadd.s32 $0xFFFFD800  }
0x271: {  	_ =	swait.ge [sflag:s30], $0x50  }
0x272: {  	[sflag:s30] =	ssyncset.done $0x0  }
0x273: {  	[sflag:s30] =	ssyncadd.s32 $0xFFFFFFB0  }
0x274: {  	_ =	swait.ge [sflag:s8], $0xA0  }
0x275: {  	[sflag:s8] =	ssyncset.done $0x0  }
0x276: {  	[sflag:s8] =	ssyncadd.s32 $0xFFFFFF60  }
0x277: {  	_ =	swait.ge [sflag:s8], $0xA0  }
0x278: {  	[sflag:s8] =	ssyncset.done $0x0  }
0x279: {  	s7 =	rddreg [dreg:$0x8];
	[sflag:s8] =	ssyncadd.s32 $0xFFFFFF60  }
0x27a: {  	[tilespmem:s26], [sflag:$0x1] =	stream.indirect.gather [hbm4b:s1+s11], $0x80, s10, s11, $0xb8;
	[tilespmem:$0x1F630] =	vst v63  }
0x27b: {  	s13 =	rddreg [dreg:$0x7];
	s3 =	sadd.s32 s21, s7  }
0x27c: {  	[tilespmem:s19], [sflag:$0xB] =	stream.linear.gather [hbm4b:s3+s2], $0xA0, $0x38;
	[tilespmem:$0x1F630] =	vst v63  }
0x27d: {  	s14 =	sadd.s32 s21, s13  }
0x27e: {  	[tilespmem:s17], [sflag:$0xB] =	stream.linear.gather [hbm4b:s14+s2], $0xA0, $0x38;
	[tilespmem:$0x1F630] =	vst v63  }
0x27f: {  	_ =	swait.ge [sflag:s23], $0x2800  }
0x280: {  	[sflag:s23] =	ssyncset.done $0x0  }
0x281: {  	s17 =	rddreg [dreg:$0x9];
	[sflag:s23] =	ssyncadd.s32 $0xFFFFD800  }
0x282: {  	[spmem:s4] =	stream.indirect.scatter.add.f32 [tilespmem:s18], [sflag:$0x6], $0x80, s17, s11, $0xb8;
	[tilespmem:$0x1F630] =	vst v63  }
0x283: {  	v6 =	vld [tilespmem:$0x14870];
	_ =	sdelay $0x5  }
0x284: {  	v7 =	vld [tilespmem:$0x14880];
	_ =	sdelay $0x1  }
0x285: {  	v6 =	vld.idx.msk [tilespmem:v6+s31+$0x0], $0xffff;
	_ =	sdelay $0x3  }
0x286: {  	v62 =	vld [tilespmem:$0x14890]  }
0x287: {  	[tilespmem:$0x1C160] =	vst v6  }
0x288: {  	v6 =	vld.idx.msk [tilespmem:v7+s31+$0x0], $0xffff;
	_ =	sdelay $0x3  }
0x289: {  	v7 =	vld [tilespmem:$0x148A0]  }
0x28a: {  	[tilespmem:$0x1C170] =	vst v6  }
0x28b: {  	v6 =	vld.idx.msk [tilespmem:v62+s31+$0x0], $0xffff;
	_ =	sdelay $0x3  }
0x28c: {  	v63 =	vld [tilespmem:$0x148B0]  }
0x28d: {  	[tilespmem:$0x1C180] =	vst v6  }
0x28e: {  	v6 =	vld.idx.msk [tilespmem:v7+s31+$0x0], $0xffff;
	_ =	sdelay $0x4  }
0x28f: {  	[tilespmem:$0x1C190] =	vst v6  }
0x290: {  	v6 =	vld.idx.msk [tilespmem:v63+s31+$0x0], $0xffff;
	_ =	sdelay $0x4  }
0x291: {  	s22 =	simm.s32 $0x1C160;
	[tilespmem:$0x1C1A0] =	vst v6  }
0x292: {  	[spmem:s29] =	stream.indirect.scatter.add.f32 [tilespmem:s22], [sflag:$0x9], $0x1, s15, s11, $0xb8;
	[tilespmem:$0x1F630] =	vst v63  }
0x293: {  	_ =	swait.ge [sflag:s12], $0x2800  }
0x294: {  	[sflag:s12] =	ssyncset.done $0x0  }
0x295: {  	[sflag:s12] =	ssyncadd.s32 $0xFFFFD800  }
0x296: {  	p0 =	seq.s32 s21, $0x474;
	_ =	swait.ge [sflag:s28], $0x50  }
0x297: {  	s17 =	simm.s32 @!p0 $0x0;
	[sflag:s28] =	ssyncset.done $0x0  }
0x298: {  	s29 =	simm.s32 $0x14550;
	s3 =	rddreg [dreg:$0x6];
	[sflag:s28] =	ssyncadd.s32 $0xFFFFFFB0  }
0x299: {  	[tilespmem:s5], [sflag:$0x2] =	stream.indirect.gather [hbm4b:s1+s11], $0x80, s29, s11, $0xb8;
	[tilespmem:$0x1F630] =	vst v63  }
0x29a: {  	s15 =	simm.s32 @!p0 $0x14780;
	s22 =	rddreg [dreg:$0x5];
	s3 =	sadd.s32 @!p0 s21, s3  }
0x29b: {  	[tilespmem:s15], [sflag:$0xC] =	stream.linear.gather @!p0 [hbm4b:s3+s17], $0xA0, $0x38;
	[tilespmem:$0x1F630] =	vst v63  }
0x29c: {  	s3 =	sadd.s32 @!p0 s21, s22;
	s15 =	simm.s32 @!p0 $0x14820;
	s21 =	sadd.s32 $0x3C, s21  }
0x29d: {  	[tilespmem:s15], [sflag:$0xC] =	stream.linear.gather @!p0 [hbm4b:s3+s17], $0xA0, $0x38;
	[tilespmem:$0x1F630] =	vst v63  }
0x29e: {  	p0 =	sne.s32 s21, $0x4B0;
	_ =	swait.ge [sflag:s20], $0x2800  }
.Ltmp0:
0x29f: {  	[sflag:s20] =	ssyncset.done $0x0;
	(pc) =	sbr.rel @p0 .LBB2_2-.Ltmp0, $4  }
0x2a0: {  	[sflag:s20] =	ssyncadd.s32 $0xFFFFD800  }
0x2a1: {  	s25 =	sadd.s32 $0x1E0, s25;
	_ =	swait.ge [sflag:s16], $0x50  }
0x2a2: {  	s26 =	simm.s32 $0x1C160;
	s10 =	simm.s32 $0x14550;
	[sflag:s16] =	ssyncset.done $0x0  }
0x2a3: {  	s19 =	simm.s32 $0x146E0;
	s2 =	smov.u32 s4;
	[sflag:s16] =	ssyncadd.s32 $0xFFFFFFB0  }
0x2a4: {  	s13 =	simm.s32 $0x1  }
0x2a5: {  	_ =	swait.ge [sflag:s13], $0x2800  }
0x2a6: {  	s15 =	simm.s32 $0x145A0;
	[sflag:s13] =	ssyncset.done $0x0  }
0x2a7: {  	s17 =	simm.s32 $0x148C0;
	s20 =	simm.s32 $0x50;
	[sflag:s13] =	ssyncadd.s32 $0xFFFFD800  }
0x2a8: {  	[spmem:s2] =	stream.indirect.scatter.add.f32 [tilespmem:s17], [sflag:$0x4], $0x80, s15, s20, $0xb8;
	[tilespmem:$0x1F630] =	vst v63  }
0x2a9: {  	v6 =	vld [tilespmem:$0x145A0];
	_ =	sdelay $0x5  }
0x2aa: {  	v7 =	vld [tilespmem:$0x145B0];
	_ =	sdelay $0x1  }
0x2ab: {  	v6 =	vld.idx.msk [tilespmem:v6+s31+$0x0], $0xffff;
	_ =	sdelay $0x3  }
0x2ac: {  	v8 =	vld [tilespmem:$0x145C0]  }
0x2ad: {  	[tilespmem:$0x1C0C0] =	vst v6  }
0x2ae: {  	v6 =	vld.idx.msk [tilespmem:v7+s31+$0x0], $0xffff;
	_ =	sdelay $0x3  }
0x2af: {  	v7 =	vld [tilespmem:$0x145D0]  }
0x2b0: {  	[tilespmem:$0x1C0D0] =	vst v6  }
0x2b1: {  	v6 =	vld.idx.msk [tilespmem:v8+s31+$0x0], $0xffff;
	_ =	sdelay $0x3  }
0x2b2: {  	v55 =	vld [tilespmem:$0x145E0]  }
0x2b3: {  	[tilespmem:$0x1C0E0] =	vst v6  }
0x2b4: {  	v6 =	vld.idx.msk [tilespmem:v7+s31+$0x0], $0xffff;
	_ =	sdelay $0x4  }
0x2b5: {  	[tilespmem:$0x1C0F0] =	vst v6  }
0x2b6: {  	v6 =	vld.idx.msk [tilespmem:v55+s31+$0x0], $0xffff;
	_ =	sdelay $0x4  }
0x2b7: {  	s9 =	simm.s32 $0x14500;
	s5 =	simm.s32 $0x1C0C0;
	s8 =	rddreg [dreg:$0x3];
	[tilespmem:$0x1C100] =	vst v6  }
0x2b8: {  	[spmem:s8] =	stream.indirect.scatter.add.f32 [tilespmem:s5], [sflag:$0x7], $0x1, s9, s20, $0xb8;
	[tilespmem:$0x1F630] =	vst v63  }
0x2b9: {  	_ =	swait.ge [sflag:s24], $0xA0  }
0x2ba: {  	[sflag:s24] =	ssyncset.done $0x0  }
0x2bb: {  	[sflag:s24] =	ssyncadd.s32 $0xFFFFFF60  }
0x2bc: {  	_ =	swait.ge [sflag:s24], $0xA0  }
0x2bd: {  	s1 =	sld [smem:$0x7F1]  }
0x2be: {  	s3 =	simm.s32 $0x14640;
	[sflag:s24] =	ssyncset.done $0x0  }
0x2bf: {  	s11 =	simm.s32 $0x198C0;
	s14 =	simm.s32 $0x2;
	[sflag:s24] =	ssyncadd.s32 $0xFFFFFF60  }
0x2c0: {  	[tilespmem:s11], [sflag:$0x3] =	stream.indirect.gather [hbm4b:s1+s20], $0x80, s3, s20, $0xb8;
	[tilespmem:$0x1F630] =	vst v63  }
0x2c1: {  	_ =	swait.ge [sflag:s14], $0x2800  }
0x2c2: {  	[sflag:s14] =	ssyncset.done $0x0  }
0x2c3: {  	s16 =	simm.s32 $0x170C0;
	s6 =	simm.s32 $0x145F0;
	[sflag:s14] =	ssyncadd.s32 $0xFFFFD800  }
0x2c4: {  	[spmem:s2] =	stream.indirect.scatter.add.f32 [tilespmem:s16], [sflag:$0x5], $0x80, s6, s20, $0xb8;
	[tilespmem:$0x1F630] =	vst v63  }
0x2c5: {  	v6 =	vld [tilespmem:$0x145F0];
	_ =	sdelay $0x5  }
0x2c6: {  	v7 =	vld [tilespmem:$0x14600];
	_ =	sdelay $0x1  }
0x2c7: {  	v6 =	vld.idx.msk [tilespmem:v6+s31+$0x0], $0xffff;
	_ =	sdelay $0x3  }
0x2c8: {  	v56 =	vld [tilespmem:$0x14610]  }
0x2c9: {  	[tilespmem:$0x1C110] =	vst v6  }
0x2ca: {  	v6 =	vld.idx.msk [tilespmem:v7+s31+$0x0], $0xffff;
	_ =	sdelay $0x3  }
0x2cb: {  	v7 =	vld [tilespmem:$0x14620]  }
0x2cc: {  	[tilespmem:$0x1C120] =	vst v6  }
0x2cd: {  	v6 =	vld.idx.msk [tilespmem:v56+s31+$0x0], $0xffff;
	_ =	sdelay $0x3  }
0x2ce: {  	v57 =	vld [tilespmem:$0x14630]  }
0x2cf: {  	[tilespmem:$0x1C130] =	vst v6  }
0x2d0: {  	v6 =	vld.idx.msk [tilespmem:v7+s31+$0x0], $0xffff;
	_ =	sdelay $0x4  }
0x2d1: {  	[tilespmem:$0x1C140] =	vst v6  }
0x2d2: {  	v6 =	vld.idx.msk [tilespmem:v57+s31+$0x0], $0xffff;
	_ =	sdelay $0x4  }
0x2d3: {  	s7 =	simm.s32 $0x1C110;
	s6 =	simm.s32 $0x4;
	[tilespmem:$0x1C150] =	vst v6  }
0x2d4: {  	[spmem:s8] =	stream.indirect.scatter.add.f32 [tilespmem:s7], [sflag:$0x8], $0x1, s10, s20, $0xb8;
	[tilespmem:$0x1F630] =	vst v63  }
0x2d5: {  	_ =	swait.ge [sflag:s6], $0x2800  }
0x2d6: {  	[sflag:s6] =	ssyncset.done $0x0  }
0x2d7: {  	s12 =	simm.s32 $0x7;
	[sflag:s6] =	ssyncadd.s32 $0xFFFFD800  }
0x2d8: {  	_ =	swait.ge [sflag:s12], $0x50  }
0x2d9: {  	[sflag:s12] =	ssyncset.done $0x0  }
0x2da: {  	s18 =	simm.s32 $0x14690;
	s0 =	simm.s32 $0x3;
	[sflag:s12] =	ssyncadd.s32 $0xFFFFFFB0  }
0x2db: {  	[tilespmem:s17], [sflag:$0x1] =	stream.indirect.gather [hbm4b:s1+s20], $0x80, s18, s20, $0xb8;
	[tilespmem:$0x1F630] =	vst v63  }
0x2dc: {  	_ =	swait.ge [sflag:s0], $0x2800  }
0x2dd: {  	[sflag:s0] =	ssyncset.done $0x0  }
0x2de: {  	[sflag:s0] =	ssyncadd.s32 $0xFFFFD800  }
0x2df: {  	[spmem:s2] =	stream.indirect.scatter.add.f32 [tilespmem:s11], [sflag:$0x6], $0x80, s19, s20, $0xb8;
	[tilespmem:$0x1F630] =	vst v63  }
0x2e0: {  	v6 =	vld [tilespmem:$0x146E0];
	_ =	sdelay $0x5  }
0x2e1: {  	v7 =	vld [tilespmem:$0x146F0];
	_ =	sdelay $0x1  }
0x2e2: {  	v6 =	vld.idx.msk [tilespmem:v6+s31+$0x0], $0xffff;
	_ =	sdelay $0x3  }
0x2e3: {  	v58 =	vld [tilespmem:$0x14700]  }
0x2e4: {  	[tilespmem:$0x1C160] =	vst v6  }
0x2e5: {  	v6 =	vld.idx.msk [tilespmem:v7+s31+$0x0], $0xffff;
	_ =	sdelay $0x3  }
0x2e6: {  	v7 =	vld [tilespmem:$0x14710]  }
0x2e7: {  	[tilespmem:$0x1C170] =	vst v6  }
0x2e8: {  	v6 =	vld.idx.msk [tilespmem:v58+s31+$0x0], $0xffff;
	_ =	sdelay $0x3  }
0x2e9: {  	v59 =	vld [tilespmem:$0x14720]  }
0x2ea: {  	[tilespmem:$0x1C180] =	vst v6  }
0x2eb: {  	v6 =	vld.idx.msk [tilespmem:v7+s31+$0x0], $0xffff;
	_ =	sdelay $0x4  }
0x2ec: {  	[tilespmem:$0x1C190] =	vst v6  }
0x2ed: {  	v6 =	vld.idx.msk [tilespmem:v59+s31+$0x0], $0xffff;
	_ =	sdelay $0x4  }
0x2ee: {  	s11 =	simm.s32 $0x5;
	[tilespmem:$0x1C1A0] =	vst v6  }
0x2ef: {  	[spmem:s8] =	stream.indirect.scatter.add.f32 [tilespmem:s26], [sflag:$0x9], $0x1, s3, s20, $0xb8;
	[tilespmem:$0x1F630] =	vst v63  }
0x2f0: {  	_ =	swait.ge [sflag:s11], $0x2800  }
0x2f1: {  	[sflag:s11] =	ssyncset.done $0x0  }
0x2f2: {  	s0 =	simm.s32 $0x8;
	[sflag:s11] =	ssyncadd.s32 $0xFFFFD800  }
0x2f3: {  	_ =	swait.ge [sflag:s0], $0x50  }
0x2f4: {  	s24 =	sld [smem:$0x7F6]  }
0x2f5: {  	[sflag:s0] =	ssyncset.done $0x0  }
0x2f6: {  	s22 =	simm.s32 $0xD;
	s26 =	simm.s32 $0x0;
	[sflag:s0] =	ssyncadd.s32 $0xFFFFFFB0  }
0x2f7: {  	[tilespmem:s9], [sflag:$0xD] =	stream.linear.gather [hbm4b:s24+s26], $0x50, $0x38;
	[tilespmem:$0x1F630] =	vst v63  }
0x2f8: {  	_ =	swait.ge [sflag:s22], $0x50  }
0x2f9: {  	s29 =	sld [smem:$0x7F8]  }
0x2fa: {  	[sflag:s22] =	ssyncset.done $0x0  }
0x2fb: {  	[sflag:s22] =	ssyncadd.s32 $0xFFFFFFB0  }
0x2fc: {  	[tilespmem:s15], [sflag:$0xD] =	stream.linear.gather [hbm4b:s29+s26], $0x50, $0x38;
	[tilespmem:$0x1F630] =	vst v63  }
0x2fd: {  	_ =	swait.ge [sflag:s22], $0x50  }
0x2fe: {  	[sflag:s22] =	ssyncset.done $0x0  }
0x2ff: {  	[sflag:s22] =	ssyncadd.s32 $0xFFFFFFB0  }
0x300: {  	[tilespmem:s16], [sflag:$0x2] =	stream.indirect.gather [hbm4b:s1+s20], $0x80, s9, s20, $0xb8;
	[tilespmem:$0x1F630] =	vst v63  }
0x301: {  	_ =	swait.ge [sflag:s13], $0x2800  }
0x302: {  	[sflag:s13] =	ssyncset.done $0x0  }
0x303: {  	s3 =	simm.s32 $0x14730;
	[sflag:s13] =	ssyncadd.s32 $0xFFFFD800  }
0x304: {  	[spmem:s4] =	stream.indirect.scatter.add.f32 [tilespmem:s17], [sflag:$0x4], $0x80, s3, s20, $0xb8;
	[tilespmem:$0x1F630] =	vst v63  }
0x305: {  	v6 =	vld [tilespmem:$0x14730];
	_ =	sdelay $0x5  }
0x306: {  	v7 =	vld [tilespmem:$0x14740];
	_ =	sdelay $0x1  }
0x307: {  	v6 =	vld.idx.msk [tilespmem:v6+s31+$0x0], $0xffff;
	_ =	sdelay $0x3  }
0x308: {  	v60 =	vld [tilespmem:$0x14750]  }
0x309: {  	[tilespmem:$0x1C0C0] =	vst v6  }
0x30a: {  	v6 =	vld.idx.msk [tilespmem:v7+s31+$0x0], $0xffff;
	_ =	sdelay $0x3  }
0x30b: {  	v7 =	vld [tilespmem:$0x14760]  }
0x30c: {  	[tilespmem:$0x1C0D0] =	vst v6  }
0x30d: {  	v6 =	vld.idx.msk [tilespmem:v60+s31+$0x0], $0xffff;
	_ =	sdelay $0x3  }
0x30e: {  	v61 =	vld [tilespmem:$0x14770]  }
0x30f: {  	[tilespmem:$0x1C0E0] =	vst v6  }
0x310: {  	v6 =	vld.idx.msk [tilespmem:v7+s31+$0x0], $0xffff;
	_ =	sdelay $0x4  }
0x311: {  	[tilespmem:$0x1C0F0] =	vst v6  }
0x312: {  	v6 =	vld.idx.msk [tilespmem:v61+s31+$0x0], $0xffff;
	_ =	sdelay $0x4  }
0x313: {  	[tilespmem:$0x1C100] =	vst v6  }
0x314: {  	[spmem:s8] =	stream.indirect.scatter.add.f32 [tilespmem:s5], [sflag:$0x7], $0x1, s18, s20, $0xb8;
	[tilespmem:$0x1F630] =	vst v63  }
0x315: {  	s5 =	simm.s32 $0x6  }
0x316: {  	_ =	swait.ge [sflag:s5], $0x2800  }
0x317: {  	[sflag:s5] =	ssyncset.done $0x0  }
0x318: {  	s13 =	simm.s32 $0x9;
	[sflag:s5] =	ssyncadd.s32 $0xFFFFD800  }
0x319: {  	_ =	swait.ge [sflag:s13], $0x50  }
0x31a: {  	[sflag:s13] =	ssyncset.done $0x0  }
0x31b: {  	[sflag:s13] =	ssyncadd.s32 $0xFFFFFFB0  }
0x31c: {  	_ =	swait.ge [sflag:s14], $0x2800  }
0x31d: {  	[sflag:s14] =	ssyncset.done $0x0  }
0x31e: {  	[sflag:s14] =	ssyncadd.s32 $0xFFFFD800  }
0x31f: {  	[spmem:s4] =	stream.indirect.scatter.add.f32 [tilespmem:s16], [sflag:$0x5], $0x80, s15, s20, $0xb8;
	[tilespmem:$0x1F630] =	vst v63  }
0x320: {  	v6 =	vld [tilespmem:$0x145A0];
	_ =	sdelay $0x5  }
0x321: {  	v7 =	vld [tilespmem:$0x145B0];
	_ =	sdelay $0x1  }
0x322: {  	v6 =	vld.idx.msk [tilespmem:v6+s31+$0x0], $0xffff;
	_ =	sdelay $0x3  }
0x323: {  	v62 =	vld [tilespmem:$0x145C0]  }
0x324: {  	[tilespmem:$0x1C110] =	vst v6  }
0x325: {  	v6 =	vld.idx.msk [tilespmem:v7+s31+$0x0], $0xffff;
	_ =	sdelay $0x3  }
0x326: {  	v7 =	vld [tilespmem:$0x145D0]  }
0x327: {  	[tilespmem:$0x1C120] =	vst v6  }
0x328: {  	v6 =	vld.idx.msk [tilespmem:v62+s31+$0x0], $0xffff;
	_ =	sdelay $0x3  }
0x329: {  	v63 =	vld [tilespmem:$0x145E0]  }
0x32a: {  	[tilespmem:$0x1C130] =	vst v6  }
0x32b: {  	v6 =	vld.idx.msk [tilespmem:v7+s31+$0x0], $0xffff;
	_ =	sdelay $0x4  }
0x32c: {  	[tilespmem:$0x1C140] =	vst v6  }
0x32d: {  	v6 =	vld.idx.msk [tilespmem:v63+s31+$0x0], $0xffff;
	_ =	sdelay $0x4  }
0x32e: {  	[tilespmem:$0x1C150] =	vst v6  }
0x32f: {  	[spmem:s8] =	stream.indirect.scatter.add.f32 [tilespmem:s7], [sflag:$0x8], $0x1, s9, s20, $0xb8;
	[tilespmem:$0x1F630] =	vst v63  }
0x330: {  	_ =	swait.ge [sflag:s6], $0x2800  }
0x331: {  	[sflag:s6] =	ssyncset.done $0x0  }
0x332: {  	[sflag:s6] =	ssyncadd.s32 $0xFFFFD800  }
0x333: {  	_ =	swait.ge [sflag:s12], $0x50  }
0x334: {  	[sflag:s12] =	ssyncset.done $0x0  }
0x335: {  	[sflag:s12] =	ssyncadd.s32 $0xFFFFFFB0  }
0x336: {  	_ =	swait.ge [sflag:s11], $0x2800  }
0x337: {  	[sflag:s11] =	ssyncset.done $0x0  }
0x338: {  	[sflag:s11] =	ssyncadd.s32 $0xFFFFD800  }
0x339: {  	_ =	swait.ge [sflag:s0], $0x50  }
0x33a: {  	[sflag:s0] =	ssyncset.done $0x0  }
0x33b: {  	[sflag:s0] =	ssyncadd.s32 $0xFFFFFFB0  }
0x33c: {  	[bflag:$0x0] =	sbarrier.arrive $0xFFFF  }
0x33d: {  	s15 =	sld [smem:$0x7F9]  }
0x33e: {  	s16 =	sld [smem:$0x7EF]  }
0x33f: {  	s17 =	sld [smem:$0x7F0];
	_ =	sdelay $0x2  }
0x340: {  	[hbm:s15], [sflag:s16] =	dma.local [spmem:s17], $0x2800  }
0x341: {  	_ =	swait.ge [sflag:s22], $0x2800  }
0x342: {  	s8 =	sld [smem:$0x7FD]  }
0x343: {  	s20 =	sld [smem:$0x7FA]  }
0x344: {  	[sflag:s22] =	ssyncset.done $0x0  }
0x345: {  	[sflag:s22] =	ssyncadd.s32 $0xFFFFD800;
	s18 =	sshrl.u32 s8, $0x3  }
0x346: {  	[hbm:s20], [sflag:s16] =	dma.local [spmem:s18], $0x50  }
0x347: {  	_ =	swait.ge [sflag:s22], $0x50  }
0x348: {  	s24 =	sld [smem:$0x7EE]  }
0x349: {  	s29 =	sld [smem:$0x7FB];
	_ =	sdelay $0x1  }
0x34a: {  	s0 =	sadd.s32 $0x1, s24  }
0x34b: {  	p0 =	sne.s32 s0, s29  }
.Ltmp1:
0x34c: {  	_ = 	snop;
	(pc) =	sbr.rel @p0 .LBB2_1-.Ltmp1, $4  }
0x34d: {  	_ = 	snop  }
0x34e: {  	s25 =	simm.s32 $0x14640;
	s21 =	simm.s32 $0x145A0;
	s2 =	smov.u32 s4  }
0x34f: {  	s26 =	simm.s32 $0x148C0;
	s5 =	simm.s32 $0x170C0;
	[sflag:s22] =	ssyncset.done $0x0  }
0x350: {  	s17 =	simm.s32 $0x14820;
	s16 =	simm.s32 $0x14780;
	[sflag:s22] =	ssyncadd.s32 $0xFFFFFFB0  }
0x351: {  	_ =	sfence.sel $0x180000  }
0x352: {  	[bflag:$0x0] =	sbarrier.arrive $0xFFFF  }
0x353: {  	_ =	strace $0x9000004A  }
0x354: {  	s0 =	stileid.u32;
	[bflag:$0x2] =	sbarrier.arrive $0xFFFF  }
0x355: {  	p0 =	sne.s32 s0, $0x0;
	s0 =	rddreg [dreg:$0x4]  }
0x356: {  	s0 =	sadd.s32 @!p0 $0x100000, s0  }
0x357: {  	[sflag:s0] =	ssyncadd.tile.s32 @!p0 $0x1;
	_ =	shalt  }
.Lfunc_end2:
_tile_overlayer_lowered:
.L_overlay_start_2:
0x358: {  	(tag) =	ssettag $0x2  }
0x359: {  	s0 =	rddreg [dreg:$0x0];
	s2 =	stileid.u32  }
0x35a: {  	s1 =	rddreg [dreg:$0x1];
	p0 =	sne.s32 s2, $0x0  }
0x35b: {  	s3 =	rddreg [dreg:$0x2];
	[bflag:$0x3] =	sbarrier.arrive $0xFFFF;
	s2 =	simm.s32 @!p0 $0x1C0D  }
0x35c: {  	[timem:s3], [sflag:s2] =	dma.local @!p0 [hbm:s0], s1  }
0x35d: {  	s0 =	simm.s32 @!p0 $0xD  }
0x35e: {  	_ =	swait.ge @!p0 [sflag:s0], s1  }
0x35f: {  	s1 =	ssub.s32 @!p0 $0x0, s1;
	[sflag:s0] =	ssyncset.done @!p0 $0x0  }
0x360: {  	[sflag:s0] =	ssyncadd.s32 @!p0 s1  }
0x361: {  	[bflag:$0x3] =	sbarrier.arrive $0xFFFF  }
0x362: {  	_ =	shalt  }

</sc_bundles>
